<compile_context>
chip_gen: v7x
topology: tpu7x:2x2x1
jax: 0.10.2.dev20260603
libtpu: 0.0.44.dev20260713+nightly
codegen_flags: <defaults>
</compile_context>

<pallas_src>
import jax
import jax.numpy as jnp
from jax import lax
from jax.experimental import pallas as pl
from jax.experimental.pallas import tpu as pltpu
from jax.experimental.pallas import tpu_sc as plsc

NUM_ROWS = 1000000
DIM = 32
SEQ = 16384
SLEN = 50
NC, NS = 2, 16
NW = NC * NS
SENT_PER_W = SEQ // NW
TBLK = 4
NBUF = 4
UNITS = TBLK * SLEN
NROUNDS = UNITS // NBUF


def _embed_body(idx_hbm, table_hbm, out_hbm, idx_v, idxt_v, rows_v, tbuf_v,
                gsem, ssem):
    wid = lax.axis_index("s") * NC + lax.axis_index("c")
    s0 = wid * SENT_PER_W

    pltpu.sync_copy(idx_hbm.at[pl.ds(s0, SENT_PER_W)], idx_v)

    lane = lax.iota(jnp.int32, 16)

    @pl.loop(0, SLEN)
    def _build(j):
        col = jnp.full((16,), 0, jnp.int32) + j
        for tt in range(TBLK):
            for m in range(8):
                rows = lane + (128 * tt + 16 * m)
                vals = plsc.load_gather(idx_v, [rows, col])
                idxt_v[tt, j, pl.ds(16 * m, 16)] = vals

    def gather_start(tt, j, b):
        pltpu.async_copy(table_hbm.at[idxt_v.at[tt, j]], rows_v.at[b],
                         gsem.at[b])

    def gather_wait(b):
        pltpu.make_async_copy(table_hbm.at[idxt_v.at[0, 0]], rows_v.at[b],
                              gsem.at[b]).wait()

    def store_start(tt, j, b):
        for a in range(4):
            pltpu.async_copy(tbuf_v.at[b, pl.ds(8 * a, 8)],
                             out_hbm.at[j, a, TBLK * wid + tt], ssem.at[b])

    def store_wait(b):
        for a in range(4):
            pltpu.make_async_copy(tbuf_v.at[b, pl.ds(8 * a, 8)],
                                  out_hbm.at[0, a, 0], ssem.at[b]).wait()

    def unit(u):
        tt = u // SLEN
        j = u - tt * SLEN
        return tt, j

    for b in range(NBUF):
        tt, j = unit(b)
        gather_start(tt, j, b)

    @pl.loop(0, NROUNDS)
    def _round(r):
        for b in range(NBUF):
            u = r * NBUF + b
            tt, j = unit(u)
            gather_wait(b)

            @pl.when(u >= NBUF)
            def _():
                store_wait(b)

            @plsc.parallel_loop(0, DIM, step=1, unroll=8)
            def _tr(k):
                kc = (k + lane) & (DIM - 1)
                for m in range(8):
                    rows = lane + 16 * m
                    vals = plsc.load_gather(rows_v.at[b], [rows, kc])
                    plsc.store_scatter(tbuf_v.at[b], [kc, rows], vals)

            store_start(tt, j, b)
            nxt = u + NBUF

            @pl.when(nxt < UNITS)
            def _():
                tt2 = nxt // SLEN
                j2 = nxt - tt2 * SLEN
                gather_start(tt2, j2, b)

    for b in range(NBUF):
        store_wait(b)


@jax.jit
def _embed(idx, weight):
    mesh = plsc.VectorSubcoreMesh(core_axis_name="c", subcore_axis_name="s")
    run = pl.kernel(
        _embed_body,
        out_type=jax.ShapeDtypeStruct((SLEN, 4, SEQ // 128, 8, 128),
                                      jnp.float32),
        mesh=mesh,
        compiler_params=pltpu.CompilerParams(
            use_tc_tiling_on_sc=False, needs_layout_passes=False
        ),
        scratch_types=[
            pltpu.VMEM((SENT_PER_W, SLEN), jnp.int32),
            pltpu.VMEM((TBLK, SLEN, 128), jnp.int32),
            pltpu.VMEM((NBUF, 128, DIM), jnp.float32),
            pltpu.VMEM((NBUF, DIM, 128), jnp.float32),
            pltpu.SemaphoreType.DMA((NBUF,)),
            pltpu.SemaphoreType.DMA((NBUF,)),
        ],
    )
    ot = run(idx, weight)
    return ot.transpose(2, 4, 0, 1, 3).reshape(SEQ, SLEN, DIM)


def kernel(input, weight):
    return _embed(input.astype(jnp.int32), weight)

# --- scband reference (transcript-rebuilt; emitter-appended) ---
"""Pipeline reference for scband-embedding-48644799594885 (READ-ONLY COPY).

The authoritative reference and input builder live on the scoring server;
editing this copy changes nothing except your own understanding.
"""

import jax, jax.numpy as jnp
import numpy as np

NUM_EMBEDDINGS = 1000000
EMBEDDING_DIM = 32

def setup_inputs(seed: int = 0) -> dict:
    key = jax.random.key(seed)
    k1, k2 = jax.random.split(key)
    indices = jax.random.randint(k1, (16384, 50), 0, NUM_EMBEDDINGS, dtype=jnp.int64 if jax.config.jax_enable_x64 else jnp.int32)
    weight = jax.random.normal(k2, (NUM_EMBEDDINGS, EMBEDDING_DIM), dtype=jnp.float32)
    return {"input": indices, "weight": weight}

def reference(input, weight):
    # Faithful to torch nn.Embedding forward: plain gather of rows.
    # padding_idx is None, max_norm is None -> pure lookup.
    return jnp.take(weight, input, axis=0)

if __name__ == "__main__":
    import jax
    _d = setup_inputs()
    print(jax.jit(kernel)(*tuple(_d.values())))

</pallas_src>

<mosaic_0001>
#map = affine_map<(d0, d1) -> (0, 0)>
#map1 = affine_map<(d0, d1) -> (0, 0, 0, 0, 0)>
module attributes {stable_mosaic.version = 14 : i64} {
  func.func @_embed_body(%arg0: i32, %arg1: i32, %arg2: memref<16384x50xi32, #tpu.memory_space<hbm>>, %arg3: memref<1000000x32xf32, #tpu.memory_space<hbm>>, %arg4: memref<50x4x128x8x128xf32, #tpu.memory_space<hbm>>, %arg5: memref<512x50xi32, #tpu.memory_space<vmem>>, %arg6: memref<4x50x128xi32, #tpu.memory_space<vmem>>, %arg7: memref<4x128x32xf32, #tpu.memory_space<vmem>>, %arg8: memref<4x32x128xf32, #tpu.memory_space<vmem>>, %arg9: memref<4x!tpu.dma_semaphore, #tpu.memory_space<semaphore_mem>>, %arg10: memref<4x!tpu.dma_semaphore, #tpu.memory_space<semaphore_mem>>) attributes {dimension_semantics = [#tpu.dimension_semantics<core_parallel>, #tpu.dimension_semantics<subcore_parallel>], iteration_bounds = array<i64: 2, 16>, scalar_prefetch = 0 : i64, scratch_operands = 6 : i64, tpu.core_type = #tpu.core_type<sc_vector_subcore>, window_params = [{transform_indices = #map}, {transform_indices = #map}, {transform_indices = #map1}]} {
    %mul3A = arith.constant 2 : i32
    %mul3A_0 = arith.muli %arg1, %mul3A : i32
    %add3A = arith.addi %mul3A_0, %arg0 : i32
    %mul3A_1 = arith.constant 512 : i32
    %mul3A_2 = arith.muli %add3A, %mul3A_1 : i32
    "tpu.region"() ({
      %run_scoped3A = tpu.sem_alloc : memref<!tpu.dma_semaphore, #tpu.memory_space<semaphore_mem>>
      %dma_start3A_442 = arith.constant 0 : i32
      %dma_start3A_443 = tpu.memref_slice %arg2[%mul3A_2, %dma_start3A_442] : memref<16384x50xi32, #tpu.memory_space<hbm>> -> memref<512x50xi32, #tpu.memory_space<hbm>>
      %dma_start3A_444 = arith.constant 0 : i32
      %dma_start3A_445 = tpu.memref_slice %arg2[%mul3A_2, %dma_start3A_444] : memref<16384x50xi32, #tpu.memory_space<hbm>> -> memref<512x50xi32, #tpu.memory_space<hbm>>
      tpu.enqueue_dma source(%dma_start3A_445 : memref<512x50xi32, #tpu.memory_space<hbm>>) target(%arg5 : memref<512x50xi32, #tpu.memory_space<vmem>>) target_semaphore(%run_scoped3A : memref<!tpu.dma_semaphore, #tpu.memory_space<semaphore_mem>>)
      %dma_wait3A_446 = arith.constant 0 : i32
      %dma_wait3A_447 = tpu.memref_slice %arg2[%mul3A_2, %dma_wait3A_446] : memref<16384x50xi32, #tpu.memory_space<hbm>> -> memref<512x50xi32, #tpu.memory_space<hbm>>
      %dma_wait3A_448 = arith.constant 0 : i32
      %dma_wait3A_449 = tpu.memref_slice %arg2[%mul3A_2, %dma_wait3A_448] : memref<16384x50xi32, #tpu.memory_space<hbm>> -> memref<512x50xi32, #tpu.memory_space<hbm>>
      tpu.wait_dma2 semaphore(%run_scoped3A : memref<!tpu.dma_semaphore, #tpu.memory_space<semaphore_mem>>) src(%dma_wait3A_449 : memref<512x50xi32, #tpu.memory_space<hbm>>) dst(%arg5 : memref<512x50xi32, #tpu.memory_space<vmem>>)
      tpu.yield
    }) : () -> ()
    %iota3A = tpu.iota {dimensions = array<i32: 0>} : vector<16xi32>
    %scan3A = arith.constant 0 : i32
    %scan3A_3 = arith.constant 50 : i32
    %scan3A_4 = arith.addi %scan3A, %scan3A_3 : i32
    %scan3A_5 = arith.constant 1 : i32
    scf.for %scan3A_442 = %scan3A to %scan3A_4 step %scan3A_5  : i32 {
      %mul3A_443 = arith.constant 1 : i32
      %mul3A_444 = arith.muli %scan3A_442, %mul3A_443 : i32
      %add3A_445 = arith.constant 0 : i32
      %add3A_446 = arith.addi %add3A_445, %mul3A_444 : i32
      %broadcast_in_dim3A = arith.constant 0 : i32
      %broadcast_in_dim3A_447 = vector.broadcast %broadcast_in_dim3A : i32 to vector<16xi32>
      %add3A_448 = vector.broadcast %add3A_446 : i32 to vector<16xi32>
      %add3A_449 = arith.addi %broadcast_in_dim3A_447, %add3A_448 : vector<16xi32>
      %add3A_450 = arith.constant 0 : i32
      %add3A_451 = vector.broadcast %add3A_450 : i32 to vector<16xi32>
      %add3A_452 = arith.addi %iota3A, %add3A_451 : vector<16xi32>
      %gather3A = tpu.vector_load_idx %arg5[%add3A_452, %add3A_449] : memref<512x50xi32, #tpu.memory_space<vmem>>[vector<16xi32>, vector<16xi32>], vector<16xi32>,
      %swap3A = arith.constant 0 : i32
      %swap3A_453 = arith.index_cast %swap3A : i32 to index
      %swap3A_454 = arith.index_cast %add3A_446 : i32 to index
      %swap3A_455 = arith.constant 0 : index
      %swap3A_456 = tpu.vector_load %arg6[%swap3A_453, %swap3A_454, %swap3A_455] {strides = array<i32>} : memref<4x50x128xi32, #tpu.memory_space<vmem>>, vector<16xi32>,
      tpu.vector_store %arg6[%swap3A_453, %swap3A_454, %swap3A_455], %gather3A {strides = array<i32>} : memref<4x50x128xi32, #tpu.memory_space<vmem>>, vector<16xi32>,
      %add3A_457 = arith.constant 16 : i32
      %add3A_458 = vector.broadcast %add3A_457 : i32 to vector<16xi32>
      %add3A_459 = arith.addi %iota3A, %add3A_458 : vector<16xi32>
      %gather3A_460 = tpu.vector_load_idx %arg5[%add3A_459, %add3A_449] : memref<512x50xi32, #tpu.memory_space<vmem>>[vector<16xi32>, vector<16xi32>], vector<16xi32>,
      %swap3A_461 = arith.constant 0 : i32
      %swap3A_462 = arith.index_cast %swap3A_461 : i32 to index
      %swap3A_463 = arith.index_cast %add3A_446 : i32 to index
      %swap3A_464 = arith.constant 16 : index
      %swap3A_465 = tpu.vector_load %arg6[%swap3A_462, %swap3A_463, %swap3A_464] {strides = array<i32>} : memref<4x50x128xi32, #tpu.memory_space<vmem>>, vector<16xi32>,
      tpu.vector_store %arg6[%swap3A_462, %swap3A_463, %swap3A_464], %gather3A_460 {strides = array<i32>} : memref<4x50x128xi32, #tpu.memory_space<vmem>>, vector<16xi32>,
      %add3A_466 = arith.constant 32 : i32
      %add3A_467 = vector.broadcast %add3A_466 : i32 to vector<16xi32>
      %add3A_468 = arith.addi %iota3A, %add3A_467 : vector<16xi32>
      %gather3A_469 = tpu.vector_load_idx %arg5[%add3A_468, %add3A_449] : memref<512x50xi32, #tpu.memory_space<vmem>>[vector<16xi32>, vector<16xi32>], vector<16xi32>,
      %swap3A_470 = arith.constant 0 : i32
      %swap3A_471 = arith.index_cast %swap3A_470 : i32 to index
      %swap3A_472 = arith.index_cast %add3A_446 : i32 to index
      %swap3A_473 = arith.constant 32 : index
      %swap3A_474 = tpu.vector_load %arg6[%swap3A_471, %swap3A_472, %swap3A_473] {strides = array<i32>} : memref<4x50x128xi32, #tpu.memory_space<vmem>>, vector<16xi32>,
      tpu.vector_store %arg6[%swap3A_471, %swap3A_472, %swap3A_473], %gather3A_469 {strides = array<i32>} : memref<4x50x128xi32, #tpu.memory_space<vmem>>, vector<16xi32>,
      %add3A_475 = arith.constant 48 : i32
      %add3A_476 = vector.broadcast %add3A_475 : i32 to vector<16xi32>
      %add3A_477 = arith.addi %iota3A, %add3A_476 : vector<16xi32>
      %gather3A_478 = tpu.vector_load_idx %arg5[%add3A_477, %add3A_449] : memref<512x50xi32, #tpu.memory_space<vmem>>[vector<16xi32>, vector<16xi32>], vector<16xi32>,
      %swap3A_479 = arith.constant 0 : i32
      %swap3A_480 = arith.index_cast %swap3A_479 : i32 to index
      %swap3A_481 = arith.index_cast %add3A_446 : i32 to index
      %swap3A_482 = arith.constant 48 : index
      %swap3A_483 = tpu.vector_load %arg6[%swap3A_480, %swap3A_481, %swap3A_482] {strides = array<i32>} : memref<4x50x128xi32, #tpu.memory_space<vmem>>, vector<16xi32>,
      tpu.vector_store %arg6[%swap3A_480, %swap3A_481, %swap3A_482], %gather3A_478 {strides = array<i32>} : memref<4x50x128xi32, #tpu.memory_space<vmem>>, vector<16xi32>,
      %add3A_484 = arith.constant 64 : i32
      %add3A_485 = vector.broadcast %add3A_484 : i32 to vector<16xi32>
      %add3A_486 = arith.addi %iota3A, %add3A_485 : vector<16xi32>
      %gather3A_487 = tpu.vector_load_idx %arg5[%add3A_486, %add3A_449] : memref<512x50xi32, #tpu.memory_space<vmem>>[vector<16xi32>, vector<16xi32>], vector<16xi32>,
      %swap3A_488 = arith.constant 0 : i32
      %swap3A_489 = arith.index_cast %swap3A_488 : i32 to index
      %swap3A_490 = arith.index_cast %add3A_446 : i32 to index
      %swap3A_491 = arith.constant 64 : index
      %swap3A_492 = tpu.vector_load %arg6[%swap3A_489, %swap3A_490, %swap3A_491] {strides = array<i32>} : memref<4x50x128xi32, #tpu.memory_space<vmem>>, vector<16xi32>,
      tpu.vector_store %arg6[%swap3A_489, %swap3A_490, %swap3A_491], %gather3A_487 {strides = array<i32>} : memref<4x50x128xi32, #tpu.memory_space<vmem>>, vector<16xi32>,
      %add3A_493 = arith.constant 80 : i32
      %add3A_494 = vector.broadcast %add3A_493 : i32 to vector<16xi32>
      %add3A_495 = arith.addi %iota3A, %add3A_494 : vector<16xi32>
      %gather3A_496 = tpu.vector_load_idx %arg5[%add3A_495, %add3A_449] : memref<512x50xi32, #tpu.memory_space<vmem>>[vector<16xi32>, vector<16xi32>], vector<16xi32>,
      %swap3A_497 = arith.constant 0 : i32
      %swap3A_498 = arith.index_cast %swap3A_497 : i32 to index
      %swap3A_499 = arith.index_cast %add3A_446 : i32 to index
      %swap3A_500 = arith.constant 80 : index
      %swap3A_501 = tpu.vector_load %arg6[%swap3A_498, %swap3A_499, %swap3A_500] {strides = array<i32>} : memref<4x50x128xi32, #tpu.memory_space<vmem>>, vector<16xi32>,
      tpu.vector_store %arg6[%swap3A_498, %swap3A_499, %swap3A_500], %gather3A_496 {strides = array<i32>} : memref<4x50x128xi32, #tpu.memory_space<vmem>>, vector<16xi32>,
      %add3A_502 = arith.constant 96 : i32
      %add3A_503 = vector.broadcast %add3A_502 : i32 to vector<16xi32>
      %add3A_504 = arith.addi %iota3A, %add3A_503 : vector<16xi32>
      %gather3A_505 = tpu.vector_load_idx %arg5[%add3A_504, %add3A_449] : memref<512x50xi32, #tpu.memory_space<vmem>>[vector<16xi32>, vector<16xi32>], vector<16xi32>,
      %swap3A_506 = arith.constant 0 : i32
      %swap3A_507 = arith.index_cast %swap3A_506 : i32 to index
      %swap3A_508 = arith.index_cast %add3A_446 : i32 to index
      %swap3A_509 = arith.constant 96 : index
      %swap3A_510 = tpu.vector_load %arg6[%swap3A_507, %swap3A_508, %swap3A_509] {strides = array<i32>} : memref<4x50x128xi32, #tpu.memory_space<vmem>>, vector<16xi32>,
      tpu.vector_store %arg6[%swap3A_507, %swap3A_508, %swap3A_509], %gather3A_505 {strides = array<i32>} : memref<4x50x128xi32, #tpu.memory_space<vmem>>, vector<16xi32>,
      %add3A_511 = arith.constant 112 : i32
      %add3A_512 = vector.broadcast %add3A_511 : i32 to vector<16xi32>
      %add3A_513 = arith.addi %iota3A, %add3A_512 : vector<16xi32>
      %gather3A_514 = tpu.vector_load_idx %arg5[%add3A_513, %add3A_449] : memref<512x50xi32, #tpu.memory_space<vmem>>[vector<16xi32>, vector<16xi32>], vector<16xi32>,
      %swap3A_515 = arith.constant 0 : i32
      %swap3A_516 = arith.index_cast %swap3A_515 : i32 to index
      %swap3A_517 = arith.index_cast %add3A_446 : i32 to index
      %swap3A_518 = arith.constant 112 : index
      %swap3A_519 = tpu.vector_load %arg6[%swap3A_516, %swap3A_517, %swap3A_518] {strides = array<i32>} : memref<4x50x128xi32, #tpu.memory_space<vmem>>, vector<16xi32>,
      tpu.vector_store %arg6[%swap3A_516, %swap3A_517, %swap3A_518], %gather3A_514 {strides = array<i32>} : memref<4x50x128xi32, #tpu.memory_space<vmem>>, vector<16xi32>,
      %add3A_520 = arith.constant 128 : i32
      %add3A_521 = vector.broadcast %add3A_520 : i32 to vector<16xi32>
      %add3A_522 = arith.addi %iota3A, %add3A_521 : vector<16xi32>
      %gather3A_523 = tpu.vector_load_idx %arg5[%add3A_522, %add3A_449] : memref<512x50xi32, #tpu.memory_space<vmem>>[vector<16xi32>, vector<16xi32>], vector<16xi32>,
      %swap3A_524 = arith.constant 1 : i32
      %swap3A_525 = arith.index_cast %swap3A_524 : i32 to index
      %swap3A_526 = arith.index_cast %add3A_446 : i32 to index
      %swap3A_527 = arith.constant 0 : index
      %swap3A_528 = tpu.vector_load %arg6[%swap3A_525, %swap3A_526, %swap3A_527] {strides = array<i32>} : memref<4x50x128xi32, #tpu.memory_space<vmem>>, vector<16xi32>,
      tpu.vector_store %arg6[%swap3A_525, %swap3A_526, %swap3A_527], %gather3A_523 {strides = array<i32>} : memref<4x50x128xi32, #tpu.memory_space<vmem>>, vector<16xi32>,
      %add3A_529 = arith.constant 144 : i32
      %add3A_530 = vector.broadcast %add3A_529 : i32 to vector<16xi32>
      %add3A_531 = arith.addi %iota3A, %add3A_530 : vector<16xi32>
      %gather3A_532 = tpu.vector_load_idx %arg5[%add3A_531, %add3A_449] : memref<512x50xi32, #tpu.memory_space<vmem>>[vector<16xi32>, vector<16xi32>], vector<16xi32>,
      %swap3A_533 = arith.constant 1 : i32
      %swap3A_534 = arith.index_cast %swap3A_533 : i32 to index
      %swap3A_535 = arith.index_cast %add3A_446 : i32 to index
      %swap3A_536 = arith.constant 16 : index
      %swap3A_537 = tpu.vector_load %arg6[%swap3A_534, %swap3A_535, %swap3A_536] {strides = array<i32>} : memref<4x50x128xi32, #tpu.memory_space<vmem>>, vector<16xi32>,
      tpu.vector_store %arg6[%swap3A_534, %swap3A_535, %swap3A_536], %gather3A_532 {strides = array<i32>} : memref<4x50x128xi32, #tpu.memory_space<vmem>>, vector<16xi32>,
      %add3A_538 = arith.constant 160 : i32
      %add3A_539 = vector.broadcast %add3A_538 : i32 to vector<16xi32>
      %add3A_540 = arith.addi %iota3A, %add3A_539 : vector<16xi32>
      %gather3A_541 = tpu.vector_load_idx %arg5[%add3A_540, %add3A_449] : memref<512x50xi32, #tpu.memory_space<vmem>>[vector<16xi32>, vector<16xi32>], vector<16xi32>,
      %swap3A_542 = arith.constant 1 : i32
      %swap3A_543 = arith.index_cast %swap3A_542 : i32 to index
      %swap3A_544 = arith.index_cast %add3A_446 : i32 to index
      %swap3A_545 = arith.constant 32 : index
      %swap3A_546 = tpu.vector_load %arg6[%swap3A_543, %swap3A_544, %swap3A_545] {strides = array<i32>} : memref<4x50x128xi32, #tpu.memory_space<vmem>>, vector<16xi32>,
      tpu.vector_store %arg6[%swap3A_543, %swap3A_544, %swap3A_545], %gather3A_541 {strides = array<i32>} : memref<4x50x128xi32, #tpu.memory_space<vmem>>, vector<16xi32>,
      %add3A_547 = arith.constant 176 : i32
      %add3A_548 = vector.broadcast %add3A_547 : i32 to vector<16xi32>
      %add3A_549 = arith.addi %iota3A, %add3A_548 : vector<16xi32>
      %gather3A_550 = tpu.vector_load_idx %arg5[%add3A_549, %add3A_449] : memref<512x50xi32, #tpu.memory_space<vmem>>[vector<16xi32>, vector<16xi32>], vector<16xi32>,
      %swap3A_551 = arith.constant 1 : i32
      %swap3A_552 = arith.index_cast %swap3A_551 : i32 to index
      %swap3A_553 = arith.index_cast %add3A_446 : i32 to index
      %swap3A_554 = arith.constant 48 : index
      %swap3A_555 = tpu.vector_load %arg6[%swap3A_552, %swap3A_553, %swap3A_554] {strides = array<i32>} : memref<4x50x128xi32, #tpu.memory_space<vmem>>, vector<16xi32>,
      tpu.vector_store %arg6[%swap3A_552, %swap3A_553, %swap3A_554], %gather3A_550 {strides = array<i32>} : memref<4x50x128xi32, #tpu.memory_space<vmem>>, vector<16xi32>,
      %add3A_556 = arith.constant 192 : i32
      %add3A_557 = vector.broadcast %add3A_556 : i32 to vector<16xi32>
      %add3A_558 = arith.addi %iota3A, %add3A_557 : vector<16xi32>
      %gather3A_559 = tpu.vector_load_idx %arg5[%add3A_558, %add3A_449] : memref<512x50xi32, #tpu.memory_space<vmem>>[vector<16xi32>, vector<16xi32>], vector<16xi32>,
      %swap3A_560 = arith.constant 1 : i32
      %swap3A_561 = arith.index_cast %swap3A_560 : i32 to index
      %swap3A_562 = arith.index_cast %add3A_446 : i32 to index
      %swap3A_563 = arith.constant 64 : index
      %swap3A_564 = tpu.vector_load %arg6[%swap3A_561, %swap3A_562, %swap3A_563] {strides = array<i32>} : memref<4x50x128xi32, #tpu.memory_space<vmem>>, vector<16xi32>,
      tpu.vector_store %arg6[%swap3A_561, %swap3A_562, %swap3A_563], %gather3A_559 {strides = array<i32>} : memref<4x50x128xi32, #tpu.memory_space<vmem>>, vector<16xi32>,
      %add3A_565 = arith.constant 208 : i32
      %add3A_566 = vector.broadcast %add3A_565 : i32 to vector<16xi32>
      %add3A_567 = arith.addi %iota3A, %add3A_566 : vector<16xi32>
      %gather3A_568 = tpu.vector_load_idx %arg5[%add3A_567, %add3A_449] : memref<512x50xi32, #tpu.memory_space<vmem>>[vector<16xi32>, vector<16xi32>], vector<16xi32>,
      %swap3A_569 = arith.constant 1 : i32
      %swap3A_570 = arith.index_cast %swap3A_569 : i32 to index
      %swap3A_571 = arith.index_cast %add3A_446 : i32 to index
      %swap3A_572 = arith.constant 80 : index
      %swap3A_573 = tpu.vector_load %arg6[%swap3A_570, %swap3A_571, %swap3A_572] {strides = array<i32>} : memref<4x50x128xi32, #tpu.memory_space<vmem>>, vector<16xi32>,
      tpu.vector_store %arg6[%swap3A_570, %swap3A_571, %swap3A_572], %gather3A_568 {strides = array<i32>} : memref<4x50x128xi32, #tpu.memory_space<vmem>>, vector<16xi32>,
      %add3A_574 = arith.constant 224 : i32
      %add3A_575 = vector.broadcast %add3A_574 : i32 to vector<16xi32>
      %add3A_576 = arith.addi %iota3A, %add3A_575 : vector<16xi32>
      %gather3A_577 = tpu.vector_load_idx %arg5[%add3A_576, %add3A_449] : memref<512x50xi32, #tpu.memory_space<vmem>>[vector<16xi32>, vector<16xi32>], vector<16xi32>,
      %swap3A_578 = arith.constant 1 : i32
      %swap3A_579 = arith.index_cast %swap3A_578 : i32 to index
      %swap3A_580 = arith.index_cast %add3A_446 : i32 to index
      %swap3A_581 = arith.constant 96 : index
      %swap3A_582 = tpu.vector_load %arg6[%swap3A_579, %swap3A_580, %swap3A_581] {strides = array<i32>} : memref<4x50x128xi32, #tpu.memory_space<vmem>>, vector<16xi32>,
      tpu.vector_store %arg6[%swap3A_579, %swap3A_580, %swap3A_581], %gather3A_577 {strides = array<i32>} : memref<4x50x128xi32, #tpu.memory_space<vmem>>, vector<16xi32>,
      %add3A_583 = arith.constant 240 : i32
      %add3A_584 = vector.broadcast %add3A_583 : i32 to vector<16xi32>
      %add3A_585 = arith.addi %iota3A, %add3A_584 : vector<16xi32>
      %gather3A_586 = tpu.vector_load_idx %arg5[%add3A_585, %add3A_449] : memref<512x50xi32, #tpu.memory_space<vmem>>[vector<16xi32>, vector<16xi32>], vector<16xi32>,
      %swap3A_587 = arith.constant 1 : i32
      %swap3A_588 = arith.index_cast %swap3A_587 : i32 to index
      %swap3A_589 = arith.index_cast %add3A_446 : i32 to index
      %swap3A_590 = arith.constant 112 : index
      %swap3A_591 = tpu.vector_load %arg6[%swap3A_588, %swap3A_589, %swap3A_590] {strides = array<i32>} : memref<4x50x128xi32, #tpu.memory_space<vmem>>, vector<16xi32>,
      tpu.vector_store %arg6[%swap3A_588, %swap3A_589, %swap3A_590], %gather3A_586 {strides = array<i32>} : memref<4x50x128xi32, #tpu.memory_space<vmem>>, vector<16xi32>,
      %add3A_592 = arith.constant 256 : i32
      %add3A_593 = vector.broadcast %add3A_592 : i32 to vector<16xi32>
      %add3A_594 = arith.addi %iota3A, %add3A_593 : vector<16xi32>
      %gather3A_595 = tpu.vector_load_idx %arg5[%add3A_594, %add3A_449] : memref<512x50xi32, #tpu.memory_space<vmem>>[vector<16xi32>, vector<16xi32>], vector<16xi32>,
      %swap3A_596 = arith.constant 2 : i32
      %swap3A_597 = arith.index_cast %swap3A_596 : i32 to index
      %swap3A_598 = arith.index_cast %add3A_446 : i32 to index
      %swap3A_599 = arith.constant 0 : index
      %swap3A_600 = tpu.vector_load %arg6[%swap3A_597, %swap3A_598, %swap3A_599] {strides = array<i32>} : memref<4x50x128xi32, #tpu.memory_space<vmem>>, vector<16xi32>,
      tpu.vector_store %arg6[%swap3A_597, %swap3A_598, %swap3A_599], %gather3A_595 {strides = array<i32>} : memref<4x50x128xi32, #tpu.memory_space<vmem>>, vector<16xi32>,
      %add3A_601 = arith.constant 272 : i32
      %add3A_602 = vector.broadcast %add3A_601 : i32 to vector<16xi32>
      %add3A_603 = arith.addi %iota3A, %add3A_602 : vector<16xi32>
      %gather3A_604 = tpu.vector_load_idx %arg5[%add3A_603, %add3A_449] : memref<512x50xi32, #tpu.memory_space<vmem>>[vector<16xi32>, vector<16xi32>], vector<16xi32>,
      %swap3A_605 = arith.constant 2 : i32
      %swap3A_606 = arith.index_cast %swap3A_605 : i32 to index
      %swap3A_607 = arith.index_cast %add3A_446 : i32 to index
      %swap3A_608 = arith.constant 16 : index
      %swap3A_609 = tpu.vector_load %arg6[%swap3A_606, %swap3A_607, %swap3A_608] {strides = array<i32>} : memref<4x50x128xi32, #tpu.memory_space<vmem>>, vector<16xi32>,
      tpu.vector_store %arg6[%swap3A_606, %swap3A_607, %swap3A_608], %gather3A_604 {strides = array<i32>} : memref<4x50x128xi32, #tpu.memory_space<vmem>>, vector<16xi32>,
      %add3A_610 = arith.constant 288 : i32
      %add3A_611 = vector.broadcast %add3A_610 : i32 to vector<16xi32>
      %add3A_612 = arith.addi %iota3A, %add3A_611 : vector<16xi32>
      %gather3A_613 = tpu.vector_load_idx %arg5[%add3A_612, %add3A_449] : memref<512x50xi32, #tpu.memory_space<vmem>>[vector<16xi32>, vector<16xi32>], vector<16xi32>,
      %swap3A_614 = arith.constant 2 : i32
      %swap3A_615 = arith.index_cast %swap3A_614 : i32 to index
      %swap3A_616 = arith.index_cast %add3A_446 : i32 to index
      %swap3A_617 = arith.constant 32 : index
      %swap3A_618 = tpu.vector_load %arg6[%swap3A_615, %swap3A_616, %swap3A_617] {strides = array<i32>} : memref<4x50x128xi32, #tpu.memory_space<vmem>>, vector<16xi32>,
      tpu.vector_store %arg6[%swap3A_615, %swap3A_616, %swap3A_617], %gather3A_613 {strides = array<i32>} : memref<4x50x128xi32, #tpu.memory_space<vmem>>, vector<16xi32>,
      %add3A_619 = arith.constant 304 : i32
      %add3A_620 = vector.broadcast %add3A_619 : i32 to vector<16xi32>
      %add3A_621 = arith.addi %iota3A, %add3A_620 : vector<16xi32>
      %gather3A_622 = tpu.vector_load_idx %arg5[%add3A_621, %add3A_449] : memref<512x50xi32, #tpu.memory_space<vmem>>[vector<16xi32>, vector<16xi32>], vector<16xi32>,
      %swap3A_623 = arith.constant 2 : i32
      %swap3A_624 = arith.index_cast %swap3A_623 : i32 to index
      %swap3A_625 = arith.index_cast %add3A_446 : i32 to index
      %swap3A_626 = arith.constant 48 : index
      %swap3A_627 = tpu.vector_load %arg6[%swap3A_624, %swap3A_625, %swap3A_626] {strides = array<i32>} : memref<4x50x128xi32, #tpu.memory_space<vmem>>, vector<16xi32>,
      tpu.vector_store %arg6[%swap3A_624, %swap3A_625, %swap3A_626], %gather3A_622 {strides = array<i32>} : memref<4x50x128xi32, #tpu.memory_space<vmem>>, vector<16xi32>,
      %add3A_628 = arith.constant 320 : i32
      %add3A_629 = vector.broadcast %add3A_628 : i32 to vector<16xi32>
      %add3A_630 = arith.addi %iota3A, %add3A_629 : vector<16xi32>
      %gather3A_631 = tpu.vector_load_idx %arg5[%add3A_630, %add3A_449] : memref<512x50xi32, #tpu.memory_space<vmem>>[vector<16xi32>, vector<16xi32>], vector<16xi32>,
      %swap3A_632 = arith.constant 2 : i32
      %swap3A_633 = arith.index_cast %swap3A_632 : i32 to index
      %swap3A_634 = arith.index_cast %add3A_446 : i32 to index
      %swap3A_635 = arith.constant 64 : index
      %swap3A_636 = tpu.vector_load %arg6[%swap3A_633, %swap3A_634, %swap3A_635] {strides = array<i32>} : memref<4x50x128xi32, #tpu.memory_space<vmem>>, vector<16xi32>,
      tpu.vector_store %arg6[%swap3A_633, %swap3A_634, %swap3A_635], %gather3A_631 {strides = array<i32>} : memref<4x50x128xi32, #tpu.memory_space<vmem>>, vector<16xi32>,
      %add3A_637 = arith.constant 336 : i32
      %add3A_638 = vector.broadcast %add3A_637 : i32 to vector<16xi32>
      %add3A_639 = arith.addi %iota3A, %add3A_638 : vector<16xi32>
      %gather3A_640 = tpu.vector_load_idx %arg5[%add3A_639, %add3A_449] : memref<512x50xi32, #tpu.memory_space<vmem>>[vector<16xi32>, vector<16xi32>], vector<16xi32>,
      %swap3A_641 = arith.constant 2 : i32
      %swap3A_642 = arith.index_cast %swap3A_641 : i32 to index
      %swap3A_643 = arith.index_cast %add3A_446 : i32 to index
      %swap3A_644 = arith.constant 80 : index
      %swap3A_645 = tpu.vector_load %arg6[%swap3A_642, %swap3A_643, %swap3A_644] {strides = array<i32>} : memref<4x50x128xi32, #tpu.memory_space<vmem>>, vector<16xi32>,
      tpu.vector_store %arg6[%swap3A_642, %swap3A_643, %swap3A_644], %gather3A_640 {strides = array<i32>} : memref<4x50x128xi32, #tpu.memory_space<vmem>>, vector<16xi32>,
      %add3A_646 = arith.constant 352 : i32
      %add3A_647 = vector.broadcast %add3A_646 : i32 to vector<16xi32>
      %add3A_648 = arith.addi %iota3A, %add3A_647 : vector<16xi32>
      %gather3A_649 = tpu.vector_load_idx %arg5[%add3A_648, %add3A_449] : memref<512x50xi32, #tpu.memory_space<vmem>>[vector<16xi32>, vector<16xi32>], vector<16xi32>,
      %swap3A_650 = arith.constant 2 : i32
      %swap3A_651 = arith.index_cast %swap3A_650 : i32 to index
      %swap3A_652 = arith.index_cast %add3A_446 : i32 to index
      %swap3A_653 = arith.constant 96 : index
      %swap3A_654 = tpu.vector_load %arg6[%swap3A_651, %swap3A_652, %swap3A_653] {strides = array<i32>} : memref<4x50x128xi32, #tpu.memory_space<vmem>>, vector<16xi32>,
      tpu.vector_store %arg6[%swap3A_651, %swap3A_652, %swap3A_653], %gather3A_649 {strides = array<i32>} : memref<4x50x128xi32, #tpu.memory_space<vmem>>, vector<16xi32>,
      %add3A_655 = arith.constant 368 : i32
      %add3A_656 = vector.broadcast %add3A_655 : i32 to vector<16xi32>
      %add3A_657 = arith.addi %iota3A, %add3A_656 : vector<16xi32>
      %gather3A_658 = tpu.vector_load_idx %arg5[%add3A_657, %add3A_449] : memref<512x50xi32, #tpu.memory_space<vmem>>[vector<16xi32>, vector<16xi32>], vector<16xi32>,
      %swap3A_659 = arith.constant 2 : i32
      %swap3A_660 = arith.index_cast %swap3A_659 : i32 to index
      %swap3A_661 = arith.index_cast %add3A_446 : i32 to index
      %swap3A_662 = arith.constant 112 : index
      %swap3A_663 = tpu.vector_load %arg6[%swap3A_660, %swap3A_661, %swap3A_662] {strides = array<i32>} : memref<4x50x128xi32, #tpu.memory_space<vmem>>, vector<16xi32>,
      tpu.vector_store %arg6[%swap3A_660, %swap3A_661, %swap3A_662], %gather3A_658 {strides = array<i32>} : memref<4x50x128xi32, #tpu.memory_space<vmem>>, vector<16xi32>,
      %add3A_664 = arith.constant 384 : i32
      %add3A_665 = vector.broadcast %add3A_664 : i32 to vector<16xi32>
      %add3A_666 = arith.addi %iota3A, %add3A_665 : vector<16xi32>
      %gather3A_667 = tpu.vector_load_idx %arg5[%add3A_666, %add3A_449] : memref<512x50xi32, #tpu.memory_space<vmem>>[vector<16xi32>, vector<16xi32>], vector<16xi32>,
      %swap3A_668 = arith.constant 3 : i32
      %swap3A_669 = arith.index_cast %swap3A_668 : i32 to index
      %swap3A_670 = arith.index_cast %add3A_446 : i32 to index
      %swap3A_671 = arith.constant 0 : index
      %swap3A_672 = tpu.vector_load %arg6[%swap3A_669, %swap3A_670, %swap3A_671] {strides = array<i32>} : memref<4x50x128xi32, #tpu.memory_space<vmem>>, vector<16xi32>,
      tpu.vector_store %arg6[%swap3A_669, %swap3A_670, %swap3A_671], %gather3A_667 {strides = array<i32>} : memref<4x50x128xi32, #tpu.memory_space<vmem>>, vector<16xi32>,
      %add3A_673 = arith.constant 400 : i32
      %add3A_674 = vector.broadcast %add3A_673 : i32 to vector<16xi32>
      %add3A_675 = arith.addi %iota3A, %add3A_674 : vector<16xi32>
      %gather3A_676 = tpu.vector_load_idx %arg5[%add3A_675, %add3A_449] : memref<512x50xi32, #tpu.memory_space<vmem>>[vector<16xi32>, vector<16xi32>], vector<16xi32>,
      %swap3A_677 = arith.constant 3 : i32
      %swap3A_678 = arith.index_cast %swap3A_677 : i32 to index
      %swap3A_679 = arith.index_cast %add3A_446 : i32 to index
      %swap3A_680 = arith.constant 16 : index
      %swap3A_681 = tpu.vector_load %arg6[%swap3A_678, %swap3A_679, %swap3A_680] {strides = array<i32>} : memref<4x50x128xi32, #tpu.memory_space<vmem>>, vector<16xi32>,
      tpu.vector_store %arg6[%swap3A_678, %swap3A_679, %swap3A_680], %gather3A_676 {strides = array<i32>} : memref<4x50x128xi32, #tpu.memory_space<vmem>>, vector<16xi32>,
      %add3A_682 = arith.constant 416 : i32
      %add3A_683 = vector.broadcast %add3A_682 : i32 to vector<16xi32>
      %add3A_684 = arith.addi %iota3A, %add3A_683 : vector<16xi32>
      %gather3A_685 = tpu.vector_load_idx %arg5[%add3A_684, %add3A_449] : memref<512x50xi32, #tpu.memory_space<vmem>>[vector<16xi32>, vector<16xi32>], vector<16xi32>,
      %swap3A_686 = arith.constant 3 : i32
      %swap3A_687 = arith.index_cast %swap3A_686 : i32 to index
      %swap3A_688 = arith.index_cast %add3A_446 : i32 to index
      %swap3A_689 = arith.constant 32 : index
      %swap3A_690 = tpu.vector_load %arg6[%swap3A_687, %swap3A_688, %swap3A_689] {strides = array<i32>} : memref<4x50x128xi32, #tpu.memory_space<vmem>>, vector<16xi32>,
      tpu.vector_store %arg6[%swap3A_687, %swap3A_688, %swap3A_689], %gather3A_685 {strides = array<i32>} : memref<4x50x128xi32, #tpu.memory_space<vmem>>, vector<16xi32>,
      %add3A_691 = arith.constant 432 : i32
      %add3A_692 = vector.broadcast %add3A_691 : i32 to vector<16xi32>
      %add3A_693 = arith.addi %iota3A, %add3A_692 : vector<16xi32>
      %gather3A_694 = tpu.vector_load_idx %arg5[%add3A_693, %add3A_449] : memref<512x50xi32, #tpu.memory_space<vmem>>[vector<16xi32>, vector<16xi32>], vector<16xi32>,
      %swap3A_695 = arith.constant 3 : i32
      %swap3A_696 = arith.index_cast %swap3A_695 : i32 to index
      %swap3A_697 = arith.index_cast %add3A_446 : i32 to index
      %swap3A_698 = arith.constant 48 : index
      %swap3A_699 = tpu.vector_load %arg6[%swap3A_696, %swap3A_697, %swap3A_698] {strides = array<i32>} : memref<4x50x128xi32, #tpu.memory_space<vmem>>, vector<16xi32>,
      tpu.vector_store %arg6[%swap3A_696, %swap3A_697, %swap3A_698], %gather3A_694 {strides = array<i32>} : memref<4x50x128xi32, #tpu.memory_space<vmem>>, vector<16xi32>,
      %add3A_700 = arith.constant 448 : i32
      %add3A_701 = vector.broadcast %add3A_700 : i32 to vector<16xi32>
      %add3A_702 = arith.addi %iota3A, %add3A_701 : vector<16xi32>
      %gather3A_703 = tpu.vector_load_idx %arg5[%add3A_702, %add3A_449] : memref<512x50xi32, #tpu.memory_space<vmem>>[vector<16xi32>, vector<16xi32>], vector<16xi32>,
      %swap3A_704 = arith.constant 3 : i32
      %swap3A_705 = arith.index_cast %swap3A_704 : i32 to index
      %swap3A_706 = arith.index_cast %add3A_446 : i32 to index
      %swap3A_707 = arith.constant 64 : index
      %swap3A_708 = tpu.vector_load %arg6[%swap3A_705, %swap3A_706, %swap3A_707] {strides = array<i32>} : memref<4x50x128xi32, #tpu.memory_space<vmem>>, vector<16xi32>,
      tpu.vector_store %arg6[%swap3A_705, %swap3A_706, %swap3A_707], %gather3A_703 {strides = array<i32>} : memref<4x50x128xi32, #tpu.memory_space<vmem>>, vector<16xi32>,
      %add3A_709 = arith.constant 464 : i32
      %add3A_710 = vector.broadcast %add3A_709 : i32 to vector<16xi32>
      %add3A_711 = arith.addi %iota3A, %add3A_710 : vector<16xi32>
      %gather3A_712 = tpu.vector_load_idx %arg5[%add3A_711, %add3A_449] : memref<512x50xi32, #tpu.memory_space<vmem>>[vector<16xi32>, vector<16xi32>], vector<16xi32>,
      %swap3A_713 = arith.constant 3 : i32
      %swap3A_714 = arith.index_cast %swap3A_713 : i32 to index
      %swap3A_715 = arith.index_cast %add3A_446 : i32 to index
      %swap3A_716 = arith.constant 80 : index
      %swap3A_717 = tpu.vector_load %arg6[%swap3A_714, %swap3A_715, %swap3A_716] {strides = array<i32>} : memref<4x50x128xi32, #tpu.memory_space<vmem>>, vector<16xi32>,
      tpu.vector_store %arg6[%swap3A_714, %swap3A_715, %swap3A_716], %gather3A_712 {strides = array<i32>} : memref<4x50x128xi32, #tpu.memory_space<vmem>>, vector<16xi32>,
      %add3A_718 = arith.constant 480 : i32
      %add3A_719 = vector.broadcast %add3A_718 : i32 to vector<16xi32>
      %add3A_720 = arith.addi %iota3A, %add3A_719 : vector<16xi32>
      %gather3A_721 = tpu.vector_load_idx %arg5[%add3A_720, %add3A_449] : memref<512x50xi32, #tpu.memory_space<vmem>>[vector<16xi32>, vector<16xi32>], vector<16xi32>,
      %swap3A_722 = arith.constant 3 : i32
      %swap3A_723 = arith.index_cast %swap3A_722 : i32 to index
      %swap3A_724 = arith.index_cast %add3A_446 : i32 to index
      %swap3A_725 = arith.constant 96 : index
      %swap3A_726 = tpu.vector_load %arg6[%swap3A_723, %swap3A_724, %swap3A_725] {strides = array<i32>} : memref<4x50x128xi32, #tpu.memory_space<vmem>>, vector<16xi32>,
      tpu.vector_store %arg6[%swap3A_723, %swap3A_724, %swap3A_725], %gather3A_721 {strides = array<i32>} : memref<4x50x128xi32, #tpu.memory_space<vmem>>, vector<16xi32>,
      %add3A_727 = arith.constant 496 : i32
      %add3A_728 = vector.broadcast %add3A_727 : i32 to vector<16xi32>
      %add3A_729 = arith.addi %iota3A, %add3A_728 : vector<16xi32>
      %gather3A_730 = tpu.vector_load_idx %arg5[%add3A_729, %add3A_449] : memref<512x50xi32, #tpu.memory_space<vmem>>[vector<16xi32>, vector<16xi32>], vector<16xi32>,
      %swap3A_731 = arith.constant 3 : i32
      %swap3A_732 = arith.index_cast %swap3A_731 : i32 to index
      %swap3A_733 = arith.index_cast %add3A_446 : i32 to index
      %swap3A_734 = arith.constant 112 : index
      %swap3A_735 = tpu.vector_load %arg6[%swap3A_732, %swap3A_733, %swap3A_734] {strides = array<i32>} : memref<4x50x128xi32, #tpu.memory_space<vmem>>, vector<16xi32>,
      tpu.vector_store %arg6[%swap3A_732, %swap3A_733, %swap3A_734], %gather3A_730 {strides = array<i32>} : memref<4x50x128xi32, #tpu.memory_space<vmem>>, vector<16xi32>,
    }
    %scan3A_6 = arith.constant 50 : i32
    %dma_start3A = arith.constant 0 : i32
    %dma_start3A_7 = arith.constant 0 : i32
    %dma_start3A_8 = arith.constant 0 : i32
    %dma_start3A_9 = arith.constant 0 : i32
    %dma_start3A_10 = arith.constant 0 : i32
    %dma_start3A_11 = arith.constant 0 : i32
    %dma_start3A_12 = tpu.memref_slice %arg7[%dma_start3A_8, %dma_start3A_10, %dma_start3A_11] : memref<4x128x32xf32, #tpu.memory_space<vmem>> -> memref<1x128x32xf32, #tpu.memory_space<vmem>>
    %dma_start3A_13 = tpu.memref_squeeze %dma_start3A_12 : memref<1x128x32xf32, #tpu.memory_space<vmem>> -> memref<128x32xf32, #tpu.memory_space<vmem>>
    %dma_start3A_14 = arith.constant 0 : i32
    %dma_start3A_15 = tpu.memref_slice %arg6[%dma_start3A, %dma_start3A_7, %dma_start3A_14] : memref<4x50x128xi32, #tpu.memory_space<vmem>> -> memref<1x1x128xi32, #tpu.memory_space<vmem>>
    %dma_start3A_16 = tpu.memref_squeeze %dma_start3A_15 : memref<1x1x128xi32, #tpu.memory_space<vmem>> -> memref<128xi32, #tpu.memory_space<vmem>>
    %dma_start3A_17 = arith.constant 0 : i32
    %dma_start3A_18 = arith.constant 0 : i32
    %dma_start3A_19 = tpu.memref_slice %arg3[%dma_start3A_17, %dma_start3A_18] : memref<1000000x32xf32, #tpu.memory_space<hbm>> -> memref<1000000x32xf32, #tpu.memory_space<hbm>>
    %dma_start3A_20 = tpu.memref_slice %arg9[%dma_start3A_9] : memref<4x!tpu.dma_semaphore, #tpu.memory_space<semaphore_mem>> -> memref<1x!tpu.dma_semaphore, #tpu.memory_space<semaphore_mem>>
    %dma_start3A_21 = tpu.memref_squeeze %dma_start3A_20 : memref<1x!tpu.dma_semaphore, #tpu.memory_space<semaphore_mem>> -> memref<!tpu.dma_semaphore, #tpu.memory_space<semaphore_mem>>
    tpu.enqueue_indirect_dma source(%dma_start3A_19 : memref<1000000x32xf32, #tpu.memory_space<hbm>>) target(%dma_start3A_13 : memref<128x32xf32, #tpu.memory_space<vmem>>) offsets(%dma_start3A_16 : memref<128xi32, #tpu.memory_space<vmem>>) semaphore(%dma_start3A_21 : memref<!tpu.dma_semaphore, #tpu.memory_space<semaphore_mem>>)
    %dma_start3A_22 = arith.constant 0 : i32
    %dma_start3A_23 = arith.constant 1 : i32
    %dma_start3A_24 = arith.constant 1 : i32
    %dma_start3A_25 = arith.constant 1 : i32
    %dma_start3A_26 = arith.constant 0 : i32
    %dma_start3A_27 = arith.constant 0 : i32
    %dma_start3A_28 = tpu.memref_slice %arg7[%dma_start3A_24, %dma_start3A_26, %dma_start3A_27] : memref<4x128x32xf32, #tpu.memory_space<vmem>> -> memref<1x128x32xf32, #tpu.memory_space<vmem>>
    %dma_start3A_29 = tpu.memref_squeeze %dma_start3A_28 : memref<1x128x32xf32, #tpu.memory_space<vmem>> -> memref<128x32xf32, #tpu.memory_space<vmem>>
    %dma_start3A_30 = arith.constant 0 : i32
    %dma_start3A_31 = tpu.memref_slice %arg6[%dma_start3A_22, %dma_start3A_23, %dma_start3A_30] : memref<4x50x128xi32, #tpu.memory_space<vmem>> -> memref<1x1x128xi32, #tpu.memory_space<vmem>>
    %dma_start3A_32 = tpu.memref_squeeze %dma_start3A_31 : memref<1x1x128xi32, #tpu.memory_space<vmem>> -> memref<128xi32, #tpu.memory_space<vmem>>
    %dma_start3A_33 = arith.constant 0 : i32
    %dma_start3A_34 = arith.constant 0 : i32
    %dma_start3A_35 = tpu.memref_slice %arg3[%dma_start3A_33, %dma_start3A_34] : memref<1000000x32xf32, #tpu.memory_space<hbm>> -> memref<1000000x32xf32, #tpu.memory_space<hbm>>
    %dma_start3A_36 = tpu.memref_slice %arg9[%dma_start3A_25] : memref<4x!tpu.dma_semaphore, #tpu.memory_space<semaphore_mem>> -> memref<1x!tpu.dma_semaphore, #tpu.memory_space<semaphore_mem>>
    %dma_start3A_37 = tpu.memref_squeeze %dma_start3A_36 : memref<1x!tpu.dma_semaphore, #tpu.memory_space<semaphore_mem>> -> memref<!tpu.dma_semaphore, #tpu.memory_space<semaphore_mem>>
    tpu.enqueue_indirect_dma source(%dma_start3A_35 : memref<1000000x32xf32, #tpu.memory_space<hbm>>) target(%dma_start3A_29 : memref<128x32xf32, #tpu.memory_space<vmem>>) offsets(%dma_start3A_32 : memref<128xi32, #tpu.memory_space<vmem>>) semaphore(%dma_start3A_37 : memref<!tpu.dma_semaphore, #tpu.memory_space<semaphore_mem>>)
    %dma_start3A_38 = arith.constant 0 : i32
    %dma_start3A_39 = arith.constant 2 : i32
    %dma_start3A_40 = arith.constant 2 : i32
    %dma_start3A_41 = arith.constant 2 : i32
    %dma_start3A_42 = arith.constant 0 : i32
    %dma_start3A_43 = arith.constant 0 : i32
    %dma_start3A_44 = tpu.memref_slice %arg7[%dma_start3A_40, %dma_start3A_42, %dma_start3A_43] : memref<4x128x32xf32, #tpu.memory_space<vmem>> -> memref<1x128x32xf32, #tpu.memory_space<vmem>>
    %dma_start3A_45 = tpu.memref_squeeze %dma_start3A_44 : memref<1x128x32xf32, #tpu.memory_space<vmem>> -> memref<128x32xf32, #tpu.memory_space<vmem>>
    %dma_start3A_46 = arith.constant 0 : i32
    %dma_start3A_47 = tpu.memref_slice %arg6[%dma_start3A_38, %dma_start3A_39, %dma_start3A_46] : memref<4x50x128xi32, #tpu.memory_space<vmem>> -> memref<1x1x128xi32, #tpu.memory_space<vmem>>
    %dma_start3A_48 = tpu.memref_squeeze %dma_start3A_47 : memref<1x1x128xi32, #tpu.memory_space<vmem>> -> memref<128xi32, #tpu.memory_space<vmem>>
    %dma_start3A_49 = arith.constant 0 : i32
    %dma_start3A_50 = arith.constant 0 : i32
    %dma_start3A_51 = tpu.memref_slice %arg3[%dma_start3A_49, %dma_start3A_50] : memref<1000000x32xf32, #tpu.memory_space<hbm>> -> memref<1000000x32xf32, #tpu.memory_space<hbm>>
    %dma_start3A_52 = tpu.memref_slice %arg9[%dma_start3A_41] : memref<4x!tpu.dma_semaphore, #tpu.memory_space<semaphore_mem>> -> memref<1x!tpu.dma_semaphore, #tpu.memory_space<semaphore_mem>>
    %dma_start3A_53 = tpu.memref_squeeze %dma_start3A_52 : memref<1x!tpu.dma_semaphore, #tpu.memory_space<semaphore_mem>> -> memref<!tpu.dma_semaphore, #tpu.memory_space<semaphore_mem>>
    tpu.enqueue_indirect_dma source(%dma_start3A_51 : memref<1000000x32xf32, #tpu.memory_space<hbm>>) target(%dma_start3A_45 : memref<128x32xf32, #tpu.memory_space<vmem>>) offsets(%dma_start3A_48 : memref<128xi32, #tpu.memory_space<vmem>>) semaphore(%dma_start3A_53 : memref<!tpu.dma_semaphore, #tpu.memory_space<semaphore_mem>>)
    %dma_start3A_54 = arith.constant 0 : i32
    %dma_start3A_55 = arith.constant 3 : i32
    %dma_start3A_56 = arith.constant 3 : i32
    %dma_start3A_57 = arith.constant 3 : i32
    %dma_start3A_58 = arith.constant 0 : i32
    %dma_start3A_59 = arith.constant 0 : i32
    %dma_start3A_60 = tpu.memref_slice %arg7[%dma_start3A_56, %dma_start3A_58, %dma_start3A_59] : memref<4x128x32xf32, #tpu.memory_space<vmem>> -> memref<1x128x32xf32, #tpu.memory_space<vmem>>
    %dma_start3A_61 = tpu.memref_squeeze %dma_start3A_60 : memref<1x128x32xf32, #tpu.memory_space<vmem>> -> memref<128x32xf32, #tpu.memory_space<vmem>>
    %dma_start3A_62 = arith.constant 0 : i32
    %dma_start3A_63 = tpu.memref_slice %arg6[%dma_start3A_54, %dma_start3A_55, %dma_start3A_62] : memref<4x50x128xi32, #tpu.memory_space<vmem>> -> memref<1x1x128xi32, #tpu.memory_space<vmem>>
    %dma_start3A_64 = tpu.memref_squeeze %dma_start3A_63 : memref<1x1x128xi32, #tpu.memory_space<vmem>> -> memref<128xi32, #tpu.memory_space<vmem>>
    %dma_start3A_65 = arith.constant 0 : i32
    %dma_start3A_66 = arith.constant 0 : i32
    %dma_start3A_67 = tpu.memref_slice %arg3[%dma_start3A_65, %dma_start3A_66] : memref<1000000x32xf32, #tpu.memory_space<hbm>> -> memref<1000000x32xf32, #tpu.memory_space<hbm>>
    %dma_start3A_68 = tpu.memref_slice %arg9[%dma_start3A_57] : memref<4x!tpu.dma_semaphore, #tpu.memory_space<semaphore_mem>> -> memref<1x!tpu.dma_semaphore, #tpu.memory_space<semaphore_mem>>
    %dma_start3A_69 = tpu.memref_squeeze %dma_start3A_68 : memref<1x!tpu.dma_semaphore, #tpu.memory_space<semaphore_mem>> -> memref<!tpu.dma_semaphore, #tpu.memory_space<semaphore_mem>>
    tpu.enqueue_indirect_dma source(%dma_start3A_67 : memref<1000000x32xf32, #tpu.memory_space<hbm>>) target(%dma_start3A_61 : memref<128x32xf32, #tpu.memory_space<vmem>>) offsets(%dma_start3A_64 : memref<128xi32, #tpu.memory_space<vmem>>) semaphore(%dma_start3A_69 : memref<!tpu.dma_semaphore, #tpu.memory_space<semaphore_mem>>)
    %scan3A_70 = arith.constant 0 : i32
    %scan3A_71 = arith.constant 50 : i32
    %scan3A_72 = arith.addi %scan3A_70, %scan3A_71 : i32
    %scan3A_73 = arith.constant 1 : i32
    scf.for %scan3A_442 = %scan3A_70 to %scan3A_72 step %scan3A_73  : i32 {
      %mul3A_443 = arith.constant 1 : i32
      %mul3A_444 = arith.muli %scan3A_442, %mul3A_443 : i32
      %add3A_445 = arith.constant 0 : i32
      %add3A_446 = arith.addi %add3A_445, %mul3A_444 : i32
      %mul3A_447 = arith.constant 4 : i32
      %mul3A_448 = arith.muli %add3A_446, %mul3A_447 : i32
      %add3A_449 = arith.constant 0 : i32
      %add3A_450 = arith.addi %mul3A_448, %add3A_449 : i32
      %jit3A = arith.constant 50 : i32
      %div3A = arith.divsi %add3A_450, %jit3A : i32
      %sign3A = arith.constant 0 : i32
      %sign3A_451 = arith.cmpi sgt, %add3A_450, %sign3A : i32
      %sign3A_452 = arith.extui %sign3A_451 : i1 to i32
      %sign3A_453 = arith.constant 0 : i32
      %sign3A_454 = arith.cmpi slt, %add3A_450, %sign3A_453 : i32
      %sign3A_455 = arith.extui %sign3A_454 : i1 to i32
      %sign3A_456 = arith.subi %sign3A_452, %sign3A_455 : i32
      %sign3A_457 = arith.constant 0 : i32
      %sign3A_458 = arith.cmpi sgt, %jit3A, %sign3A_457 : i32
      %sign3A_459 = arith.extui %sign3A_458 : i1 to i32
      %sign3A_460 = arith.constant 0 : i32
      %sign3A_461 = arith.cmpi slt, %jit3A, %sign3A_460 : i32
      %sign3A_462 = arith.extui %sign3A_461 : i1 to i32
      %sign3A_463 = arith.subi %sign3A_459, %sign3A_462 : i32
      %ne3A = arith.cmpi ne, %sign3A_456, %sign3A_463 : i32
      %rem3A = arith.remsi %add3A_450, %jit3A : i32
      %ne3A_464 = arith.constant 0 : i32
      %ne3A_465 = arith.cmpi ne, %rem3A, %ne3A_464 : i32
      %and3A = arith.andi %ne3A, %ne3A_465 : i1
      %sub3A = arith.constant 1 : i32
      %sub3A_466 = arith.subi %div3A, %sub3A : i32
      %select_n3A = arith.select %and3A, %sub3A_466, %div3A : i32
      %mul3A_467 = arith.constant 50 : i32
      %mul3A_468 = arith.muli %select_n3A, %mul3A_467 : i32
      %sub3A_469 = arith.subi %add3A_450, %mul3A_468 : i32
      %dma_wait3A_470 = arith.constant 0 : i32
      %dma_wait3A_471 = arith.constant 0 : i32
      %dma_wait3A_472 = arith.constant 0 : i32
      %dma_wait3A_473 = arith.constant 0 : i32
      %dma_wait3A_474 = arith.constant 0 : i32
      %dma_wait3A_475 = arith.constant 0 : i32
      %dma_wait3A_476 = tpu.memref_slice %arg7[%dma_wait3A_472, %dma_wait3A_474, %dma_wait3A_475] : memref<4x128x32xf32, #tpu.memory_space<vmem>> -> memref<1x128x32xf32, #tpu.memory_space<vmem>>
      %dma_wait3A_477 = tpu.memref_squeeze %dma_wait3A_476 : memref<1x128x32xf32, #tpu.memory_space<vmem>> -> memref<128x32xf32, #tpu.memory_space<vmem>>
      %dma_wait3A_478 = arith.constant 0 : i32
      %dma_wait3A_479 = tpu.memref_slice %arg6[%dma_wait3A_470, %dma_wait3A_471, %dma_wait3A_478] : memref<4x50x128xi32, #tpu.memory_space<vmem>> -> memref<1x1x128xi32, #tpu.memory_space<vmem>>
      %dma_wait3A_480 = tpu.memref_squeeze %dma_wait3A_479 : memref<1x1x128xi32, #tpu.memory_space<vmem>> -> memref<128xi32, #tpu.memory_space<vmem>>
      %dma_wait3A_481 = arith.constant 0 : i32
      %dma_wait3A_482 = arith.constant 0 : i32
      %dma_wait3A_483 = tpu.memref_slice %arg3[%dma_wait3A_481, %dma_wait3A_482] : memref<1000000x32xf32, #tpu.memory_space<hbm>> -> memref<1000000x32xf32, #tpu.memory_space<hbm>>
      %dma_wait3A_484 = tpu.memref_slice %arg9[%dma_wait3A_473] : memref<4x!tpu.dma_semaphore, #tpu.memory_space<semaphore_mem>> -> memref<1x!tpu.dma_semaphore, #tpu.memory_space<semaphore_mem>>
      %dma_wait3A_485 = tpu.memref_squeeze %dma_wait3A_484 : memref<1x!tpu.dma_semaphore, #tpu.memory_space<semaphore_mem>> -> memref<!tpu.dma_semaphore, #tpu.memory_space<semaphore_mem>>
      tpu.wait_indirect_dma semaphore(%dma_wait3A_485 : memref<!tpu.dma_semaphore, #tpu.memory_space<semaphore_mem>>) src(%dma_wait3A_483 : memref<1000000x32xf32, #tpu.memory_space<hbm>>) dst(%dma_wait3A_477 : memref<128x32xf32, #tpu.memory_space<vmem>>)
      %ge3A = arith.constant 4 : i32
      %ge3A_486 = arith.cmpi sge, %add3A_450, %ge3A : i32
      %convert_element_type3A = arith.extui %ge3A_486 : i1 to i32
      %cond3A = arith.constant 0 : i32
      %cond3A_487 = arith.cmpi ne, %convert_element_type3A, %cond3A : i32
      scf.if %cond3A_487 {
        %dma_wait3A_1066 = arith.constant 0 : i32
        %dma_wait3A_1067 = arith.constant 0 : i32
        %dma_wait3A_1068 = arith.constant 0 : i32
        %dma_wait3A_1069 = arith.constant 0 : i32
        %dma_wait3A_1070 = arith.constant 0 : i32
        %dma_wait3A_1071 = arith.constant 0 : i32
        %dma_wait3A_1072 = arith.constant 0 : i32
        %dma_wait3A_1073 = tpu.memref_slice %arg8[%dma_wait3A_1066, %dma_wait3A_1071, %dma_wait3A_1072] : memref<4x32x128xf32, #tpu.memory_space<vmem>> -> memref<1x8x128xf32, #tpu.memory_space<vmem>>
        %dma_wait3A_1074 = tpu.memref_squeeze %dma_wait3A_1073 : memref<1x8x128xf32, #tpu.memory_space<vmem>> -> memref<8x128xf32, #tpu.memory_space<vmem>>
        %dma_wait3A_1075 = arith.constant 0 : i32
        %dma_wait3A_1076 = arith.constant 0 : i32
        %dma_wait3A_1077 = tpu.memref_slice %arg4[%dma_wait3A_1067, %dma_wait3A_1068, %dma_wait3A_1069, %dma_wait3A_1075, %dma_wait3A_1076] : memref<50x4x128x8x128xf32, #tpu.memory_space<hbm>> -> memref<1x1x1x8x128xf32, #tpu.memory_space<hbm>>
        %dma_wait3A_1078 = tpu.memref_squeeze %dma_wait3A_1077 : memref<1x1x1x8x128xf32, #tpu.memory_space<hbm>> -> memref<8x128xf32, #tpu.memory_space<hbm>>
        %dma_wait3A_1079 = tpu.memref_slice %arg10[%dma_wait3A_1070] : memref<4x!tpu.dma_semaphore, #tpu.memory_space<semaphore_mem>> -> memref<1x!tpu.dma_semaphore, #tpu.memory_space<semaphore_mem>>
        %dma_wait3A_1080 = tpu.memref_squeeze %dma_wait3A_1079 : memref<1x!tpu.dma_semaphore, #tpu.memory_space<semaphore_mem>> -> memref<!tpu.dma_semaphore, #tpu.memory_space<semaphore_mem>>
        %dma_wait3A_1081 = arith.constant 0 : i32
        %dma_wait3A_1082 = arith.constant 0 : i32
        %dma_wait3A_1083 = tpu.memref_slice %arg4[%dma_wait3A_1067, %dma_wait3A_1068, %dma_wait3A_1069, %dma_wait3A_1081, %dma_wait3A_1082] : memref<50x4x128x8x128xf32, #tpu.memory_space<hbm>> -> memref<1x1x1x8x128xf32, #tpu.memory_space<hbm>>
        %dma_wait3A_1084 = tpu.memref_squeeze %dma_wait3A_1083 : memref<1x1x1x8x128xf32, #tpu.memory_space<hbm>> -> memref<8x128xf32, #tpu.memory_space<hbm>>
        %dma_wait3A_1085 = arith.constant 0 : i32
        %dma_wait3A_1086 = arith.constant 0 : i32
        %dma_wait3A_1087 = tpu.memref_slice %arg8[%dma_wait3A_1066, %dma_wait3A_1085, %dma_wait3A_1086] : memref<4x32x128xf32, #tpu.memory_space<vmem>> -> memref<1x8x128xf32, #tpu.memory_space<vmem>>
        %dma_wait3A_1088 = tpu.memref_squeeze %dma_wait3A_1087 : memref<1x8x128xf32, #tpu.memory_space<vmem>> -> memref<8x128xf32, #tpu.memory_space<vmem>>
        tpu.wait_dma2 semaphore(%dma_wait3A_1080 : memref<!tpu.dma_semaphore, #tpu.memory_space<semaphore_mem>>) src(%dma_wait3A_1088 : memref<8x128xf32, #tpu.memory_space<vmem>>) dst(%dma_wait3A_1084 : memref<8x128xf32, #tpu.memory_space<hbm>>)
        %dma_wait3A_1089 = arith.constant 0 : i32
        %dma_wait3A_1090 = arith.constant 0 : i32
        %dma_wait3A_1091 = arith.constant 1 : i32
        %dma_wait3A_1092 = arith.constant 0 : i32
        %dma_wait3A_1093 = arith.constant 0 : i32
        %dma_wait3A_1094 = arith.constant 8 : i32
        %dma_wait3A_1095 = arith.constant 0 : i32
        %dma_wait3A_1096 = tpu.memref_slice %arg8[%dma_wait3A_1089, %dma_wait3A_1094, %dma_wait3A_1095] : memref<4x32x128xf32, #tpu.memory_space<vmem>> -> memref<1x8x128xf32, #tpu.memory_space<vmem>>
        %dma_wait3A_1097 = tpu.memref_squeeze %dma_wait3A_1096 : memref<1x8x128xf32, #tpu.memory_space<vmem>> -> memref<8x128xf32, #tpu.memory_space<vmem>>
        %dma_wait3A_1098 = arith.constant 0 : i32
        %dma_wait3A_1099 = arith.constant 0 : i32
        %dma_wait3A_1100 = tpu.memref_slice %arg4[%dma_wait3A_1090, %dma_wait3A_1091, %dma_wait3A_1092, %dma_wait3A_1098, %dma_wait3A_1099] : memref<50x4x128x8x128xf32, #tpu.memory_space<hbm>> -> memref<1x1x1x8x128xf32, #tpu.memory_space<hbm>>
        %dma_wait3A_1101 = tpu.memref_squeeze %dma_wait3A_1100 : memref<1x1x1x8x128xf32, #tpu.memory_space<hbm>> -> memref<8x128xf32, #tpu.memory_space<hbm>>
        %dma_wait3A_1102 = tpu.memref_slice %arg10[%dma_wait3A_1093] : memref<4x!tpu.dma_semaphore, #tpu.memory_space<semaphore_mem>> -> memref<1x!tpu.dma_semaphore, #tpu.memory_space<semaphore_mem>>
        %dma_wait3A_1103 = tpu.memref_squeeze %dma_wait3A_1102 : memref<1x!tpu.dma_semaphore, #tpu.memory_space<semaphore_mem>> -> memref<!tpu.dma_semaphore, #tpu.memory_space<semaphore_mem>>
        %dma_wait3A_1104 = arith.constant 0 : i32
        %dma_wait3A_1105 = arith.constant 0 : i32
        %dma_wait3A_1106 = tpu.memref_slice %arg4[%dma_wait3A_1090, %dma_wait3A_1091, %dma_wait3A_1092, %dma_wait3A_1104, %dma_wait3A_1105] : memref<50x4x128x8x128xf32, #tpu.memory_space<hbm>> -> memref<1x1x1x8x128xf32, #tpu.memory_space<hbm>>
        %dma_wait3A_1107 = tpu.memref_squeeze %dma_wait3A_1106 : memref<1x1x1x8x128xf32, #tpu.memory_space<hbm>> -> memref<8x128xf32, #tpu.memory_space<hbm>>
        %dma_wait3A_1108 = arith.constant 8 : i32
        %dma_wait3A_1109 = arith.constant 0 : i32
        %dma_wait3A_1110 = tpu.memref_slice %arg8[%dma_wait3A_1089, %dma_wait3A_1108, %dma_wait3A_1109] : memref<4x32x128xf32, #tpu.memory_space<vmem>> -> memref<1x8x128xf32, #tpu.memory_space<vmem>>
        %dma_wait3A_1111 = tpu.memref_squeeze %dma_wait3A_1110 : memref<1x8x128xf32, #tpu.memory_space<vmem>> -> memref<8x128xf32, #tpu.memory_space<vmem>>
        tpu.wait_dma2 semaphore(%dma_wait3A_1103 : memref<!tpu.dma_semaphore, #tpu.memory_space<semaphore_mem>>) src(%dma_wait3A_1111 : memref<8x128xf32, #tpu.memory_space<vmem>>) dst(%dma_wait3A_1107 : memref<8x128xf32, #tpu.memory_space<hbm>>)
        %dma_wait3A_1112 = arith.constant 0 : i32
        %dma_wait3A_1113 = arith.constant 0 : i32
        %dma_wait3A_1114 = arith.constant 2 : i32
        %dma_wait3A_1115 = arith.constant 0 : i32
        %dma_wait3A_1116 = arith.constant 0 : i32
        %dma_wait3A_1117 = arith.constant 16 : i32
        %dma_wait3A_1118 = arith.constant 0 : i32
        %dma_wait3A_1119 = tpu.memref_slice %arg8[%dma_wait3A_1112, %dma_wait3A_1117, %dma_wait3A_1118] : memref<4x32x128xf32, #tpu.memory_space<vmem>> -> memref<1x8x128xf32, #tpu.memory_space<vmem>>
        %dma_wait3A_1120 = tpu.memref_squeeze %dma_wait3A_1119 : memref<1x8x128xf32, #tpu.memory_space<vmem>> -> memref<8x128xf32, #tpu.memory_space<vmem>>
        %dma_wait3A_1121 = arith.constant 0 : i32
        %dma_wait3A_1122 = arith.constant 0 : i32
        %dma_wait3A_1123 = tpu.memref_slice %arg4[%dma_wait3A_1113, %dma_wait3A_1114, %dma_wait3A_1115, %dma_wait3A_1121, %dma_wait3A_1122] : memref<50x4x128x8x128xf32, #tpu.memory_space<hbm>> -> memref<1x1x1x8x128xf32, #tpu.memory_space<hbm>>
        %dma_wait3A_1124 = tpu.memref_squeeze %dma_wait3A_1123 : memref<1x1x1x8x128xf32, #tpu.memory_space<hbm>> -> memref<8x128xf32, #tpu.memory_space<hbm>>
        %dma_wait3A_1125 = tpu.memref_slice %arg10[%dma_wait3A_1116] : memref<4x!tpu.dma_semaphore, #tpu.memory_space<semaphore_mem>> -> memref<1x!tpu.dma_semaphore, #tpu.memory_space<semaphore_mem>>
        %dma_wait3A_1126 = tpu.memref_squeeze %dma_wait3A_1125 : memref<1x!tpu.dma_semaphore, #tpu.memory_space<semaphore_mem>> -> memref<!tpu.dma_semaphore, #tpu.memory_space<semaphore_mem>>
        %dma_wait3A_1127 = arith.constant 0 : i32
        %dma_wait3A_1128 = arith.constant 0 : i32
        %dma_wait3A_1129 = tpu.memref_slice %arg4[%dma_wait3A_1113, %dma_wait3A_1114, %dma_wait3A_1115, %dma_wait3A_1127, %dma_wait3A_1128] : memref<50x4x128x8x128xf32, #tpu.memory_space<hbm>> -> memref<1x1x1x8x128xf32, #tpu.memory_space<hbm>>
        %dma_wait3A_1130 = tpu.memref_squeeze %dma_wait3A_1129 : memref<1x1x1x8x128xf32, #tpu.memory_space<hbm>> -> memref<8x128xf32, #tpu.memory_space<hbm>>
        %dma_wait3A_1131 = arith.constant 16 : i32
        %dma_wait3A_1132 = arith.constant 0 : i32
        %dma_wait3A_1133 = tpu.memref_slice %arg8[%dma_wait3A_1112, %dma_wait3A_1131, %dma_wait3A_1132] : memref<4x32x128xf32, #tpu.memory_space<vmem>> -> memref<1x8x128xf32, #tpu.memory_space<vmem>>
        %dma_wait3A_1134 = tpu.memref_squeeze %dma_wait3A_1133 : memref<1x8x128xf32, #tpu.memory_space<vmem>> -> memref<8x128xf32, #tpu.memory_space<vmem>>
        tpu.wait_dma2 semaphore(%dma_wait3A_1126 : memref<!tpu.dma_semaphore, #tpu.memory_space<semaphore_mem>>) src(%dma_wait3A_1134 : memref<8x128xf32, #tpu.memory_space<vmem>>) dst(%dma_wait3A_1130 : memref<8x128xf32, #tpu.memory_space<hbm>>)
        %dma_wait3A_1135 = arith.constant 0 : i32
        %dma_wait3A_1136 = arith.constant 0 : i32
        %dma_wait3A_1137 = arith.constant 3 : i32
        %dma_wait3A_1138 = arith.constant 0 : i32
        %dma_wait3A_1139 = arith.constant 0 : i32
        %dma_wait3A_1140 = arith.constant 24 : i32
        %dma_wait3A_1141 = arith.constant 0 : i32
        %dma_wait3A_1142 = tpu.memref_slice %arg8[%dma_wait3A_1135, %dma_wait3A_1140, %dma_wait3A_1141] : memref<4x32x128xf32, #tpu.memory_space<vmem>> -> memref<1x8x128xf32, #tpu.memory_space<vmem>>
        %dma_wait3A_1143 = tpu.memref_squeeze %dma_wait3A_1142 : memref<1x8x128xf32, #tpu.memory_space<vmem>> -> memref<8x128xf32, #tpu.memory_space<vmem>>
        %dma_wait3A_1144 = arith.constant 0 : i32
        %dma_wait3A_1145 = arith.constant 0 : i32
        %dma_wait3A_1146 = tpu.memref_slice %arg4[%dma_wait3A_1136, %dma_wait3A_1137, %dma_wait3A_1138, %dma_wait3A_1144, %dma_wait3A_1145] : memref<50x4x128x8x128xf32, #tpu.memory_space<hbm>> -> memref<1x1x1x8x128xf32, #tpu.memory_space<hbm>>
        %dma_wait3A_1147 = tpu.memref_squeeze %dma_wait3A_1146 : memref<1x1x1x8x128xf32, #tpu.memory_space<hbm>> -> memref<8x128xf32, #tpu.memory_space<hbm>>
        %dma_wait3A_1148 = tpu.memref_slice %arg10[%dma_wait3A_1139] : memref<4x!tpu.dma_semaphore, #tpu.memory_space<semaphore_mem>> -> memref<1x!tpu.dma_semaphore, #tpu.memory_space<semaphore_mem>>
        %dma_wait3A_1149 = tpu.memref_squeeze %dma_wait3A_1148 : memref<1x!tpu.dma_semaphore, #tpu.memory_space<semaphore_mem>> -> memref<!tpu.dma_semaphore, #tpu.memory_space<semaphore_mem>>
        %dma_wait3A_1150 = arith.constant 0 : i32
        %dma_wait3A_1151 = arith.constant 0 : i32
        %dma_wait3A_1152 = tpu.memref_slice %arg4[%dma_wait3A_1136, %dma_wait3A_1137, %dma_wait3A_1138, %dma_wait3A_1150, %dma_wait3A_1151] : memref<50x4x128x8x128xf32, #tpu.memory_space<hbm>> -> memref<1x1x1x8x128xf32, #tpu.memory_space<hbm>>
        %dma_wait3A_1153 = tpu.memref_squeeze %dma_wait3A_1152 : memref<1x1x1x8x128xf32, #tpu.memory_space<hbm>> -> memref<8x128xf32, #tpu.memory_space<hbm>>
        %dma_wait3A_1154 = arith.constant 24 : i32
        %dma_wait3A_1155 = arith.constant 0 : i32
        %dma_wait3A_1156 = tpu.memref_slice %arg8[%dma_wait3A_1135, %dma_wait3A_1154, %dma_wait3A_1155] : memref<4x32x128xf32, #tpu.memory_space<vmem>> -> memref<1x8x128xf32, #tpu.memory_space<vmem>>
        %dma_wait3A_1157 = tpu.memref_squeeze %dma_wait3A_1156 : memref<1x8x128xf32, #tpu.memory_space<vmem>> -> memref<8x128xf32, #tpu.memory_space<vmem>>
        tpu.wait_dma2 semaphore(%dma_wait3A_1149 : memref<!tpu.dma_semaphore, #tpu.memory_space<semaphore_mem>>) src(%dma_wait3A_1157 : memref<8x128xf32, #tpu.memory_space<vmem>>) dst(%dma_wait3A_1153 : memref<8x128xf32, #tpu.memory_space<hbm>>)
      } else {
      }
      %parallel_loop3A = arith.constant 0 : i32
      %parallel_loop3A_488 = arith.constant 32 : i32
      %parallel_loop3A_489 = arith.constant 1 : i32
      scf.for %parallel_loop3A_1066 = %parallel_loop3A to %parallel_loop3A_488 step %parallel_loop3A_489  : i32 {
        %parallel_loop3A_1067 = vector.broadcast %parallel_loop3A_1066 : i32 to vector<16xi32>
        %parallel_loop3A_1068 = arith.addi %parallel_loop3A_1067, %iota3A : vector<16xi32>
        %parallel_loop3A_1069 = arith.constant 31 : i32
        %parallel_loop3A_1070 = vector.broadcast %parallel_loop3A_1069 : i32 to vector<16xi32>
        %parallel_loop3A_1071 = arith.andi %parallel_loop3A_1068, %parallel_loop3A_1070 : vector<16xi32>
        %parallel_loop3A_1072 = arith.constant 0 : i32
        %parallel_loop3A_1073 = vector.broadcast %parallel_loop3A_1072 : i32 to vector<16xi32>
        %parallel_loop3A_1074 = arith.addi %iota3A, %parallel_loop3A_1073 : vector<16xi32>
        %parallel_loop3A_1075 = arith.constant 0 : i32
        %parallel_loop3A_1076 = arith.constant 0 : i32
        %parallel_loop3A_1077 = arith.constant 0 : i32
        %parallel_loop3A_1078 = tpu.memref_slice %arg7[%parallel_loop3A_1075, %parallel_loop3A_1076, %parallel_loop3A_1077] : memref<4x128x32xf32, #tpu.memory_space<vmem>> -> memref<1x128x32xf32, #tpu.memory_space<vmem>>
        %parallel_loop3A_1079 = tpu.memref_squeeze %parallel_loop3A_1078 : memref<1x128x32xf32, #tpu.memory_space<vmem>> -> memref<128x32xf32, #tpu.memory_space<vmem>>
        %parallel_loop3A_1080 = tpu.vector_load_idx %parallel_loop3A_1079[%parallel_loop3A_1074, %parallel_loop3A_1071] : memref<128x32xf32, #tpu.memory_space<vmem>>[vector<16xi32>, vector<16xi32>], vector<16xf32>,
        %parallel_loop3A_1081 = arith.constant 0 : i32
        %parallel_loop3A_1082 = arith.constant 0 : i32
        %parallel_loop3A_1083 = arith.constant 0 : i32
        %parallel_loop3A_1084 = tpu.memref_slice %arg8[%parallel_loop3A_1081, %parallel_loop3A_1082, %parallel_loop3A_1083] : memref<4x32x128xf32, #tpu.memory_space<vmem>> -> memref<1x32x128xf32, #tpu.memory_space<vmem>>
        %parallel_loop3A_1085 = tpu.memref_squeeze %parallel_loop3A_1084 : memref<1x32x128xf32, #tpu.memory_space<vmem>> -> memref<32x128xf32, #tpu.memory_space<vmem>>
        tpu.vector_store_idx %parallel_loop3A_1085[%parallel_loop3A_1071, %parallel_loop3A_1074], %parallel_loop3A_1080 : memref<32x128xf32, #tpu.memory_space<vmem>>[vector<16xi32>, vector<16xi32>], vector<16xf32>,
        %parallel_loop3A_1086 = arith.constant 16 : i32
        %parallel_loop3A_1087 = vector.broadcast %parallel_loop3A_1086 : i32 to vector<16xi32>
        %parallel_loop3A_1088 = arith.addi %iota3A, %parallel_loop3A_1087 : vector<16xi32>
        %parallel_loop3A_1089 = arith.constant 0 : i32
        %parallel_loop3A_1090 = arith.constant 0 : i32
        %parallel_loop3A_1091 = arith.constant 0 : i32
        %parallel_loop3A_1092 = tpu.memref_slice %arg7[%parallel_loop3A_1089, %parallel_loop3A_1090, %parallel_loop3A_1091] : memref<4x128x32xf32, #tpu.memory_space<vmem>> -> memref<1x128x32xf32, #tpu.memory_space<vmem>>
        %parallel_loop3A_1093 = tpu.memref_squeeze %parallel_loop3A_1092 : memref<1x128x32xf32, #tpu.memory_space<vmem>> -> memref<128x32xf32, #tpu.memory_space<vmem>>
        %parallel_loop3A_1094 = tpu.vector_load_idx %parallel_loop3A_1093[%parallel_loop3A_1088, %parallel_loop3A_1071] : memref<128x32xf32, #tpu.memory_space<vmem>>[vector<16xi32>, vector<16xi32>], vector<16xf32>,
        %parallel_loop3A_1095 = arith.constant 0 : i32
        %parallel_loop3A_1096 = arith.constant 0 : i32
        %parallel_loop3A_1097 = arith.constant 0 : i32
        %parallel_loop3A_1098 = tpu.memref_slice %arg8[%parallel_loop3A_1095, %parallel_loop3A_1096, %parallel_loop3A_1097] : memref<4x32x128xf32, #tpu.memory_space<vmem>> -> memref<1x32x128xf32, #tpu.memory_space<vmem>>
        %parallel_loop3A_1099 = tpu.memref_squeeze %parallel_loop3A_1098 : memref<1x32x128xf32, #tpu.memory_space<vmem>> -> memref<32x128xf32, #tpu.memory_space<vmem>>
        tpu.vector_store_idx %parallel_loop3A_1099[%parallel_loop3A_1071, %parallel_loop3A_1088], %parallel_loop3A_1094 : memref<32x128xf32, #tpu.memory_space<vmem>>[vector<16xi32>, vector<16xi32>], vector<16xf32>,
        %parallel_loop3A_1100 = arith.constant 32 : i32
        %parallel_loop3A_1101 = vector.broadcast %parallel_loop3A_1100 : i32 to vector<16xi32>
        %parallel_loop3A_1102 = arith.addi %iota3A, %parallel_loop3A_1101 : vector<16xi32>
        %parallel_loop3A_1103 = arith.constant 0 : i32
        %parallel_loop3A_1104 = arith.constant 0 : i32
        %parallel_loop3A_1105 = arith.constant 0 : i32
        %parallel_loop3A_1106 = tpu.memref_slice %arg7[%parallel_loop3A_1103, %parallel_loop3A_1104, %parallel_loop3A_1105] : memref<4x128x32xf32, #tpu.memory_space<vmem>> -> memref<1x128x32xf32, #tpu.memory_space<vmem>>
        %parallel_loop3A_1107 = tpu.memref_squeeze %parallel_loop3A_1106 : memref<1x128x32xf32, #tpu.memory_space<vmem>> -> memref<128x32xf32, #tpu.memory_space<vmem>>
        %parallel_loop3A_1108 = tpu.vector_load_idx %parallel_loop3A_1107[%parallel_loop3A_1102, %parallel_loop3A_1071] : memref<128x32xf32, #tpu.memory_space<vmem>>[vector<16xi32>, vector<16xi32>], vector<16xf32>,
        %parallel_loop3A_1109 = arith.constant 0 : i32
        %parallel_loop3A_1110 = arith.constant 0 : i32
        %parallel_loop3A_1111 = arith.constant 0 : i32
        %parallel_loop3A_1112 = tpu.memref_slice %arg8[%parallel_loop3A_1109, %parallel_loop3A_1110, %parallel_loop3A_1111] : memref<4x32x128xf32, #tpu.memory_space<vmem>> -> memref<1x32x128xf32, #tpu.memory_space<vmem>>
        %parallel_loop3A_1113 = tpu.memref_squeeze %parallel_loop3A_1112 : memref<1x32x128xf32, #tpu.memory_space<vmem>> -> memref<32x128xf32, #tpu.memory_space<vmem>>
        tpu.vector_store_idx %parallel_loop3A_1113[%parallel_loop3A_1071, %parallel_loop3A_1102], %parallel_loop3A_1108 : memref<32x128xf32, #tpu.memory_space<vmem>>[vector<16xi32>, vector<16xi32>], vector<16xf32>,
        %parallel_loop3A_1114 = arith.constant 48 : i32
        %parallel_loop3A_1115 = vector.broadcast %parallel_loop3A_1114 : i32 to vector<16xi32>
        %parallel_loop3A_1116 = arith.addi %iota3A, %parallel_loop3A_1115 : vector<16xi32>
        %parallel_loop3A_1117 = arith.constant 0 : i32
        %parallel_loop3A_1118 = arith.constant 0 : i32
        %parallel_loop3A_1119 = arith.constant 0 : i32
        %parallel_loop3A_1120 = tpu.memref_slice %arg7[%parallel_loop3A_1117, %parallel_loop3A_1118, %parallel_loop3A_1119] : memref<4x128x32xf32, #tpu.memory_space<vmem>> -> memref<1x128x32xf32, #tpu.memory_space<vmem>>
        %parallel_loop3A_1121 = tpu.memref_squeeze %parallel_loop3A_1120 : memref<1x128x32xf32, #tpu.memory_space<vmem>> -> memref<128x32xf32, #tpu.memory_space<vmem>>
        %parallel_loop3A_1122 = tpu.vector_load_idx %parallel_loop3A_1121[%parallel_loop3A_1116, %parallel_loop3A_1071] : memref<128x32xf32, #tpu.memory_space<vmem>>[vector<16xi32>, vector<16xi32>], vector<16xf32>,
        %parallel_loop3A_1123 = arith.constant 0 : i32
        %parallel_loop3A_1124 = arith.constant 0 : i32
        %parallel_loop3A_1125 = arith.constant 0 : i32
        %parallel_loop3A_1126 = tpu.memref_slice %arg8[%parallel_loop3A_1123, %parallel_loop3A_1124, %parallel_loop3A_1125] : memref<4x32x128xf32, #tpu.memory_space<vmem>> -> memref<1x32x128xf32, #tpu.memory_space<vmem>>
        %parallel_loop3A_1127 = tpu.memref_squeeze %parallel_loop3A_1126 : memref<1x32x128xf32, #tpu.memory_space<vmem>> -> memref<32x128xf32, #tpu.memory_space<vmem>>
        tpu.vector_store_idx %parallel_loop3A_1127[%parallel_loop3A_1071, %parallel_loop3A_1116], %parallel_loop3A_1122 : memref<32x128xf32, #tpu.memory_space<vmem>>[vector<16xi32>, vector<16xi32>], vector<16xf32>,
        %parallel_loop3A_1128 = arith.constant 64 : i32
        %parallel_loop3A_1129 = vector.broadcast %parallel_loop3A_1128 : i32 to vector<16xi32>
        %parallel_loop3A_1130 = arith.addi %iota3A, %parallel_loop3A_1129 : vector<16xi32>
        %parallel_loop3A_1131 = arith.constant 0 : i32
        %parallel_loop3A_1132 = arith.constant 0 : i32
        %parallel_loop3A_1133 = arith.constant 0 : i32
        %parallel_loop3A_1134 = tpu.memref_slice %arg7[%parallel_loop3A_1131, %parallel_loop3A_1132, %parallel_loop3A_1133] : memref<4x128x32xf32, #tpu.memory_space<vmem>> -> memref<1x128x32xf32, #tpu.memory_space<vmem>>
        %parallel_loop3A_1135 = tpu.memref_squeeze %parallel_loop3A_1134 : memref<1x128x32xf32, #tpu.memory_space<vmem>> -> memref<128x32xf32, #tpu.memory_space<vmem>>
        %parallel_loop3A_1136 = tpu.vector_load_idx %parallel_loop3A_1135[%parallel_loop3A_1130, %parallel_loop3A_1071] : memref<128x32xf32, #tpu.memory_space<vmem>>[vector<16xi32>, vector<16xi32>], vector<16xf32>,
        %parallel_loop3A_1137 = arith.constant 0 : i32
        %parallel_loop3A_1138 = arith.constant 0 : i32
        %parallel_loop3A_1139 = arith.constant 0 : i32
        %parallel_loop3A_1140 = tpu.memref_slice %arg8[%parallel_loop3A_1137, %parallel_loop3A_1138, %parallel_loop3A_1139] : memref<4x32x128xf32, #tpu.memory_space<vmem>> -> memref<1x32x128xf32, #tpu.memory_space<vmem>>
        %parallel_loop3A_1141 = tpu.memref_squeeze %parallel_loop3A_1140 : memref<1x32x128xf32, #tpu.memory_space<vmem>> -> memref<32x128xf32, #tpu.memory_space<vmem>>
        tpu.vector_store_idx %parallel_loop3A_1141[%parallel_loop3A_1071, %parallel_loop3A_1130], %parallel_loop3A_1136 : memref<32x128xf32, #tpu.memory_space<vmem>>[vector<16xi32>, vector<16xi32>], vector<16xf32>,
        %parallel_loop3A_1142 = arith.constant 80 : i32
        %parallel_loop3A_1143 = vector.broadcast %parallel_loop3A_1142 : i32 to vector<16xi32>
        %parallel_loop3A_1144 = arith.addi %iota3A, %parallel_loop3A_1143 : vector<16xi32>
        %parallel_loop3A_1145 = arith.constant 0 : i32
        %parallel_loop3A_1146 = arith.constant 0 : i32
        %parallel_loop3A_1147 = arith.constant 0 : i32
        %parallel_loop3A_1148 = tpu.memref_slice %arg7[%parallel_loop3A_1145, %parallel_loop3A_1146, %parallel_loop3A_1147] : memref<4x128x32xf32, #tpu.memory_space<vmem>> -> memref<1x128x32xf32, #tpu.memory_space<vmem>>
        %parallel_loop3A_1149 = tpu.memref_squeeze %parallel_loop3A_1148 : memref<1x128x32xf32, #tpu.memory_space<vmem>> -> memref<128x32xf32, #tpu.memory_space<vmem>>
        %parallel_loop3A_1150 = tpu.vector_load_idx %parallel_loop3A_1149[%parallel_loop3A_1144, %parallel_loop3A_1071] : memref<128x32xf32, #tpu.memory_space<vmem>>[vector<16xi32>, vector<16xi32>], vector<16xf32>,
        %parallel_loop3A_1151 = arith.constant 0 : i32
        %parallel_loop3A_1152 = arith.constant 0 : i32
        %parallel_loop3A_1153 = arith.constant 0 : i32
        %parallel_loop3A_1154 = tpu.memref_slice %arg8[%parallel_loop3A_1151, %parallel_loop3A_1152, %parallel_loop3A_1153] : memref<4x32x128xf32, #tpu.memory_space<vmem>> -> memref<1x32x128xf32, #tpu.memory_space<vmem>>
        %parallel_loop3A_1155 = tpu.memref_squeeze %parallel_loop3A_1154 : memref<1x32x128xf32, #tpu.memory_space<vmem>> -> memref<32x128xf32, #tpu.memory_space<vmem>>
        tpu.vector_store_idx %parallel_loop3A_1155[%parallel_loop3A_1071, %parallel_loop3A_1144], %parallel_loop3A_1150 : memref<32x128xf32, #tpu.memory_space<vmem>>[vector<16xi32>, vector<16xi32>], vector<16xf32>,
        %parallel_loop3A_1156 = arith.constant 96 : i32
        %parallel_loop3A_1157 = vector.broadcast %parallel_loop3A_1156 : i32 to vector<16xi32>
        %parallel_loop3A_1158 = arith.addi %iota3A, %parallel_loop3A_1157 : vector<16xi32>
        %parallel_loop3A_1159 = arith.constant 0 : i32
        %parallel_loop3A_1160 = arith.constant 0 : i32
        %parallel_loop3A_1161 = arith.constant 0 : i32
        %parallel_loop3A_1162 = tpu.memref_slice %arg7[%parallel_loop3A_1159, %parallel_loop3A_1160, %parallel_loop3A_1161] : memref<4x128x32xf32, #tpu.memory_space<vmem>> -> memref<1x128x32xf32, #tpu.memory_space<vmem>>
        %parallel_loop3A_1163 = tpu.memref_squeeze %parallel_loop3A_1162 : memref<1x128x32xf32, #tpu.memory_space<vmem>> -> memref<128x32xf32, #tpu.memory_space<vmem>>
        %parallel_loop3A_1164 = tpu.vector_load_idx %parallel_loop3A_1163[%parallel_loop3A_1158, %parallel_loop3A_1071] : memref<128x32xf32, #tpu.memory_space<vmem>>[vector<16xi32>, vector<16xi32>], vector<16xf32>,
        %parallel_loop3A_1165 = arith.constant 0 : i32
        %parallel_loop3A_1166 = arith.constant 0 : i32
        %parallel_loop3A_1167 = arith.constant 0 : i32
        %parallel_loop3A_1168 = tpu.memref_slice %arg8[%parallel_loop3A_1165, %parallel_loop3A_1166, %parallel_loop3A_1167] : memref<4x32x128xf32, #tpu.memory_space<vmem>> -> memref<1x32x128xf32, #tpu.memory_space<vmem>>
        %parallel_loop3A_1169 = tpu.memref_squeeze %parallel_loop3A_1168 : memref<1x32x128xf32, #tpu.memory_space<vmem>> -> memref<32x128xf32, #tpu.memory_space<vmem>>
        tpu.vector_store_idx %parallel_loop3A_1169[%parallel_loop3A_1071, %parallel_loop3A_1158], %parallel_loop3A_1164 : memref<32x128xf32, #tpu.memory_space<vmem>>[vector<16xi32>, vector<16xi32>], vector<16xf32>,
        %parallel_loop3A_1170 = arith.constant 112 : i32
        %parallel_loop3A_1171 = vector.broadcast %parallel_loop3A_1170 : i32 to vector<16xi32>
        %parallel_loop3A_1172 = arith.addi %iota3A, %parallel_loop3A_1171 : vector<16xi32>
        %parallel_loop3A_1173 = arith.constant 0 : i32
        %parallel_loop3A_1174 = arith.constant 0 : i32
        %parallel_loop3A_1175 = arith.constant 0 : i32
        %parallel_loop3A_1176 = tpu.memref_slice %arg7[%parallel_loop3A_1173, %parallel_loop3A_1174, %parallel_loop3A_1175] : memref<4x128x32xf32, #tpu.memory_space<vmem>> -> memref<1x128x32xf32, #tpu.memory_space<vmem>>
        %parallel_loop3A_1177 = tpu.memref_squeeze %parallel_loop3A_1176 : memref<1x128x32xf32, #tpu.memory_space<vmem>> -> memref<128x32xf32, #tpu.memory_space<vmem>>
        %parallel_loop3A_1178 = tpu.vector_load_idx %parallel_loop3A_1177[%parallel_loop3A_1172, %parallel_loop3A_1071] : memref<128x32xf32, #tpu.memory_space<vmem>>[vector<16xi32>, vector<16xi32>], vector<16xf32>,
        %parallel_loop3A_1179 = arith.constant 0 : i32
        %parallel_loop3A_1180 = arith.constant 0 : i32
        %parallel_loop3A_1181 = arith.constant 0 : i32
        %parallel_loop3A_1182 = tpu.memref_slice %arg8[%parallel_loop3A_1179, %parallel_loop3A_1180, %parallel_loop3A_1181] : memref<4x32x128xf32, #tpu.memory_space<vmem>> -> memref<1x32x128xf32, #tpu.memory_space<vmem>>
        %parallel_loop3A_1183 = tpu.memref_squeeze %parallel_loop3A_1182 : memref<1x32x128xf32, #tpu.memory_space<vmem>> -> memref<32x128xf32, #tpu.memory_space<vmem>>
        tpu.vector_store_idx %parallel_loop3A_1183[%parallel_loop3A_1071, %parallel_loop3A_1172], %parallel_loop3A_1178 : memref<32x128xf32, #tpu.memory_space<vmem>>[vector<16xi32>, vector<16xi32>], vector<16xf32>,
      } {sc.loop_unroll_factor = 8 : i64, sc.parallel_access}
      %mul3A_490 = arith.constant 4 : i32
      %mul3A_491 = arith.muli %mul3A_490, %add3A : i32
      %add3A_492 = arith.addi %mul3A_491, %select_n3A : i32
      %dma_start3A_493 = arith.constant 0 : i32
      %dma_start3A_494 = arith.constant 0 : i32
      %dma_start3A_495 = arith.constant 0 : i32
      %dma_start3A_496 = arith.constant 0 : i32
      %dma_start3A_497 = arith.constant 0 : i32
      %dma_start3A_498 = tpu.memref_slice %arg8[%dma_start3A_493, %dma_start3A_496, %dma_start3A_497] : memref<4x32x128xf32, #tpu.memory_space<vmem>> -> memref<1x8x128xf32, #tpu.memory_space<vmem>>
      %dma_start3A_499 = tpu.memref_squeeze %dma_start3A_498 : memref<1x8x128xf32, #tpu.memory_space<vmem>> -> memref<8x128xf32, #tpu.memory_space<vmem>>
      %dma_start3A_500 = arith.constant 0 : i32
      %dma_start3A_501 = arith.constant 0 : i32
      %dma_start3A_502 = tpu.memref_slice %arg4[%sub3A_469, %dma_start3A_494, %add3A_492, %dma_start3A_500, %dma_start3A_501] : memref<50x4x128x8x128xf32, #tpu.memory_space<hbm>> -> memref<1x1x1x8x128xf32, #tpu.memory_space<hbm>>
      %dma_start3A_503 = tpu.memref_squeeze %dma_start3A_502 : memref<1x1x1x8x128xf32, #tpu.memory_space<hbm>> -> memref<8x128xf32, #tpu.memory_space<hbm>>
      %dma_start3A_504 = tpu.memref_slice %arg10[%dma_start3A_495] : memref<4x!tpu.dma_semaphore, #tpu.memory_space<semaphore_mem>> -> memref<1x!tpu.dma_semaphore, #tpu.memory_space<semaphore_mem>>
      %dma_start3A_505 = tpu.memref_squeeze %dma_start3A_504 : memref<1x!tpu.dma_semaphore, #tpu.memory_space<semaphore_mem>> -> memref<!tpu.dma_semaphore, #tpu.memory_space<semaphore_mem>>
      %dma_start3A_506 = arith.constant 0 : i32
      %dma_start3A_507 = arith.constant 0 : i32
      %dma_start3A_508 = tpu.memref_slice %arg4[%sub3A_469, %dma_start3A_494, %add3A_492, %dma_start3A_506, %dma_start3A_507] : memref<50x4x128x8x128xf32, #tpu.memory_space<hbm>> -> memref<1x1x1x8x128xf32, #tpu.memory_space<hbm>>
      %dma_start3A_509 = tpu.memref_squeeze %dma_start3A_508 : memref<1x1x1x8x128xf32, #tpu.memory_space<hbm>> -> memref<8x128xf32, #tpu.memory_space<hbm>>
      %dma_start3A_510 = arith.constant 0 : i32
      %dma_start3A_511 = arith.constant 0 : i32
      %dma_start3A_512 = tpu.memref_slice %arg8[%dma_start3A_493, %dma_start3A_510, %dma_start3A_511] : memref<4x32x128xf32, #tpu.memory_space<vmem>> -> memref<1x8x128xf32, #tpu.memory_space<vmem>>
      %dma_start3A_513 = tpu.memref_squeeze %dma_start3A_512 : memref<1x8x128xf32, #tpu.memory_space<vmem>> -> memref<8x128xf32, #tpu.memory_space<vmem>>
      tpu.enqueue_dma source(%dma_start3A_513 : memref<8x128xf32, #tpu.memory_space<vmem>>) target(%dma_start3A_509 : memref<8x128xf32, #tpu.memory_space<hbm>>) target_semaphore(%dma_start3A_505 : memref<!tpu.dma_semaphore, #tpu.memory_space<semaphore_mem>>)
      %mul3A_514 = arith.constant 4 : i32
      %mul3A_515 = arith.muli %mul3A_514, %add3A : i32
      %add3A_516 = arith.addi %mul3A_515, %select_n3A : i32
      %dma_start3A_517 = arith.constant 0 : i32
      %dma_start3A_518 = arith.constant 1 : i32
      %dma_start3A_519 = arith.constant 0 : i32
      %dma_start3A_520 = arith.constant 8 : i32
      %dma_start3A_521 = arith.constant 0 : i32
      %dma_start3A_522 = tpu.memref_slice %arg8[%dma_start3A_517, %dma_start3A_520, %dma_start3A_521] : memref<4x32x128xf32, #tpu.memory_space<vmem>> -> memref<1x8x128xf32, #tpu.memory_space<vmem>>
      %dma_start3A_523 = tpu.memref_squeeze %dma_start3A_522 : memref<1x8x128xf32, #tpu.memory_space<vmem>> -> memref<8x128xf32, #tpu.memory_space<vmem>>
      %dma_start3A_524 = arith.constant 0 : i32
      %dma_start3A_525 = arith.constant 0 : i32
      %dma_start3A_526 = tpu.memref_slice %arg4[%sub3A_469, %dma_start3A_518, %add3A_516, %dma_start3A_524, %dma_start3A_525] : memref<50x4x128x8x128xf32, #tpu.memory_space<hbm>> -> memref<1x1x1x8x128xf32, #tpu.memory_space<hbm>>
      %dma_start3A_527 = tpu.memref_squeeze %dma_start3A_526 : memref<1x1x1x8x128xf32, #tpu.memory_space<hbm>> -> memref<8x128xf32, #tpu.memory_space<hbm>>
      %dma_start3A_528 = tpu.memref_slice %arg10[%dma_start3A_519] : memref<4x!tpu.dma_semaphore, #tpu.memory_space<semaphore_mem>> -> memref<1x!tpu.dma_semaphore, #tpu.memory_space<semaphore_mem>>
      %dma_start3A_529 = tpu.memref_squeeze %dma_start3A_528 : memref<1x!tpu.dma_semaphore, #tpu.memory_space<semaphore_mem>> -> memref<!tpu.dma_semaphore, #tpu.memory_space<semaphore_mem>>
      %dma_start3A_530 = arith.constant 0 : i32
      %dma_start3A_531 = arith.constant 0 : i32
      %dma_start3A_532 = tpu.memref_slice %arg4[%sub3A_469, %dma_start3A_518, %add3A_516, %dma_start3A_530, %dma_start3A_531] : memref<50x4x128x8x128xf32, #tpu.memory_space<hbm>> -> memref<1x1x1x8x128xf32, #tpu.memory_space<hbm>>
      %dma_start3A_533 = tpu.memref_squeeze %dma_start3A_532 : memref<1x1x1x8x128xf32, #tpu.memory_space<hbm>> -> memref<8x128xf32, #tpu.memory_space<hbm>>
      %dma_start3A_534 = arith.constant 8 : i32
      %dma_start3A_535 = arith.constant 0 : i32
      %dma_start3A_536 = tpu.memref_slice %arg8[%dma_start3A_517, %dma_start3A_534, %dma_start3A_535] : memref<4x32x128xf32, #tpu.memory_space<vmem>> -> memref<1x8x128xf32, #tpu.memory_space<vmem>>
      %dma_start3A_537 = tpu.memref_squeeze %dma_start3A_536 : memref<1x8x128xf32, #tpu.memory_space<vmem>> -> memref<8x128xf32, #tpu.memory_space<vmem>>
      tpu.enqueue_dma source(%dma_start3A_537 : memref<8x128xf32, #tpu.memory_space<vmem>>) target(%dma_start3A_533 : memref<8x128xf32, #tpu.memory_space<hbm>>) target_semaphore(%dma_start3A_529 : memref<!tpu.dma_semaphore, #tpu.memory_space<semaphore_mem>>)
      %mul3A_538 = arith.constant 4 : i32
      %mul3A_539 = arith.muli %mul3A_538, %add3A : i32
      %add3A_540 = arith.addi %mul3A_539, %select_n3A : i32
      %dma_start3A_541 = arith.constant 0 : i32
      %dma_start3A_542 = arith.constant 2 : i32
      %dma_start3A_543 = arith.constant 0 : i32
      %dma_start3A_544 = arith.constant 16 : i32
      %dma_start3A_545 = arith.constant 0 : i32
      %dma_start3A_546 = tpu.memref_slice %arg8[%dma_start3A_541, %dma_start3A_544, %dma_start3A_545] : memref<4x32x128xf32, #tpu.memory_space<vmem>> -> memref<1x8x128xf32, #tpu.memory_space<vmem>>
      %dma_start3A_547 = tpu.memref_squeeze %dma_start3A_546 : memref<1x8x128xf32, #tpu.memory_space<vmem>> -> memref<8x128xf32, #tpu.memory_space<vmem>>
      %dma_start3A_548 = arith.constant 0 : i32
      %dma_start3A_549 = arith.constant 0 : i32
      %dma_start3A_550 = tpu.memref_slice %arg4[%sub3A_469, %dma_start3A_542, %add3A_540, %dma_start3A_548, %dma_start3A_549] : memref<50x4x128x8x128xf32, #tpu.memory_space<hbm>> -> memref<1x1x1x8x128xf32, #tpu.memory_space<hbm>>
      %dma_start3A_551 = tpu.memref_squeeze %dma_start3A_550 : memref<1x1x1x8x128xf32, #tpu.memory_space<hbm>> -> memref<8x128xf32, #tpu.memory_space<hbm>>
      %dma_start3A_552 = tpu.memref_slice %arg10[%dma_start3A_543] : memref<4x!tpu.dma_semaphore, #tpu.memory_space<semaphore_mem>> -> memref<1x!tpu.dma_semaphore, #tpu.memory_space<semaphore_mem>>
      %dma_start3A_553 = tpu.memref_squeeze %dma_start3A_552 : memref<1x!tpu.dma_semaphore, #tpu.memory_space<semaphore_mem>> -> memref<!tpu.dma_semaphore, #tpu.memory_space<semaphore_mem>>
      %dma_start3A_554 = arith.constant 0 : i32
      %dma_start3A_555 = arith.constant 0 : i32
      %dma_start3A_556 = tpu.memref_slice %arg4[%sub3A_469, %dma_start3A_542, %add3A_540, %dma_start3A_554, %dma_start3A_555] : memref<50x4x128x8x128xf32, #tpu.memory_space<hbm>> -> memref<1x1x1x8x128xf32, #tpu.memory_space<hbm>>
      %dma_start3A_557 = tpu.memref_squeeze %dma_start3A_556 : memref<1x1x1x8x128xf32, #tpu.memory_space<hbm>> -> memref<8x128xf32, #tpu.memory_space<hbm>>
      %dma_start3A_558 = arith.constant 16 : i32
      %dma_start3A_559 = arith.constant 0 : i32
      %dma_start3A_560 = tpu.memref_slice %arg8[%dma_start3A_541, %dma_start3A_558, %dma_start3A_559] : memref<4x32x128xf32, #tpu.memory_space<vmem>> -> memref<1x8x128xf32, #tpu.memory_space<vmem>>
      %dma_start3A_561 = tpu.memref_squeeze %dma_start3A_560 : memref<1x8x128xf32, #tpu.memory_space<vmem>> -> memref<8x128xf32, #tpu.memory_space<vmem>>
      tpu.enqueue_dma source(%dma_start3A_561 : memref<8x128xf32, #tpu.memory_space<vmem>>) target(%dma_start3A_557 : memref<8x128xf32, #tpu.memory_space<hbm>>) target_semaphore(%dma_start3A_553 : memref<!tpu.dma_semaphore, #tpu.memory_space<semaphore_mem>>)
      %mul3A_562 = arith.constant 4 : i32
      %mul3A_563 = arith.muli %mul3A_562, %add3A : i32
      %add3A_564 = arith.addi %mul3A_563, %select_n3A : i32
      %dma_start3A_565 = arith.constant 0 : i32
      %dma_start3A_566 = arith.constant 3 : i32
      %dma_start3A_567 = arith.constant 0 : i32
      %dma_start3A_568 = arith.constant 24 : i32
      %dma_start3A_569 = arith.constant 0 : i32
      %dma_start3A_570 = tpu.memref_slice %arg8[%dma_start3A_565, %dma_start3A_568, %dma_start3A_569] : memref<4x32x128xf32, #tpu.memory_space<vmem>> -> memref<1x8x128xf32, #tpu.memory_space<vmem>>
      %dma_start3A_571 = tpu.memref_squeeze %dma_start3A_570 : memref<1x8x128xf32, #tpu.memory_space<vmem>> -> memref<8x128xf32, #tpu.memory_space<vmem>>
      %dma_start3A_572 = arith.constant 0 : i32
      %dma_start3A_573 = arith.constant 0 : i32
      %dma_start3A_574 = tpu.memref_slice %arg4[%sub3A_469, %dma_start3A_566, %add3A_564, %dma_start3A_572, %dma_start3A_573] : memref<50x4x128x8x128xf32, #tpu.memory_space<hbm>> -> memref<1x1x1x8x128xf32, #tpu.memory_space<hbm>>
      %dma_start3A_575 = tpu.memref_squeeze %dma_start3A_574 : memref<1x1x1x8x128xf32, #tpu.memory_space<hbm>> -> memref<8x128xf32, #tpu.memory_space<hbm>>
      %dma_start3A_576 = tpu.memref_slice %arg10[%dma_start3A_567] : memref<4x!tpu.dma_semaphore, #tpu.memory_space<semaphore_mem>> -> memref<1x!tpu.dma_semaphore, #tpu.memory_space<semaphore_mem>>
      %dma_start3A_577 = tpu.memref_squeeze %dma_start3A_576 : memref<1x!tpu.dma_semaphore, #tpu.memory_space<semaphore_mem>> -> memref<!tpu.dma_semaphore, #tpu.memory_space<semaphore_mem>>
      %dma_start3A_578 = arith.constant 0 : i32
      %dma_start3A_579 = arith.constant 0 : i32
      %dma_start3A_580 = tpu.memref_slice %arg4[%sub3A_469, %dma_start3A_566, %add3A_564, %dma_start3A_578, %dma_start3A_579] : memref<50x4x128x8x128xf32, #tpu.memory_space<hbm>> -> memref<1x1x1x8x128xf32, #tpu.memory_space<hbm>>
      %dma_start3A_581 = tpu.memref_squeeze %dma_start3A_580 : memref<1x1x1x8x128xf32, #tpu.memory_space<hbm>> -> memref<8x128xf32, #tpu.memory_space<hbm>>
      %dma_start3A_582 = arith.constant 24 : i32
      %dma_start3A_583 = arith.constant 0 : i32
      %dma_start3A_584 = tpu.memref_slice %arg8[%dma_start3A_565, %dma_start3A_582, %dma_start3A_583] : memref<4x32x128xf32, #tpu.memory_space<vmem>> -> memref<1x8x128xf32, #tpu.memory_space<vmem>>
      %dma_start3A_585 = tpu.memref_squeeze %dma_start3A_584 : memref<1x8x128xf32, #tpu.memory_space<vmem>> -> memref<8x128xf32, #tpu.memory_space<vmem>>
      tpu.enqueue_dma source(%dma_start3A_585 : memref<8x128xf32, #tpu.memory_space<vmem>>) target(%dma_start3A_581 : memref<8x128xf32, #tpu.memory_space<hbm>>) target_semaphore(%dma_start3A_577 : memref<!tpu.dma_semaphore, #tpu.memory_space<semaphore_mem>>)
      %add3A_586 = arith.constant 4 : i32
      %add3A_587 = arith.addi %add3A_450, %add3A_586 : i32
      %lt3A = arith.constant 200 : i32
      %lt3A_588 = arith.cmpi slt, %add3A_587, %lt3A : i32
      %convert_element_type3A_589 = arith.extui %lt3A_588 : i1 to i32
      %cond3A_590 = arith.constant 0 : i32
      %cond3A_591 = arith.cmpi ne, %convert_element_type3A_589, %cond3A_590 : i32
      scf.if %cond3A_591 {
        %jit3A_1066 = arith.constant 50 : i32
        %div3A_1067 = arith.divsi %add3A_587, %jit3A_1066 : i32
        %sign3A_1068 = arith.constant 0 : i32
        %sign3A_1069 = arith.cmpi sgt, %add3A_587, %sign3A_1068 : i32
        %sign3A_1070 = arith.extui %sign3A_1069 : i1 to i32
        %sign3A_1071 = arith.constant 0 : i32
        %sign3A_1072 = arith.cmpi slt, %add3A_587, %sign3A_1071 : i32
        %sign3A_1073 = arith.extui %sign3A_1072 : i1 to i32
        %sign3A_1074 = arith.subi %sign3A_1070, %sign3A_1073 : i32
        %sign3A_1075 = arith.constant 0 : i32
        %sign3A_1076 = arith.cmpi sgt, %jit3A_1066, %sign3A_1075 : i32
        %sign3A_1077 = arith.extui %sign3A_1076 : i1 to i32
        %sign3A_1078 = arith.constant 0 : i32
        %sign3A_1079 = arith.cmpi slt, %jit3A_1066, %sign3A_1078 : i32
        %sign3A_1080 = arith.extui %sign3A_1079 : i1 to i32
        %sign3A_1081 = arith.subi %sign3A_1077, %sign3A_1080 : i32
        %ne3A_1082 = arith.cmpi ne, %sign3A_1074, %sign3A_1081 : i32
        %rem3A_1083 = arith.remsi %add3A_587, %jit3A_1066 : i32
        %ne3A_1084 = arith.constant 0 : i32
        %ne3A_1085 = arith.cmpi ne, %rem3A_1083, %ne3A_1084 : i32
        %and3A_1086 = arith.andi %ne3A_1082, %ne3A_1085 : i1
        %sub3A_1087 = arith.constant 1 : i32
        %sub3A_1088 = arith.subi %div3A_1067, %sub3A_1087 : i32
        %select_n3A_1089 = arith.select %and3A_1086, %sub3A_1088, %div3A_1067 : i32
        %mul3A_1090 = arith.constant 50 : i32
        %mul3A_1091 = arith.muli %select_n3A_1089, %mul3A_1090 : i32
        %sub3A_1092 = arith.subi %add3A_587, %mul3A_1091 : i32
        %dma_start3A_1093 = arith.constant 0 : i32
        %dma_start3A_1094 = arith.constant 0 : i32
        %dma_start3A_1095 = arith.constant 0 : i32
        %dma_start3A_1096 = arith.constant 0 : i32
        %dma_start3A_1097 = tpu.memref_slice %arg7[%dma_start3A_1093, %dma_start3A_1095, %dma_start3A_1096] : memref<4x128x32xf32, #tpu.memory_space<vmem>> -> memref<1x128x32xf32, #tpu.memory_space<vmem>>
        %dma_start3A_1098 = tpu.memref_squeeze %dma_start3A_1097 : memref<1x128x32xf32, #tpu.memory_space<vmem>> -> memref<128x32xf32, #tpu.memory_space<vmem>>
        %dma_start3A_1099 = arith.constant 0 : i32
        %dma_start3A_1100 = tpu.memref_slice %arg6[%select_n3A_1089, %sub3A_1092, %dma_start3A_1099] : memref<4x50x128xi32, #tpu.memory_space<vmem>> -> memref<1x1x128xi32, #tpu.memory_space<vmem>>
        %dma_start3A_1101 = tpu.memref_squeeze %dma_start3A_1100 : memref<1x1x128xi32, #tpu.memory_space<vmem>> -> memref<128xi32, #tpu.memory_space<vmem>>
        %dma_start3A_1102 = arith.constant 0 : i32
        %dma_start3A_1103 = arith.constant 0 : i32
        %dma_start3A_1104 = tpu.memref_slice %arg3[%dma_start3A_1102, %dma_start3A_1103] : memref<1000000x32xf32, #tpu.memory_space<hbm>> -> memref<1000000x32xf32, #tpu.memory_space<hbm>>
        %dma_start3A_1105 = tpu.memref_slice %arg9[%dma_start3A_1094] : memref<4x!tpu.dma_semaphore, #tpu.memory_space<semaphore_mem>> -> memref<1x!tpu.dma_semaphore, #tpu.memory_space<semaphore_mem>>
        %dma_start3A_1106 = tpu.memref_squeeze %dma_start3A_1105 : memref<1x!tpu.dma_semaphore, #tpu.memory_space<semaphore_mem>> -> memref<!tpu.dma_semaphore, #tpu.memory_space<semaphore_mem>>
        tpu.enqueue_indirect_dma source(%dma_start3A_1104 : memref<1000000x32xf32, #tpu.memory_space<hbm>>) target(%dma_start3A_1098 : memref<128x32xf32, #tpu.memory_space<vmem>>) offsets(%dma_start3A_1101 : memref<128xi32, #tpu.memory_space<vmem>>) semaphore(%dma_start3A_1106 : memref<!tpu.dma_semaphore, #tpu.memory_space<semaphore_mem>>)
      } else {
      }
      %mul3A_592 = arith.constant 4 : i32
      %mul3A_593 = arith.muli %add3A_446, %mul3A_592 : i32
      %add3A_594 = arith.constant 1 : i32
      %add3A_595 = arith.addi %mul3A_593, %add3A_594 : i32
      %jit3A_596 = arith.constant 50 : i32
      %div3A_597 = arith.divsi %add3A_595, %jit3A_596 : i32
      %sign3A_598 = arith.constant 0 : i32
      %sign3A_599 = arith.cmpi sgt, %add3A_595, %sign3A_598 : i32
      %sign3A_600 = arith.extui %sign3A_599 : i1 to i32
      %sign3A_601 = arith.constant 0 : i32
      %sign3A_602 = arith.cmpi slt, %add3A_595, %sign3A_601 : i32
      %sign3A_603 = arith.extui %sign3A_602 : i1 to i32
      %sign3A_604 = arith.subi %sign3A_600, %sign3A_603 : i32
      %sign3A_605 = arith.constant 0 : i32
      %sign3A_606 = arith.cmpi sgt, %jit3A_596, %sign3A_605 : i32
      %sign3A_607 = arith.extui %sign3A_606 : i1 to i32
      %sign3A_608 = arith.constant 0 : i32
      %sign3A_609 = arith.cmpi slt, %jit3A_596, %sign3A_608 : i32
      %sign3A_610 = arith.extui %sign3A_609 : i1 to i32
      %sign3A_611 = arith.subi %sign3A_607, %sign3A_610 : i32
      %ne3A_612 = arith.cmpi ne, %sign3A_604, %sign3A_611 : i32
      %rem3A_613 = arith.remsi %add3A_595, %jit3A_596 : i32
      %ne3A_614 = arith.constant 0 : i32
      %ne3A_615 = arith.cmpi ne, %rem3A_613, %ne3A_614 : i32
      %and3A_616 = arith.andi %ne3A_612, %ne3A_615 : i1
      %sub3A_617 = arith.constant 1 : i32
      %sub3A_618 = arith.subi %div3A_597, %sub3A_617 : i32
      %select_n3A_619 = arith.select %and3A_616, %sub3A_618, %div3A_597 : i32
      %mul3A_620 = arith.constant 50 : i32
      %mul3A_621 = arith.muli %select_n3A_619, %mul3A_620 : i32
      %sub3A_622 = arith.subi %add3A_595, %mul3A_621 : i32
      %dma_wait3A_623 = arith.constant 0 : i32
      %dma_wait3A_624 = arith.constant 0 : i32
      %dma_wait3A_625 = arith.constant 1 : i32
      %dma_wait3A_626 = arith.constant 1 : i32
      %dma_wait3A_627 = arith.constant 0 : i32
      %dma_wait3A_628 = arith.constant 0 : i32
      %dma_wait3A_629 = tpu.memref_slice %arg7[%dma_wait3A_625, %dma_wait3A_627, %dma_wait3A_628] : memref<4x128x32xf32, #tpu.memory_space<vmem>> -> memref<1x128x32xf32, #tpu.memory_space<vmem>>
      %dma_wait3A_630 = tpu.memref_squeeze %dma_wait3A_629 : memref<1x128x32xf32, #tpu.memory_space<vmem>> -> memref<128x32xf32, #tpu.memory_space<vmem>>
      %dma_wait3A_631 = arith.constant 0 : i32
      %dma_wait3A_632 = tpu.memref_slice %arg6[%dma_wait3A_623, %dma_wait3A_624, %dma_wait3A_631] : memref<4x50x128xi32, #tpu.memory_space<vmem>> -> memref<1x1x128xi32, #tpu.memory_space<vmem>>
      %dma_wait3A_633 = tpu.memref_squeeze %dma_wait3A_632 : memref<1x1x128xi32, #tpu.memory_space<vmem>> -> memref<128xi32, #tpu.memory_space<vmem>>
      %dma_wait3A_634 = arith.constant 0 : i32
      %dma_wait3A_635 = arith.constant 0 : i32
      %dma_wait3A_636 = tpu.memref_slice %arg3[%dma_wait3A_634, %dma_wait3A_635] : memref<1000000x32xf32, #tpu.memory_space<hbm>> -> memref<1000000x32xf32, #tpu.memory_space<hbm>>
      %dma_wait3A_637 = tpu.memref_slice %arg9[%dma_wait3A_626] : memref<4x!tpu.dma_semaphore, #tpu.memory_space<semaphore_mem>> -> memref<1x!tpu.dma_semaphore, #tpu.memory_space<semaphore_mem>>
      %dma_wait3A_638 = tpu.memref_squeeze %dma_wait3A_637 : memref<1x!tpu.dma_semaphore, #tpu.memory_space<semaphore_mem>> -> memref<!tpu.dma_semaphore, #tpu.memory_space<semaphore_mem>>
      tpu.wait_indirect_dma semaphore(%dma_wait3A_638 : memref<!tpu.dma_semaphore, #tpu.memory_space<semaphore_mem>>) src(%dma_wait3A_636 : memref<1000000x32xf32, #tpu.memory_space<hbm>>) dst(%dma_wait3A_630 : memref<128x32xf32, #tpu.memory_space<vmem>>)
      %ge3A_639 = arith.constant 4 : i32
      %ge3A_640 = arith.cmpi sge, %add3A_595, %ge3A_639 : i32
      %convert_element_type3A_641 = arith.extui %ge3A_640 : i1 to i32
      %cond3A_642 = arith.constant 0 : i32
      %cond3A_643 = arith.cmpi ne, %convert_element_type3A_641, %cond3A_642 : i32
      scf.if %cond3A_643 {
        %dma_wait3A_1066 = arith.constant 1 : i32
        %dma_wait3A_1067 = arith.constant 0 : i32
        %dma_wait3A_1068 = arith.constant 0 : i32
        %dma_wait3A_1069 = arith.constant 0 : i32
        %dma_wait3A_1070 = arith.constant 1 : i32
        %dma_wait3A_1071 = arith.constant 0 : i32
        %dma_wait3A_1072 = arith.constant 0 : i32
        %dma_wait3A_1073 = tpu.memref_slice %arg8[%dma_wait3A_1066, %dma_wait3A_1071, %dma_wait3A_1072] : memref<4x32x128xf32, #tpu.memory_space<vmem>> -> memref<1x8x128xf32, #tpu.memory_space<vmem>>
        %dma_wait3A_1074 = tpu.memref_squeeze %dma_wait3A_1073 : memref<1x8x128xf32, #tpu.memory_space<vmem>> -> memref<8x128xf32, #tpu.memory_space<vmem>>
        %dma_wait3A_1075 = arith.constant 0 : i32
        %dma_wait3A_1076 = arith.constant 0 : i32
        %dma_wait3A_1077 = tpu.memref_slice %arg4[%dma_wait3A_1067, %dma_wait3A_1068, %dma_wait3A_1069, %dma_wait3A_1075, %dma_wait3A_1076] : memref<50x4x128x8x128xf32, #tpu.memory_space<hbm>> -> memref<1x1x1x8x128xf32, #tpu.memory_space<hbm>>
        %dma_wait3A_1078 = tpu.memref_squeeze %dma_wait3A_1077 : memref<1x1x1x8x128xf32, #tpu.memory_space<hbm>> -> memref<8x128xf32, #tpu.memory_space<hbm>>
        %dma_wait3A_1079 = tpu.memref_slice %arg10[%dma_wait3A_1070] : memref<4x!tpu.dma_semaphore, #tpu.memory_space<semaphore_mem>> -> memref<1x!tpu.dma_semaphore, #tpu.memory_space<semaphore_mem>>
        %dma_wait3A_1080 = tpu.memref_squeeze %dma_wait3A_1079 : memref<1x!tpu.dma_semaphore, #tpu.memory_space<semaphore_mem>> -> memref<!tpu.dma_semaphore, #tpu.memory_space<semaphore_mem>>
        %dma_wait3A_1081 = arith.constant 0 : i32
        %dma_wait3A_1082 = arith.constant 0 : i32
        %dma_wait3A_1083 = tpu.memref_slice %arg4[%dma_wait3A_1067, %dma_wait3A_1068, %dma_wait3A_1069, %dma_wait3A_1081, %dma_wait3A_1082] : memref<50x4x128x8x128xf32, #tpu.memory_space<hbm>> -> memref<1x1x1x8x128xf32, #tpu.memory_space<hbm>>
        %dma_wait3A_1084 = tpu.memref_squeeze %dma_wait3A_1083 : memref<1x1x1x8x128xf32, #tpu.memory_space<hbm>> -> memref<8x128xf32, #tpu.memory_space<hbm>>
        %dma_wait3A_1085 = arith.constant 0 : i32
        %dma_wait3A_1086 = arith.constant 0 : i32
        %dma_wait3A_1087 = tpu.memref_slice %arg8[%dma_wait3A_1066, %dma_wait3A_1085, %dma_wait3A_1086] : memref<4x32x128xf32, #tpu.memory_space<vmem>> -> memref<1x8x128xf32, #tpu.memory_space<vmem>>
        %dma_wait3A_1088 = tpu.memref_squeeze %dma_wait3A_1087 : memref<1x8x128xf32, #tpu.memory_space<vmem>> -> memref<8x128xf32, #tpu.memory_space<vmem>>
        tpu.wait_dma2 semaphore(%dma_wait3A_1080 : memref<!tpu.dma_semaphore, #tpu.memory_space<semaphore_mem>>) src(%dma_wait3A_1088 : memref<8x128xf32, #tpu.memory_space<vmem>>) dst(%dma_wait3A_1084 : memref<8x128xf32, #tpu.memory_space<hbm>>)
        %dma_wait3A_1089 = arith.constant 1 : i32
        %dma_wait3A_1090 = arith.constant 0 : i32
        %dma_wait3A_1091 = arith.constant 1 : i32
        %dma_wait3A_1092 = arith.constant 0 : i32
        %dma_wait3A_1093 = arith.constant 1 : i32
        %dma_wait3A_1094 = arith.constant 8 : i32
        %dma_wait3A_1095 = arith.constant 0 : i32
        %dma_wait3A_1096 = tpu.memref_slice %arg8[%dma_wait3A_1089, %dma_wait3A_1094, %dma_wait3A_1095] : memref<4x32x128xf32, #tpu.memory_space<vmem>> -> memref<1x8x128xf32, #tpu.memory_space<vmem>>
        %dma_wait3A_1097 = tpu.memref_squeeze %dma_wait3A_1096 : memref<1x8x128xf32, #tpu.memory_space<vmem>> -> memref<8x128xf32, #tpu.memory_space<vmem>>
        %dma_wait3A_1098 = arith.constant 0 : i32
        %dma_wait3A_1099 = arith.constant 0 : i32
        %dma_wait3A_1100 = tpu.memref_slice %arg4[%dma_wait3A_1090, %dma_wait3A_1091, %dma_wait3A_1092, %dma_wait3A_1098, %dma_wait3A_1099] : memref<50x4x128x8x128xf32, #tpu.memory_space<hbm>> -> memref<1x1x1x8x128xf32, #tpu.memory_space<hbm>>
        %dma_wait3A_1101 = tpu.memref_squeeze %dma_wait3A_1100 : memref<1x1x1x8x128xf32, #tpu.memory_space<hbm>> -> memref<8x128xf32, #tpu.memory_space<hbm>>
        %dma_wait3A_1102 = tpu.memref_slice %arg10[%dma_wait3A_1093] : memref<4x!tpu.dma_semaphore, #tpu.memory_space<semaphore_mem>> -> memref<1x!tpu.dma_semaphore, #tpu.memory_space<semaphore_mem>>
        %dma_wait3A_1103 = tpu.memref_squeeze %dma_wait3A_1102 : memref<1x!tpu.dma_semaphore, #tpu.memory_space<semaphore_mem>> -> memref<!tpu.dma_semaphore, #tpu.memory_space<semaphore_mem>>
        %dma_wait3A_1104 = arith.constant 0 : i32
        %dma_wait3A_1105 = arith.constant 0 : i32
        %dma_wait3A_1106 = tpu.memref_slice %arg4[%dma_wait3A_1090, %dma_wait3A_1091, %dma_wait3A_1092, %dma_wait3A_1104, %dma_wait3A_1105] : memref<50x4x128x8x128xf32, #tpu.memory_space<hbm>> -> memref<1x1x1x8x128xf32, #tpu.memory_space<hbm>>
        %dma_wait3A_1107 = tpu.memref_squeeze %dma_wait3A_1106 : memref<1x1x1x8x128xf32, #tpu.memory_space<hbm>> -> memref<8x128xf32, #tpu.memory_space<hbm>>
        %dma_wait3A_1108 = arith.constant 8 : i32
        %dma_wait3A_1109 = arith.constant 0 : i32
        %dma_wait3A_1110 = tpu.memref_slice %arg8[%dma_wait3A_1089, %dma_wait3A_1108, %dma_wait3A_1109] : memref<4x32x128xf32, #tpu.memory_space<vmem>> -> memref<1x8x128xf32, #tpu.memory_space<vmem>>
        %dma_wait3A_1111 = tpu.memref_squeeze %dma_wait3A_1110 : memref<1x8x128xf32, #tpu.memory_space<vmem>> -> memref<8x128xf32, #tpu.memory_space<vmem>>
        tpu.wait_dma2 semaphore(%dma_wait3A_1103 : memref<!tpu.dma_semaphore, #tpu.memory_space<semaphore_mem>>) src(%dma_wait3A_1111 : memref<8x128xf32, #tpu.memory_space<vmem>>) dst(%dma_wait3A_1107 : memref<8x128xf32, #tpu.memory_space<hbm>>)
        %dma_wait3A_1112 = arith.constant 1 : i32
        %dma_wait3A_1113 = arith.constant 0 : i32
        %dma_wait3A_1114 = arith.constant 2 : i32
        %dma_wait3A_1115 = arith.constant 0 : i32
        %dma_wait3A_1116 = arith.constant 1 : i32
        %dma_wait3A_1117 = arith.constant 16 : i32
        %dma_wait3A_1118 = arith.constant 0 : i32
        %dma_wait3A_1119 = tpu.memref_slice %arg8[%dma_wait3A_1112, %dma_wait3A_1117, %dma_wait3A_1118] : memref<4x32x128xf32, #tpu.memory_space<vmem>> -> memref<1x8x128xf32, #tpu.memory_space<vmem>>
        %dma_wait3A_1120 = tpu.memref_squeeze %dma_wait3A_1119 : memref<1x8x128xf32, #tpu.memory_space<vmem>> -> memref<8x128xf32, #tpu.memory_space<vmem>>
        %dma_wait3A_1121 = arith.constant 0 : i32
        %dma_wait3A_1122 = arith.constant 0 : i32
        %dma_wait3A_1123 = tpu.memref_slice %arg4[%dma_wait3A_1113, %dma_wait3A_1114, %dma_wait3A_1115, %dma_wait3A_1121, %dma_wait3A_1122] : memref<50x4x128x8x128xf32, #tpu.memory_space<hbm>> -> memref<1x1x1x8x128xf32, #tpu.memory_space<hbm>>
        %dma_wait3A_1124 = tpu.memref_squeeze %dma_wait3A_1123 : memref<1x1x1x8x128xf32, #tpu.memory_space<hbm>> -> memref<8x128xf32, #tpu.memory_space<hbm>>
        %dma_wait3A_1125 = tpu.memref_slice %arg10[%dma_wait3A_1116] : memref<4x!tpu.dma_semaphore, #tpu.memory_space<semaphore_mem>> -> memref<1x!tpu.dma_semaphore, #tpu.memory_space<semaphore_mem>>
        %dma_wait3A_1126 = tpu.memref_squeeze %dma_wait3A_1125 : memref<1x!tpu.dma_semaphore, #tpu.memory_space<semaphore_mem>> -> memref<!tpu.dma_semaphore, #tpu.memory_space<semaphore_mem>>
        %dma_wait3A_1127 = arith.constant 0 : i32
        %dma_wait3A_1128 = arith.constant 0 : i32
        %dma_wait3A_1129 = tpu.memref_slice %arg4[%dma_wait3A_1113, %dma_wait3A_1114, %dma_wait3A_1115, %dma_wait3A_1127, %dma_wait3A_1128] : memref<50x4x128x8x128xf32, #tpu.memory_space<hbm>> -> memref<1x1x1x8x128xf32, #tpu.memory_space<hbm>>
        %dma_wait3A_1130 = tpu.memref_squeeze %dma_wait3A_1129 : memref<1x1x1x8x128xf32, #tpu.memory_space<hbm>> -> memref<8x128xf32, #tpu.memory_space<hbm>>
        %dma_wait3A_1131 = arith.constant 16 : i32
        %dma_wait3A_1132 = arith.constant 0 : i32
        %dma_wait3A_1133 = tpu.memref_slice %arg8[%dma_wait3A_1112, %dma_wait3A_1131, %dma_wait3A_1132] : memref<4x32x128xf32, #tpu.memory_space<vmem>> -> memref<1x8x128xf32, #tpu.memory_space<vmem>>
        %dma_wait3A_1134 = tpu.memref_squeeze %dma_wait3A_1133 : memref<1x8x128xf32, #tpu.memory_space<vmem>> -> memref<8x128xf32, #tpu.memory_space<vmem>>
        tpu.wait_dma2 semaphore(%dma_wait3A_1126 : memref<!tpu.dma_semaphore, #tpu.memory_space<semaphore_mem>>) src(%dma_wait3A_1134 : memref<8x128xf32, #tpu.memory_space<vmem>>) dst(%dma_wait3A_1130 : memref<8x128xf32, #tpu.memory_space<hbm>>)
        %dma_wait3A_1135 = arith.constant 1 : i32
        %dma_wait3A_1136 = arith.constant 0 : i32
        %dma_wait3A_1137 = arith.constant 3 : i32
        %dma_wait3A_1138 = arith.constant 0 : i32
        %dma_wait3A_1139 = arith.constant 1 : i32
        %dma_wait3A_1140 = arith.constant 24 : i32
        %dma_wait3A_1141 = arith.constant 0 : i32
        %dma_wait3A_1142 = tpu.memref_slice %arg8[%dma_wait3A_1135, %dma_wait3A_1140, %dma_wait3A_1141] : memref<4x32x128xf32, #tpu.memory_space<vmem>> -> memref<1x8x128xf32, #tpu.memory_space<vmem>>
        %dma_wait3A_1143 = tpu.memref_squeeze %dma_wait3A_1142 : memref<1x8x128xf32, #tpu.memory_space<vmem>> -> memref<8x128xf32, #tpu.memory_space<vmem>>
        %dma_wait3A_1144 = arith.constant 0 : i32
        %dma_wait3A_1145 = arith.constant 0 : i32
        %dma_wait3A_1146 = tpu.memref_slice %arg4[%dma_wait3A_1136, %dma_wait3A_1137, %dma_wait3A_1138, %dma_wait3A_1144, %dma_wait3A_1145] : memref<50x4x128x8x128xf32, #tpu.memory_space<hbm>> -> memref<1x1x1x8x128xf32, #tpu.memory_space<hbm>>
        %dma_wait3A_1147 = tpu.memref_squeeze %dma_wait3A_1146 : memref<1x1x1x8x128xf32, #tpu.memory_space<hbm>> -> memref<8x128xf32, #tpu.memory_space<hbm>>
        %dma_wait3A_1148 = tpu.memref_slice %arg10[%dma_wait3A_1139] : memref<4x!tpu.dma_semaphore, #tpu.memory_space<semaphore_mem>> -> memref<1x!tpu.dma_semaphore, #tpu.memory_space<semaphore_mem>>
        %dma_wait3A_1149 = tpu.memref_squeeze %dma_wait3A_1148 : memref<1x!tpu.dma_semaphore, #tpu.memory_space<semaphore_mem>> -> memref<!tpu.dma_semaphore, #tpu.memory_space<semaphore_mem>>
        %dma_wait3A_1150 = arith.constant 0 : i32
        %dma_wait3A_1151 = arith.constant 0 : i32
        %dma_wait3A_1152 = tpu.memref_slice %arg4[%dma_wait3A_1136, %dma_wait3A_1137, %dma_wait3A_1138, %dma_wait3A_1150, %dma_wait3A_1151] : memref<50x4x128x8x128xf32, #tpu.memory_space<hbm>> -> memref<1x1x1x8x128xf32, #tpu.memory_space<hbm>>
        %dma_wait3A_1153 = tpu.memref_squeeze %dma_wait3A_1152 : memref<1x1x1x8x128xf32, #tpu.memory_space<hbm>> -> memref<8x128xf32, #tpu.memory_space<hbm>>
        %dma_wait3A_1154 = arith.constant 24 : i32
        %dma_wait3A_1155 = arith.constant 0 : i32
        %dma_wait3A_1156 = tpu.memref_slice %arg8[%dma_wait3A_1135, %dma_wait3A_1154, %dma_wait3A_1155] : memref<4x32x128xf32, #tpu.memory_space<vmem>> -> memref<1x8x128xf32, #tpu.memory_space<vmem>>
        %dma_wait3A_1157 = tpu.memref_squeeze %dma_wait3A_1156 : memref<1x8x128xf32, #tpu.memory_space<vmem>> -> memref<8x128xf32, #tpu.memory_space<vmem>>
        tpu.wait_dma2 semaphore(%dma_wait3A_1149 : memref<!tpu.dma_semaphore, #tpu.memory_space<semaphore_mem>>) src(%dma_wait3A_1157 : memref<8x128xf32, #tpu.memory_space<vmem>>) dst(%dma_wait3A_1153 : memref<8x128xf32, #tpu.memory_space<hbm>>)
      } else {
      }
      %parallel_loop3A_644 = arith.constant 0 : i32
      %parallel_loop3A_645 = arith.constant 32 : i32
      %parallel_loop3A_646 = arith.constant 1 : i32
      scf.for %parallel_loop3A_1066 = %parallel_loop3A_644 to %parallel_loop3A_645 step %parallel_loop3A_646  : i32 {
        %parallel_loop3A_1067 = vector.broadcast %parallel_loop3A_1066 : i32 to vector<16xi32>
        %parallel_loop3A_1068 = arith.addi %parallel_loop3A_1067, %iota3A : vector<16xi32>
        %parallel_loop3A_1069 = arith.constant 31 : i32
        %parallel_loop3A_1070 = vector.broadcast %parallel_loop3A_1069 : i32 to vector<16xi32>
        %parallel_loop3A_1071 = arith.andi %parallel_loop3A_1068, %parallel_loop3A_1070 : vector<16xi32>
        %parallel_loop3A_1072 = arith.constant 0 : i32
        %parallel_loop3A_1073 = vector.broadcast %parallel_loop3A_1072 : i32 to vector<16xi32>
        %parallel_loop3A_1074 = arith.addi %iota3A, %parallel_loop3A_1073 : vector<16xi32>
        %parallel_loop3A_1075 = arith.constant 1 : i32
        %parallel_loop3A_1076 = arith.constant 0 : i32
        %parallel_loop3A_1077 = arith.constant 0 : i32
        %parallel_loop3A_1078 = tpu.memref_slice %arg7[%parallel_loop3A_1075, %parallel_loop3A_1076, %parallel_loop3A_1077] : memref<4x128x32xf32, #tpu.memory_space<vmem>> -> memref<1x128x32xf32, #tpu.memory_space<vmem>>
        %parallel_loop3A_1079 = tpu.memref_squeeze %parallel_loop3A_1078 : memref<1x128x32xf32, #tpu.memory_space<vmem>> -> memref<128x32xf32, #tpu.memory_space<vmem>>
        %parallel_loop3A_1080 = tpu.vector_load_idx %parallel_loop3A_1079[%parallel_loop3A_1074, %parallel_loop3A_1071] : memref<128x32xf32, #tpu.memory_space<vmem>>[vector<16xi32>, vector<16xi32>], vector<16xf32>,
        %parallel_loop3A_1081 = arith.constant 1 : i32
        %parallel_loop3A_1082 = arith.constant 0 : i32
        %parallel_loop3A_1083 = arith.constant 0 : i32
        %parallel_loop3A_1084 = tpu.memref_slice %arg8[%parallel_loop3A_1081, %parallel_loop3A_1082, %parallel_loop3A_1083] : memref<4x32x128xf32, #tpu.memory_space<vmem>> -> memref<1x32x128xf32, #tpu.memory_space<vmem>>
        %parallel_loop3A_1085 = tpu.memref_squeeze %parallel_loop3A_1084 : memref<1x32x128xf32, #tpu.memory_space<vmem>> -> memref<32x128xf32, #tpu.memory_space<vmem>>
        tpu.vector_store_idx %parallel_loop3A_1085[%parallel_loop3A_1071, %parallel_loop3A_1074], %parallel_loop3A_1080 : memref<32x128xf32, #tpu.memory_space<vmem>>[vector<16xi32>, vector<16xi32>], vector<16xf32>,
        %parallel_loop3A_1086 = arith.constant 16 : i32
        %parallel_loop3A_1087 = vector.broadcast %parallel_loop3A_1086 : i32 to vector<16xi32>
        %parallel_loop3A_1088 = arith.addi %iota3A, %parallel_loop3A_1087 : vector<16xi32>
        %parallel_loop3A_1089 = arith.constant 1 : i32
        %parallel_loop3A_1090 = arith.constant 0 : i32
        %parallel_loop3A_1091 = arith.constant 0 : i32
        %parallel_loop3A_1092 = tpu.memref_slice %arg7[%parallel_loop3A_1089, %parallel_loop3A_1090, %parallel_loop3A_1091] : memref<4x128x32xf32, #tpu.memory_space<vmem>> -> memref<1x128x32xf32, #tpu.memory_space<vmem>>
        %parallel_loop3A_1093 = tpu.memref_squeeze %parallel_loop3A_1092 : memref<1x128x32xf32, #tpu.memory_space<vmem>> -> memref<128x32xf32, #tpu.memory_space<vmem>>
        %parallel_loop3A_1094 = tpu.vector_load_idx %parallel_loop3A_1093[%parallel_loop3A_1088, %parallel_loop3A_1071] : memref<128x32xf32, #tpu.memory_space<vmem>>[vector<16xi32>, vector<16xi32>], vector<16xf32>,
        %parallel_loop3A_1095 = arith.constant 1 : i32
        %parallel_loop3A_1096 = arith.constant 0 : i32
        %parallel_loop3A_1097 = arith.constant 0 : i32
        %parallel_loop3A_1098 = tpu.memref_slice %arg8[%parallel_loop3A_1095, %parallel_loop3A_1096, %parallel_loop3A_1097] : memref<4x32x128xf32, #tpu.memory_space<vmem>> -> memref<1x32x128xf32, #tpu.memory_space<vmem>>
        %parallel_loop3A_1099 = tpu.memref_squeeze %parallel_loop3A_1098 : memref<1x32x128xf32, #tpu.memory_space<vmem>> -> memref<32x128xf32, #tpu.memory_space<vmem>>
        tpu.vector_store_idx %parallel_loop3A_1099[%parallel_loop3A_1071, %parallel_loop3A_1088], %parallel_loop3A_1094 : memref<32x128xf32, #tpu.memory_space<vmem>>[vector<16xi32>, vector<16xi32>], vector<16xf32>,
        %parallel_loop3A_1100 = arith.constant 32 : i32
        %parallel_loop3A_1101 = vector.broadcast %parallel_loop3A_1100 : i32 to vector<16xi32>
        %parallel_loop3A_1102 = arith.addi %iota3A, %parallel_loop3A_1101 : vector<16xi32>
        %parallel_loop3A_1103 = arith.constant 1 : i32
        %parallel_loop3A_1104 = arith.constant 0 : i32
        %parallel_loop3A_1105 = arith.constant 0 : i32
        %parallel_loop3A_1106 = tpu.memref_slice %arg7[%parallel_loop3A_1103, %parallel_loop3A_1104, %parallel_loop3A_1105] : memref<4x128x32xf32, #tpu.memory_space<vmem>> -> memref<1x128x32xf32, #tpu.memory_space<vmem>>
        %parallel_loop3A_1107 = tpu.memref_squeeze %parallel_loop3A_1106 : memref<1x128x32xf32, #tpu.memory_space<vmem>> -> memref<128x32xf32, #tpu.memory_space<vmem>>
        %parallel_loop3A_1108 = tpu.vector_load_idx %parallel_loop3A_1107[%parallel_loop3A_1102, %parallel_loop3A_1071] : memref<128x32xf32, #tpu.memory_space<vmem>>[vector<16xi32>, vector<16xi32>], vector<16xf32>,
        %parallel_loop3A_1109 = arith.constant 1 : i32
        %parallel_loop3A_1110 = arith.constant 0 : i32
        %parallel_loop3A_1111 = arith.constant 0 : i32
        %parallel_loop3A_1112 = tpu.memref_slice %arg8[%parallel_loop3A_1109, %parallel_loop3A_1110, %parallel_loop3A_1111] : memref<4x32x128xf32, #tpu.memory_space<vmem>> -> memref<1x32x128xf32, #tpu.memory_space<vmem>>
        %parallel_loop3A_1113 = tpu.memref_squeeze %parallel_loop3A_1112 : memref<1x32x128xf32, #tpu.memory_space<vmem>> -> memref<32x128xf32, #tpu.memory_space<vmem>>
        tpu.vector_store_idx %parallel_loop3A_1113[%parallel_loop3A_1071, %parallel_loop3A_1102], %parallel_loop3A_1108 : memref<32x128xf32, #tpu.memory_space<vmem>>[vector<16xi32>, vector<16xi32>], vector<16xf32>,
        %parallel_loop3A_1114 = arith.constant 48 : i32
        %parallel_loop3A_1115 = vector.broadcast %parallel_loop3A_1114 : i32 to vector<16xi32>
        %parallel_loop3A_1116 = arith.addi %iota3A, %parallel_loop3A_1115 : vector<16xi32>
        %parallel_loop3A_1117 = arith.constant 1 : i32
        %parallel_loop3A_1118 = arith.constant 0 : i32
        %parallel_loop3A_1119 = arith.constant 0 : i32
        %parallel_loop3A_1120 = tpu.memref_slice %arg7[%parallel_loop3A_1117, %parallel_loop3A_1118, %parallel_loop3A_1119] : memref<4x128x32xf32, #tpu.memory_space<vmem>> -> memref<1x128x32xf32, #tpu.memory_space<vmem>>
        %parallel_loop3A_1121 = tpu.memref_squeeze %parallel_loop3A_1120 : memref<1x128x32xf32, #tpu.memory_space<vmem>> -> memref<128x32xf32, #tpu.memory_space<vmem>>
        %parallel_loop3A_1122 = tpu.vector_load_idx %parallel_loop3A_1121[%parallel_loop3A_1116, %parallel_loop3A_1071] : memref<128x32xf32, #tpu.memory_space<vmem>>[vector<16xi32>, vector<16xi32>], vector<16xf32>,
        %parallel_loop3A_1123 = arith.constant 1 : i32
        %parallel_loop3A_1124 = arith.constant 0 : i32
        %parallel_loop3A_1125 = arith.constant 0 : i32
        %parallel_loop3A_1126 = tpu.memref_slice %arg8[%parallel_loop3A_1123, %parallel_loop3A_1124, %parallel_loop3A_1125] : memref<4x32x128xf32, #tpu.memory_space<vmem>> -> memref<1x32x128xf32, #tpu.memory_space<vmem>>
        %parallel_loop3A_1127 = tpu.memref_squeeze %parallel_loop3A_1126 : memref<1x32x128xf32, #tpu.memory_space<vmem>> -> memref<32x128xf32, #tpu.memory_space<vmem>>
        tpu.vector_store_idx %parallel_loop3A_1127[%parallel_loop3A_1071, %parallel_loop3A_1116], %parallel_loop3A_1122 : memref<32x128xf32, #tpu.memory_space<vmem>>[vector<16xi32>, vector<16xi32>], vector<16xf32>,
        %parallel_loop3A_1128 = arith.constant 64 : i32
        %parallel_loop3A_1129 = vector.broadcast %parallel_loop3A_1128 : i32 to vector<16xi32>
        %parallel_loop3A_1130 = arith.addi %iota3A, %parallel_loop3A_1129 : vector<16xi32>
        %parallel_loop3A_1131 = arith.constant 1 : i32
        %parallel_loop3A_1132 = arith.constant 0 : i32
        %parallel_loop3A_1133 = arith.constant 0 : i32
        %parallel_loop3A_1134 = tpu.memref_slice %arg7[%parallel_loop3A_1131, %parallel_loop3A_1132, %parallel_loop3A_1133] : memref<4x128x32xf32, #tpu.memory_space<vmem>> -> memref<1x128x32xf32, #tpu.memory_space<vmem>>
        %parallel_loop3A_1135 = tpu.memref_squeeze %parallel_loop3A_1134 : memref<1x128x32xf32, #tpu.memory_space<vmem>> -> memref<128x32xf32, #tpu.memory_space<vmem>>
        %parallel_loop3A_1136 = tpu.vector_load_idx %parallel_loop3A_1135[%parallel_loop3A_1130, %parallel_loop3A_1071] : memref<128x32xf32, #tpu.memory_space<vmem>>[vector<16xi32>, vector<16xi32>], vector<16xf32>,
        %parallel_loop3A_1137 = arith.constant 1 : i32
        %parallel_loop3A_1138 = arith.constant 0 : i32
        %parallel_loop3A_1139 = arith.constant 0 : i32
        %parallel_loop3A_1140 = tpu.memref_slice %arg8[%parallel_loop3A_1137, %parallel_loop3A_1138, %parallel_loop3A_1139] : memref<4x32x128xf32, #tpu.memory_space<vmem>> -> memref<1x32x128xf32, #tpu.memory_space<vmem>>
        %parallel_loop3A_1141 = tpu.memref_squeeze %parallel_loop3A_1140 : memref<1x32x128xf32, #tpu.memory_space<vmem>> -> memref<32x128xf32, #tpu.memory_space<vmem>>
        tpu.vector_store_idx %parallel_loop3A_1141[%parallel_loop3A_1071, %parallel_loop3A_1130], %parallel_loop3A_1136 : memref<32x128xf32, #tpu.memory_space<vmem>>[vector<16xi32>, vector<16xi32>], vector<16xf32>,
        %parallel_loop3A_1142 = arith.constant 80 : i32
        %parallel_loop3A_1143 = vector.broadcast %parallel_loop3A_1142 : i32 to vector<16xi32>
        %parallel_loop3A_1144 = arith.addi %iota3A, %parallel_loop3A_1143 : vector<16xi32>
        %parallel_loop3A_1145 = arith.constant 1 : i32
        %parallel_loop3A_1146 = arith.constant 0 : i32
        %parallel_loop3A_1147 = arith.constant 0 : i32
        %parallel_loop3A_1148 = tpu.memref_slice %arg7[%parallel_loop3A_1145, %parallel_loop3A_1146, %parallel_loop3A_1147] : memref<4x128x32xf32, #tpu.memory_space<vmem>> -> memref<1x128x32xf32, #tpu.memory_space<vmem>>
        %parallel_loop3A_1149 = tpu.memref_squeeze %parallel_loop3A_1148 : memref<1x128x32xf32, #tpu.memory_space<vmem>> -> memref<128x32xf32, #tpu.memory_space<vmem>>
        %parallel_loop3A_1150 = tpu.vector_load_idx %parallel_loop3A_1149[%parallel_loop3A_1144, %parallel_loop3A_1071] : memref<128x32xf32, #tpu.memory_space<vmem>>[vector<16xi32>, vector<16xi32>], vector<16xf32>,
        %parallel_loop3A_1151 = arith.constant 1 : i32
        %parallel_loop3A_1152 = arith.constant 0 : i32
        %parallel_loop3A_1153 = arith.constant 0 : i32
        %parallel_loop3A_1154 = tpu.memref_slice %arg8[%parallel_loop3A_1151, %parallel_loop3A_1152, %parallel_loop3A_1153] : memref<4x32x128xf32, #tpu.memory_space<vmem>> -> memref<1x32x128xf32, #tpu.memory_space<vmem>>
        %parallel_loop3A_1155 = tpu.memref_squeeze %parallel_loop3A_1154 : memref<1x32x128xf32, #tpu.memory_space<vmem>> -> memref<32x128xf32, #tpu.memory_space<vmem>>
        tpu.vector_store_idx %parallel_loop3A_1155[%parallel_loop3A_1071, %parallel_loop3A_1144], %parallel_loop3A_1150 : memref<32x128xf32, #tpu.memory_space<vmem>>[vector<16xi32>, vector<16xi32>], vector<16xf32>,
        %parallel_loop3A_1156 = arith.constant 96 : i32
        %parallel_loop3A_1157 = vector.broadcast %parallel_loop3A_1156 : i32 to vector<16xi32>
        %parallel_loop3A_1158 = arith.addi %iota3A, %parallel_loop3A_1157 : vector<16xi32>
        %parallel_loop3A_1159 = arith.constant 1 : i32
        %parallel_loop3A_1160 = arith.constant 0 : i32
        %parallel_loop3A_1161 = arith.constant 0 : i32
        %parallel_loop3A_1162 = tpu.memref_slice %arg7[%parallel_loop3A_1159, %parallel_loop3A_1160, %parallel_loop3A_1161] : memref<4x128x32xf32, #tpu.memory_space<vmem>> -> memref<1x128x32xf32, #tpu.memory_space<vmem>>
        %parallel_loop3A_1163 = tpu.memref_squeeze %parallel_loop3A_1162 : memref<1x128x32xf32, #tpu.memory_space<vmem>> -> memref<128x32xf32, #tpu.memory_space<vmem>>
        %parallel_loop3A_1164 = tpu.vector_load_idx %parallel_loop3A_1163[%parallel_loop3A_1158, %parallel_loop3A_1071] : memref<128x32xf32, #tpu.memory_space<vmem>>[vector<16xi32>, vector<16xi32>], vector<16xf32>,
        %parallel_loop3A_1165 = arith.constant 1 : i32
        %parallel_loop3A_1166 = arith.constant 0 : i32
        %parallel_loop3A_1167 = arith.constant 0 : i32
        %parallel_loop3A_1168 = tpu.memref_slice %arg8[%parallel_loop3A_1165, %parallel_loop3A_1166, %parallel_loop3A_1167] : memref<4x32x128xf32, #tpu.memory_space<vmem>> -> memref<1x32x128xf32, #tpu.memory_space<vmem>>
        %parallel_loop3A_1169 = tpu.memref_squeeze %parallel_loop3A_1168 : memref<1x32x128xf32, #tpu.memory_space<vmem>> -> memref<32x128xf32, #tpu.memory_space<vmem>>
        tpu.vector_store_idx %parallel_loop3A_1169[%parallel_loop3A_1071, %parallel_loop3A_1158], %parallel_loop3A_1164 : memref<32x128xf32, #tpu.memory_space<vmem>>[vector<16xi32>, vector<16xi32>], vector<16xf32>,
        %parallel_loop3A_1170 = arith.constant 112 : i32
        %parallel_loop3A_1171 = vector.broadcast %parallel_loop3A_1170 : i32 to vector<16xi32>
        %parallel_loop3A_1172 = arith.addi %iota3A, %parallel_loop3A_1171 : vector<16xi32>
        %parallel_loop3A_1173 = arith.constant 1 : i32
        %parallel_loop3A_1174 = arith.constant 0 : i32
        %parallel_loop3A_1175 = arith.constant 0 : i32
        %parallel_loop3A_1176 = tpu.memref_slice %arg7[%parallel_loop3A_1173, %parallel_loop3A_1174, %parallel_loop3A_1175] : memref<4x128x32xf32, #tpu.memory_space<vmem>> -> memref<1x128x32xf32, #tpu.memory_space<vmem>>
        %parallel_loop3A_1177 = tpu.memref_squeeze %parallel_loop3A_1176 : memref<1x128x32xf32, #tpu.memory_space<vmem>> -> memref<128x32xf32, #tpu.memory_space<vmem>>
        %parallel_loop3A_1178 = tpu.vector_load_idx %parallel_loop3A_1177[%parallel_loop3A_1172, %parallel_loop3A_1071] : memref<128x32xf32, #tpu.memory_space<vmem>>[vector<16xi32>, vector<16xi32>], vector<16xf32>,
        %parallel_loop3A_1179 = arith.constant 1 : i32
        %parallel_loop3A_1180 = arith.constant 0 : i32
        %parallel_loop3A_1181 = arith.constant 0 : i32
        %parallel_loop3A_1182 = tpu.memref_slice %arg8[%parallel_loop3A_1179, %parallel_loop3A_1180, %parallel_loop3A_1181] : memref<4x32x128xf32, #tpu.memory_space<vmem>> -> memref<1x32x128xf32, #tpu.memory_space<vmem>>
        %parallel_loop3A_1183 = tpu.memref_squeeze %parallel_loop3A_1182 : memref<1x32x128xf32, #tpu.memory_space<vmem>> -> memref<32x128xf32, #tpu.memory_space<vmem>>
        tpu.vector_store_idx %parallel_loop3A_1183[%parallel_loop3A_1071, %parallel_loop3A_1172], %parallel_loop3A_1178 : memref<32x128xf32, #tpu.memory_space<vmem>>[vector<16xi32>, vector<16xi32>], vector<16xf32>,
      } {sc.loop_unroll_factor = 8 : i64, sc.parallel_access}
      %mul3A_647 = arith.constant 4 : i32
      %mul3A_648 = arith.muli %mul3A_647, %add3A : i32
      %add3A_649 = arith.addi %mul3A_648, %select_n3A_619 : i32
      %dma_start3A_650 = arith.constant 1 : i32
      %dma_start3A_651 = arith.constant 0 : i32
      %dma_start3A_652 = arith.constant 1 : i32
      %dma_start3A_653 = arith.constant 0 : i32
      %dma_start3A_654 = arith.constant 0 : i32
      %dma_start3A_655 = tpu.memref_slice %arg8[%dma_start3A_650, %dma_start3A_653, %dma_start3A_654] : memref<4x32x128xf32, #tpu.memory_space<vmem>> -> memref<1x8x128xf32, #tpu.memory_space<vmem>>
      %dma_start3A_656 = tpu.memref_squeeze %dma_start3A_655 : memref<1x8x128xf32, #tpu.memory_space<vmem>> -> memref<8x128xf32, #tpu.memory_space<vmem>>
      %dma_start3A_657 = arith.constant 0 : i32
      %dma_start3A_658 = arith.constant 0 : i32
      %dma_start3A_659 = tpu.memref_slice %arg4[%sub3A_622, %dma_start3A_651, %add3A_649, %dma_start3A_657, %dma_start3A_658] : memref<50x4x128x8x128xf32, #tpu.memory_space<hbm>> -> memref<1x1x1x8x128xf32, #tpu.memory_space<hbm>>
      %dma_start3A_660 = tpu.memref_squeeze %dma_start3A_659 : memref<1x1x1x8x128xf32, #tpu.memory_space<hbm>> -> memref<8x128xf32, #tpu.memory_space<hbm>>
      %dma_start3A_661 = tpu.memref_slice %arg10[%dma_start3A_652] : memref<4x!tpu.dma_semaphore, #tpu.memory_space<semaphore_mem>> -> memref<1x!tpu.dma_semaphore, #tpu.memory_space<semaphore_mem>>
      %dma_start3A_662 = tpu.memref_squeeze %dma_start3A_661 : memref<1x!tpu.dma_semaphore, #tpu.memory_space<semaphore_mem>> -> memref<!tpu.dma_semaphore, #tpu.memory_space<semaphore_mem>>
      %dma_start3A_663 = arith.constant 0 : i32
      %dma_start3A_664 = arith.constant 0 : i32
      %dma_start3A_665 = tpu.memref_slice %arg4[%sub3A_622, %dma_start3A_651, %add3A_649, %dma_start3A_663, %dma_start3A_664] : memref<50x4x128x8x128xf32, #tpu.memory_space<hbm>> -> memref<1x1x1x8x128xf32, #tpu.memory_space<hbm>>
      %dma_start3A_666 = tpu.memref_squeeze %dma_start3A_665 : memref<1x1x1x8x128xf32, #tpu.memory_space<hbm>> -> memref<8x128xf32, #tpu.memory_space<hbm>>
      %dma_start3A_667 = arith.constant 0 : i32
      %dma_start3A_668 = arith.constant 0 : i32
      %dma_start3A_669 = tpu.memref_slice %arg8[%dma_start3A_650, %dma_start3A_667, %dma_start3A_668] : memref<4x32x128xf32, #tpu.memory_space<vmem>> -> memref<1x8x128xf32, #tpu.memory_space<vmem>>
      %dma_start3A_670 = tpu.memref_squeeze %dma_start3A_669 : memref<1x8x128xf32, #tpu.memory_space<vmem>> -> memref<8x128xf32, #tpu.memory_space<vmem>>
      tpu.enqueue_dma source(%dma_start3A_670 : memref<8x128xf32, #tpu.memory_space<vmem>>) target(%dma_start3A_666 : memref<8x128xf32, #tpu.memory_space<hbm>>) target_semaphore(%dma_start3A_662 : memref<!tpu.dma_semaphore, #tpu.memory_space<semaphore_mem>>)
      %mul3A_671 = arith.constant 4 : i32
      %mul3A_672 = arith.muli %mul3A_671, %add3A : i32
      %add3A_673 = arith.addi %mul3A_672, %select_n3A_619 : i32
      %dma_start3A_674 = arith.constant 1 : i32
      %dma_start3A_675 = arith.constant 1 : i32
      %dma_start3A_676 = arith.constant 1 : i32
      %dma_start3A_677 = arith.constant 8 : i32
      %dma_start3A_678 = arith.constant 0 : i32
      %dma_start3A_679 = tpu.memref_slice %arg8[%dma_start3A_674, %dma_start3A_677, %dma_start3A_678] : memref<4x32x128xf32, #tpu.memory_space<vmem>> -> memref<1x8x128xf32, #tpu.memory_space<vmem>>
      %dma_start3A_680 = tpu.memref_squeeze %dma_start3A_679 : memref<1x8x128xf32, #tpu.memory_space<vmem>> -> memref<8x128xf32, #tpu.memory_space<vmem>>
      %dma_start3A_681 = arith.constant 0 : i32
      %dma_start3A_682 = arith.constant 0 : i32
      %dma_start3A_683 = tpu.memref_slice %arg4[%sub3A_622, %dma_start3A_675, %add3A_673, %dma_start3A_681, %dma_start3A_682] : memref<50x4x128x8x128xf32, #tpu.memory_space<hbm>> -> memref<1x1x1x8x128xf32, #tpu.memory_space<hbm>>
      %dma_start3A_684 = tpu.memref_squeeze %dma_start3A_683 : memref<1x1x1x8x128xf32, #tpu.memory_space<hbm>> -> memref<8x128xf32, #tpu.memory_space<hbm>>
      %dma_start3A_685 = tpu.memref_slice %arg10[%dma_start3A_676] : memref<4x!tpu.dma_semaphore, #tpu.memory_space<semaphore_mem>> -> memref<1x!tpu.dma_semaphore, #tpu.memory_space<semaphore_mem>>
      %dma_start3A_686 = tpu.memref_squeeze %dma_start3A_685 : memref<1x!tpu.dma_semaphore, #tpu.memory_space<semaphore_mem>> -> memref<!tpu.dma_semaphore, #tpu.memory_space<semaphore_mem>>
      %dma_start3A_687 = arith.constant 0 : i32
      %dma_start3A_688 = arith.constant 0 : i32
      %dma_start3A_689 = tpu.memref_slice %arg4[%sub3A_622, %dma_start3A_675, %add3A_673, %dma_start3A_687, %dma_start3A_688] : memref<50x4x128x8x128xf32, #tpu.memory_space<hbm>> -> memref<1x1x1x8x128xf32, #tpu.memory_space<hbm>>
      %dma_start3A_690 = tpu.memref_squeeze %dma_start3A_689 : memref<1x1x1x8x128xf32, #tpu.memory_space<hbm>> -> memref<8x128xf32, #tpu.memory_space<hbm>>
      %dma_start3A_691 = arith.constant 8 : i32
      %dma_start3A_692 = arith.constant 0 : i32
      %dma_start3A_693 = tpu.memref_slice %arg8[%dma_start3A_674, %dma_start3A_691, %dma_start3A_692] : memref<4x32x128xf32, #tpu.memory_space<vmem>> -> memref<1x8x128xf32, #tpu.memory_space<vmem>>
      %dma_start3A_694 = tpu.memref_squeeze %dma_start3A_693 : memref<1x8x128xf32, #tpu.memory_space<vmem>> -> memref<8x128xf32, #tpu.memory_space<vmem>>
      tpu.enqueue_dma source(%dma_start3A_694 : memref<8x128xf32, #tpu.memory_space<vmem>>) target(%dma_start3A_690 : memref<8x128xf32, #tpu.memory_space<hbm>>) target_semaphore(%dma_start3A_686 : memref<!tpu.dma_semaphore, #tpu.memory_space<semaphore_mem>>)
      %mul3A_695 = arith.constant 4 : i32
      %mul3A_696 = arith.muli %mul3A_695, %add3A : i32
      %add3A_697 = arith.addi %mul3A_696, %select_n3A_619 : i32
      %dma_start3A_698 = arith.constant 1 : i32
      %dma_start3A_699 = arith.constant 2 : i32
      %dma_start3A_700 = arith.constant 1 : i32
      %dma_start3A_701 = arith.constant 16 : i32
      %dma_start3A_702 = arith.constant 0 : i32
      %dma_start3A_703 = tpu.memref_slice %arg8[%dma_start3A_698, %dma_start3A_701, %dma_start3A_702] : memref<4x32x128xf32, #tpu.memory_space<vmem>> -> memref<1x8x128xf32, #tpu.memory_space<vmem>>
      %dma_start3A_704 = tpu.memref_squeeze %dma_start3A_703 : memref<1x8x128xf32, #tpu.memory_space<vmem>> -> memref<8x128xf32, #tpu.memory_space<vmem>>
      %dma_start3A_705 = arith.constant 0 : i32
      %dma_start3A_706 = arith.constant 0 : i32
      %dma_start3A_707 = tpu.memref_slice %arg4[%sub3A_622, %dma_start3A_699, %add3A_697, %dma_start3A_705, %dma_start3A_706] : memref<50x4x128x8x128xf32, #tpu.memory_space<hbm>> -> memref<1x1x1x8x128xf32, #tpu.memory_space<hbm>>
      %dma_start3A_708 = tpu.memref_squeeze %dma_start3A_707 : memref<1x1x1x8x128xf32, #tpu.memory_space<hbm>> -> memref<8x128xf32, #tpu.memory_space<hbm>>
      %dma_start3A_709 = tpu.memref_slice %arg10[%dma_start3A_700] : memref<4x!tpu.dma_semaphore, #tpu.memory_space<semaphore_mem>> -> memref<1x!tpu.dma_semaphore, #tpu.memory_space<semaphore_mem>>
      %dma_start3A_710 = tpu.memref_squeeze %dma_start3A_709 : memref<1x!tpu.dma_semaphore, #tpu.memory_space<semaphore_mem>> -> memref<!tpu.dma_semaphore, #tpu.memory_space<semaphore_mem>>
      %dma_start3A_711 = arith.constant 0 : i32
      %dma_start3A_712 = arith.constant 0 : i32
      %dma_start3A_713 = tpu.memref_slice %arg4[%sub3A_622, %dma_start3A_699, %add3A_697, %dma_start3A_711, %dma_start3A_712] : memref<50x4x128x8x128xf32, #tpu.memory_space<hbm>> -> memref<1x1x1x8x128xf32, #tpu.memory_space<hbm>>
      %dma_start3A_714 = tpu.memref_squeeze %dma_start3A_713 : memref<1x1x1x8x128xf32, #tpu.memory_space<hbm>> -> memref<8x128xf32, #tpu.memory_space<hbm>>
      %dma_start3A_715 = arith.constant 16 : i32
      %dma_start3A_716 = arith.constant 0 : i32
      %dma_start3A_717 = tpu.memref_slice %arg8[%dma_start3A_698, %dma_start3A_715, %dma_start3A_716] : memref<4x32x128xf32, #tpu.memory_space<vmem>> -> memref<1x8x128xf32, #tpu.memory_space<vmem>>
      %dma_start3A_718 = tpu.memref_squeeze %dma_start3A_717 : memref<1x8x128xf32, #tpu.memory_space<vmem>> -> memref<8x128xf32, #tpu.memory_space<vmem>>
      tpu.enqueue_dma source(%dma_start3A_718 : memref<8x128xf32, #tpu.memory_space<vmem>>) target(%dma_start3A_714 : memref<8x128xf32, #tpu.memory_space<hbm>>) target_semaphore(%dma_start3A_710 : memref<!tpu.dma_semaphore, #tpu.memory_space<semaphore_mem>>)
      %mul3A_719 = arith.constant 4 : i32
      %mul3A_720 = arith.muli %mul3A_719, %add3A : i32
      %add3A_721 = arith.addi %mul3A_720, %select_n3A_619 : i32
      %dma_start3A_722 = arith.constant 1 : i32
      %dma_start3A_723 = arith.constant 3 : i32
      %dma_start3A_724 = arith.constant 1 : i32
      %dma_start3A_725 = arith.constant 24 : i32
      %dma_start3A_726 = arith.constant 0 : i32
      %dma_start3A_727 = tpu.memref_slice %arg8[%dma_start3A_722, %dma_start3A_725, %dma_start3A_726] : memref<4x32x128xf32, #tpu.memory_space<vmem>> -> memref<1x8x128xf32, #tpu.memory_space<vmem>>
      %dma_start3A_728 = tpu.memref_squeeze %dma_start3A_727 : memref<1x8x128xf32, #tpu.memory_space<vmem>> -> memref<8x128xf32, #tpu.memory_space<vmem>>
      %dma_start3A_729 = arith.constant 0 : i32
      %dma_start3A_730 = arith.constant 0 : i32
      %dma_start3A_731 = tpu.memref_slice %arg4[%sub3A_622, %dma_start3A_723, %add3A_721, %dma_start3A_729, %dma_start3A_730] : memref<50x4x128x8x128xf32, #tpu.memory_space<hbm>> -> memref<1x1x1x8x128xf32, #tpu.memory_space<hbm>>
      %dma_start3A_732 = tpu.memref_squeeze %dma_start3A_731 : memref<1x1x1x8x128xf32, #tpu.memory_space<hbm>> -> memref<8x128xf32, #tpu.memory_space<hbm>>
      %dma_start3A_733 = tpu.memref_slice %arg10[%dma_start3A_724] : memref<4x!tpu.dma_semaphore, #tpu.memory_space<semaphore_mem>> -> memref<1x!tpu.dma_semaphore, #tpu.memory_space<semaphore_mem>>
      %dma_start3A_734 = tpu.memref_squeeze %dma_start3A_733 : memref<1x!tpu.dma_semaphore, #tpu.memory_space<semaphore_mem>> -> memref<!tpu.dma_semaphore, #tpu.memory_space<semaphore_mem>>
      %dma_start3A_735 = arith.constant 0 : i32
      %dma_start3A_736 = arith.constant 0 : i32
      %dma_start3A_737 = tpu.memref_slice %arg4[%sub3A_622, %dma_start3A_723, %add3A_721, %dma_start3A_735, %dma_start3A_736] : memref<50x4x128x8x128xf32, #tpu.memory_space<hbm>> -> memref<1x1x1x8x128xf32, #tpu.memory_space<hbm>>
      %dma_start3A_738 = tpu.memref_squeeze %dma_start3A_737 : memref<1x1x1x8x128xf32, #tpu.memory_space<hbm>> -> memref<8x128xf32, #tpu.memory_space<hbm>>
      %dma_start3A_739 = arith.constant 24 : i32
      %dma_start3A_740 = arith.constant 0 : i32
      %dma_start3A_741 = tpu.memref_slice %arg8[%dma_start3A_722, %dma_start3A_739, %dma_start3A_740] : memref<4x32x128xf32, #tpu.memory_space<vmem>> -> memref<1x8x128xf32, #tpu.memory_space<vmem>>
      %dma_start3A_742 = tpu.memref_squeeze %dma_start3A_741 : memref<1x8x128xf32, #tpu.memory_space<vmem>> -> memref<8x128xf32, #tpu.memory_space<vmem>>
      tpu.enqueue_dma source(%dma_start3A_742 : memref<8x128xf32, #tpu.memory_space<vmem>>) target(%dma_start3A_738 : memref<8x128xf32, #tpu.memory_space<hbm>>) target_semaphore(%dma_start3A_734 : memref<!tpu.dma_semaphore, #tpu.memory_space<semaphore_mem>>)
      %add3A_743 = arith.constant 4 : i32
      %add3A_744 = arith.addi %add3A_595, %add3A_743 : i32
      %lt3A_745 = arith.constant 200 : i32
      %lt3A_746 = arith.cmpi slt, %add3A_744, %lt3A_745 : i32
      %convert_element_type3A_747 = arith.extui %lt3A_746 : i1 to i32
      %cond3A_748 = arith.constant 0 : i32
      %cond3A_749 = arith.cmpi ne, %convert_element_type3A_747, %cond3A_748 : i32
      scf.if %cond3A_749 {
        %jit3A_1066 = arith.constant 50 : i32
        %div3A_1067 = arith.divsi %add3A_744, %jit3A_1066 : i32
        %sign3A_1068 = arith.constant 0 : i32
        %sign3A_1069 = arith.cmpi sgt, %add3A_744, %sign3A_1068 : i32
        %sign3A_1070 = arith.extui %sign3A_1069 : i1 to i32
        %sign3A_1071 = arith.constant 0 : i32
        %sign3A_1072 = arith.cmpi slt, %add3A_744, %sign3A_1071 : i32
        %sign3A_1073 = arith.extui %sign3A_1072 : i1 to i32
        %sign3A_1074 = arith.subi %sign3A_1070, %sign3A_1073 : i32
        %sign3A_1075 = arith.constant 0 : i32
        %sign3A_1076 = arith.cmpi sgt, %jit3A_1066, %sign3A_1075 : i32
        %sign3A_1077 = arith.extui %sign3A_1076 : i1 to i32
        %sign3A_1078 = arith.constant 0 : i32
        %sign3A_1079 = arith.cmpi slt, %jit3A_1066, %sign3A_1078 : i32
        %sign3A_1080 = arith.extui %sign3A_1079 : i1 to i32
        %sign3A_1081 = arith.subi %sign3A_1077, %sign3A_1080 : i32
        %ne3A_1082 = arith.cmpi ne, %sign3A_1074, %sign3A_1081 : i32
        %rem3A_1083 = arith.remsi %add3A_744, %jit3A_1066 : i32
        %ne3A_1084 = arith.constant 0 : i32
        %ne3A_1085 = arith.cmpi ne, %rem3A_1083, %ne3A_1084 : i32
        %and3A_1086 = arith.andi %ne3A_1082, %ne3A_1085 : i1
        %sub3A_1087 = arith.constant 1 : i32
        %sub3A_1088 = arith.subi %div3A_1067, %sub3A_1087 : i32
        %select_n3A_1089 = arith.select %and3A_1086, %sub3A_1088, %div3A_1067 : i32
        %mul3A_1090 = arith.constant 50 : i32
        %mul3A_1091 = arith.muli %select_n3A_1089, %mul3A_1090 : i32
        %sub3A_1092 = arith.subi %add3A_744, %mul3A_1091 : i32
        %dma_start3A_1093 = arith.constant 1 : i32
        %dma_start3A_1094 = arith.constant 1 : i32
        %dma_start3A_1095 = arith.constant 0 : i32
        %dma_start3A_1096 = arith.constant 0 : i32
        %dma_start3A_1097 = tpu.memref_slice %arg7[%dma_start3A_1093, %dma_start3A_1095, %dma_start3A_1096] : memref<4x128x32xf32, #tpu.memory_space<vmem>> -> memref<1x128x32xf32, #tpu.memory_space<vmem>>
        %dma_start3A_1098 = tpu.memref_squeeze %dma_start3A_1097 : memref<1x128x32xf32, #tpu.memory_space<vmem>> -> memref<128x32xf32, #tpu.memory_space<vmem>>
        %dma_start3A_1099 = arith.constant 0 : i32
        %dma_start3A_1100 = tpu.memref_slice %arg6[%select_n3A_1089, %sub3A_1092, %dma_start3A_1099] : memref<4x50x128xi32, #tpu.memory_space<vmem>> -> memref<1x1x128xi32, #tpu.memory_space<vmem>>
        %dma_start3A_1101 = tpu.memref_squeeze %dma_start3A_1100 : memref<1x1x128xi32, #tpu.memory_space<vmem>> -> memref<128xi32, #tpu.memory_space<vmem>>
        %dma_start3A_1102 = arith.constant 0 : i32
        %dma_start3A_1103 = arith.constant 0 : i32
        %dma_start3A_1104 = tpu.memref_slice %arg3[%dma_start3A_1102, %dma_start3A_1103] : memref<1000000x32xf32, #tpu.memory_space<hbm>> -> memref<1000000x32xf32, #tpu.memory_space<hbm>>
        %dma_start3A_1105 = tpu.memref_slice %arg9[%dma_start3A_1094] : memref<4x!tpu.dma_semaphore, #tpu.memory_space<semaphore_mem>> -> memref<1x!tpu.dma_semaphore, #tpu.memory_space<semaphore_mem>>
        %dma_start3A_1106 = tpu.memref_squeeze %dma_start3A_1105 : memref<1x!tpu.dma_semaphore, #tpu.memory_space<semaphore_mem>> -> memref<!tpu.dma_semaphore, #tpu.memory_space<semaphore_mem>>
        tpu.enqueue_indirect_dma source(%dma_start3A_1104 : memref<1000000x32xf32, #tpu.memory_space<hbm>>) target(%dma_start3A_1098 : memref<128x32xf32, #tpu.memory_space<vmem>>) offsets(%dma_start3A_1101 : memref<128xi32, #tpu.memory_space<vmem>>) semaphore(%dma_start3A_1106 : memref<!tpu.dma_semaphore, #tpu.memory_space<semaphore_mem>>)
      } else {
      }
      %mul3A_750 = arith.constant 4 : i32
      %mul3A_751 = arith.muli %add3A_446, %mul3A_750 : i32
      %add3A_752 = arith.constant 2 : i32
      %add3A_753 = arith.addi %mul3A_751, %add3A_752 : i32
      %jit3A_754 = arith.constant 50 : i32
      %div3A_755 = arith.divsi %add3A_753, %jit3A_754 : i32
      %sign3A_756 = arith.constant 0 : i32
      %sign3A_757 = arith.cmpi sgt, %add3A_753, %sign3A_756 : i32
      %sign3A_758 = arith.extui %sign3A_757 : i1 to i32
      %sign3A_759 = arith.constant 0 : i32
      %sign3A_760 = arith.cmpi slt, %add3A_753, %sign3A_759 : i32
      %sign3A_761 = arith.extui %sign3A_760 : i1 to i32
      %sign3A_762 = arith.subi %sign3A_758, %sign3A_761 : i32
      %sign3A_763 = arith.constant 0 : i32
      %sign3A_764 = arith.cmpi sgt, %jit3A_754, %sign3A_763 : i32
      %sign3A_765 = arith.extui %sign3A_764 : i1 to i32
      %sign3A_766 = arith.constant 0 : i32
      %sign3A_767 = arith.cmpi slt, %jit3A_754, %sign3A_766 : i32
      %sign3A_768 = arith.extui %sign3A_767 : i1 to i32
      %sign3A_769 = arith.subi %sign3A_765, %sign3A_768 : i32
      %ne3A_770 = arith.cmpi ne, %sign3A_762, %sign3A_769 : i32
      %rem3A_771 = arith.remsi %add3A_753, %jit3A_754 : i32
      %ne3A_772 = arith.constant 0 : i32
      %ne3A_773 = arith.cmpi ne, %rem3A_771, %ne3A_772 : i32
      %and3A_774 = arith.andi %ne3A_770, %ne3A_773 : i1
      %sub3A_775 = arith.constant 1 : i32
      %sub3A_776 = arith.subi %div3A_755, %sub3A_775 : i32
      %select_n3A_777 = arith.select %and3A_774, %sub3A_776, %div3A_755 : i32
      %mul3A_778 = arith.constant 50 : i32
      %mul3A_779 = arith.muli %select_n3A_777, %mul3A_778 : i32
      %sub3A_780 = arith.subi %add3A_753, %mul3A_779 : i32
      %dma_wait3A_781 = arith.constant 0 : i32
      %dma_wait3A_782 = arith.constant 0 : i32
      %dma_wait3A_783 = arith.constant 2 : i32
      %dma_wait3A_784 = arith.constant 2 : i32
      %dma_wait3A_785 = arith.constant 0 : i32
      %dma_wait3A_786 = arith.constant 0 : i32
      %dma_wait3A_787 = tpu.memref_slice %arg7[%dma_wait3A_783, %dma_wait3A_785, %dma_wait3A_786] : memref<4x128x32xf32, #tpu.memory_space<vmem>> -> memref<1x128x32xf32, #tpu.memory_space<vmem>>
      %dma_wait3A_788 = tpu.memref_squeeze %dma_wait3A_787 : memref<1x128x32xf32, #tpu.memory_space<vmem>> -> memref<128x32xf32, #tpu.memory_space<vmem>>
      %dma_wait3A_789 = arith.constant 0 : i32
      %dma_wait3A_790 = tpu.memref_slice %arg6[%dma_wait3A_781, %dma_wait3A_782, %dma_wait3A_789] : memref<4x50x128xi32, #tpu.memory_space<vmem>> -> memref<1x1x128xi32, #tpu.memory_space<vmem>>
      %dma_wait3A_791 = tpu.memref_squeeze %dma_wait3A_790 : memref<1x1x128xi32, #tpu.memory_space<vmem>> -> memref<128xi32, #tpu.memory_space<vmem>>
      %dma_wait3A_792 = arith.constant 0 : i32
      %dma_wait3A_793 = arith.constant 0 : i32
      %dma_wait3A_794 = tpu.memref_slice %arg3[%dma_wait3A_792, %dma_wait3A_793] : memref<1000000x32xf32, #tpu.memory_space<hbm>> -> memref<1000000x32xf32, #tpu.memory_space<hbm>>
      %dma_wait3A_795 = tpu.memref_slice %arg9[%dma_wait3A_784] : memref<4x!tpu.dma_semaphore, #tpu.memory_space<semaphore_mem>> -> memref<1x!tpu.dma_semaphore, #tpu.memory_space<semaphore_mem>>
      %dma_wait3A_796 = tpu.memref_squeeze %dma_wait3A_795 : memref<1x!tpu.dma_semaphore, #tpu.memory_space<semaphore_mem>> -> memref<!tpu.dma_semaphore, #tpu.memory_space<semaphore_mem>>
      tpu.wait_indirect_dma semaphore(%dma_wait3A_796 : memref<!tpu.dma_semaphore, #tpu.memory_space<semaphore_mem>>) src(%dma_wait3A_794 : memref<1000000x32xf32, #tpu.memory_space<hbm>>) dst(%dma_wait3A_788 : memref<128x32xf32, #tpu.memory_space<vmem>>)
      %ge3A_797 = arith.constant 4 : i32
      %ge3A_798 = arith.cmpi sge, %add3A_753, %ge3A_797 : i32
      %convert_element_type3A_799 = arith.extui %ge3A_798 : i1 to i32
      %cond3A_800 = arith.constant 0 : i32
      %cond3A_801 = arith.cmpi ne, %convert_element_type3A_799, %cond3A_800 : i32
      scf.if %cond3A_801 {
        %dma_wait3A_1066 = arith.constant 2 : i32
        %dma_wait3A_1067 = arith.constant 0 : i32
        %dma_wait3A_1068 = arith.constant 0 : i32
        %dma_wait3A_1069 = arith.constant 0 : i32
        %dma_wait3A_1070 = arith.constant 2 : i32
        %dma_wait3A_1071 = arith.constant 0 : i32
        %dma_wait3A_1072 = arith.constant 0 : i32
        %dma_wait3A_1073 = tpu.memref_slice %arg8[%dma_wait3A_1066, %dma_wait3A_1071, %dma_wait3A_1072] : memref<4x32x128xf32, #tpu.memory_space<vmem>> -> memref<1x8x128xf32, #tpu.memory_space<vmem>>
        %dma_wait3A_1074 = tpu.memref_squeeze %dma_wait3A_1073 : memref<1x8x128xf32, #tpu.memory_space<vmem>> -> memref<8x128xf32, #tpu.memory_space<vmem>>
        %dma_wait3A_1075 = arith.constant 0 : i32
        %dma_wait3A_1076 = arith.constant 0 : i32
        %dma_wait3A_1077 = tpu.memref_slice %arg4[%dma_wait3A_1067, %dma_wait3A_1068, %dma_wait3A_1069, %dma_wait3A_1075, %dma_wait3A_1076] : memref<50x4x128x8x128xf32, #tpu.memory_space<hbm>> -> memref<1x1x1x8x128xf32, #tpu.memory_space<hbm>>
        %dma_wait3A_1078 = tpu.memref_squeeze %dma_wait3A_1077 : memref<1x1x1x8x128xf32, #tpu.memory_space<hbm>> -> memref<8x128xf32, #tpu.memory_space<hbm>>
        %dma_wait3A_1079 = tpu.memref_slice %arg10[%dma_wait3A_1070] : memref<4x!tpu.dma_semaphore, #tpu.memory_space<semaphore_mem>> -> memref<1x!tpu.dma_semaphore, #tpu.memory_space<semaphore_mem>>
        %dma_wait3A_1080 = tpu.memref_squeeze %dma_wait3A_1079 : memref<1x!tpu.dma_semaphore, #tpu.memory_space<semaphore_mem>> -> memref<!tpu.dma_semaphore, #tpu.memory_space<semaphore_mem>>
        %dma_wait3A_1081 = arith.constant 0 : i32
        %dma_wait3A_1082 = arith.constant 0 : i32
        %dma_wait3A_1083 = tpu.memref_slice %arg4[%dma_wait3A_1067, %dma_wait3A_1068, %dma_wait3A_1069, %dma_wait3A_1081, %dma_wait3A_1082] : memref<50x4x128x8x128xf32, #tpu.memory_space<hbm>> -> memref<1x1x1x8x128xf32, #tpu.memory_space<hbm>>
        %dma_wait3A_1084 = tpu.memref_squeeze %dma_wait3A_1083 : memref<1x1x1x8x128xf32, #tpu.memory_space<hbm>> -> memref<8x128xf32, #tpu.memory_space<hbm>>
        %dma_wait3A_1085 = arith.constant 0 : i32
        %dma_wait3A_1086 = arith.constant 0 : i32
        %dma_wait3A_1087 = tpu.memref_slice %arg8[%dma_wait3A_1066, %dma_wait3A_1085, %dma_wait3A_1086] : memref<4x32x128xf32, #tpu.memory_space<vmem>> -> memref<1x8x128xf32, #tpu.memory_space<vmem>>
        %dma_wait3A_1088 = tpu.memref_squeeze %dma_wait3A_1087 : memref<1x8x128xf32, #tpu.memory_space<vmem>> -> memref<8x128xf32, #tpu.memory_space<vmem>>
        tpu.wait_dma2 semaphore(%dma_wait3A_1080 : memref<!tpu.dma_semaphore, #tpu.memory_space<semaphore_mem>>) src(%dma_wait3A_1088 : memref<8x128xf32, #tpu.memory_space<vmem>>) dst(%dma_wait3A_1084 : memref<8x128xf32, #tpu.memory_space<hbm>>)
        %dma_wait3A_1089 = arith.constant 2 : i32
        %dma_wait3A_1090 = arith.constant 0 : i32
        %dma_wait3A_1091 = arith.constant 1 : i32
        %dma_wait3A_1092 = arith.constant 0 : i32
        %dma_wait3A_1093 = arith.constant 2 : i32
        %dma_wait3A_1094 = arith.constant 8 : i32
        %dma_wait3A_1095 = arith.constant 0 : i32
        %dma_wait3A_1096 = tpu.memref_slice %arg8[%dma_wait3A_1089, %dma_wait3A_1094, %dma_wait3A_1095] : memref<4x32x128xf32, #tpu.memory_space<vmem>> -> memref<1x8x128xf32, #tpu.memory_space<vmem>>
        %dma_wait3A_1097 = tpu.memref_squeeze %dma_wait3A_1096 : memref<1x8x128xf32, #tpu.memory_space<vmem>> -> memref<8x128xf32, #tpu.memory_space<vmem>>
        %dma_wait3A_1098 = arith.constant 0 : i32
        %dma_wait3A_1099 = arith.constant 0 : i32
        %dma_wait3A_1100 = tpu.memref_slice %arg4[%dma_wait3A_1090, %dma_wait3A_1091, %dma_wait3A_1092, %dma_wait3A_1098, %dma_wait3A_1099] : memref<50x4x128x8x128xf32, #tpu.memory_space<hbm>> -> memref<1x1x1x8x128xf32, #tpu.memory_space<hbm>>
        %dma_wait3A_1101 = tpu.memref_squeeze %dma_wait3A_1100 : memref<1x1x1x8x128xf32, #tpu.memory_space<hbm>> -> memref<8x128xf32, #tpu.memory_space<hbm>>
        %dma_wait3A_1102 = tpu.memref_slice %arg10[%dma_wait3A_1093] : memref<4x!tpu.dma_semaphore, #tpu.memory_space<semaphore_mem>> -> memref<1x!tpu.dma_semaphore, #tpu.memory_space<semaphore_mem>>
        %dma_wait3A_1103 = tpu.memref_squeeze %dma_wait3A_1102 : memref<1x!tpu.dma_semaphore, #tpu.memory_space<semaphore_mem>> -> memref<!tpu.dma_semaphore, #tpu.memory_space<semaphore_mem>>
        %dma_wait3A_1104 = arith.constant 0 : i32
        %dma_wait3A_1105 = arith.constant 0 : i32
        %dma_wait3A_1106 = tpu.memref_slice %arg4[%dma_wait3A_1090, %dma_wait3A_1091, %dma_wait3A_1092, %dma_wait3A_1104, %dma_wait3A_1105] : memref<50x4x128x8x128xf32, #tpu.memory_space<hbm>> -> memref<1x1x1x8x128xf32, #tpu.memory_space<hbm>>
        %dma_wait3A_1107 = tpu.memref_squeeze %dma_wait3A_1106 : memref<1x1x1x8x128xf32, #tpu.memory_space<hbm>> -> memref<8x128xf32, #tpu.memory_space<hbm>>
        %dma_wait3A_1108 = arith.constant 8 : i32
        %dma_wait3A_1109 = arith.constant 0 : i32
        %dma_wait3A_1110 = tpu.memref_slice %arg8[%dma_wait3A_1089, %dma_wait3A_1108, %dma_wait3A_1109] : memref<4x32x128xf32, #tpu.memory_space<vmem>> -> memref<1x8x128xf32, #tpu.memory_space<vmem>>
        %dma_wait3A_1111 = tpu.memref_squeeze %dma_wait3A_1110 : memref<1x8x128xf32, #tpu.memory_space<vmem>> -> memref<8x128xf32, #tpu.memory_space<vmem>>
        tpu.wait_dma2 semaphore(%dma_wait3A_1103 : memref<!tpu.dma_semaphore, #tpu.memory_space<semaphore_mem>>) src(%dma_wait3A_1111 : memref<8x128xf32, #tpu.memory_space<vmem>>) dst(%dma_wait3A_1107 : memref<8x128xf32, #tpu.memory_space<hbm>>)
        %dma_wait3A_1112 = arith.constant 2 : i32
        %dma_wait3A_1113 = arith.constant 0 : i32
        %dma_wait3A_1114 = arith.constant 2 : i32
        %dma_wait3A_1115 = arith.constant 0 : i32
        %dma_wait3A_1116 = arith.constant 2 : i32
        %dma_wait3A_1117 = arith.constant 16 : i32
        %dma_wait3A_1118 = arith.constant 0 : i32
        %dma_wait3A_1119 = tpu.memref_slice %arg8[%dma_wait3A_1112, %dma_wait3A_1117, %dma_wait3A_1118] : memref<4x32x128xf32, #tpu.memory_space<vmem>> -> memref<1x8x128xf32, #tpu.memory_space<vmem>>
        %dma_wait3A_1120 = tpu.memref_squeeze %dma_wait3A_1119 : memref<1x8x128xf32, #tpu.memory_space<vmem>> -> memref<8x128xf32, #tpu.memory_space<vmem>>
        %dma_wait3A_1121 = arith.constant 0 : i32
        %dma_wait3A_1122 = arith.constant 0 : i32
        %dma_wait3A_1123 = tpu.memref_slice %arg4[%dma_wait3A_1113, %dma_wait3A_1114, %dma_wait3A_1115, %dma_wait3A_1121, %dma_wait3A_1122] : memref<50x4x128x8x128xf32, #tpu.memory_space<hbm>> -> memref<1x1x1x8x128xf32, #tpu.memory_space<hbm>>
        %dma_wait3A_1124 = tpu.memref_squeeze %dma_wait3A_1123 : memref<1x1x1x8x128xf32, #tpu.memory_space<hbm>> -> memref<8x128xf32, #tpu.memory_space<hbm>>
        %dma_wait3A_1125 = tpu.memref_slice %arg10[%dma_wait3A_1116] : memref<4x!tpu.dma_semaphore, #tpu.memory_space<semaphore_mem>> -> memref<1x!tpu.dma_semaphore, #tpu.memory_space<semaphore_mem>>
        %dma_wait3A_1126 = tpu.memref_squeeze %dma_wait3A_1125 : memref<1x!tpu.dma_semaphore, #tpu.memory_space<semaphore_mem>> -> memref<!tpu.dma_semaphore, #tpu.memory_space<semaphore_mem>>
        %dma_wait3A_1127 = arith.constant 0 : i32
        %dma_wait3A_1128 = arith.constant 0 : i32
        %dma_wait3A_1129 = tpu.memref_slice %arg4[%dma_wait3A_1113, %dma_wait3A_1114, %dma_wait3A_1115, %dma_wait3A_1127, %dma_wait3A_1128] : memref<50x4x128x8x128xf32, #tpu.memory_space<hbm>> -> memref<1x1x1x8x128xf32, #tpu.memory_space<hbm>>
        %dma_wait3A_1130 = tpu.memref_squeeze %dma_wait3A_1129 : memref<1x1x1x8x128xf32, #tpu.memory_space<hbm>> -> memref<8x128xf32, #tpu.memory_space<hbm>>
        %dma_wait3A_1131 = arith.constant 16 : i32
        %dma_wait3A_1132 = arith.constant 0 : i32
        %dma_wait3A_1133 = tpu.memref_slice %arg8[%dma_wait3A_1112, %dma_wait3A_1131, %dma_wait3A_1132] : memref<4x32x128xf32, #tpu.memory_space<vmem>> -> memref<1x8x128xf32, #tpu.memory_space<vmem>>
        %dma_wait3A_1134 = tpu.memref_squeeze %dma_wait3A_1133 : memref<1x8x128xf32, #tpu.memory_space<vmem>> -> memref<8x128xf32, #tpu.memory_space<vmem>>
        tpu.wait_dma2 semaphore(%dma_wait3A_1126 : memref<!tpu.dma_semaphore, #tpu.memory_space<semaphore_mem>>) src(%dma_wait3A_1134 : memref<8x128xf32, #tpu.memory_space<vmem>>) dst(%dma_wait3A_1130 : memref<8x128xf32, #tpu.memory_space<hbm>>)
        %dma_wait3A_1135 = arith.constant 2 : i32
        %dma_wait3A_1136 = arith.constant 0 : i32
        %dma_wait3A_1137 = arith.constant 3 : i32
        %dma_wait3A_1138 = arith.constant 0 : i32
        %dma_wait3A_1139 = arith.constant 2 : i32
        %dma_wait3A_1140 = arith.constant 24 : i32
        %dma_wait3A_1141 = arith.constant 0 : i32
        %dma_wait3A_1142 = tpu.memref_slice %arg8[%dma_wait3A_1135, %dma_wait3A_1140, %dma_wait3A_1141] : memref<4x32x128xf32, #tpu.memory_space<vmem>> -> memref<1x8x128xf32, #tpu.memory_space<vmem>>
        %dma_wait3A_1143 = tpu.memref_squeeze %dma_wait3A_1142 : memref<1x8x128xf32, #tpu.memory_space<vmem>> -> memref<8x128xf32, #tpu.memory_space<vmem>>
        %dma_wait3A_1144 = arith.constant 0 : i32
        %dma_wait3A_1145 = arith.constant 0 : i32
        %dma_wait3A_1146 = tpu.memref_slice %arg4[%dma_wait3A_1136, %dma_wait3A_1137, %dma_wait3A_1138, %dma_wait3A_1144, %dma_wait3A_1145] : memref<50x4x128x8x128xf32, #tpu.memory_space<hbm>> -> memref<1x1x1x8x128xf32, #tpu.memory_space<hbm>>
        %dma_wait3A_1147 = tpu.memref_squeeze %dma_wait3A_1146 : memref<1x1x1x8x128xf32, #tpu.memory_space<hbm>> -> memref<8x128xf32, #tpu.memory_space<hbm>>
        %dma_wait3A_1148 = tpu.memref_slice %arg10[%dma_wait3A_1139] : memref<4x!tpu.dma_semaphore, #tpu.memory_space<semaphore_mem>> -> memref<1x!tpu.dma_semaphore, #tpu.memory_space<semaphore_mem>>
        %dma_wait3A_1149 = tpu.memref_squeeze %dma_wait3A_1148 : memref<1x!tpu.dma_semaphore, #tpu.memory_space<semaphore_mem>> -> memref<!tpu.dma_semaphore, #tpu.memory_space<semaphore_mem>>
        %dma_wait3A_1150 = arith.constant 0 : i32
        %dma_wait3A_1151 = arith.constant 0 : i32
        %dma_wait3A_1152 = tpu.memref_slice %arg4[%dma_wait3A_1136, %dma_wait3A_1137, %dma_wait3A_1138, %dma_wait3A_1150, %dma_wait3A_1151] : memref<50x4x128x8x128xf32, #tpu.memory_space<hbm>> -> memref<1x1x1x8x128xf32, #tpu.memory_space<hbm>>
        %dma_wait3A_1153 = tpu.memref_squeeze %dma_wait3A_1152 : memref<1x1x1x8x128xf32, #tpu.memory_space<hbm>> -> memref<8x128xf32, #tpu.memory_space<hbm>>
        %dma_wait3A_1154 = arith.constant 24 : i32
        %dma_wait3A_1155 = arith.constant 0 : i32
        %dma_wait3A_1156 = tpu.memref_slice %arg8[%dma_wait3A_1135, %dma_wait3A_1154, %dma_wait3A_1155] : memref<4x32x128xf32, #tpu.memory_space<vmem>> -> memref<1x8x128xf32, #tpu.memory_space<vmem>>
        %dma_wait3A_1157 = tpu.memref_squeeze %dma_wait3A_1156 : memref<1x8x128xf32, #tpu.memory_space<vmem>> -> memref<8x128xf32, #tpu.memory_space<vmem>>
        tpu.wait_dma2 semaphore(%dma_wait3A_1149 : memref<!tpu.dma_semaphore, #tpu.memory_space<semaphore_mem>>) src(%dma_wait3A_1157 : memref<8x128xf32, #tpu.memory_space<vmem>>) dst(%dma_wait3A_1153 : memref<8x128xf32, #tpu.memory_space<hbm>>)
      } else {
      }
      %parallel_loop3A_802 = arith.constant 0 : i32
      %parallel_loop3A_803 = arith.constant 32 : i32
      %parallel_loop3A_804 = arith.constant 1 : i32
      scf.for %parallel_loop3A_1066 = %parallel_loop3A_802 to %parallel_loop3A_803 step %parallel_loop3A_804  : i32 {
        %parallel_loop3A_1067 = vector.broadcast %parallel_loop3A_1066 : i32 to vector<16xi32>
        %parallel_loop3A_1068 = arith.addi %parallel_loop3A_1067, %iota3A : vector<16xi32>
        %parallel_loop3A_1069 = arith.constant 31 : i32
        %parallel_loop3A_1070 = vector.broadcast %parallel_loop3A_1069 : i32 to vector<16xi32>
        %parallel_loop3A_1071 = arith.andi %parallel_loop3A_1068, %parallel_loop3A_1070 : vector<16xi32>
        %parallel_loop3A_1072 = arith.constant 0 : i32
        %parallel_loop3A_1073 = vector.broadcast %parallel_loop3A_1072 : i32 to vector<16xi32>
        %parallel_loop3A_1074 = arith.addi %iota3A, %parallel_loop3A_1073 : vector<16xi32>
        %parallel_loop3A_1075 = arith.constant 2 : i32
        %parallel_loop3A_1076 = arith.constant 0 : i32
        %parallel_loop3A_1077 = arith.constant 0 : i32
        %parallel_loop3A_1078 = tpu.memref_slice %arg7[%parallel_loop3A_1075, %parallel_loop3A_1076, %parallel_loop3A_1077] : memref<4x128x32xf32, #tpu.memory_space<vmem>> -> memref<1x128x32xf32, #tpu.memory_space<vmem>>
        %parallel_loop3A_1079 = tpu.memref_squeeze %parallel_loop3A_1078 : memref<1x128x32xf32, #tpu.memory_space<vmem>> -> memref<128x32xf32, #tpu.memory_space<vmem>>
        %parallel_loop3A_1080 = tpu.vector_load_idx %parallel_loop3A_1079[%parallel_loop3A_1074, %parallel_loop3A_1071] : memref<128x32xf32, #tpu.memory_space<vmem>>[vector<16xi32>, vector<16xi32>], vector<16xf32>,
        %parallel_loop3A_1081 = arith.constant 2 : i32
        %parallel_loop3A_1082 = arith.constant 0 : i32
        %parallel_loop3A_1083 = arith.constant 0 : i32
        %parallel_loop3A_1084 = tpu.memref_slice %arg8[%parallel_loop3A_1081, %parallel_loop3A_1082, %parallel_loop3A_1083] : memref<4x32x128xf32, #tpu.memory_space<vmem>> -> memref<1x32x128xf32, #tpu.memory_space<vmem>>
        %parallel_loop3A_1085 = tpu.memref_squeeze %parallel_loop3A_1084 : memref<1x32x128xf32, #tpu.memory_space<vmem>> -> memref<32x128xf32, #tpu.memory_space<vmem>>
        tpu.vector_store_idx %parallel_loop3A_1085[%parallel_loop3A_1071, %parallel_loop3A_1074], %parallel_loop3A_1080 : memref<32x128xf32, #tpu.memory_space<vmem>>[vector<16xi32>, vector<16xi32>], vector<16xf32>,
        %parallel_loop3A_1086 = arith.constant 16 : i32
        %parallel_loop3A_1087 = vector.broadcast %parallel_loop3A_1086 : i32 to vector<16xi32>
        %parallel_loop3A_1088 = arith.addi %iota3A, %parallel_loop3A_1087 : vector<16xi32>
        %parallel_loop3A_1089 = arith.constant 2 : i32
        %parallel_loop3A_1090 = arith.constant 0 : i32
        %parallel_loop3A_1091 = arith.constant 0 : i32
        %parallel_loop3A_1092 = tpu.memref_slice %arg7[%parallel_loop3A_1089, %parallel_loop3A_1090, %parallel_loop3A_1091] : memref<4x128x32xf32, #tpu.memory_space<vmem>> -> memref<1x128x32xf32, #tpu.memory_space<vmem>>
        %parallel_loop3A_1093 = tpu.memref_squeeze %parallel_loop3A_1092 : memref<1x128x32xf32, #tpu.memory_space<vmem>> -> memref<128x32xf32, #tpu.memory_space<vmem>>
        %parallel_loop3A_1094 = tpu.vector_load_idx %parallel_loop3A_1093[%parallel_loop3A_1088, %parallel_loop3A_1071] : memref<128x32xf32, #tpu.memory_space<vmem>>[vector<16xi32>, vector<16xi32>], vector<16xf32>,
        %parallel_loop3A_1095 = arith.constant 2 : i32
        %parallel_loop3A_1096 = arith.constant 0 : i32
        %parallel_loop3A_1097 = arith.constant 0 : i32
        %parallel_loop3A_1098 = tpu.memref_slice %arg8[%parallel_loop3A_1095, %parallel_loop3A_1096, %parallel_loop3A_1097] : memref<4x32x128xf32, #tpu.memory_space<vmem>> -> memref<1x32x128xf32, #tpu.memory_space<vmem>>
        %parallel_loop3A_1099 = tpu.memref_squeeze %parallel_loop3A_1098 : memref<1x32x128xf32, #tpu.memory_space<vmem>> -> memref<32x128xf32, #tpu.memory_space<vmem>>
        tpu.vector_store_idx %parallel_loop3A_1099[%parallel_loop3A_1071, %parallel_loop3A_1088], %parallel_loop3A_1094 : memref<32x128xf32, #tpu.memory_space<vmem>>[vector<16xi32>, vector<16xi32>], vector<16xf32>,
        %parallel_loop3A_1100 = arith.constant 32 : i32
        %parallel_loop3A_1101 = vector.broadcast %parallel_loop3A_1100 : i32 to vector<16xi32>
        %parallel_loop3A_1102 = arith.addi %iota3A, %parallel_loop3A_1101 : vector<16xi32>
        %parallel_loop3A_1103 = arith.constant 2 : i32
        %parallel_loop3A_1104 = arith.constant 0 : i32
        %parallel_loop3A_1105 = arith.constant 0 : i32
        %parallel_loop3A_1106 = tpu.memref_slice %arg7[%parallel_loop3A_1103, %parallel_loop3A_1104, %parallel_loop3A_1105] : memref<4x128x32xf32, #tpu.memory_space<vmem>> -> memref<1x128x32xf32, #tpu.memory_space<vmem>>
        %parallel_loop3A_1107 = tpu.memref_squeeze %parallel_loop3A_1106 : memref<1x128x32xf32, #tpu.memory_space<vmem>> -> memref<128x32xf32, #tpu.memory_space<vmem>>
        %parallel_loop3A_1108 = tpu.vector_load_idx %parallel_loop3A_1107[%parallel_loop3A_1102, %parallel_loop3A_1071] : memref<128x32xf32, #tpu.memory_space<vmem>>[vector<16xi32>, vector<16xi32>], vector<16xf32>,
        %parallel_loop3A_1109 = arith.constant 2 : i32
        %parallel_loop3A_1110 = arith.constant 0 : i32
        %parallel_loop3A_1111 = arith.constant 0 : i32
        %parallel_loop3A_1112 = tpu.memref_slice %arg8[%parallel_loop3A_1109, %parallel_loop3A_1110, %parallel_loop3A_1111] : memref<4x32x128xf32, #tpu.memory_space<vmem>> -> memref<1x32x128xf32, #tpu.memory_space<vmem>>
        %parallel_loop3A_1113 = tpu.memref_squeeze %parallel_loop3A_1112 : memref<1x32x128xf32, #tpu.memory_space<vmem>> -> memref<32x128xf32, #tpu.memory_space<vmem>>
        tpu.vector_store_idx %parallel_loop3A_1113[%parallel_loop3A_1071, %parallel_loop3A_1102], %parallel_loop3A_1108 : memref<32x128xf32, #tpu.memory_space<vmem>>[vector<16xi32>, vector<16xi32>], vector<16xf32>,
        %parallel_loop3A_1114 = arith.constant 48 : i32
        %parallel_loop3A_1115 = vector.broadcast %parallel_loop3A_1114 : i32 to vector<16xi32>
        %parallel_loop3A_1116 = arith.addi %iota3A, %parallel_loop3A_1115 : vector<16xi32>
        %parallel_loop3A_1117 = arith.constant 2 : i32
        %parallel_loop3A_1118 = arith.constant 0 : i32
        %parallel_loop3A_1119 = arith.constant 0 : i32
        %parallel_loop3A_1120 = tpu.memref_slice %arg7[%parallel_loop3A_1117, %parallel_loop3A_1118, %parallel_loop3A_1119] : memref<4x128x32xf32, #tpu.memory_space<vmem>> -> memref<1x128x32xf32, #tpu.memory_space<vmem>>
        %parallel_loop3A_1121 = tpu.memref_squeeze %parallel_loop3A_1120 : memref<1x128x32xf32, #tpu.memory_space<vmem>> -> memref<128x32xf32, #tpu.memory_space<vmem>>
        %parallel_loop3A_1122 = tpu.vector_load_idx %parallel_loop3A_1121[%parallel_loop3A_1116, %parallel_loop3A_1071] : memref<128x32xf32, #tpu.memory_space<vmem>>[vector<16xi32>, vector<16xi32>], vector<16xf32>,
        %parallel_loop3A_1123 = arith.constant 2 : i32
        %parallel_loop3A_1124 = arith.constant 0 : i32
        %parallel_loop3A_1125 = arith.constant 0 : i32
        %parallel_loop3A_1126 = tpu.memref_slice %arg8[%parallel_loop3A_1123, %parallel_loop3A_1124, %parallel_loop3A_1125] : memref<4x32x128xf32, #tpu.memory_space<vmem>> -> memref<1x32x128xf32, #tpu.memory_space<vmem>>
        %parallel_loop3A_1127 = tpu.memref_squeeze %parallel_loop3A_1126 : memref<1x32x128xf32, #tpu.memory_space<vmem>> -> memref<32x128xf32, #tpu.memory_space<vmem>>
        tpu.vector_store_idx %parallel_loop3A_1127[%parallel_loop3A_1071, %parallel_loop3A_1116], %parallel_loop3A_1122 : memref<32x128xf32, #tpu.memory_space<vmem>>[vector<16xi32>, vector<16xi32>], vector<16xf32>,
        %parallel_loop3A_1128 = arith.constant 64 : i32
        %parallel_loop3A_1129 = vector.broadcast %parallel_loop3A_1128 : i32 to vector<16xi32>
        %parallel_loop3A_1130 = arith.addi %iota3A, %parallel_loop3A_1129 : vector<16xi32>
        %parallel_loop3A_1131 = arith.constant 2 : i32
        %parallel_loop3A_1132 = arith.constant 0 : i32
        %parallel_loop3A_1133 = arith.constant 0 : i32
        %parallel_loop3A_1134 = tpu.memref_slice %arg7[%parallel_loop3A_1131, %parallel_loop3A_1132, %parallel_loop3A_1133] : memref<4x128x32xf32, #tpu.memory_space<vmem>> -> memref<1x128x32xf32, #tpu.memory_space<vmem>>
        %parallel_loop3A_1135 = tpu.memref_squeeze %parallel_loop3A_1134 : memref<1x128x32xf32, #tpu.memory_space<vmem>> -> memref<128x32xf32, #tpu.memory_space<vmem>>
        %parallel_loop3A_1136 = tpu.vector_load_idx %parallel_loop3A_1135[%parallel_loop3A_1130, %parallel_loop3A_1071] : memref<128x32xf32, #tpu.memory_space<vmem>>[vector<16xi32>, vector<16xi32>], vector<16xf32>,
        %parallel_loop3A_1137 = arith.constant 2 : i32
        %parallel_loop3A_1138 = arith.constant 0 : i32
        %parallel_loop3A_1139 = arith.constant 0 : i32
        %parallel_loop3A_1140 = tpu.memref_slice %arg8[%parallel_loop3A_1137, %parallel_loop3A_1138, %parallel_loop3A_1139] : memref<4x32x128xf32, #tpu.memory_space<vmem>> -> memref<1x32x128xf32, #tpu.memory_space<vmem>>
        %parallel_loop3A_1141 = tpu.memref_squeeze %parallel_loop3A_1140 : memref<1x32x128xf32, #tpu.memory_space<vmem>> -> memref<32x128xf32, #tpu.memory_space<vmem>>
        tpu.vector_store_idx %parallel_loop3A_1141[%parallel_loop3A_1071, %parallel_loop3A_1130], %parallel_loop3A_1136 : memref<32x128xf32, #tpu.memory_space<vmem>>[vector<16xi32>, vector<16xi32>], vector<16xf32>,
        %parallel_loop3A_1142 = arith.constant 80 : i32
        %parallel_loop3A_1143 = vector.broadcast %parallel_loop3A_1142 : i32 to vector<16xi32>
        %parallel_loop3A_1144 = arith.addi %iota3A, %parallel_loop3A_1143 : vector<16xi32>
        %parallel_loop3A_1145 = arith.constant 2 : i32
        %parallel_loop3A_1146 = arith.constant 0 : i32
        %parallel_loop3A_1147 = arith.constant 0 : i32
        %parallel_loop3A_1148 = tpu.memref_slice %arg7[%parallel_loop3A_1145, %parallel_loop3A_1146, %parallel_loop3A_1147] : memref<4x128x32xf32, #tpu.memory_space<vmem>> -> memref<1x128x32xf32, #tpu.memory_space<vmem>>
        %parallel_loop3A_1149 = tpu.memref_squeeze %parallel_loop3A_1148 : memref<1x128x32xf32, #tpu.memory_space<vmem>> -> memref<128x32xf32, #tpu.memory_space<vmem>>
        %parallel_loop3A_1150 = tpu.vector_load_idx %parallel_loop3A_1149[%parallel_loop3A_1144, %parallel_loop3A_1071] : memref<128x32xf32, #tpu.memory_space<vmem>>[vector<16xi32>, vector<16xi32>], vector<16xf32>,
        %parallel_loop3A_1151 = arith.constant 2 : i32
        %parallel_loop3A_1152 = arith.constant 0 : i32
        %parallel_loop3A_1153 = arith.constant 0 : i32
        %parallel_loop3A_1154 = tpu.memref_slice %arg8[%parallel_loop3A_1151, %parallel_loop3A_1152, %parallel_loop3A_1153] : memref<4x32x128xf32, #tpu.memory_space<vmem>> -> memref<1x32x128xf32, #tpu.memory_space<vmem>>
        %parallel_loop3A_1155 = tpu.memref_squeeze %parallel_loop3A_1154 : memref<1x32x128xf32, #tpu.memory_space<vmem>> -> memref<32x128xf32, #tpu.memory_space<vmem>>
        tpu.vector_store_idx %parallel_loop3A_1155[%parallel_loop3A_1071, %parallel_loop3A_1144], %parallel_loop3A_1150 : memref<32x128xf32, #tpu.memory_space<vmem>>[vector<16xi32>, vector<16xi32>], vector<16xf32>,
        %parallel_loop3A_1156 = arith.constant 96 : i32
        %parallel_loop3A_1157 = vector.broadcast %parallel_loop3A_1156 : i32 to vector<16xi32>
        %parallel_loop3A_1158 = arith.addi %iota3A, %parallel_loop3A_1157 : vector<16xi32>
        %parallel_loop3A_1159 = arith.constant 2 : i32
        %parallel_loop3A_1160 = arith.constant 0 : i32
        %parallel_loop3A_1161 = arith.constant 0 : i32
        %parallel_loop3A_1162 = tpu.memref_slice %arg7[%parallel_loop3A_1159, %parallel_loop3A_1160, %parallel_loop3A_1161] : memref<4x128x32xf32, #tpu.memory_space<vmem>> -> memref<1x128x32xf32, #tpu.memory_space<vmem>>
        %parallel_loop3A_1163 = tpu.memref_squeeze %parallel_loop3A_1162 : memref<1x128x32xf32, #tpu.memory_space<vmem>> -> memref<128x32xf32, #tpu.memory_space<vmem>>
        %parallel_loop3A_1164 = tpu.vector_load_idx %parallel_loop3A_1163[%parallel_loop3A_1158, %parallel_loop3A_1071] : memref<128x32xf32, #tpu.memory_space<vmem>>[vector<16xi32>, vector<16xi32>], vector<16xf32>,
        %parallel_loop3A_1165 = arith.constant 2 : i32
        %parallel_loop3A_1166 = arith.constant 0 : i32
        %parallel_loop3A_1167 = arith.constant 0 : i32
        %parallel_loop3A_1168 = tpu.memref_slice %arg8[%parallel_loop3A_1165, %parallel_loop3A_1166, %parallel_loop3A_1167] : memref<4x32x128xf32, #tpu.memory_space<vmem>> -> memref<1x32x128xf32, #tpu.memory_space<vmem>>
        %parallel_loop3A_1169 = tpu.memref_squeeze %parallel_loop3A_1168 : memref<1x32x128xf32, #tpu.memory_space<vmem>> -> memref<32x128xf32, #tpu.memory_space<vmem>>
        tpu.vector_store_idx %parallel_loop3A_1169[%parallel_loop3A_1071, %parallel_loop3A_1158], %parallel_loop3A_1164 : memref<32x128xf32, #tpu.memory_space<vmem>>[vector<16xi32>, vector<16xi32>], vector<16xf32>,
        %parallel_loop3A_1170 = arith.constant 112 : i32
        %parallel_loop3A_1171 = vector.broadcast %parallel_loop3A_1170 : i32 to vector<16xi32>
        %parallel_loop3A_1172 = arith.addi %iota3A, %parallel_loop3A_1171 : vector<16xi32>
        %parallel_loop3A_1173 = arith.constant 2 : i32
        %parallel_loop3A_1174 = arith.constant 0 : i32
        %parallel_loop3A_1175 = arith.constant 0 : i32
        %parallel_loop3A_1176 = tpu.memref_slice %arg7[%parallel_loop3A_1173, %parallel_loop3A_1174, %parallel_loop3A_1175] : memref<4x128x32xf32, #tpu.memory_space<vmem>> -> memref<1x128x32xf32, #tpu.memory_space<vmem>>
        %parallel_loop3A_1177 = tpu.memref_squeeze %parallel_loop3A_1176 : memref<1x128x32xf32, #tpu.memory_space<vmem>> -> memref<128x32xf32, #tpu.memory_space<vmem>>
        %parallel_loop3A_1178 = tpu.vector_load_idx %parallel_loop3A_1177[%parallel_loop3A_1172, %parallel_loop3A_1071] : memref<128x32xf32, #tpu.memory_space<vmem>>[vector<16xi32>, vector<16xi32>], vector<16xf32>,
        %parallel_loop3A_1179 = arith.constant 2 : i32
        %parallel_loop3A_1180 = arith.constant 0 : i32
        %parallel_loop3A_1181 = arith.constant 0 : i32
        %parallel_loop3A_1182 = tpu.memref_slice %arg8[%parallel_loop3A_1179, %parallel_loop3A_1180, %parallel_loop3A_1181] : memref<4x32x128xf32, #tpu.memory_space<vmem>> -> memref<1x32x128xf32, #tpu.memory_space<vmem>>
        %parallel_loop3A_1183 = tpu.memref_squeeze %parallel_loop3A_1182 : memref<1x32x128xf32, #tpu.memory_space<vmem>> -> memref<32x128xf32, #tpu.memory_space<vmem>>
        tpu.vector_store_idx %parallel_loop3A_1183[%parallel_loop3A_1071, %parallel_loop3A_1172], %parallel_loop3A_1178 : memref<32x128xf32, #tpu.memory_space<vmem>>[vector<16xi32>, vector<16xi32>], vector<16xf32>,
      } {sc.loop_unroll_factor = 8 : i64, sc.parallel_access}
      %mul3A_805 = arith.constant 4 : i32
      %mul3A_806 = arith.muli %mul3A_805, %add3A : i32
      %add3A_807 = arith.addi %mul3A_806, %select_n3A_777 : i32
      %dma_start3A_808 = arith.constant 2 : i32
      %dma_start3A_809 = arith.constant 0 : i32
      %dma_start3A_810 = arith.constant 2 : i32
      %dma_start3A_811 = arith.constant 0 : i32
      %dma_start3A_812 = arith.constant 0 : i32
      %dma_start3A_813 = tpu.memref_slice %arg8[%dma_start3A_808, %dma_start3A_811, %dma_start3A_812] : memref<4x32x128xf32, #tpu.memory_space<vmem>> -> memref<1x8x128xf32, #tpu.memory_space<vmem>>
      %dma_start3A_814 = tpu.memref_squeeze %dma_start3A_813 : memref<1x8x128xf32, #tpu.memory_space<vmem>> -> memref<8x128xf32, #tpu.memory_space<vmem>>
      %dma_start3A_815 = arith.constant 0 : i32
      %dma_start3A_816 = arith.constant 0 : i32
      %dma_start3A_817 = tpu.memref_slice %arg4[%sub3A_780, %dma_start3A_809, %add3A_807, %dma_start3A_815, %dma_start3A_816] : memref<50x4x128x8x128xf32, #tpu.memory_space<hbm>> -> memref<1x1x1x8x128xf32, #tpu.memory_space<hbm>>
      %dma_start3A_818 = tpu.memref_squeeze %dma_start3A_817 : memref<1x1x1x8x128xf32, #tpu.memory_space<hbm>> -> memref<8x128xf32, #tpu.memory_space<hbm>>
      %dma_start3A_819 = tpu.memref_slice %arg10[%dma_start3A_810] : memref<4x!tpu.dma_semaphore, #tpu.memory_space<semaphore_mem>> -> memref<1x!tpu.dma_semaphore, #tpu.memory_space<semaphore_mem>>
      %dma_start3A_820 = tpu.memref_squeeze %dma_start3A_819 : memref<1x!tpu.dma_semaphore, #tpu.memory_space<semaphore_mem>> -> memref<!tpu.dma_semaphore, #tpu.memory_space<semaphore_mem>>
      %dma_start3A_821 = arith.constant 0 : i32
      %dma_start3A_822 = arith.constant 0 : i32
      %dma_start3A_823 = tpu.memref_slice %arg4[%sub3A_780, %dma_start3A_809, %add3A_807, %dma_start3A_821, %dma_start3A_822] : memref<50x4x128x8x128xf32, #tpu.memory_space<hbm>> -> memref<1x1x1x8x128xf32, #tpu.memory_space<hbm>>
      %dma_start3A_824 = tpu.memref_squeeze %dma_start3A_823 : memref<1x1x1x8x128xf32, #tpu.memory_space<hbm>> -> memref<8x128xf32, #tpu.memory_space<hbm>>
      %dma_start3A_825 = arith.constant 0 : i32
      %dma_start3A_826 = arith.constant 0 : i32
      %dma_start3A_827 = tpu.memref_slice %arg8[%dma_start3A_808, %dma_start3A_825, %dma_start3A_826] : memref<4x32x128xf32, #tpu.memory_space<vmem>> -> memref<1x8x128xf32, #tpu.memory_space<vmem>>
      %dma_start3A_828 = tpu.memref_squeeze %dma_start3A_827 : memref<1x8x128xf32, #tpu.memory_space<vmem>> -> memref<8x128xf32, #tpu.memory_space<vmem>>
      tpu.enqueue_dma source(%dma_start3A_828 : memref<8x128xf32, #tpu.memory_space<vmem>>) target(%dma_start3A_824 : memref<8x128xf32, #tpu.memory_space<hbm>>) target_semaphore(%dma_start3A_820 : memref<!tpu.dma_semaphore, #tpu.memory_space<semaphore_mem>>)
      %mul3A_829 = arith.constant 4 : i32
      %mul3A_830 = arith.muli %mul3A_829, %add3A : i32
      %add3A_831 = arith.addi %mul3A_830, %select_n3A_777 : i32
      %dma_start3A_832 = arith.constant 2 : i32
      %dma_start3A_833 = arith.constant 1 : i32
      %dma_start3A_834 = arith.constant 2 : i32
      %dma_start3A_835 = arith.constant 8 : i32
      %dma_start3A_836 = arith.constant 0 : i32
      %dma_start3A_837 = tpu.memref_slice %arg8[%dma_start3A_832, %dma_start3A_835, %dma_start3A_836] : memref<4x32x128xf32, #tpu.memory_space<vmem>> -> memref<1x8x128xf32, #tpu.memory_space<vmem>>
      %dma_start3A_838 = tpu.memref_squeeze %dma_start3A_837 : memref<1x8x128xf32, #tpu.memory_space<vmem>> -> memref<8x128xf32, #tpu.memory_space<vmem>>
      %dma_start3A_839 = arith.constant 0 : i32
      %dma_start3A_840 = arith.constant 0 : i32
      %dma_start3A_841 = tpu.memref_slice %arg4[%sub3A_780, %dma_start3A_833, %add3A_831, %dma_start3A_839, %dma_start3A_840] : memref<50x4x128x8x128xf32, #tpu.memory_space<hbm>> -> memref<1x1x1x8x128xf32, #tpu.memory_space<hbm>>
      %dma_start3A_842 = tpu.memref_squeeze %dma_start3A_841 : memref<1x1x1x8x128xf32, #tpu.memory_space<hbm>> -> memref<8x128xf32, #tpu.memory_space<hbm>>
      %dma_start3A_843 = tpu.memref_slice %arg10[%dma_start3A_834] : memref<4x!tpu.dma_semaphore, #tpu.memory_space<semaphore_mem>> -> memref<1x!tpu.dma_semaphore, #tpu.memory_space<semaphore_mem>>
      %dma_start3A_844 = tpu.memref_squeeze %dma_start3A_843 : memref<1x!tpu.dma_semaphore, #tpu.memory_space<semaphore_mem>> -> memref<!tpu.dma_semaphore, #tpu.memory_space<semaphore_mem>>
      %dma_start3A_845 = arith.constant 0 : i32
      %dma_start3A_846 = arith.constant 0 : i32
      %dma_start3A_847 = tpu.memref_slice %arg4[%sub3A_780, %dma_start3A_833, %add3A_831, %dma_start3A_845, %dma_start3A_846] : memref<50x4x128x8x128xf32, #tpu.memory_space<hbm>> -> memref<1x1x1x8x128xf32, #tpu.memory_space<hbm>>
      %dma_start3A_848 = tpu.memref_squeeze %dma_start3A_847 : memref<1x1x1x8x128xf32, #tpu.memory_space<hbm>> -> memref<8x128xf32, #tpu.memory_space<hbm>>
      %dma_start3A_849 = arith.constant 8 : i32
      %dma_start3A_850 = arith.constant 0 : i32
      %dma_start3A_851 = tpu.memref_slice %arg8[%dma_start3A_832, %dma_start3A_849, %dma_start3A_850] : memref<4x32x128xf32, #tpu.memory_space<vmem>> -> memref<1x8x128xf32, #tpu.memory_space<vmem>>
      %dma_start3A_852 = tpu.memref_squeeze %dma_start3A_851 : memref<1x8x128xf32, #tpu.memory_space<vmem>> -> memref<8x128xf32, #tpu.memory_space<vmem>>
      tpu.enqueue_dma source(%dma_start3A_852 : memref<8x128xf32, #tpu.memory_space<vmem>>) target(%dma_start3A_848 : memref<8x128xf32, #tpu.memory_space<hbm>>) target_semaphore(%dma_start3A_844 : memref<!tpu.dma_semaphore, #tpu.memory_space<semaphore_mem>>)
      %mul3A_853 = arith.constant 4 : i32
      %mul3A_854 = arith.muli %mul3A_853, %add3A : i32
      %add3A_855 = arith.addi %mul3A_854, %select_n3A_777 : i32
      %dma_start3A_856 = arith.constant 2 : i32
      %dma_start3A_857 = arith.constant 2 : i32
      %dma_start3A_858 = arith.constant 2 : i32
      %dma_start3A_859 = arith.constant 16 : i32
      %dma_start3A_860 = arith.constant 0 : i32
      %dma_start3A_861 = tpu.memref_slice %arg8[%dma_start3A_856, %dma_start3A_859, %dma_start3A_860] : memref<4x32x128xf32, #tpu.memory_space<vmem>> -> memref<1x8x128xf32, #tpu.memory_space<vmem>>
      %dma_start3A_862 = tpu.memref_squeeze %dma_start3A_861 : memref<1x8x128xf32, #tpu.memory_space<vmem>> -> memref<8x128xf32, #tpu.memory_space<vmem>>
      %dma_start3A_863 = arith.constant 0 : i32
      %dma_start3A_864 = arith.constant 0 : i32
      %dma_start3A_865 = tpu.memref_slice %arg4[%sub3A_780, %dma_start3A_857, %add3A_855, %dma_start3A_863, %dma_start3A_864] : memref<50x4x128x8x128xf32, #tpu.memory_space<hbm>> -> memref<1x1x1x8x128xf32, #tpu.memory_space<hbm>>
      %dma_start3A_866 = tpu.memref_squeeze %dma_start3A_865 : memref<1x1x1x8x128xf32, #tpu.memory_space<hbm>> -> memref<8x128xf32, #tpu.memory_space<hbm>>
      %dma_start3A_867 = tpu.memref_slice %arg10[%dma_start3A_858] : memref<4x!tpu.dma_semaphore, #tpu.memory_space<semaphore_mem>> -> memref<1x!tpu.dma_semaphore, #tpu.memory_space<semaphore_mem>>
      %dma_start3A_868 = tpu.memref_squeeze %dma_start3A_867 : memref<1x!tpu.dma_semaphore, #tpu.memory_space<semaphore_mem>> -> memref<!tpu.dma_semaphore, #tpu.memory_space<semaphore_mem>>
      %dma_start3A_869 = arith.constant 0 : i32
      %dma_start3A_870 = arith.constant 0 : i32
      %dma_start3A_871 = tpu.memref_slice %arg4[%sub3A_780, %dma_start3A_857, %add3A_855, %dma_start3A_869, %dma_start3A_870] : memref<50x4x128x8x128xf32, #tpu.memory_space<hbm>> -> memref<1x1x1x8x128xf32, #tpu.memory_space<hbm>>
      %dma_start3A_872 = tpu.memref_squeeze %dma_start3A_871 : memref<1x1x1x8x128xf32, #tpu.memory_space<hbm>> -> memref<8x128xf32, #tpu.memory_space<hbm>>
      %dma_start3A_873 = arith.constant 16 : i32
      %dma_start3A_874 = arith.constant 0 : i32
      %dma_start3A_875 = tpu.memref_slice %arg8[%dma_start3A_856, %dma_start3A_873, %dma_start3A_874] : memref<4x32x128xf32, #tpu.memory_space<vmem>> -> memref<1x8x128xf32, #tpu.memory_space<vmem>>
      %dma_start3A_876 = tpu.memref_squeeze %dma_start3A_875 : memref<1x8x128xf32, #tpu.memory_space<vmem>> -> memref<8x128xf32, #tpu.memory_space<vmem>>
      tpu.enqueue_dma source(%dma_start3A_876 : memref<8x128xf32, #tpu.memory_space<vmem>>) target(%dma_start3A_872 : memref<8x128xf32, #tpu.memory_space<hbm>>) target_semaphore(%dma_start3A_868 : memref<!tpu.dma_semaphore, #tpu.memory_space<semaphore_mem>>)
      %mul3A_877 = arith.constant 4 : i32
      %mul3A_878 = arith.muli %mul3A_877, %add3A : i32
      %add3A_879 = arith.addi %mul3A_878, %select_n3A_777 : i32
      %dma_start3A_880 = arith.constant 2 : i32
      %dma_start3A_881 = arith.constant 3 : i32
      %dma_start3A_882 = arith.constant 2 : i32
      %dma_start3A_883 = arith.constant 24 : i32
      %dma_start3A_884 = arith.constant 0 : i32
      %dma_start3A_885 = tpu.memref_slice %arg8[%dma_start3A_880, %dma_start3A_883, %dma_start3A_884] : memref<4x32x128xf32, #tpu.memory_space<vmem>> -> memref<1x8x128xf32, #tpu.memory_space<vmem>>
      %dma_start3A_886 = tpu.memref_squeeze %dma_start3A_885 : memref<1x8x128xf32, #tpu.memory_space<vmem>> -> memref<8x128xf32, #tpu.memory_space<vmem>>
      %dma_start3A_887 = arith.constant 0 : i32
      %dma_start3A_888 = arith.constant 0 : i32
      %dma_start3A_889 = tpu.memref_slice %arg4[%sub3A_780, %dma_start3A_881, %add3A_879, %dma_start3A_887, %dma_start3A_888] : memref<50x4x128x8x128xf32, #tpu.memory_space<hbm>> -> memref<1x1x1x8x128xf32, #tpu.memory_space<hbm>>
      %dma_start3A_890 = tpu.memref_squeeze %dma_start3A_889 : memref<1x1x1x8x128xf32, #tpu.memory_space<hbm>> -> memref<8x128xf32, #tpu.memory_space<hbm>>
      %dma_start3A_891 = tpu.memref_slice %arg10[%dma_start3A_882] : memref<4x!tpu.dma_semaphore, #tpu.memory_space<semaphore_mem>> -> memref<1x!tpu.dma_semaphore, #tpu.memory_space<semaphore_mem>>
      %dma_start3A_892 = tpu.memref_squeeze %dma_start3A_891 : memref<1x!tpu.dma_semaphore, #tpu.memory_space<semaphore_mem>> -> memref<!tpu.dma_semaphore, #tpu.memory_space<semaphore_mem>>
      %dma_start3A_893 = arith.constant 0 : i32
      %dma_start3A_894 = arith.constant 0 : i32
      %dma_start3A_895 = tpu.memref_slice %arg4[%sub3A_780, %dma_start3A_881, %add3A_879, %dma_start3A_893, %dma_start3A_894] : memref<50x4x128x8x128xf32, #tpu.memory_space<hbm>> -> memref<1x1x1x8x128xf32, #tpu.memory_space<hbm>>
      %dma_start3A_896 = tpu.memref_squeeze %dma_start3A_895 : memref<1x1x1x8x128xf32, #tpu.memory_space<hbm>> -> memref<8x128xf32, #tpu.memory_space<hbm>>
      %dma_start3A_897 = arith.constant 24 : i32
      %dma_start3A_898 = arith.constant 0 : i32
      %dma_start3A_899 = tpu.memref_slice %arg8[%dma_start3A_880, %dma_start3A_897, %dma_start3A_898] : memref<4x32x128xf32, #tpu.memory_space<vmem>> -> memref<1x8x128xf32, #tpu.memory_space<vmem>>
      %dma_start3A_900 = tpu.memref_squeeze %dma_start3A_899 : memref<1x8x128xf32, #tpu.memory_space<vmem>> -> memref<8x128xf32, #tpu.memory_space<vmem>>
      tpu.enqueue_dma source(%dma_start3A_900 : memref<8x128xf32, #tpu.memory_space<vmem>>) target(%dma_start3A_896 : memref<8x128xf32, #tpu.memory_space<hbm>>) target_semaphore(%dma_start3A_892 : memref<!tpu.dma_semaphore, #tpu.memory_space<semaphore_mem>>)
      %add3A_901 = arith.constant 4 : i32
      %add3A_902 = arith.addi %add3A_753, %add3A_901 : i32
      %lt3A_903 = arith.constant 200 : i32
      %lt3A_904 = arith.cmpi slt, %add3A_902, %lt3A_903 : i32
      %convert_element_type3A_905 = arith.extui %lt3A_904 : i1 to i32
      %cond3A_906 = arith.constant 0 : i32
      %cond3A_907 = arith.cmpi ne, %convert_element_type3A_905, %cond3A_906 : i32
      scf.if %cond3A_907 {
        %jit3A_1066 = arith.constant 50 : i32
        %div3A_1067 = arith.divsi %add3A_902, %jit3A_1066 : i32
        %sign3A_1068 = arith.constant 0 : i32
        %sign3A_1069 = arith.cmpi sgt, %add3A_902, %sign3A_1068 : i32
        %sign3A_1070 = arith.extui %sign3A_1069 : i1 to i32
        %sign3A_1071 = arith.constant 0 : i32
        %sign3A_1072 = arith.cmpi slt, %add3A_902, %sign3A_1071 : i32
        %sign3A_1073 = arith.extui %sign3A_1072 : i1 to i32
        %sign3A_1074 = arith.subi %sign3A_1070, %sign3A_1073 : i32
        %sign3A_1075 = arith.constant 0 : i32
        %sign3A_1076 = arith.cmpi sgt, %jit3A_1066, %sign3A_1075 : i32
        %sign3A_1077 = arith.extui %sign3A_1076 : i1 to i32
        %sign3A_1078 = arith.constant 0 : i32
        %sign3A_1079 = arith.cmpi slt, %jit3A_1066, %sign3A_1078 : i32
        %sign3A_1080 = arith.extui %sign3A_1079 : i1 to i32
        %sign3A_1081 = arith.subi %sign3A_1077, %sign3A_1080 : i32
        %ne3A_1082 = arith.cmpi ne, %sign3A_1074, %sign3A_1081 : i32
        %rem3A_1083 = arith.remsi %add3A_902, %jit3A_1066 : i32
        %ne3A_1084 = arith.constant 0 : i32
        %ne3A_1085 = arith.cmpi ne, %rem3A_1083, %ne3A_1084 : i32
        %and3A_1086 = arith.andi %ne3A_1082, %ne3A_1085 : i1
        %sub3A_1087 = arith.constant 1 : i32
        %sub3A_1088 = arith.subi %div3A_1067, %sub3A_1087 : i32
        %select_n3A_1089 = arith.select %and3A_1086, %sub3A_1088, %div3A_1067 : i32
        %mul3A_1090 = arith.constant 50 : i32
        %mul3A_1091 = arith.muli %select_n3A_1089, %mul3A_1090 : i32
        %sub3A_1092 = arith.subi %add3A_902, %mul3A_1091 : i32
        %dma_start3A_1093 = arith.constant 2 : i32
        %dma_start3A_1094 = arith.constant 2 : i32
        %dma_start3A_1095 = arith.constant 0 : i32
        %dma_start3A_1096 = arith.constant 0 : i32
        %dma_start3A_1097 = tpu.memref_slice %arg7[%dma_start3A_1093, %dma_start3A_1095, %dma_start3A_1096] : memref<4x128x32xf32, #tpu.memory_space<vmem>> -> memref<1x128x32xf32, #tpu.memory_space<vmem>>
        %dma_start3A_1098 = tpu.memref_squeeze %dma_start3A_1097 : memref<1x128x32xf32, #tpu.memory_space<vmem>> -> memref<128x32xf32, #tpu.memory_space<vmem>>
        %dma_start3A_1099 = arith.constant 0 : i32
        %dma_start3A_1100 = tpu.memref_slice %arg6[%select_n3A_1089, %sub3A_1092, %dma_start3A_1099] : memref<4x50x128xi32, #tpu.memory_space<vmem>> -> memref<1x1x128xi32, #tpu.memory_space<vmem>>
        %dma_start3A_1101 = tpu.memref_squeeze %dma_start3A_1100 : memref<1x1x128xi32, #tpu.memory_space<vmem>> -> memref<128xi32, #tpu.memory_space<vmem>>
        %dma_start3A_1102 = arith.constant 0 : i32
        %dma_start3A_1103 = arith.constant 0 : i32
        %dma_start3A_1104 = tpu.memref_slice %arg3[%dma_start3A_1102, %dma_start3A_1103] : memref<1000000x32xf32, #tpu.memory_space<hbm>> -> memref<1000000x32xf32, #tpu.memory_space<hbm>>
        %dma_start3A_1105 = tpu.memref_slice %arg9[%dma_start3A_1094] : memref<4x!tpu.dma_semaphore, #tpu.memory_space<semaphore_mem>> -> memref<1x!tpu.dma_semaphore, #tpu.memory_space<semaphore_mem>>
        %dma_start3A_1106 = tpu.memref_squeeze %dma_start3A_1105 : memref<1x!tpu.dma_semaphore, #tpu.memory_space<semaphore_mem>> -> memref<!tpu.dma_semaphore, #tpu.memory_space<semaphore_mem>>
        tpu.enqueue_indirect_dma source(%dma_start3A_1104 : memref<1000000x32xf32, #tpu.memory_space<hbm>>) target(%dma_start3A_1098 : memref<128x32xf32, #tpu.memory_space<vmem>>) offsets(%dma_start3A_1101 : memref<128xi32, #tpu.memory_space<vmem>>) semaphore(%dma_start3A_1106 : memref<!tpu.dma_semaphore, #tpu.memory_space<semaphore_mem>>)
      } else {
      }
      %mul3A_908 = arith.constant 4 : i32
      %mul3A_909 = arith.muli %add3A_446, %mul3A_908 : i32
      %add3A_910 = arith.constant 3 : i32
      %add3A_911 = arith.addi %mul3A_909, %add3A_910 : i32
      %jit3A_912 = arith.constant 50 : i32
      %div3A_913 = arith.divsi %add3A_911, %jit3A_912 : i32
      %sign3A_914 = arith.constant 0 : i32
      %sign3A_915 = arith.cmpi sgt, %add3A_911, %sign3A_914 : i32
      %sign3A_916 = arith.extui %sign3A_915 : i1 to i32
      %sign3A_917 = arith.constant 0 : i32
      %sign3A_918 = arith.cmpi slt, %add3A_911, %sign3A_917 : i32
      %sign3A_919 = arith.extui %sign3A_918 : i1 to i32
      %sign3A_920 = arith.subi %sign3A_916, %sign3A_919 : i32
      %sign3A_921 = arith.constant 0 : i32
      %sign3A_922 = arith.cmpi sgt, %jit3A_912, %sign3A_921 : i32
      %sign3A_923 = arith.extui %sign3A_922 : i1 to i32
      %sign3A_924 = arith.constant 0 : i32
      %sign3A_925 = arith.cmpi slt, %jit3A_912, %sign3A_924 : i32
      %sign3A_926 = arith.extui %sign3A_925 : i1 to i32
      %sign3A_927 = arith.subi %sign3A_923, %sign3A_926 : i32
      %ne3A_928 = arith.cmpi ne, %sign3A_920, %sign3A_927 : i32
      %rem3A_929 = arith.remsi %add3A_911, %jit3A_912 : i32
      %ne3A_930 = arith.constant 0 : i32
      %ne3A_931 = arith.cmpi ne, %rem3A_929, %ne3A_930 : i32
      %and3A_932 = arith.andi %ne3A_928, %ne3A_931 : i1
      %sub3A_933 = arith.constant 1 : i32
      %sub3A_934 = arith.subi %div3A_913, %sub3A_933 : i32
      %select_n3A_935 = arith.select %and3A_932, %sub3A_934, %div3A_913 : i32
      %mul3A_936 = arith.constant 50 : i32
      %mul3A_937 = arith.muli %select_n3A_935, %mul3A_936 : i32
      %sub3A_938 = arith.subi %add3A_911, %mul3A_937 : i32
      %dma_wait3A_939 = arith.constant 0 : i32
      %dma_wait3A_940 = arith.constant 0 : i32
      %dma_wait3A_941 = arith.constant 3 : i32
      %dma_wait3A_942 = arith.constant 3 : i32
      %dma_wait3A_943 = arith.constant 0 : i32
      %dma_wait3A_944 = arith.constant 0 : i32
      %dma_wait3A_945 = tpu.memref_slice %arg7[%dma_wait3A_941, %dma_wait3A_943, %dma_wait3A_944] : memref<4x128x32xf32, #tpu.memory_space<vmem>> -> memref<1x128x32xf32, #tpu.memory_space<vmem>>
      %dma_wait3A_946 = tpu.memref_squeeze %dma_wait3A_945 : memref<1x128x32xf32, #tpu.memory_space<vmem>> -> memref<128x32xf32, #tpu.memory_space<vmem>>
      %dma_wait3A_947 = arith.constant 0 : i32
      %dma_wait3A_948 = tpu.memref_slice %arg6[%dma_wait3A_939, %dma_wait3A_940, %dma_wait3A_947] : memref<4x50x128xi32, #tpu.memory_space<vmem>> -> memref<1x1x128xi32, #tpu.memory_space<vmem>>
      %dma_wait3A_949 = tpu.memref_squeeze %dma_wait3A_948 : memref<1x1x128xi32, #tpu.memory_space<vmem>> -> memref<128xi32, #tpu.memory_space<vmem>>
      %dma_wait3A_950 = arith.constant 0 : i32
      %dma_wait3A_951 = arith.constant 0 : i32
      %dma_wait3A_952 = tpu.memref_slice %arg3[%dma_wait3A_950, %dma_wait3A_951] : memref<1000000x32xf32, #tpu.memory_space<hbm>> -> memref<1000000x32xf32, #tpu.memory_space<hbm>>
      %dma_wait3A_953 = tpu.memref_slice %arg9[%dma_wait3A_942] : memref<4x!tpu.dma_semaphore, #tpu.memory_space<semaphore_mem>> -> memref<1x!tpu.dma_semaphore, #tpu.memory_space<semaphore_mem>>
      %dma_wait3A_954 = tpu.memref_squeeze %dma_wait3A_953 : memref<1x!tpu.dma_semaphore, #tpu.memory_space<semaphore_mem>> -> memref<!tpu.dma_semaphore, #tpu.memory_space<semaphore_mem>>
      tpu.wait_indirect_dma semaphore(%dma_wait3A_954 : memref<!tpu.dma_semaphore, #tpu.memory_space<semaphore_mem>>) src(%dma_wait3A_952 : memref<1000000x32xf32, #tpu.memory_space<hbm>>) dst(%dma_wait3A_946 : memref<128x32xf32, #tpu.memory_space<vmem>>)
      %ge3A_955 = arith.constant 4 : i32
      %ge3A_956 = arith.cmpi sge, %add3A_911, %ge3A_955 : i32
      %convert_element_type3A_957 = arith.extui %ge3A_956 : i1 to i32
      %cond3A_958 = arith.constant 0 : i32
      %cond3A_959 = arith.cmpi ne, %convert_element_type3A_957, %cond3A_958 : i32
      scf.if %cond3A_959 {
        %dma_wait3A_1066 = arith.constant 3 : i32
        %dma_wait3A_1067 = arith.constant 0 : i32
        %dma_wait3A_1068 = arith.constant 0 : i32
        %dma_wait3A_1069 = arith.constant 0 : i32
        %dma_wait3A_1070 = arith.constant 3 : i32
        %dma_wait3A_1071 = arith.constant 0 : i32
        %dma_wait3A_1072 = arith.constant 0 : i32
        %dma_wait3A_1073 = tpu.memref_slice %arg8[%dma_wait3A_1066, %dma_wait3A_1071, %dma_wait3A_1072] : memref<4x32x128xf32, #tpu.memory_space<vmem>> -> memref<1x8x128xf32, #tpu.memory_space<vmem>>
        %dma_wait3A_1074 = tpu.memref_squeeze %dma_wait3A_1073 : memref<1x8x128xf32, #tpu.memory_space<vmem>> -> memref<8x128xf32, #tpu.memory_space<vmem>>
        %dma_wait3A_1075 = arith.constant 0 : i32
        %dma_wait3A_1076 = arith.constant 0 : i32
        %dma_wait3A_1077 = tpu.memref_slice %arg4[%dma_wait3A_1067, %dma_wait3A_1068, %dma_wait3A_1069, %dma_wait3A_1075, %dma_wait3A_1076] : memref<50x4x128x8x128xf32, #tpu.memory_space<hbm>> -> memref<1x1x1x8x128xf32, #tpu.memory_space<hbm>>
        %dma_wait3A_1078 = tpu.memref_squeeze %dma_wait3A_1077 : memref<1x1x1x8x128xf32, #tpu.memory_space<hbm>> -> memref<8x128xf32, #tpu.memory_space<hbm>>
        %dma_wait3A_1079 = tpu.memref_slice %arg10[%dma_wait3A_1070] : memref<4x!tpu.dma_semaphore, #tpu.memory_space<semaphore_mem>> -> memref<1x!tpu.dma_semaphore, #tpu.memory_space<semaphore_mem>>
        %dma_wait3A_1080 = tpu.memref_squeeze %dma_wait3A_1079 : memref<1x!tpu.dma_semaphore, #tpu.memory_space<semaphore_mem>> -> memref<!tpu.dma_semaphore, #tpu.memory_space<semaphore_mem>>
        %dma_wait3A_1081 = arith.constant 0 : i32
        %dma_wait3A_1082 = arith.constant 0 : i32
        %dma_wait3A_1083 = tpu.memref_slice %arg4[%dma_wait3A_1067, %dma_wait3A_1068, %dma_wait3A_1069, %dma_wait3A_1081, %dma_wait3A_1082] : memref<50x4x128x8x128xf32, #tpu.memory_space<hbm>> -> memref<1x1x1x8x128xf32, #tpu.memory_space<hbm>>
        %dma_wait3A_1084 = tpu.memref_squeeze %dma_wait3A_1083 : memref<1x1x1x8x128xf32, #tpu.memory_space<hbm>> -> memref<8x128xf32, #tpu.memory_space<hbm>>
        %dma_wait3A_1085 = arith.constant 0 : i32
        %dma_wait3A_1086 = arith.constant 0 : i32
        %dma_wait3A_1087 = tpu.memref_slice %arg8[%dma_wait3A_1066, %dma_wait3A_1085, %dma_wait3A_1086] : memref<4x32x128xf32, #tpu.memory_space<vmem>> -> memref<1x8x128xf32, #tpu.memory_space<vmem>>
        %dma_wait3A_1088 = tpu.memref_squeeze %dma_wait3A_1087 : memref<1x8x128xf32, #tpu.memory_space<vmem>> -> memref<8x128xf32, #tpu.memory_space<vmem>>
        tpu.wait_dma2 semaphore(%dma_wait3A_1080 : memref<!tpu.dma_semaphore, #tpu.memory_space<semaphore_mem>>) src(%dma_wait3A_1088 : memref<8x128xf32, #tpu.memory_space<vmem>>) dst(%dma_wait3A_1084 : memref<8x128xf32, #tpu.memory_space<hbm>>)
        %dma_wait3A_1089 = arith.constant 3 : i32
        %dma_wait3A_1090 = arith.constant 0 : i32
        %dma_wait3A_1091 = arith.constant 1 : i32
        %dma_wait3A_1092 = arith.constant 0 : i32
        %dma_wait3A_1093 = arith.constant 3 : i32
        %dma_wait3A_1094 = arith.constant 8 : i32
        %dma_wait3A_1095 = arith.constant 0 : i32
        %dma_wait3A_1096 = tpu.memref_slice %arg8[%dma_wait3A_1089, %dma_wait3A_1094, %dma_wait3A_1095] : memref<4x32x128xf32, #tpu.memory_space<vmem>> -> memref<1x8x128xf32, #tpu.memory_space<vmem>>
        %dma_wait3A_1097 = tpu.memref_squeeze %dma_wait3A_1096 : memref<1x8x128xf32, #tpu.memory_space<vmem>> -> memref<8x128xf32, #tpu.memory_space<vmem>>
        %dma_wait3A_1098 = arith.constant 0 : i32
        %dma_wait3A_1099 = arith.constant 0 : i32
        %dma_wait3A_1100 = tpu.memref_slice %arg4[%dma_wait3A_1090, %dma_wait3A_1091, %dma_wait3A_1092, %dma_wait3A_1098, %dma_wait3A_1099] : memref<50x4x128x8x128xf32, #tpu.memory_space<hbm>> -> memref<1x1x1x8x128xf32, #tpu.memory_space<hbm>>
        %dma_wait3A_1101 = tpu.memref_squeeze %dma_wait3A_1100 : memref<1x1x1x8x128xf32, #tpu.memory_space<hbm>> -> memref<8x128xf32, #tpu.memory_space<hbm>>
        %dma_wait3A_1102 = tpu.memref_slice %arg10[%dma_wait3A_1093] : memref<4x!tpu.dma_semaphore, #tpu.memory_space<semaphore_mem>> -> memref<1x!tpu.dma_semaphore, #tpu.memory_space<semaphore_mem>>
        %dma_wait3A_1103 = tpu.memref_squeeze %dma_wait3A_1102 : memref<1x!tpu.dma_semaphore, #tpu.memory_space<semaphore_mem>> -> memref<!tpu.dma_semaphore, #tpu.memory_space<semaphore_mem>>
        %dma_wait3A_1104 = arith.constant 0 : i32
        %dma_wait3A_1105 = arith.constant 0 : i32
        %dma_wait3A_1106 = tpu.memref_slice %arg4[%dma_wait3A_1090, %dma_wait3A_1091, %dma_wait3A_1092, %dma_wait3A_1104, %dma_wait3A_1105] : memref<50x4x128x8x128xf32, #tpu.memory_space<hbm>> -> memref<1x1x1x8x128xf32, #tpu.memory_space<hbm>>
        %dma_wait3A_1107 = tpu.memref_squeeze %dma_wait3A_1106 : memref<1x1x1x8x128xf32, #tpu.memory_space<hbm>> -> memref<8x128xf32, #tpu.memory_space<hbm>>
        %dma_wait3A_1108 = arith.constant 8 : i32
        %dma_wait3A_1109 = arith.constant 0 : i32
        %dma_wait3A_1110 = tpu.memref_slice %arg8[%dma_wait3A_1089, %dma_wait3A_1108, %dma_wait3A_1109] : memref<4x32x128xf32, #tpu.memory_space<vmem>> -> memref<1x8x128xf32, #tpu.memory_space<vmem>>
        %dma_wait3A_1111 = tpu.memref_squeeze %dma_wait3A_1110 : memref<1x8x128xf32, #tpu.memory_space<vmem>> -> memref<8x128xf32, #tpu.memory_space<vmem>>
        tpu.wait_dma2 semaphore(%dma_wait3A_1103 : memref<!tpu.dma_semaphore, #tpu.memory_space<semaphore_mem>>) src(%dma_wait3A_1111 : memref<8x128xf32, #tpu.memory_space<vmem>>) dst(%dma_wait3A_1107 : memref<8x128xf32, #tpu.memory_space<hbm>>)
        %dma_wait3A_1112 = arith.constant 3 : i32
        %dma_wait3A_1113 = arith.constant 0 : i32
        %dma_wait3A_1114 = arith.constant 2 : i32
        %dma_wait3A_1115 = arith.constant 0 : i32
        %dma_wait3A_1116 = arith.constant 3 : i32
        %dma_wait3A_1117 = arith.constant 16 : i32
        %dma_wait3A_1118 = arith.constant 0 : i32
        %dma_wait3A_1119 = tpu.memref_slice %arg8[%dma_wait3A_1112, %dma_wait3A_1117, %dma_wait3A_1118] : memref<4x32x128xf32, #tpu.memory_space<vmem>> -> memref<1x8x128xf32, #tpu.memory_space<vmem>>
        %dma_wait3A_1120 = tpu.memref_squeeze %dma_wait3A_1119 : memref<1x8x128xf32, #tpu.memory_space<vmem>> -> memref<8x128xf32, #tpu.memory_space<vmem>>
        %dma_wait3A_1121 = arith.constant 0 : i32
        %dma_wait3A_1122 = arith.constant 0 : i32
        %dma_wait3A_1123 = tpu.memref_slice %arg4[%dma_wait3A_1113, %dma_wait3A_1114, %dma_wait3A_1115, %dma_wait3A_1121, %dma_wait3A_1122] : memref<50x4x128x8x128xf32, #tpu.memory_space<hbm>> -> memref<1x1x1x8x128xf32, #tpu.memory_space<hbm>>
        %dma_wait3A_1124 = tpu.memref_squeeze %dma_wait3A_1123 : memref<1x1x1x8x128xf32, #tpu.memory_space<hbm>> -> memref<8x128xf32, #tpu.memory_space<hbm>>
        %dma_wait3A_1125 = tpu.memref_slice %arg10[%dma_wait3A_1116] : memref<4x!tpu.dma_semaphore, #tpu.memory_space<semaphore_mem>> -> memref<1x!tpu.dma_semaphore, #tpu.memory_space<semaphore_mem>>
        %dma_wait3A_1126 = tpu.memref_squeeze %dma_wait3A_1125 : memref<1x!tpu.dma_semaphore, #tpu.memory_space<semaphore_mem>> -> memref<!tpu.dma_semaphore, #tpu.memory_space<semaphore_mem>>
        %dma_wait3A_1127 = arith.constant 0 : i32
        %dma_wait3A_1128 = arith.constant 0 : i32
        %dma_wait3A_1129 = tpu.memref_slice %arg4[%dma_wait3A_1113, %dma_wait3A_1114, %dma_wait3A_1115, %dma_wait3A_1127, %dma_wait3A_1128] : memref<50x4x128x8x128xf32, #tpu.memory_space<hbm>> -> memref<1x1x1x8x128xf32, #tpu.memory_space<hbm>>
        %dma_wait3A_1130 = tpu.memref_squeeze %dma_wait3A_1129 : memref<1x1x1x8x128xf32, #tpu.memory_space<hbm>> -> memref<8x128xf32, #tpu.memory_space<hbm>>
        %dma_wait3A_1131 = arith.constant 16 : i32
        %dma_wait3A_1132 = arith.constant 0 : i32
        %dma_wait3A_1133 = tpu.memref_slice %arg8[%dma_wait3A_1112, %dma_wait3A_1131, %dma_wait3A_1132] : memref<4x32x128xf32, #tpu.memory_space<vmem>> -> memref<1x8x128xf32, #tpu.memory_space<vmem>>
        %dma_wait3A_1134 = tpu.memref_squeeze %dma_wait3A_1133 : memref<1x8x128xf32, #tpu.memory_space<vmem>> -> memref<8x128xf32, #tpu.memory_space<vmem>>
        tpu.wait_dma2 semaphore(%dma_wait3A_1126 : memref<!tpu.dma_semaphore, #tpu.memory_space<semaphore_mem>>) src(%dma_wait3A_1134 : memref<8x128xf32, #tpu.memory_space<vmem>>) dst(%dma_wait3A_1130 : memref<8x128xf32, #tpu.memory_space<hbm>>)
        %dma_wait3A_1135 = arith.constant 3 : i32
        %dma_wait3A_1136 = arith.constant 0 : i32
        %dma_wait3A_1137 = arith.constant 3 : i32
        %dma_wait3A_1138 = arith.constant 0 : i32
        %dma_wait3A_1139 = arith.constant 3 : i32
        %dma_wait3A_1140 = arith.constant 24 : i32
        %dma_wait3A_1141 = arith.constant 0 : i32
        %dma_wait3A_1142 = tpu.memref_slice %arg8[%dma_wait3A_1135, %dma_wait3A_1140, %dma_wait3A_1141] : memref<4x32x128xf32, #tpu.memory_space<vmem>> -> memref<1x8x128xf32, #tpu.memory_space<vmem>>
        %dma_wait3A_1143 = tpu.memref_squeeze %dma_wait3A_1142 : memref<1x8x128xf32, #tpu.memory_space<vmem>> -> memref<8x128xf32, #tpu.memory_space<vmem>>
        %dma_wait3A_1144 = arith.constant 0 : i32
        %dma_wait3A_1145 = arith.constant 0 : i32
        %dma_wait3A_1146 = tpu.memref_slice %arg4[%dma_wait3A_1136, %dma_wait3A_1137, %dma_wait3A_1138, %dma_wait3A_1144, %dma_wait3A_1145] : memref<50x4x128x8x128xf32, #tpu.memory_space<hbm>> -> memref<1x1x1x8x128xf32, #tpu.memory_space<hbm>>
        %dma_wait3A_1147 = tpu.memref_squeeze %dma_wait3A_1146 : memref<1x1x1x8x128xf32, #tpu.memory_space<hbm>> -> memref<8x128xf32, #tpu.memory_space<hbm>>
        %dma_wait3A_1148 = tpu.memref_slice %arg10[%dma_wait3A_1139] : memref<4x!tpu.dma_semaphore, #tpu.memory_space<semaphore_mem>> -> memref<1x!tpu.dma_semaphore, #tpu.memory_space<semaphore_mem>>
        %dma_wait3A_1149 = tpu.memref_squeeze %dma_wait3A_1148 : memref<1x!tpu.dma_semaphore, #tpu.memory_space<semaphore_mem>> -> memref<!tpu.dma_semaphore, #tpu.memory_space<semaphore_mem>>
        %dma_wait3A_1150 = arith.constant 0 : i32
        %dma_wait3A_1151 = arith.constant 0 : i32
        %dma_wait3A_1152 = tpu.memref_slice %arg4[%dma_wait3A_1136, %dma_wait3A_1137, %dma_wait3A_1138, %dma_wait3A_1150, %dma_wait3A_1151] : memref<50x4x128x8x128xf32, #tpu.memory_space<hbm>> -> memref<1x1x1x8x128xf32, #tpu.memory_space<hbm>>
        %dma_wait3A_1153 = tpu.memref_squeeze %dma_wait3A_1152 : memref<1x1x1x8x128xf32, #tpu.memory_space<hbm>> -> memref<8x128xf32, #tpu.memory_space<hbm>>
        %dma_wait3A_1154 = arith.constant 24 : i32
        %dma_wait3A_1155 = arith.constant 0 : i32
        %dma_wait3A_1156 = tpu.memref_slice %arg8[%dma_wait3A_1135, %dma_wait3A_1154, %dma_wait3A_1155] : memref<4x32x128xf32, #tpu.memory_space<vmem>> -> memref<1x8x128xf32, #tpu.memory_space<vmem>>
        %dma_wait3A_1157 = tpu.memref_squeeze %dma_wait3A_1156 : memref<1x8x128xf32, #tpu.memory_space<vmem>> -> memref<8x128xf32, #tpu.memory_space<vmem>>
        tpu.wait_dma2 semaphore(%dma_wait3A_1149 : memref<!tpu.dma_semaphore, #tpu.memory_space<semaphore_mem>>) src(%dma_wait3A_1157 : memref<8x128xf32, #tpu.memory_space<vmem>>) dst(%dma_wait3A_1153 : memref<8x128xf32, #tpu.memory_space<hbm>>)
      } else {
      }
      %parallel_loop3A_960 = arith.constant 0 : i32
      %parallel_loop3A_961 = arith.constant 32 : i32
      %parallel_loop3A_962 = arith.constant 1 : i32
      scf.for %parallel_loop3A_1066 = %parallel_loop3A_960 to %parallel_loop3A_961 step %parallel_loop3A_962  : i32 {
        %parallel_loop3A_1067 = vector.broadcast %parallel_loop3A_1066 : i32 to vector<16xi32>
        %parallel_loop3A_1068 = arith.addi %parallel_loop3A_1067, %iota3A : vector<16xi32>
        %parallel_loop3A_1069 = arith.constant 31 : i32
        %parallel_loop3A_1070 = vector.broadcast %parallel_loop3A_1069 : i32 to vector<16xi32>
        %parallel_loop3A_1071 = arith.andi %parallel_loop3A_1068, %parallel_loop3A_1070 : vector<16xi32>
        %parallel_loop3A_1072 = arith.constant 0 : i32
        %parallel_loop3A_1073 = vector.broadcast %parallel_loop3A_1072 : i32 to vector<16xi32>
        %parallel_loop3A_1074 = arith.addi %iota3A, %parallel_loop3A_1073 : vector<16xi32>
        %parallel_loop3A_1075 = arith.constant 3 : i32
        %parallel_loop3A_1076 = arith.constant 0 : i32
        %parallel_loop3A_1077 = arith.constant 0 : i32
        %parallel_loop3A_1078 = tpu.memref_slice %arg7[%parallel_loop3A_1075, %parallel_loop3A_1076, %parallel_loop3A_1077] : memref<4x128x32xf32, #tpu.memory_space<vmem>> -> memref<1x128x32xf32, #tpu.memory_space<vmem>>
        %parallel_loop3A_1079 = tpu.memref_squeeze %parallel_loop3A_1078 : memref<1x128x32xf32, #tpu.memory_space<vmem>> -> memref<128x32xf32, #tpu.memory_space<vmem>>
        %parallel_loop3A_1080 = tpu.vector_load_idx %parallel_loop3A_1079[%parallel_loop3A_1074, %parallel_loop3A_1071] : memref<128x32xf32, #tpu.memory_space<vmem>>[vector<16xi32>, vector<16xi32>], vector<16xf32>,
        %parallel_loop3A_1081 = arith.constant 3 : i32
        %parallel_loop3A_1082 = arith.constant 0 : i32
        %parallel_loop3A_1083 = arith.constant 0 : i32
        %parallel_loop3A_1084 = tpu.memref_slice %arg8[%parallel_loop3A_1081, %parallel_loop3A_1082, %parallel_loop3A_1083] : memref<4x32x128xf32, #tpu.memory_space<vmem>> -> memref<1x32x128xf32, #tpu.memory_space<vmem>>
        %parallel_loop3A_1085 = tpu.memref_squeeze %parallel_loop3A_1084 : memref<1x32x128xf32, #tpu.memory_space<vmem>> -> memref<32x128xf32, #tpu.memory_space<vmem>>
        tpu.vector_store_idx %parallel_loop3A_1085[%parallel_loop3A_1071, %parallel_loop3A_1074], %parallel_loop3A_1080 : memref<32x128xf32, #tpu.memory_space<vmem>>[vector<16xi32>, vector<16xi32>], vector<16xf32>,
        %parallel_loop3A_1086 = arith.constant 16 : i32
        %parallel_loop3A_1087 = vector.broadcast %parallel_loop3A_1086 : i32 to vector<16xi32>
        %parallel_loop3A_1088 = arith.addi %iota3A, %parallel_loop3A_1087 : vector<16xi32>
        %parallel_loop3A_1089 = arith.constant 3 : i32
        %parallel_loop3A_1090 = arith.constant 0 : i32
        %parallel_loop3A_1091 = arith.constant 0 : i32
        %parallel_loop3A_1092 = tpu.memref_slice %arg7[%parallel_loop3A_1089, %parallel_loop3A_1090, %parallel_loop3A_1091] : memref<4x128x32xf32, #tpu.memory_space<vmem>> -> memref<1x128x32xf32, #tpu.memory_space<vmem>>
        %parallel_loop3A_1093 = tpu.memref_squeeze %parallel_loop3A_1092 : memref<1x128x32xf32, #tpu.memory_space<vmem>> -> memref<128x32xf32, #tpu.memory_space<vmem>>
        %parallel_loop3A_1094 = tpu.vector_load_idx %parallel_loop3A_1093[%parallel_loop3A_1088, %parallel_loop3A_1071] : memref<128x32xf32, #tpu.memory_space<vmem>>[vector<16xi32>, vector<16xi32>], vector<16xf32>,
        %parallel_loop3A_1095 = arith.constant 3 : i32
        %parallel_loop3A_1096 = arith.constant 0 : i32
        %parallel_loop3A_1097 = arith.constant 0 : i32
        %parallel_loop3A_1098 = tpu.memref_slice %arg8[%parallel_loop3A_1095, %parallel_loop3A_1096, %parallel_loop3A_1097] : memref<4x32x128xf32, #tpu.memory_space<vmem>> -> memref<1x32x128xf32, #tpu.memory_space<vmem>>
        %parallel_loop3A_1099 = tpu.memref_squeeze %parallel_loop3A_1098 : memref<1x32x128xf32, #tpu.memory_space<vmem>> -> memref<32x128xf32, #tpu.memory_space<vmem>>
        tpu.vector_store_idx %parallel_loop3A_1099[%parallel_loop3A_1071, %parallel_loop3A_1088], %parallel_loop3A_1094 : memref<32x128xf32, #tpu.memory_space<vmem>>[vector<16xi32>, vector<16xi32>], vector<16xf32>,
        %parallel_loop3A_1100 = arith.constant 32 : i32
        %parallel_loop3A_1101 = vector.broadcast %parallel_loop3A_1100 : i32 to vector<16xi32>
        %parallel_loop3A_1102 = arith.addi %iota3A, %parallel_loop3A_1101 : vector<16xi32>
        %parallel_loop3A_1103 = arith.constant 3 : i32
        %parallel_loop3A_1104 = arith.constant 0 : i32
        %parallel_loop3A_1105 = arith.constant 0 : i32
        %parallel_loop3A_1106 = tpu.memref_slice %arg7[%parallel_loop3A_1103, %parallel_loop3A_1104, %parallel_loop3A_1105] : memref<4x128x32xf32, #tpu.memory_space<vmem>> -> memref<1x128x32xf32, #tpu.memory_space<vmem>>
        %parallel_loop3A_1107 = tpu.memref_squeeze %parallel_loop3A_1106 : memref<1x128x32xf32, #tpu.memory_space<vmem>> -> memref<128x32xf32, #tpu.memory_space<vmem>>
        %parallel_loop3A_1108 = tpu.vector_load_idx %parallel_loop3A_1107[%parallel_loop3A_1102, %parallel_loop3A_1071] : memref<128x32xf32, #tpu.memory_space<vmem>>[vector<16xi32>, vector<16xi32>], vector<16xf32>,
        %parallel_loop3A_1109 = arith.constant 3 : i32
        %parallel_loop3A_1110 = arith.constant 0 : i32
        %parallel_loop3A_1111 = arith.constant 0 : i32
        %parallel_loop3A_1112 = tpu.memref_slice %arg8[%parallel_loop3A_1109, %parallel_loop3A_1110, %parallel_loop3A_1111] : memref<4x32x128xf32, #tpu.memory_space<vmem>> -> memref<1x32x128xf32, #tpu.memory_space<vmem>>
        %parallel_loop3A_1113 = tpu.memref_squeeze %parallel_loop3A_1112 : memref<1x32x128xf32, #tpu.memory_space<vmem>> -> memref<32x128xf32, #tpu.memory_space<vmem>>
        tpu.vector_store_idx %parallel_loop3A_1113[%parallel_loop3A_1071, %parallel_loop3A_1102], %parallel_loop3A_1108 : memref<32x128xf32, #tpu.memory_space<vmem>>[vector<16xi32>, vector<16xi32>], vector<16xf32>,
        %parallel_loop3A_1114 = arith.constant 48 : i32
        %parallel_loop3A_1115 = vector.broadcast %parallel_loop3A_1114 : i32 to vector<16xi32>
        %parallel_loop3A_1116 = arith.addi %iota3A, %parallel_loop3A_1115 : vector<16xi32>
        %parallel_loop3A_1117 = arith.constant 3 : i32
        %parallel_loop3A_1118 = arith.constant 0 : i32
        %parallel_loop3A_1119 = arith.constant 0 : i32
        %parallel_loop3A_1120 = tpu.memref_slice %arg7[%parallel_loop3A_1117, %parallel_loop3A_1118, %parallel_loop3A_1119] : memref<4x128x32xf32, #tpu.memory_space<vmem>> -> memref<1x128x32xf32, #tpu.memory_space<vmem>>
        %parallel_loop3A_1121 = tpu.memref_squeeze %parallel_loop3A_1120 : memref<1x128x32xf32, #tpu.memory_space<vmem>> -> memref<128x32xf32, #tpu.memory_space<vmem>>
        %parallel_loop3A_1122 = tpu.vector_load_idx %parallel_loop3A_1121[%parallel_loop3A_1116, %parallel_loop3A_1071] : memref<128x32xf32, #tpu.memory_space<vmem>>[vector<16xi32>, vector<16xi32>], vector<16xf32>,
        %parallel_loop3A_1123 = arith.constant 3 : i32
        %parallel_loop3A_1124 = arith.constant 0 : i32
        %parallel_loop3A_1125 = arith.constant 0 : i32
        %parallel_loop3A_1126 = tpu.memref_slice %arg8[%parallel_loop3A_1123, %parallel_loop3A_1124, %parallel_loop3A_1125] : memref<4x32x128xf32, #tpu.memory_space<vmem>> -> memref<1x32x128xf32, #tpu.memory_space<vmem>>
        %parallel_loop3A_1127 = tpu.memref_squeeze %parallel_loop3A_1126 : memref<1x32x128xf32, #tpu.memory_space<vmem>> -> memref<32x128xf32, #tpu.memory_space<vmem>>
        tpu.vector_store_idx %parallel_loop3A_1127[%parallel_loop3A_1071, %parallel_loop3A_1116], %parallel_loop3A_1122 : memref<32x128xf32, #tpu.memory_space<vmem>>[vector<16xi32>, vector<16xi32>], vector<16xf32>,
        %parallel_loop3A_1128 = arith.constant 64 : i32
        %parallel_loop3A_1129 = vector.broadcast %parallel_loop3A_1128 : i32 to vector<16xi32>
        %parallel_loop3A_1130 = arith.addi %iota3A, %parallel_loop3A_1129 : vector<16xi32>
        %parallel_loop3A_1131 = arith.constant 3 : i32
        %parallel_loop3A_1132 = arith.constant 0 : i32
        %parallel_loop3A_1133 = arith.constant 0 : i32
        %parallel_loop3A_1134 = tpu.memref_slice %arg7[%parallel_loop3A_1131, %parallel_loop3A_1132, %parallel_loop3A_1133] : memref<4x128x32xf32, #tpu.memory_space<vmem>> -> memref<1x128x32xf32, #tpu.memory_space<vmem>>
        %parallel_loop3A_1135 = tpu.memref_squeeze %parallel_loop3A_1134 : memref<1x128x32xf32, #tpu.memory_space<vmem>> -> memref<128x32xf32, #tpu.memory_space<vmem>>
        %parallel_loop3A_1136 = tpu.vector_load_idx %parallel_loop3A_1135[%parallel_loop3A_1130, %parallel_loop3A_1071] : memref<128x32xf32, #tpu.memory_space<vmem>>[vector<16xi32>, vector<16xi32>], vector<16xf32>,
        %parallel_loop3A_1137 = arith.constant 3 : i32
        %parallel_loop3A_1138 = arith.constant 0 : i32
        %parallel_loop3A_1139 = arith.constant 0 : i32
        %parallel_loop3A_1140 = tpu.memref_slice %arg8[%parallel_loop3A_1137, %parallel_loop3A_1138, %parallel_loop3A_1139] : memref<4x32x128xf32, #tpu.memory_space<vmem>> -> memref<1x32x128xf32, #tpu.memory_space<vmem>>
        %parallel_loop3A_1141 = tpu.memref_squeeze %parallel_loop3A_1140 : memref<1x32x128xf32, #tpu.memory_space<vmem>> -> memref<32x128xf32, #tpu.memory_space<vmem>>
        tpu.vector_store_idx %parallel_loop3A_1141[%parallel_loop3A_1071, %parallel_loop3A_1130], %parallel_loop3A_1136 : memref<32x128xf32, #tpu.memory_space<vmem>>[vector<16xi32>, vector<16xi32>], vector<16xf32>,
        %parallel_loop3A_1142 = arith.constant 80 : i32
        %parallel_loop3A_1143 = vector.broadcast %parallel_loop3A_1142 : i32 to vector<16xi32>
        %parallel_loop3A_1144 = arith.addi %iota3A, %parallel_loop3A_1143 : vector<16xi32>
        %parallel_loop3A_1145 = arith.constant 3 : i32
        %parallel_loop3A_1146 = arith.constant 0 : i32
        %parallel_loop3A_1147 = arith.constant 0 : i32
        %parallel_loop3A_1148 = tpu.memref_slice %arg7[%parallel_loop3A_1145, %parallel_loop3A_1146, %parallel_loop3A_1147] : memref<4x128x32xf32, #tpu.memory_space<vmem>> -> memref<1x128x32xf32, #tpu.memory_space<vmem>>
        %parallel_loop3A_1149 = tpu.memref_squeeze %parallel_loop3A_1148 : memref<1x128x32xf32, #tpu.memory_space<vmem>> -> memref<128x32xf32, #tpu.memory_space<vmem>>
        %parallel_loop3A_1150 = tpu.vector_load_idx %parallel_loop3A_1149[%parallel_loop3A_1144, %parallel_loop3A_1071] : memref<128x32xf32, #tpu.memory_space<vmem>>[vector<16xi32>, vector<16xi32>], vector<16xf32>,
        %parallel_loop3A_1151 = arith.constant 3 : i32
        %parallel_loop3A_1152 = arith.constant 0 : i32
        %parallel_loop3A_1153 = arith.constant 0 : i32
        %parallel_loop3A_1154 = tpu.memref_slice %arg8[%parallel_loop3A_1151, %parallel_loop3A_1152, %parallel_loop3A_1153] : memref<4x32x128xf32, #tpu.memory_space<vmem>> -> memref<1x32x128xf32, #tpu.memory_space<vmem>>
        %parallel_loop3A_1155 = tpu.memref_squeeze %parallel_loop3A_1154 : memref<1x32x128xf32, #tpu.memory_space<vmem>> -> memref<32x128xf32, #tpu.memory_space<vmem>>
        tpu.vector_store_idx %parallel_loop3A_1155[%parallel_loop3A_1071, %parallel_loop3A_1144], %parallel_loop3A_1150 : memref<32x128xf32, #tpu.memory_space<vmem>>[vector<16xi32>, vector<16xi32>], vector<16xf32>,
        %parallel_loop3A_1156 = arith.constant 96 : i32
        %parallel_loop3A_1157 = vector.broadcast %parallel_loop3A_1156 : i32 to vector<16xi32>
        %parallel_loop3A_1158 = arith.addi %iota3A, %parallel_loop3A_1157 : vector<16xi32>
        %parallel_loop3A_1159 = arith.constant 3 : i32
        %parallel_loop3A_1160 = arith.constant 0 : i32
        %parallel_loop3A_1161 = arith.constant 0 : i32
        %parallel_loop3A_1162 = tpu.memref_slice %arg7[%parallel_loop3A_1159, %parallel_loop3A_1160, %parallel_loop3A_1161] : memref<4x128x32xf32, #tpu.memory_space<vmem>> -> memref<1x128x32xf32, #tpu.memory_space<vmem>>
        %parallel_loop3A_1163 = tpu.memref_squeeze %parallel_loop3A_1162 : memref<1x128x32xf32, #tpu.memory_space<vmem>> -> memref<128x32xf32, #tpu.memory_space<vmem>>
        %parallel_loop3A_1164 = tpu.vector_load_idx %parallel_loop3A_1163[%parallel_loop3A_1158, %parallel_loop3A_1071] : memref<128x32xf32, #tpu.memory_space<vmem>>[vector<16xi32>, vector<16xi32>], vector<16xf32>,
        %parallel_loop3A_1165 = arith.constant 3 : i32
        %parallel_loop3A_1166 = arith.constant 0 : i32
        %parallel_loop3A_1167 = arith.constant 0 : i32
        %parallel_loop3A_1168 = tpu.memref_slice %arg8[%parallel_loop3A_1165, %parallel_loop3A_1166, %parallel_loop3A_1167] : memref<4x32x128xf32, #tpu.memory_space<vmem>> -> memref<1x32x128xf32, #tpu.memory_space<vmem>>
        %parallel_loop3A_1169 = tpu.memref_squeeze %parallel_loop3A_1168 : memref<1x32x128xf32, #tpu.memory_space<vmem>> -> memref<32x128xf32, #tpu.memory_space<vmem>>
        tpu.vector_store_idx %parallel_loop3A_1169[%parallel_loop3A_1071, %parallel_loop3A_1158], %parallel_loop3A_1164 : memref<32x128xf32, #tpu.memory_space<vmem>>[vector<16xi32>, vector<16xi32>], vector<16xf32>,
        %parallel_loop3A_1170 = arith.constant 112 : i32
        %parallel_loop3A_1171 = vector.broadcast %parallel_loop3A_1170 : i32 to vector<16xi32>
        %parallel_loop3A_1172 = arith.addi %iota3A, %parallel_loop3A_1171 : vector<16xi32>
        %parallel_loop3A_1173 = arith.constant 3 : i32
        %parallel_loop3A_1174 = arith.constant 0 : i32
        %parallel_loop3A_1175 = arith.constant 0 : i32
        %parallel_loop3A_1176 = tpu.memref_slice %arg7[%parallel_loop3A_1173, %parallel_loop3A_1174, %parallel_loop3A_1175] : memref<4x128x32xf32, #tpu.memory_space<vmem>> -> memref<1x128x32xf32, #tpu.memory_space<vmem>>
        %parallel_loop3A_1177 = tpu.memref_squeeze %parallel_loop3A_1176 : memref<1x128x32xf32, #tpu.memory_space<vmem>> -> memref<128x32xf32, #tpu.memory_space<vmem>>
        %parallel_loop3A_1178 = tpu.vector_load_idx %parallel_loop3A_1177[%parallel_loop3A_1172, %parallel_loop3A_1071] : memref<128x32xf32, #tpu.memory_space<vmem>>[vector<16xi32>, vector<16xi32>], vector<16xf32>,
        %parallel_loop3A_1179 = arith.constant 3 : i32
        %parallel_loop3A_1180 = arith.constant 0 : i32
        %parallel_loop3A_1181 = arith.constant 0 : i32
        %parallel_loop3A_1182 = tpu.memref_slice %arg8[%parallel_loop3A_1179, %parallel_loop3A_1180, %parallel_loop3A_1181] : memref<4x32x128xf32, #tpu.memory_space<vmem>> -> memref<1x32x128xf32, #tpu.memory_space<vmem>>
        %parallel_loop3A_1183 = tpu.memref_squeeze %parallel_loop3A_1182 : memref<1x32x128xf32, #tpu.memory_space<vmem>> -> memref<32x128xf32, #tpu.memory_space<vmem>>
        tpu.vector_store_idx %parallel_loop3A_1183[%parallel_loop3A_1071, %parallel_loop3A_1172], %parallel_loop3A_1178 : memref<32x128xf32, #tpu.memory_space<vmem>>[vector<16xi32>, vector<16xi32>], vector<16xf32>,
      } {sc.loop_unroll_factor = 8 : i64, sc.parallel_access}
      %mul3A_963 = arith.constant 4 : i32
      %mul3A_964 = arith.muli %mul3A_963, %add3A : i32
      %add3A_965 = arith.addi %mul3A_964, %select_n3A_935 : i32
      %dma_start3A_966 = arith.constant 3 : i32
      %dma_start3A_967 = arith.constant 0 : i32
      %dma_start3A_968 = arith.constant 3 : i32
      %dma_start3A_969 = arith.constant 0 : i32
      %dma_start3A_970 = arith.constant 0 : i32
      %dma_start3A_971 = tpu.memref_slice %arg8[%dma_start3A_966, %dma_start3A_969, %dma_start3A_970] : memref<4x32x128xf32, #tpu.memory_space<vmem>> -> memref<1x8x128xf32, #tpu.memory_space<vmem>>
      %dma_start3A_972 = tpu.memref_squeeze %dma_start3A_971 : memref<1x8x128xf32, #tpu.memory_space<vmem>> -> memref<8x128xf32, #tpu.memory_space<vmem>>
      %dma_start3A_973 = arith.constant 0 : i32
      %dma_start3A_974 = arith.constant 0 : i32
      %dma_start3A_975 = tpu.memref_slice %arg4[%sub3A_938, %dma_start3A_967, %add3A_965, %dma_start3A_973, %dma_start3A_974] : memref<50x4x128x8x128xf32, #tpu.memory_space<hbm>> -> memref<1x1x1x8x128xf32, #tpu.memory_space<hbm>>
      %dma_start3A_976 = tpu.memref_squeeze %dma_start3A_975 : memref<1x1x1x8x128xf32, #tpu.memory_space<hbm>> -> memref<8x128xf32, #tpu.memory_space<hbm>>
      %dma_start3A_977 = tpu.memref_slice %arg10[%dma_start3A_968] : memref<4x!tpu.dma_semaphore, #tpu.memory_space<semaphore_mem>> -> memref<1x!tpu.dma_semaphore, #tpu.memory_space<semaphore_mem>>
      %dma_start3A_978 = tpu.memref_squeeze %dma_start3A_977 : memref<1x!tpu.dma_semaphore, #tpu.memory_space<semaphore_mem>> -> memref<!tpu.dma_semaphore, #tpu.memory_space<semaphore_mem>>
      %dma_start3A_979 = arith.constant 0 : i32
      %dma_start3A_980 = arith.constant 0 : i32
      %dma_start3A_981 = tpu.memref_slice %arg4[%sub3A_938, %dma_start3A_967, %add3A_965, %dma_start3A_979, %dma_start3A_980] : memref<50x4x128x8x128xf32, #tpu.memory_space<hbm>> -> memref<1x1x1x8x128xf32, #tpu.memory_space<hbm>>
      %dma_start3A_982 = tpu.memref_squeeze %dma_start3A_981 : memref<1x1x1x8x128xf32, #tpu.memory_space<hbm>> -> memref<8x128xf32, #tpu.memory_space<hbm>>
      %dma_start3A_983 = arith.constant 0 : i32
      %dma_start3A_984 = arith.constant 0 : i32
      %dma_start3A_985 = tpu.memref_slice %arg8[%dma_start3A_966, %dma_start3A_983, %dma_start3A_984] : memref<4x32x128xf32, #tpu.memory_space<vmem>> -> memref<1x8x128xf32, #tpu.memory_space<vmem>>
      %dma_start3A_986 = tpu.memref_squeeze %dma_start3A_985 : memref<1x8x128xf32, #tpu.memory_space<vmem>> -> memref<8x128xf32, #tpu.memory_space<vmem>>
      tpu.enqueue_dma source(%dma_start3A_986 : memref<8x128xf32, #tpu.memory_space<vmem>>) target(%dma_start3A_982 : memref<8x128xf32, #tpu.memory_space<hbm>>) target_semaphore(%dma_start3A_978 : memref<!tpu.dma_semaphore, #tpu.memory_space<semaphore_mem>>)
      %mul3A_987 = arith.constant 4 : i32
      %mul3A_988 = arith.muli %mul3A_987, %add3A : i32
      %add3A_989 = arith.addi %mul3A_988, %select_n3A_935 : i32
      %dma_start3A_990 = arith.constant 3 : i32
      %dma_start3A_991 = arith.constant 1 : i32
      %dma_start3A_992 = arith.constant 3 : i32
      %dma_start3A_993 = arith.constant 8 : i32
      %dma_start3A_994 = arith.constant 0 : i32
      %dma_start3A_995 = tpu.memref_slice %arg8[%dma_start3A_990, %dma_start3A_993, %dma_start3A_994] : memref<4x32x128xf32, #tpu.memory_space<vmem>> -> memref<1x8x128xf32, #tpu.memory_space<vmem>>
      %dma_start3A_996 = tpu.memref_squeeze %dma_start3A_995 : memref<1x8x128xf32, #tpu.memory_space<vmem>> -> memref<8x128xf32, #tpu.memory_space<vmem>>
      %dma_start3A_997 = arith.constant 0 : i32
      %dma_start3A_998 = arith.constant 0 : i32
      %dma_start3A_999 = tpu.memref_slice %arg4[%sub3A_938, %dma_start3A_991, %add3A_989, %dma_start3A_997, %dma_start3A_998] : memref<50x4x128x8x128xf32, #tpu.memory_space<hbm>> -> memref<1x1x1x8x128xf32, #tpu.memory_space<hbm>>
      %dma_start3A_1000 = tpu.memref_squeeze %dma_start3A_999 : memref<1x1x1x8x128xf32, #tpu.memory_space<hbm>> -> memref<8x128xf32, #tpu.memory_space<hbm>>
      %dma_start3A_1001 = tpu.memref_slice %arg10[%dma_start3A_992] : memref<4x!tpu.dma_semaphore, #tpu.memory_space<semaphore_mem>> -> memref<1x!tpu.dma_semaphore, #tpu.memory_space<semaphore_mem>>
      %dma_start3A_1002 = tpu.memref_squeeze %dma_start3A_1001 : memref<1x!tpu.dma_semaphore, #tpu.memory_space<semaphore_mem>> -> memref<!tpu.dma_semaphore, #tpu.memory_space<semaphore_mem>>
      %dma_start3A_1003 = arith.constant 0 : i32
      %dma_start3A_1004 = arith.constant 0 : i32
      %dma_start3A_1005 = tpu.memref_slice %arg4[%sub3A_938, %dma_start3A_991, %add3A_989, %dma_start3A_1003, %dma_start3A_1004] : memref<50x4x128x8x128xf32, #tpu.memory_space<hbm>> -> memref<1x1x1x8x128xf32, #tpu.memory_space<hbm>>
      %dma_start3A_1006 = tpu.memref_squeeze %dma_start3A_1005 : memref<1x1x1x8x128xf32, #tpu.memory_space<hbm>> -> memref<8x128xf32, #tpu.memory_space<hbm>>
      %dma_start3A_1007 = arith.constant 8 : i32
      %dma_start3A_1008 = arith.constant 0 : i32
      %dma_start3A_1009 = tpu.memref_slice %arg8[%dma_start3A_990, %dma_start3A_1007, %dma_start3A_1008] : memref<4x32x128xf32, #tpu.memory_space<vmem>> -> memref<1x8x128xf32, #tpu.memory_space<vmem>>
      %dma_start3A_1010 = tpu.memref_squeeze %dma_start3A_1009 : memref<1x8x128xf32, #tpu.memory_space<vmem>> -> memref<8x128xf32, #tpu.memory_space<vmem>>
      tpu.enqueue_dma source(%dma_start3A_1010 : memref<8x128xf32, #tpu.memory_space<vmem>>) target(%dma_start3A_1006 : memref<8x128xf32, #tpu.memory_space<hbm>>) target_semaphore(%dma_start3A_1002 : memref<!tpu.dma_semaphore, #tpu.memory_space<semaphore_mem>>)
      %mul3A_1011 = arith.constant 4 : i32
      %mul3A_1012 = arith.muli %mul3A_1011, %add3A : i32
      %add3A_1013 = arith.addi %mul3A_1012, %select_n3A_935 : i32
      %dma_start3A_1014 = arith.constant 3 : i32
      %dma_start3A_1015 = arith.constant 2 : i32
      %dma_start3A_1016 = arith.constant 3 : i32
      %dma_start3A_1017 = arith.constant 16 : i32
      %dma_start3A_1018 = arith.constant 0 : i32
      %dma_start3A_1019 = tpu.memref_slice %arg8[%dma_start3A_1014, %dma_start3A_1017, %dma_start3A_1018] : memref<4x32x128xf32, #tpu.memory_space<vmem>> -> memref<1x8x128xf32, #tpu.memory_space<vmem>>
      %dma_start3A_1020 = tpu.memref_squeeze %dma_start3A_1019 : memref<1x8x128xf32, #tpu.memory_space<vmem>> -> memref<8x128xf32, #tpu.memory_space<vmem>>
      %dma_start3A_1021 = arith.constant 0 : i32
      %dma_start3A_1022 = arith.constant 0 : i32
      %dma_start3A_1023 = tpu.memref_slice %arg4[%sub3A_938, %dma_start3A_1015, %add3A_1013, %dma_start3A_1021, %dma_start3A_1022] : memref<50x4x128x8x128xf32, #tpu.memory_space<hbm>> -> memref<1x1x1x8x128xf32, #tpu.memory_space<hbm>>
      %dma_start3A_1024 = tpu.memref_squeeze %dma_start3A_1023 : memref<1x1x1x8x128xf32, #tpu.memory_space<hbm>> -> memref<8x128xf32, #tpu.memory_space<hbm>>
      %dma_start3A_1025 = tpu.memref_slice %arg10[%dma_start3A_1016] : memref<4x!tpu.dma_semaphore, #tpu.memory_space<semaphore_mem>> -> memref<1x!tpu.dma_semaphore, #tpu.memory_space<semaphore_mem>>
      %dma_start3A_1026 = tpu.memref_squeeze %dma_start3A_1025 : memref<1x!tpu.dma_semaphore, #tpu.memory_space<semaphore_mem>> -> memref<!tpu.dma_semaphore, #tpu.memory_space<semaphore_mem>>
      %dma_start3A_1027 = arith.constant 0 : i32
      %dma_start3A_1028 = arith.constant 0 : i32
      %dma_start3A_1029 = tpu.memref_slice %arg4[%sub3A_938, %dma_start3A_1015, %add3A_1013, %dma_start3A_1027, %dma_start3A_1028] : memref<50x4x128x8x128xf32, #tpu.memory_space<hbm>> -> memref<1x1x1x8x128xf32, #tpu.memory_space<hbm>>
      %dma_start3A_1030 = tpu.memref_squeeze %dma_start3A_1029 : memref<1x1x1x8x128xf32, #tpu.memory_space<hbm>> -> memref<8x128xf32, #tpu.memory_space<hbm>>
      %dma_start3A_1031 = arith.constant 16 : i32
      %dma_start3A_1032 = arith.constant 0 : i32
      %dma_start3A_1033 = tpu.memref_slice %arg8[%dma_start3A_1014, %dma_start3A_1031, %dma_start3A_1032] : memref<4x32x128xf32, #tpu.memory_space<vmem>> -> memref<1x8x128xf32, #tpu.memory_space<vmem>>
      %dma_start3A_1034 = tpu.memref_squeeze %dma_start3A_1033 : memref<1x8x128xf32, #tpu.memory_space<vmem>> -> memref<8x128xf32, #tpu.memory_space<vmem>>
      tpu.enqueue_dma source(%dma_start3A_1034 : memref<8x128xf32, #tpu.memory_space<vmem>>) target(%dma_start3A_1030 : memref<8x128xf32, #tpu.memory_space<hbm>>) target_semaphore(%dma_start3A_1026 : memref<!tpu.dma_semaphore, #tpu.memory_space<semaphore_mem>>)
      %mul3A_1035 = arith.constant 4 : i32
      %mul3A_1036 = arith.muli %mul3A_1035, %add3A : i32
      %add3A_1037 = arith.addi %mul3A_1036, %select_n3A_935 : i32
      %dma_start3A_1038 = arith.constant 3 : i32
      %dma_start3A_1039 = arith.constant 3 : i32
      %dma_start3A_1040 = arith.constant 3 : i32
      %dma_start3A_1041 = arith.constant 24 : i32
      %dma_start3A_1042 = arith.constant 0 : i32
      %dma_start3A_1043 = tpu.memref_slice %arg8[%dma_start3A_1038, %dma_start3A_1041, %dma_start3A_1042] : memref<4x32x128xf32, #tpu.memory_space<vmem>> -> memref<1x8x128xf32, #tpu.memory_space<vmem>>
      %dma_start3A_1044 = tpu.memref_squeeze %dma_start3A_1043 : memref<1x8x128xf32, #tpu.memory_space<vmem>> -> memref<8x128xf32, #tpu.memory_space<vmem>>
      %dma_start3A_1045 = arith.constant 0 : i32
      %dma_start3A_1046 = arith.constant 0 : i32
      %dma_start3A_1047 = tpu.memref_slice %arg4[%sub3A_938, %dma_start3A_1039, %add3A_1037, %dma_start3A_1045, %dma_start3A_1046] : memref<50x4x128x8x128xf32, #tpu.memory_space<hbm>> -> memref<1x1x1x8x128xf32, #tpu.memory_space<hbm>>
      %dma_start3A_1048 = tpu.memref_squeeze %dma_start3A_1047 : memref<1x1x1x8x128xf32, #tpu.memory_space<hbm>> -> memref<8x128xf32, #tpu.memory_space<hbm>>
      %dma_start3A_1049 = tpu.memref_slice %arg10[%dma_start3A_1040] : memref<4x!tpu.dma_semaphore, #tpu.memory_space<semaphore_mem>> -> memref<1x!tpu.dma_semaphore, #tpu.memory_space<semaphore_mem>>
      %dma_start3A_1050 = tpu.memref_squeeze %dma_start3A_1049 : memref<1x!tpu.dma_semaphore, #tpu.memory_space<semaphore_mem>> -> memref<!tpu.dma_semaphore, #tpu.memory_space<semaphore_mem>>
      %dma_start3A_1051 = arith.constant 0 : i32
      %dma_start3A_1052 = arith.constant 0 : i32
      %dma_start3A_1053 = tpu.memref_slice %arg4[%sub3A_938, %dma_start3A_1039, %add3A_1037, %dma_start3A_1051, %dma_start3A_1052] : memref<50x4x128x8x128xf32, #tpu.memory_space<hbm>> -> memref<1x1x1x8x128xf32, #tpu.memory_space<hbm>>
      %dma_start3A_1054 = tpu.memref_squeeze %dma_start3A_1053 : memref<1x1x1x8x128xf32, #tpu.memory_space<hbm>> -> memref<8x128xf32, #tpu.memory_space<hbm>>
      %dma_start3A_1055 = arith.constant 24 : i32
      %dma_start3A_1056 = arith.constant 0 : i32
      %dma_start3A_1057 = tpu.memref_slice %arg8[%dma_start3A_1038, %dma_start3A_1055, %dma_start3A_1056] : memref<4x32x128xf32, #tpu.memory_space<vmem>> -> memref<1x8x128xf32, #tpu.memory_space<vmem>>
      %dma_start3A_1058 = tpu.memref_squeeze %dma_start3A_1057 : memref<1x8x128xf32, #tpu.memory_space<vmem>> -> memref<8x128xf32, #tpu.memory_space<vmem>>
      tpu.enqueue_dma source(%dma_start3A_1058 : memref<8x128xf32, #tpu.memory_space<vmem>>) target(%dma_start3A_1054 : memref<8x128xf32, #tpu.memory_space<hbm>>) target_semaphore(%dma_start3A_1050 : memref<!tpu.dma_semaphore, #tpu.memory_space<semaphore_mem>>)
      %add3A_1059 = arith.constant 4 : i32
      %add3A_1060 = arith.addi %add3A_911, %add3A_1059 : i32
      %lt3A_1061 = arith.constant 200 : i32
      %lt3A_1062 = arith.cmpi slt, %add3A_1060, %lt3A_1061 : i32
      %convert_element_type3A_1063 = arith.extui %lt3A_1062 : i1 to i32
      %cond3A_1064 = arith.constant 0 : i32
      %cond3A_1065 = arith.cmpi ne, %convert_element_type3A_1063, %cond3A_1064 : i32
      scf.if %cond3A_1065 {
        %jit3A_1066 = arith.constant 50 : i32
        %div3A_1067 = arith.divsi %add3A_1060, %jit3A_1066 : i32
        %sign3A_1068 = arith.constant 0 : i32
        %sign3A_1069 = arith.cmpi sgt, %add3A_1060, %sign3A_1068 : i32
        %sign3A_1070 = arith.extui %sign3A_1069 : i1 to i32
        %sign3A_1071 = arith.constant 0 : i32
        %sign3A_1072 = arith.cmpi slt, %add3A_1060, %sign3A_1071 : i32
        %sign3A_1073 = arith.extui %sign3A_1072 : i1 to i32
        %sign3A_1074 = arith.subi %sign3A_1070, %sign3A_1073 : i32
        %sign3A_1075 = arith.constant 0 : i32
        %sign3A_1076 = arith.cmpi sgt, %jit3A_1066, %sign3A_1075 : i32
        %sign3A_1077 = arith.extui %sign3A_1076 : i1 to i32
        %sign3A_1078 = arith.constant 0 : i32
        %sign3A_1079 = arith.cmpi slt, %jit3A_1066, %sign3A_1078 : i32
        %sign3A_1080 = arith.extui %sign3A_1079 : i1 to i32
        %sign3A_1081 = arith.subi %sign3A_1077, %sign3A_1080 : i32
        %ne3A_1082 = arith.cmpi ne, %sign3A_1074, %sign3A_1081 : i32
        %rem3A_1083 = arith.remsi %add3A_1060, %jit3A_1066 : i32
        %ne3A_1084 = arith.constant 0 : i32
        %ne3A_1085 = arith.cmpi ne, %rem3A_1083, %ne3A_1084 : i32
        %and3A_1086 = arith.andi %ne3A_1082, %ne3A_1085 : i1
        %sub3A_1087 = arith.constant 1 : i32
        %sub3A_1088 = arith.subi %div3A_1067, %sub3A_1087 : i32
        %select_n3A_1089 = arith.select %and3A_1086, %sub3A_1088, %div3A_1067 : i32
        %mul3A_1090 = arith.constant 50 : i32
        %mul3A_1091 = arith.muli %select_n3A_1089, %mul3A_1090 : i32
        %sub3A_1092 = arith.subi %add3A_1060, %mul3A_1091 : i32
        %dma_start3A_1093 = arith.constant 3 : i32
        %dma_start3A_1094 = arith.constant 3 : i32
        %dma_start3A_1095 = arith.constant 0 : i32
        %dma_start3A_1096 = arith.constant 0 : i32
        %dma_start3A_1097 = tpu.memref_slice %arg7[%dma_start3A_1093, %dma_start3A_1095, %dma_start3A_1096] : memref<4x128x32xf32, #tpu.memory_space<vmem>> -> memref<1x128x32xf32, #tpu.memory_space<vmem>>
        %dma_start3A_1098 = tpu.memref_squeeze %dma_start3A_1097 : memref<1x128x32xf32, #tpu.memory_space<vmem>> -> memref<128x32xf32, #tpu.memory_space<vmem>>
        %dma_start3A_1099 = arith.constant 0 : i32
        %dma_start3A_1100 = tpu.memref_slice %arg6[%select_n3A_1089, %sub3A_1092, %dma_start3A_1099] : memref<4x50x128xi32, #tpu.memory_space<vmem>> -> memref<1x1x128xi32, #tpu.memory_space<vmem>>
        %dma_start3A_1101 = tpu.memref_squeeze %dma_start3A_1100 : memref<1x1x128xi32, #tpu.memory_space<vmem>> -> memref<128xi32, #tpu.memory_space<vmem>>
        %dma_start3A_1102 = arith.constant 0 : i32
        %dma_start3A_1103 = arith.constant 0 : i32
        %dma_start3A_1104 = tpu.memref_slice %arg3[%dma_start3A_1102, %dma_start3A_1103] : memref<1000000x32xf32, #tpu.memory_space<hbm>> -> memref<1000000x32xf32, #tpu.memory_space<hbm>>
        %dma_start3A_1105 = tpu.memref_slice %arg9[%dma_start3A_1094] : memref<4x!tpu.dma_semaphore, #tpu.memory_space<semaphore_mem>> -> memref<1x!tpu.dma_semaphore, #tpu.memory_space<semaphore_mem>>
        %dma_start3A_1106 = tpu.memref_squeeze %dma_start3A_1105 : memref<1x!tpu.dma_semaphore, #tpu.memory_space<semaphore_mem>> -> memref<!tpu.dma_semaphore, #tpu.memory_space<semaphore_mem>>
        tpu.enqueue_indirect_dma source(%dma_start3A_1104 : memref<1000000x32xf32, #tpu.memory_space<hbm>>) target(%dma_start3A_1098 : memref<128x32xf32, #tpu.memory_space<vmem>>) offsets(%dma_start3A_1101 : memref<128xi32, #tpu.memory_space<vmem>>) semaphore(%dma_start3A_1106 : memref<!tpu.dma_semaphore, #tpu.memory_space<semaphore_mem>>)
      } else {
      }
    }
    %scan3A_74 = arith.constant 50 : i32
    %dma_wait3A = arith.constant 0 : i32
    %dma_wait3A_75 = arith.constant 0 : i32
    %dma_wait3A_76 = arith.constant 0 : i32
    %dma_wait3A_77 = arith.constant 0 : i32
    %dma_wait3A_78 = arith.constant 0 : i32
    %dma_wait3A_79 = arith.constant 0 : i32
    %dma_wait3A_80 = arith.constant 0 : i32
    %dma_wait3A_81 = tpu.memref_slice %arg8[%dma_wait3A, %dma_wait3A_79, %dma_wait3A_80] : memref<4x32x128xf32, #tpu.memory_space<vmem>> -> memref<1x8x128xf32, #tpu.memory_space<vmem>>
    %dma_wait3A_82 = tpu.memref_squeeze %dma_wait3A_81 : memref<1x8x128xf32, #tpu.memory_space<vmem>> -> memref<8x128xf32, #tpu.memory_space<vmem>>
    %dma_wait3A_83 = arith.constant 0 : i32
    %dma_wait3A_84 = arith.constant 0 : i32
    %dma_wait3A_85 = tpu.memref_slice %arg4[%dma_wait3A_75, %dma_wait3A_76, %dma_wait3A_77, %dma_wait3A_83, %dma_wait3A_84] : memref<50x4x128x8x128xf32, #tpu.memory_space<hbm>> -> memref<1x1x1x8x128xf32, #tpu.memory_space<hbm>>
    %dma_wait3A_86 = tpu.memref_squeeze %dma_wait3A_85 : memref<1x1x1x8x128xf32, #tpu.memory_space<hbm>> -> memref<8x128xf32, #tpu.memory_space<hbm>>
    %dma_wait3A_87 = tpu.memref_slice %arg10[%dma_wait3A_78] : memref<4x!tpu.dma_semaphore, #tpu.memory_space<semaphore_mem>> -> memref<1x!tpu.dma_semaphore, #tpu.memory_space<semaphore_mem>>
    %dma_wait3A_88 = tpu.memref_squeeze %dma_wait3A_87 : memref<1x!tpu.dma_semaphore, #tpu.memory_space<semaphore_mem>> -> memref<!tpu.dma_semaphore, #tpu.memory_space<semaphore_mem>>
    %dma_wait3A_89 = arith.constant 0 : i32
    %dma_wait3A_90 = arith.constant 0 : i32
    %dma_wait3A_91 = tpu.memref_slice %arg4[%dma_wait3A_75, %dma_wait3A_76, %dma_wait3A_77, %dma_wait3A_89, %dma_wait3A_90] : memref<50x4x128x8x128xf32, #tpu.memory_space<hbm>> -> memref<1x1x1x8x128xf32, #tpu.memory_space<hbm>>
    %dma_wait3A_92 = tpu.memref_squeeze %dma_wait3A_91 : memref<1x1x1x8x128xf32, #tpu.memory_space<hbm>> -> memref<8x128xf32, #tpu.memory_space<hbm>>
    %dma_wait3A_93 = arith.constant 0 : i32
    %dma_wait3A_94 = arith.constant 0 : i32
    %dma_wait3A_95 = tpu.memref_slice %arg8[%dma_wait3A, %dma_wait3A_93, %dma_wait3A_94] : memref<4x32x128xf32, #tpu.memory_space<vmem>> -> memref<1x8x128xf32, #tpu.memory_space<vmem>>
    %dma_wait3A_96 = tpu.memref_squeeze %dma_wait3A_95 : memref<1x8x128xf32, #tpu.memory_space<vmem>> -> memref<8x128xf32, #tpu.memory_space<vmem>>
    tpu.wait_dma2 semaphore(%dma_wait3A_88 : memref<!tpu.dma_semaphore, #tpu.memory_space<semaphore_mem>>) src(%dma_wait3A_96 : memref<8x128xf32, #tpu.memory_space<vmem>>) dst(%dma_wait3A_92 : memref<8x128xf32, #tpu.memory_space<hbm>>)
    %dma_wait3A_97 = arith.constant 0 : i32
    %dma_wait3A_98 = arith.constant 0 : i32
    %dma_wait3A_99 = arith.constant 1 : i32
    %dma_wait3A_100 = arith.constant 0 : i32
    %dma_wait3A_101 = arith.constant 0 : i32
    %dma_wait3A_102 = arith.constant 8 : i32
    %dma_wait3A_103 = arith.constant 0 : i32
    %dma_wait3A_104 = tpu.memref_slice %arg8[%dma_wait3A_97, %dma_wait3A_102, %dma_wait3A_103] : memref<4x32x128xf32, #tpu.memory_space<vmem>> -> memref<1x8x128xf32, #tpu.memory_space<vmem>>
    %dma_wait3A_105 = tpu.memref_squeeze %dma_wait3A_104 : memref<1x8x128xf32, #tpu.memory_space<vmem>> -> memref<8x128xf32, #tpu.memory_space<vmem>>
    %dma_wait3A_106 = arith.constant 0 : i32
    %dma_wait3A_107 = arith.constant 0 : i32
    %dma_wait3A_108 = tpu.memref_slice %arg4[%dma_wait3A_98, %dma_wait3A_99, %dma_wait3A_100, %dma_wait3A_106, %dma_wait3A_107] : memref<50x4x128x8x128xf32, #tpu.memory_space<hbm>> -> memref<1x1x1x8x128xf32, #tpu.memory_space<hbm>>
    %dma_wait3A_109 = tpu.memref_squeeze %dma_wait3A_108 : memref<1x1x1x8x128xf32, #tpu.memory_space<hbm>> -> memref<8x128xf32, #tpu.memory_space<hbm>>
    %dma_wait3A_110 = tpu.memref_slice %arg10[%dma_wait3A_101] : memref<4x!tpu.dma_semaphore, #tpu.memory_space<semaphore_mem>> -> memref<1x!tpu.dma_semaphore, #tpu.memory_space<semaphore_mem>>
    %dma_wait3A_111 = tpu.memref_squeeze %dma_wait3A_110 : memref<1x!tpu.dma_semaphore, #tpu.memory_space<semaphore_mem>> -> memref<!tpu.dma_semaphore, #tpu.memory_space<semaphore_mem>>
    %dma_wait3A_112 = arith.constant 0 : i32
    %dma_wait3A_113 = arith.constant 0 : i32
    %dma_wait3A_114 = tpu.memref_slice %arg4[%dma_wait3A_98, %dma_wait3A_99, %dma_wait3A_100, %dma_wait3A_112, %dma_wait3A_113] : memref<50x4x128x8x128xf32, #tpu.memory_space<hbm>> -> memref<1x1x1x8x128xf32, #tpu.memory_space<hbm>>
    %dma_wait3A_115 = tpu.memref_squeeze %dma_wait3A_114 : memref<1x1x1x8x128xf32, #tpu.memory_space<hbm>> -> memref<8x128xf32, #tpu.memory_space<hbm>>
    %dma_wait3A_116 = arith.constant 8 : i32
    %dma_wait3A_117 = arith.constant 0 : i32
    %dma_wait3A_118 = tpu.memref_slice %arg8[%dma_wait3A_97, %dma_wait3A_116, %dma_wait3A_117] : memref<4x32x128xf32, #tpu.memory_space<vmem>> -> memref<1x8x128xf32, #tpu.memory_space<vmem>>
    %dma_wait3A_119 = tpu.memref_squeeze %dma_wait3A_118 : memref<1x8x128xf32, #tpu.memory_space<vmem>> -> memref<8x128xf32, #tpu.memory_space<vmem>>
    tpu.wait_dma2 semaphore(%dma_wait3A_111 : memref<!tpu.dma_semaphore, #tpu.memory_space<semaphore_mem>>) src(%dma_wait3A_119 : memref<8x128xf32, #tpu.memory_space<vmem>>) dst(%dma_wait3A_115 : memref<8x128xf32, #tpu.memory_space<hbm>>)
    %dma_wait3A_120 = arith.constant 0 : i32
    %dma_wait3A_121 = arith.constant 0 : i32
    %dma_wait3A_122 = arith.constant 2 : i32
    %dma_wait3A_123 = arith.constant 0 : i32
    %dma_wait3A_124 = arith.constant 0 : i32
    %dma_wait3A_125 = arith.constant 16 : i32
    %dma_wait3A_126 = arith.constant 0 : i32
    %dma_wait3A_127 = tpu.memref_slice %arg8[%dma_wait3A_120, %dma_wait3A_125, %dma_wait3A_126] : memref<4x32x128xf32, #tpu.memory_space<vmem>> -> memref<1x8x128xf32, #tpu.memory_space<vmem>>
    %dma_wait3A_128 = tpu.memref_squeeze %dma_wait3A_127 : memref<1x8x128xf32, #tpu.memory_space<vmem>> -> memref<8x128xf32, #tpu.memory_space<vmem>>
    %dma_wait3A_129 = arith.constant 0 : i32
    %dma_wait3A_130 = arith.constant 0 : i32
    %dma_wait3A_131 = tpu.memref_slice %arg4[%dma_wait3A_121, %dma_wait3A_122, %dma_wait3A_123, %dma_wait3A_129, %dma_wait3A_130] : memref<50x4x128x8x128xf32, #tpu.memory_space<hbm>> -> memref<1x1x1x8x128xf32, #tpu.memory_space<hbm>>
    %dma_wait3A_132 = tpu.memref_squeeze %dma_wait3A_131 : memref<1x1x1x8x128xf32, #tpu.memory_space<hbm>> -> memref<8x128xf32, #tpu.memory_space<hbm>>
    %dma_wait3A_133 = tpu.memref_slice %arg10[%dma_wait3A_124] : memref<4x!tpu.dma_semaphore, #tpu.memory_space<semaphore_mem>> -> memref<1x!tpu.dma_semaphore, #tpu.memory_space<semaphore_mem>>
    %dma_wait3A_134 = tpu.memref_squeeze %dma_wait3A_133 : memref<1x!tpu.dma_semaphore, #tpu.memory_space<semaphore_mem>> -> memref<!tpu.dma_semaphore, #tpu.memory_space<semaphore_mem>>
    %dma_wait3A_135 = arith.constant 0 : i32
    %dma_wait3A_136 = arith.constant 0 : i32
    %dma_wait3A_137 = tpu.memref_slice %arg4[%dma_wait3A_121, %dma_wait3A_122, %dma_wait3A_123, %dma_wait3A_135, %dma_wait3A_136] : memref<50x4x128x8x128xf32, #tpu.memory_space<hbm>> -> memref<1x1x1x8x128xf32, #tpu.memory_space<hbm>>
    %dma_wait3A_138 = tpu.memref_squeeze %dma_wait3A_137 : memref<1x1x1x8x128xf32, #tpu.memory_space<hbm>> -> memref<8x128xf32, #tpu.memory_space<hbm>>
    %dma_wait3A_139 = arith.constant 16 : i32
    %dma_wait3A_140 = arith.constant 0 : i32
    %dma_wait3A_141 = tpu.memref_slice %arg8[%dma_wait3A_120, %dma_wait3A_139, %dma_wait3A_140] : memref<4x32x128xf32, #tpu.memory_space<vmem>> -> memref<1x8x128xf32, #tpu.memory_space<vmem>>
    %dma_wait3A_142 = tpu.memref_squeeze %dma_wait3A_141 : memref<1x8x128xf32, #tpu.memory_space<vmem>> -> memref<8x128xf32, #tpu.memory_space<vmem>>
    tpu.wait_dma2 semaphore(%dma_wait3A_134 : memref<!tpu.dma_semaphore, #tpu.memory_space<semaphore_mem>>) src(%dma_wait3A_142 : memref<8x128xf32, #tpu.memory_space<vmem>>) dst(%dma_wait3A_138 : memref<8x128xf32, #tpu.memory_space<hbm>>)
    %dma_wait3A_143 = arith.constant 0 : i32
    %dma_wait3A_144 = arith.constant 0 : i32
    %dma_wait3A_145 = arith.constant 3 : i32
    %dma_wait3A_146 = arith.constant 0 : i32
    %dma_wait3A_147 = arith.constant 0 : i32
    %dma_wait3A_148 = arith.constant 24 : i32
    %dma_wait3A_149 = arith.constant 0 : i32
    %dma_wait3A_150 = tpu.memref_slice %arg8[%dma_wait3A_143, %dma_wait3A_148, %dma_wait3A_149] : memref<4x32x128xf32, #tpu.memory_space<vmem>> -> memref<1x8x128xf32, #tpu.memory_space<vmem>>
    %dma_wait3A_151 = tpu.memref_squeeze %dma_wait3A_150 : memref<1x8x128xf32, #tpu.memory_space<vmem>> -> memref<8x128xf32, #tpu.memory_space<vmem>>
    %dma_wait3A_152 = arith.constant 0 : i32
    %dma_wait3A_153 = arith.constant 0 : i32
    %dma_wait3A_154 = tpu.memref_slice %arg4[%dma_wait3A_144, %dma_wait3A_145, %dma_wait3A_146, %dma_wait3A_152, %dma_wait3A_153] : memref<50x4x128x8x128xf32, #tpu.memory_space<hbm>> -> memref<1x1x1x8x128xf32, #tpu.memory_space<hbm>>
    %dma_wait3A_155 = tpu.memref_squeeze %dma_wait3A_154 : memref<1x1x1x8x128xf32, #tpu.memory_space<hbm>> -> memref<8x128xf32, #tpu.memory_space<hbm>>
    %dma_wait3A_156 = tpu.memref_slice %arg10[%dma_wait3A_147] : memref<4x!tpu.dma_semaphore, #tpu.memory_space<semaphore_mem>> -> memref<1x!tpu.dma_semaphore, #tpu.memory_space<semaphore_mem>>
    %dma_wait3A_157 = tpu.memref_squeeze %dma_wait3A_156 : memref<1x!tpu.dma_semaphore, #tpu.memory_space<semaphore_mem>> -> memref<!tpu.dma_semaphore, #tpu.memory_space<semaphore_mem>>
    %dma_wait3A_158 = arith.constant 0 : i32
    %dma_wait3A_159 = arith.constant 0 : i32
    %dma_wait3A_160 = tpu.memref_slice %arg4[%dma_wait3A_144, %dma_wait3A_145, %dma_wait3A_146, %dma_wait3A_158, %dma_wait3A_159] : memref<50x4x128x8x128xf32, #tpu.memory_space<hbm>> -> memref<1x1x1x8x128xf32, #tpu.memory_space<hbm>>
    %dma_wait3A_161 = tpu.memref_squeeze %dma_wait3A_160 : memref<1x1x1x8x128xf32, #tpu.memory_space<hbm>> -> memref<8x128xf32, #tpu.memory_space<hbm>>
    %dma_wait3A_162 = arith.constant 24 : i32
    %dma_wait3A_163 = arith.constant 0 : i32
    %dma_wait3A_164 = tpu.memref_slice %arg8[%dma_wait3A_143, %dma_wait3A_162, %dma_wait3A_163] : memref<4x32x128xf32, #tpu.memory_space<vmem>> -> memref<1x8x128xf32, #tpu.memory_space<vmem>>
    %dma_wait3A_165 = tpu.memref_squeeze %dma_wait3A_164 : memref<1x8x128xf32, #tpu.memory_space<vmem>> -> memref<8x128xf32, #tpu.memory_space<vmem>>
    tpu.wait_dma2 semaphore(%dma_wait3A_157 : memref<!tpu.dma_semaphore, #tpu.memory_space<semaphore_mem>>) src(%dma_wait3A_165 : memref<8x128xf32, #tpu.memory_space<vmem>>) dst(%dma_wait3A_161 : memref<8x128xf32, #tpu.memory_space<hbm>>)
    %dma_wait3A_166 = arith.constant 1 : i32
    %dma_wait3A_167 = arith.constant 0 : i32
    %dma_wait3A_168 = arith.constant 0 : i32
    %dma_wait3A_169 = arith.constant 0 : i32
    %dma_wait3A_170 = arith.constant 1 : i32
    %dma_wait3A_171 = arith.constant 0 : i32
    %dma_wait3A_172 = arith.constant 0 : i32
    %dma_wait3A_173 = tpu.memref_slice %arg8[%dma_wait3A_166, %dma_wait3A_171, %dma_wait3A_172] : memref<4x32x128xf32, #tpu.memory_space<vmem>> -> memref<1x8x128xf32, #tpu.memory_space<vmem>>
    %dma_wait3A_174 = tpu.memref_squeeze %dma_wait3A_173 : memref<1x8x128xf32, #tpu.memory_space<vmem>> -> memref<8x128xf32, #tpu.memory_space<vmem>>
    %dma_wait3A_175 = arith.constant 0 : i32
    %dma_wait3A_176 = arith.constant 0 : i32
    %dma_wait3A_177 = tpu.memref_slice %arg4[%dma_wait3A_167, %dma_wait3A_168, %dma_wait3A_169, %dma_wait3A_175, %dma_wait3A_176] : memref<50x4x128x8x128xf32, #tpu.memory_space<hbm>> -> memref<1x1x1x8x128xf32, #tpu.memory_space<hbm>>
    %dma_wait3A_178 = tpu.memref_squeeze %dma_wait3A_177 : memref<1x1x1x8x128xf32, #tpu.memory_space<hbm>> -> memref<8x128xf32, #tpu.memory_space<hbm>>
    %dma_wait3A_179 = tpu.memref_slice %arg10[%dma_wait3A_170] : memref<4x!tpu.dma_semaphore, #tpu.memory_space<semaphore_mem>> -> memref<1x!tpu.dma_semaphore, #tpu.memory_space<semaphore_mem>>
    %dma_wait3A_180 = tpu.memref_squeeze %dma_wait3A_179 : memref<1x!tpu.dma_semaphore, #tpu.memory_space<semaphore_mem>> -> memref<!tpu.dma_semaphore, #tpu.memory_space<semaphore_mem>>
    %dma_wait3A_181 = arith.constant 0 : i32
    %dma_wait3A_182 = arith.constant 0 : i32
    %dma_wait3A_183 = tpu.memref_slice %arg4[%dma_wait3A_167, %dma_wait3A_168, %dma_wait3A_169, %dma_wait3A_181, %dma_wait3A_182] : memref<50x4x128x8x128xf32, #tpu.memory_space<hbm>> -> memref<1x1x1x8x128xf32, #tpu.memory_space<hbm>>
    %dma_wait3A_184 = tpu.memref_squeeze %dma_wait3A_183 : memref<1x1x1x8x128xf32, #tpu.memory_space<hbm>> -> memref<8x128xf32, #tpu.memory_space<hbm>>
    %dma_wait3A_185 = arith.constant 0 : i32
    %dma_wait3A_186 = arith.constant 0 : i32
    %dma_wait3A_187 = tpu.memref_slice %arg8[%dma_wait3A_166, %dma_wait3A_185, %dma_wait3A_186] : memref<4x32x128xf32, #tpu.memory_space<vmem>> -> memref<1x8x128xf32, #tpu.memory_space<vmem>>
    %dma_wait3A_188 = tpu.memref_squeeze %dma_wait3A_187 : memref<1x8x128xf32, #tpu.memory_space<vmem>> -> memref<8x128xf32, #tpu.memory_space<vmem>>
    tpu.wait_dma2 semaphore(%dma_wait3A_180 : memref<!tpu.dma_semaphore, #tpu.memory_space<semaphore_mem>>) src(%dma_wait3A_188 : memref<8x128xf32, #tpu.memory_space<vmem>>) dst(%dma_wait3A_184 : memref<8x128xf32, #tpu.memory_space<hbm>>)
    %dma_wait3A_189 = arith.constant 1 : i32
    %dma_wait3A_190 = arith.constant 0 : i32
    %dma_wait3A_191 = arith.constant 1 : i32
    %dma_wait3A_192 = arith.constant 0 : i32
    %dma_wait3A_193 = arith.constant 1 : i32
    %dma_wait3A_194 = arith.constant 8 : i32
    %dma_wait3A_195 = arith.constant 0 : i32
    %dma_wait3A_196 = tpu.memref_slice %arg8[%dma_wait3A_189, %dma_wait3A_194, %dma_wait3A_195] : memref<4x32x128xf32, #tpu.memory_space<vmem>> -> memref<1x8x128xf32, #tpu.memory_space<vmem>>
    %dma_wait3A_197 = tpu.memref_squeeze %dma_wait3A_196 : memref<1x8x128xf32, #tpu.memory_space<vmem>> -> memref<8x128xf32, #tpu.memory_space<vmem>>
    %dma_wait3A_198 = arith.constant 0 : i32
    %dma_wait3A_199 = arith.constant 0 : i32
    %dma_wait3A_200 = tpu.memref_slice %arg4[%dma_wait3A_190, %dma_wait3A_191, %dma_wait3A_192, %dma_wait3A_198, %dma_wait3A_199] : memref<50x4x128x8x128xf32, #tpu.memory_space<hbm>> -> memref<1x1x1x8x128xf32, #tpu.memory_space<hbm>>
    %dma_wait3A_201 = tpu.memref_squeeze %dma_wait3A_200 : memref<1x1x1x8x128xf32, #tpu.memory_space<hbm>> -> memref<8x128xf32, #tpu.memory_space<hbm>>
    %dma_wait3A_202 = tpu.memref_slice %arg10[%dma_wait3A_193] : memref<4x!tpu.dma_semaphore, #tpu.memory_space<semaphore_mem>> -> memref<1x!tpu.dma_semaphore, #tpu.memory_space<semaphore_mem>>
    %dma_wait3A_203 = tpu.memref_squeeze %dma_wait3A_202 : memref<1x!tpu.dma_semaphore, #tpu.memory_space<semaphore_mem>> -> memref<!tpu.dma_semaphore, #tpu.memory_space<semaphore_mem>>
    %dma_wait3A_204 = arith.constant 0 : i32
    %dma_wait3A_205 = arith.constant 0 : i32
    %dma_wait3A_206 = tpu.memref_slice %arg4[%dma_wait3A_190, %dma_wait3A_191, %dma_wait3A_192, %dma_wait3A_204, %dma_wait3A_205] : memref<50x4x128x8x128xf32, #tpu.memory_space<hbm>> -> memref<1x1x1x8x128xf32, #tpu.memory_space<hbm>>
    %dma_wait3A_207 = tpu.memref_squeeze %dma_wait3A_206 : memref<1x1x1x8x128xf32, #tpu.memory_space<hbm>> -> memref<8x128xf32, #tpu.memory_space<hbm>>
    %dma_wait3A_208 = arith.constant 8 : i32
    %dma_wait3A_209 = arith.constant 0 : i32
    %dma_wait3A_210 = tpu.memref_slice %arg8[%dma_wait3A_189, %dma_wait3A_208, %dma_wait3A_209] : memref<4x32x128xf32, #tpu.memory_space<vmem>> -> memref<1x8x128xf32, #tpu.memory_space<vmem>>
    %dma_wait3A_211 = tpu.memref_squeeze %dma_wait3A_210 : memref<1x8x128xf32, #tpu.memory_space<vmem>> -> memref<8x128xf32, #tpu.memory_space<vmem>>
    tpu.wait_dma2 semaphore(%dma_wait3A_203 : memref<!tpu.dma_semaphore, #tpu.memory_space<semaphore_mem>>) src(%dma_wait3A_211 : memref<8x128xf32, #tpu.memory_space<vmem>>) dst(%dma_wait3A_207 : memref<8x128xf32, #tpu.memory_space<hbm>>)
    %dma_wait3A_212 = arith.constant 1 : i32
    %dma_wait3A_213 = arith.constant 0 : i32
    %dma_wait3A_214 = arith.constant 2 : i32
    %dma_wait3A_215 = arith.constant 0 : i32
    %dma_wait3A_216 = arith.constant 1 : i32
    %dma_wait3A_217 = arith.constant 16 : i32
    %dma_wait3A_218 = arith.constant 0 : i32
    %dma_wait3A_219 = tpu.memref_slice %arg8[%dma_wait3A_212, %dma_wait3A_217, %dma_wait3A_218] : memref<4x32x128xf32, #tpu.memory_space<vmem>> -> memref<1x8x128xf32, #tpu.memory_space<vmem>>
    %dma_wait3A_220 = tpu.memref_squeeze %dma_wait3A_219 : memref<1x8x128xf32, #tpu.memory_space<vmem>> -> memref<8x128xf32, #tpu.memory_space<vmem>>
    %dma_wait3A_221 = arith.constant 0 : i32
    %dma_wait3A_222 = arith.constant 0 : i32
    %dma_wait3A_223 = tpu.memref_slice %arg4[%dma_wait3A_213, %dma_wait3A_214, %dma_wait3A_215, %dma_wait3A_221, %dma_wait3A_222] : memref<50x4x128x8x128xf32, #tpu.memory_space<hbm>> -> memref<1x1x1x8x128xf32, #tpu.memory_space<hbm>>
    %dma_wait3A_224 = tpu.memref_squeeze %dma_wait3A_223 : memref<1x1x1x8x128xf32, #tpu.memory_space<hbm>> -> memref<8x128xf32, #tpu.memory_space<hbm>>
    %dma_wait3A_225 = tpu.memref_slice %arg10[%dma_wait3A_216] : memref<4x!tpu.dma_semaphore, #tpu.memory_space<semaphore_mem>> -> memref<1x!tpu.dma_semaphore, #tpu.memory_space<semaphore_mem>>
    %dma_wait3A_226 = tpu.memref_squeeze %dma_wait3A_225 : memref<1x!tpu.dma_semaphore, #tpu.memory_space<semaphore_mem>> -> memref<!tpu.dma_semaphore, #tpu.memory_space<semaphore_mem>>
    %dma_wait3A_227 = arith.constant 0 : i32
    %dma_wait3A_228 = arith.constant 0 : i32
    %dma_wait3A_229 = tpu.memref_slice %arg4[%dma_wait3A_213, %dma_wait3A_214, %dma_wait3A_215, %dma_wait3A_227, %dma_wait3A_228] : memref<50x4x128x8x128xf32, #tpu.memory_space<hbm>> -> memref<1x1x1x8x128xf32, #tpu.memory_space<hbm>>
    %dma_wait3A_230 = tpu.memref_squeeze %dma_wait3A_229 : memref<1x1x1x8x128xf32, #tpu.memory_space<hbm>> -> memref<8x128xf32, #tpu.memory_space<hbm>>
    %dma_wait3A_231 = arith.constant 16 : i32
    %dma_wait3A_232 = arith.constant 0 : i32
    %dma_wait3A_233 = tpu.memref_slice %arg8[%dma_wait3A_212, %dma_wait3A_231, %dma_wait3A_232] : memref<4x32x128xf32, #tpu.memory_space<vmem>> -> memref<1x8x128xf32, #tpu.memory_space<vmem>>
    %dma_wait3A_234 = tpu.memref_squeeze %dma_wait3A_233 : memref<1x8x128xf32, #tpu.memory_space<vmem>> -> memref<8x128xf32, #tpu.memory_space<vmem>>
    tpu.wait_dma2 semaphore(%dma_wait3A_226 : memref<!tpu.dma_semaphore, #tpu.memory_space<semaphore_mem>>) src(%dma_wait3A_234 : memref<8x128xf32, #tpu.memory_space<vmem>>) dst(%dma_wait3A_230 : memref<8x128xf32, #tpu.memory_space<hbm>>)
    %dma_wait3A_235 = arith.constant 1 : i32
    %dma_wait3A_236 = arith.constant 0 : i32
    %dma_wait3A_237 = arith.constant 3 : i32
    %dma_wait3A_238 = arith.constant 0 : i32
    %dma_wait3A_239 = arith.constant 1 : i32
    %dma_wait3A_240 = arith.constant 24 : i32
    %dma_wait3A_241 = arith.constant 0 : i32
    %dma_wait3A_242 = tpu.memref_slice %arg8[%dma_wait3A_235, %dma_wait3A_240, %dma_wait3A_241] : memref<4x32x128xf32, #tpu.memory_space<vmem>> -> memref<1x8x128xf32, #tpu.memory_space<vmem>>
    %dma_wait3A_243 = tpu.memref_squeeze %dma_wait3A_242 : memref<1x8x128xf32, #tpu.memory_space<vmem>> -> memref<8x128xf32, #tpu.memory_space<vmem>>
    %dma_wait3A_244 = arith.constant 0 : i32
    %dma_wait3A_245 = arith.constant 0 : i32
    %dma_wait3A_246 = tpu.memref_slice %arg4[%dma_wait3A_236, %dma_wait3A_237, %dma_wait3A_238, %dma_wait3A_244, %dma_wait3A_245] : memref<50x4x128x8x128xf32, #tpu.memory_space<hbm>> -> memref<1x1x1x8x128xf32, #tpu.memory_space<hbm>>
    %dma_wait3A_247 = tpu.memref_squeeze %dma_wait3A_246 : memref<1x1x1x8x128xf32, #tpu.memory_space<hbm>> -> memref<8x128xf32, #tpu.memory_space<hbm>>
    %dma_wait3A_248 = tpu.memref_slice %arg10[%dma_wait3A_239] : memref<4x!tpu.dma_semaphore, #tpu.memory_space<semaphore_mem>> -> memref<1x!tpu.dma_semaphore, #tpu.memory_space<semaphore_mem>>
    %dma_wait3A_249 = tpu.memref_squeeze %dma_wait3A_248 : memref<1x!tpu.dma_semaphore, #tpu.memory_space<semaphore_mem>> -> memref<!tpu.dma_semaphore, #tpu.memory_space<semaphore_mem>>
    %dma_wait3A_250 = arith.constant 0 : i32
    %dma_wait3A_251 = arith.constant 0 : i32
    %dma_wait3A_252 = tpu.memref_slice %arg4[%dma_wait3A_236, %dma_wait3A_237, %dma_wait3A_238, %dma_wait3A_250, %dma_wait3A_251] : memref<50x4x128x8x128xf32, #tpu.memory_space<hbm>> -> memref<1x1x1x8x128xf32, #tpu.memory_space<hbm>>
    %dma_wait3A_253 = tpu.memref_squeeze %dma_wait3A_252 : memref<1x1x1x8x128xf32, #tpu.memory_space<hbm>> -> memref<8x128xf32, #tpu.memory_space<hbm>>
    %dma_wait3A_254 = arith.constant 24 : i32
    %dma_wait3A_255 = arith.constant 0 : i32
    %dma_wait3A_256 = tpu.memref_slice %arg8[%dma_wait3A_235, %dma_wait3A_254, %dma_wait3A_255] : memref<4x32x128xf32, #tpu.memory_space<vmem>> -> memref<1x8x128xf32, #tpu.memory_space<vmem>>
    %dma_wait3A_257 = tpu.memref_squeeze %dma_wait3A_256 : memref<1x8x128xf32, #tpu.memory_space<vmem>> -> memref<8x128xf32, #tpu.memory_space<vmem>>
    tpu.wait_dma2 semaphore(%dma_wait3A_249 : memref<!tpu.dma_semaphore, #tpu.memory_space<semaphore_mem>>) src(%dma_wait3A_257 : memref<8x128xf32, #tpu.memory_space<vmem>>) dst(%dma_wait3A_253 : memref<8x128xf32, #tpu.memory_space<hbm>>)
    %dma_wait3A_258 = arith.constant 2 : i32
    %dma_wait3A_259 = arith.constant 0 : i32
    %dma_wait3A_260 = arith.constant 0 : i32
    %dma_wait3A_261 = arith.constant 0 : i32
    %dma_wait3A_262 = arith.constant 2 : i32
    %dma_wait3A_263 = arith.constant 0 : i32
    %dma_wait3A_264 = arith.constant 0 : i32
    %dma_wait3A_265 = tpu.memref_slice %arg8[%dma_wait3A_258, %dma_wait3A_263, %dma_wait3A_264] : memref<4x32x128xf32, #tpu.memory_space<vmem>> -> memref<1x8x128xf32, #tpu.memory_space<vmem>>
    %dma_wait3A_266 = tpu.memref_squeeze %dma_wait3A_265 : memref<1x8x128xf32, #tpu.memory_space<vmem>> -> memref<8x128xf32, #tpu.memory_space<vmem>>
    %dma_wait3A_267 = arith.constant 0 : i32
    %dma_wait3A_268 = arith.constant 0 : i32
    %dma_wait3A_269 = tpu.memref_slice %arg4[%dma_wait3A_259, %dma_wait3A_260, %dma_wait3A_261, %dma_wait3A_267, %dma_wait3A_268] : memref<50x4x128x8x128xf32, #tpu.memory_space<hbm>> -> memref<1x1x1x8x128xf32, #tpu.memory_space<hbm>>
    %dma_wait3A_270 = tpu.memref_squeeze %dma_wait3A_269 : memref<1x1x1x8x128xf32, #tpu.memory_space<hbm>> -> memref<8x128xf32, #tpu.memory_space<hbm>>
    %dma_wait3A_271 = tpu.memref_slice %arg10[%dma_wait3A_262] : memref<4x!tpu.dma_semaphore, #tpu.memory_space<semaphore_mem>> -> memref<1x!tpu.dma_semaphore, #tpu.memory_space<semaphore_mem>>
    %dma_wait3A_272 = tpu.memref_squeeze %dma_wait3A_271 : memref<1x!tpu.dma_semaphore, #tpu.memory_space<semaphore_mem>> -> memref<!tpu.dma_semaphore, #tpu.memory_space<semaphore_mem>>
    %dma_wait3A_273 = arith.constant 0 : i32
    %dma_wait3A_274 = arith.constant 0 : i32
    %dma_wait3A_275 = tpu.memref_slice %arg4[%dma_wait3A_259, %dma_wait3A_260, %dma_wait3A_261, %dma_wait3A_273, %dma_wait3A_274] : memref<50x4x128x8x128xf32, #tpu.memory_space<hbm>> -> memref<1x1x1x8x128xf32, #tpu.memory_space<hbm>>
    %dma_wait3A_276 = tpu.memref_squeeze %dma_wait3A_275 : memref<1x1x1x8x128xf32, #tpu.memory_space<hbm>> -> memref<8x128xf32, #tpu.memory_space<hbm>>
    %dma_wait3A_277 = arith.constant 0 : i32
    %dma_wait3A_278 = arith.constant 0 : i32
    %dma_wait3A_279 = tpu.memref_slice %arg8[%dma_wait3A_258, %dma_wait3A_277, %dma_wait3A_278] : memref<4x32x128xf32, #tpu.memory_space<vmem>> -> memref<1x8x128xf32, #tpu.memory_space<vmem>>
    %dma_wait3A_280 = tpu.memref_squeeze %dma_wait3A_279 : memref<1x8x128xf32, #tpu.memory_space<vmem>> -> memref<8x128xf32, #tpu.memory_space<vmem>>
    tpu.wait_dma2 semaphore(%dma_wait3A_272 : memref<!tpu.dma_semaphore, #tpu.memory_space<semaphore_mem>>) src(%dma_wait3A_280 : memref<8x128xf32, #tpu.memory_space<vmem>>) dst(%dma_wait3A_276 : memref<8x128xf32, #tpu.memory_space<hbm>>)
    %dma_wait3A_281 = arith.constant 2 : i32
    %dma_wait3A_282 = arith.constant 0 : i32
    %dma_wait3A_283 = arith.constant 1 : i32
    %dma_wait3A_284 = arith.constant 0 : i32
    %dma_wait3A_285 = arith.constant 2 : i32
    %dma_wait3A_286 = arith.constant 8 : i32
    %dma_wait3A_287 = arith.constant 0 : i32
    %dma_wait3A_288 = tpu.memref_slice %arg8[%dma_wait3A_281, %dma_wait3A_286, %dma_wait3A_287] : memref<4x32x128xf32, #tpu.memory_space<vmem>> -> memref<1x8x128xf32, #tpu.memory_space<vmem>>
    %dma_wait3A_289 = tpu.memref_squeeze %dma_wait3A_288 : memref<1x8x128xf32, #tpu.memory_space<vmem>> -> memref<8x128xf32, #tpu.memory_space<vmem>>
    %dma_wait3A_290 = arith.constant 0 : i32
    %dma_wait3A_291 = arith.constant 0 : i32
    %dma_wait3A_292 = tpu.memref_slice %arg4[%dma_wait3A_282, %dma_wait3A_283, %dma_wait3A_284, %dma_wait3A_290, %dma_wait3A_291] : memref<50x4x128x8x128xf32, #tpu.memory_space<hbm>> -> memref<1x1x1x8x128xf32, #tpu.memory_space<hbm>>
    %dma_wait3A_293 = tpu.memref_squeeze %dma_wait3A_292 : memref<1x1x1x8x128xf32, #tpu.memory_space<hbm>> -> memref<8x128xf32, #tpu.memory_space<hbm>>
    %dma_wait3A_294 = tpu.memref_slice %arg10[%dma_wait3A_285] : memref<4x!tpu.dma_semaphore, #tpu.memory_space<semaphore_mem>> -> memref<1x!tpu.dma_semaphore, #tpu.memory_space<semaphore_mem>>
    %dma_wait3A_295 = tpu.memref_squeeze %dma_wait3A_294 : memref<1x!tpu.dma_semaphore, #tpu.memory_space<semaphore_mem>> -> memref<!tpu.dma_semaphore, #tpu.memory_space<semaphore_mem>>
    %dma_wait3A_296 = arith.constant 0 : i32
    %dma_wait3A_297 = arith.constant 0 : i32
    %dma_wait3A_298 = tpu.memref_slice %arg4[%dma_wait3A_282, %dma_wait3A_283, %dma_wait3A_284, %dma_wait3A_296, %dma_wait3A_297] : memref<50x4x128x8x128xf32, #tpu.memory_space<hbm>> -> memref<1x1x1x8x128xf32, #tpu.memory_space<hbm>>
    %dma_wait3A_299 = tpu.memref_squeeze %dma_wait3A_298 : memref<1x1x1x8x128xf32, #tpu.memory_space<hbm>> -> memref<8x128xf32, #tpu.memory_space<hbm>>
    %dma_wait3A_300 = arith.constant 8 : i32
    %dma_wait3A_301 = arith.constant 0 : i32
    %dma_wait3A_302 = tpu.memref_slice %arg8[%dma_wait3A_281, %dma_wait3A_300, %dma_wait3A_301] : memref<4x32x128xf32, #tpu.memory_space<vmem>> -> memref<1x8x128xf32, #tpu.memory_space<vmem>>
    %dma_wait3A_303 = tpu.memref_squeeze %dma_wait3A_302 : memref<1x8x128xf32, #tpu.memory_space<vmem>> -> memref<8x128xf32, #tpu.memory_space<vmem>>
    tpu.wait_dma2 semaphore(%dma_wait3A_295 : memref<!tpu.dma_semaphore, #tpu.memory_space<semaphore_mem>>) src(%dma_wait3A_303 : memref<8x128xf32, #tpu.memory_space<vmem>>) dst(%dma_wait3A_299 : memref<8x128xf32, #tpu.memory_space<hbm>>)
    %dma_wait3A_304 = arith.constant 2 : i32
    %dma_wait3A_305 = arith.constant 0 : i32
    %dma_wait3A_306 = arith.constant 2 : i32
    %dma_wait3A_307 = arith.constant 0 : i32
    %dma_wait3A_308 = arith.constant 2 : i32
    %dma_wait3A_309 = arith.constant 16 : i32
    %dma_wait3A_310 = arith.constant 0 : i32
    %dma_wait3A_311 = tpu.memref_slice %arg8[%dma_wait3A_304, %dma_wait3A_309, %dma_wait3A_310] : memref<4x32x128xf32, #tpu.memory_space<vmem>> -> memref<1x8x128xf32, #tpu.memory_space<vmem>>
    %dma_wait3A_312 = tpu.memref_squeeze %dma_wait3A_311 : memref<1x8x128xf32, #tpu.memory_space<vmem>> -> memref<8x128xf32, #tpu.memory_space<vmem>>
    %dma_wait3A_313 = arith.constant 0 : i32
    %dma_wait3A_314 = arith.constant 0 : i32
    %dma_wait3A_315 = tpu.memref_slice %arg4[%dma_wait3A_305, %dma_wait3A_306, %dma_wait3A_307, %dma_wait3A_313, %dma_wait3A_314] : memref<50x4x128x8x128xf32, #tpu.memory_space<hbm>> -> memref<1x1x1x8x128xf32, #tpu.memory_space<hbm>>
    %dma_wait3A_316 = tpu.memref_squeeze %dma_wait3A_315 : memref<1x1x1x8x128xf32, #tpu.memory_space<hbm>> -> memref<8x128xf32, #tpu.memory_space<hbm>>
    %dma_wait3A_317 = tpu.memref_slice %arg10[%dma_wait3A_308] : memref<4x!tpu.dma_semaphore, #tpu.memory_space<semaphore_mem>> -> memref<1x!tpu.dma_semaphore, #tpu.memory_space<semaphore_mem>>
    %dma_wait3A_318 = tpu.memref_squeeze %dma_wait3A_317 : memref<1x!tpu.dma_semaphore, #tpu.memory_space<semaphore_mem>> -> memref<!tpu.dma_semaphore, #tpu.memory_space<semaphore_mem>>
    %dma_wait3A_319 = arith.constant 0 : i32
    %dma_wait3A_320 = arith.constant 0 : i32
    %dma_wait3A_321 = tpu.memref_slice %arg4[%dma_wait3A_305, %dma_wait3A_306, %dma_wait3A_307, %dma_wait3A_319, %dma_wait3A_320] : memref<50x4x128x8x128xf32, #tpu.memory_space<hbm>> -> memref<1x1x1x8x128xf32, #tpu.memory_space<hbm>>
    %dma_wait3A_322 = tpu.memref_squeeze %dma_wait3A_321 : memref<1x1x1x8x128xf32, #tpu.memory_space<hbm>> -> memref<8x128xf32, #tpu.memory_space<hbm>>
    %dma_wait3A_323 = arith.constant 16 : i32
    %dma_wait3A_324 = arith.constant 0 : i32
    %dma_wait3A_325 = tpu.memref_slice %arg8[%dma_wait3A_304, %dma_wait3A_323, %dma_wait3A_324] : memref<4x32x128xf32, #tpu.memory_space<vmem>> -> memref<1x8x128xf32, #tpu.memory_space<vmem>>
    %dma_wait3A_326 = tpu.memref_squeeze %dma_wait3A_325 : memref<1x8x128xf32, #tpu.memory_space<vmem>> -> memref<8x128xf32, #tpu.memory_space<vmem>>
    tpu.wait_dma2 semaphore(%dma_wait3A_318 : memref<!tpu.dma_semaphore, #tpu.memory_space<semaphore_mem>>) src(%dma_wait3A_326 : memref<8x128xf32, #tpu.memory_space<vmem>>) dst(%dma_wait3A_322 : memref<8x128xf32, #tpu.memory_space<hbm>>)
    %dma_wait3A_327 = arith.constant 2 : i32
    %dma_wait3A_328 = arith.constant 0 : i32
    %dma_wait3A_329 = arith.constant 3 : i32
    %dma_wait3A_330 = arith.constant 0 : i32
    %dma_wait3A_331 = arith.constant 2 : i32
    %dma_wait3A_332 = arith.constant 24 : i32
    %dma_wait3A_333 = arith.constant 0 : i32
    %dma_wait3A_334 = tpu.memref_slice %arg8[%dma_wait3A_327, %dma_wait3A_332, %dma_wait3A_333] : memref<4x32x128xf32, #tpu.memory_space<vmem>> -> memref<1x8x128xf32, #tpu.memory_space<vmem>>
    %dma_wait3A_335 = tpu.memref_squeeze %dma_wait3A_334 : memref<1x8x128xf32, #tpu.memory_space<vmem>> -> memref<8x128xf32, #tpu.memory_space<vmem>>
    %dma_wait3A_336 = arith.constant 0 : i32
    %dma_wait3A_337 = arith.constant 0 : i32
    %dma_wait3A_338 = tpu.memref_slice %arg4[%dma_wait3A_328, %dma_wait3A_329, %dma_wait3A_330, %dma_wait3A_336, %dma_wait3A_337] : memref<50x4x128x8x128xf32, #tpu.memory_space<hbm>> -> memref<1x1x1x8x128xf32, #tpu.memory_space<hbm>>
    %dma_wait3A_339 = tpu.memref_squeeze %dma_wait3A_338 : memref<1x1x1x8x128xf32, #tpu.memory_space<hbm>> -> memref<8x128xf32, #tpu.memory_space<hbm>>
    %dma_wait3A_340 = tpu.memref_slice %arg10[%dma_wait3A_331] : memref<4x!tpu.dma_semaphore, #tpu.memory_space<semaphore_mem>> -> memref<1x!tpu.dma_semaphore, #tpu.memory_space<semaphore_mem>>
    %dma_wait3A_341 = tpu.memref_squeeze %dma_wait3A_340 : memref<1x!tpu.dma_semaphore, #tpu.memory_space<semaphore_mem>> -> memref<!tpu.dma_semaphore, #tpu.memory_space<semaphore_mem>>
    %dma_wait3A_342 = arith.constant 0 : i32
    %dma_wait3A_343 = arith.constant 0 : i32
    %dma_wait3A_344 = tpu.memref_slice %arg4[%dma_wait3A_328, %dma_wait3A_329, %dma_wait3A_330, %dma_wait3A_342, %dma_wait3A_343] : memref<50x4x128x8x128xf32, #tpu.memory_space<hbm>> -> memref<1x1x1x8x128xf32, #tpu.memory_space<hbm>>
    %dma_wait3A_345 = tpu.memref_squeeze %dma_wait3A_344 : memref<1x1x1x8x128xf32, #tpu.memory_space<hbm>> -> memref<8x128xf32, #tpu.memory_space<hbm>>
    %dma_wait3A_346 = arith.constant 24 : i32
    %dma_wait3A_347 = arith.constant 0 : i32
    %dma_wait3A_348 = tpu.memref_slice %arg8[%dma_wait3A_327, %dma_wait3A_346, %dma_wait3A_347] : memref<4x32x128xf32, #tpu.memory_space<vmem>> -> memref<1x8x128xf32, #tpu.memory_space<vmem>>
    %dma_wait3A_349 = tpu.memref_squeeze %dma_wait3A_348 : memref<1x8x128xf32, #tpu.memory_space<vmem>> -> memref<8x128xf32, #tpu.memory_space<vmem>>
    tpu.wait_dma2 semaphore(%dma_wait3A_341 : memref<!tpu.dma_semaphore, #tpu.memory_space<semaphore_mem>>) src(%dma_wait3A_349 : memref<8x128xf32, #tpu.memory_space<vmem>>) dst(%dma_wait3A_345 : memref<8x128xf32, #tpu.memory_space<hbm>>)
    %dma_wait3A_350 = arith.constant 3 : i32
    %dma_wait3A_351 = arith.constant 0 : i32
    %dma_wait3A_352 = arith.constant 0 : i32
    %dma_wait3A_353 = arith.constant 0 : i32
    %dma_wait3A_354 = arith.constant 3 : i32
    %dma_wait3A_355 = arith.constant 0 : i32
    %dma_wait3A_356 = arith.constant 0 : i32
    %dma_wait3A_357 = tpu.memref_slice %arg8[%dma_wait3A_350, %dma_wait3A_355, %dma_wait3A_356] : memref<4x32x128xf32, #tpu.memory_space<vmem>> -> memref<1x8x128xf32, #tpu.memory_space<vmem>>
    %dma_wait3A_358 = tpu.memref_squeeze %dma_wait3A_357 : memref<1x8x128xf32, #tpu.memory_space<vmem>> -> memref<8x128xf32, #tpu.memory_space<vmem>>
    %dma_wait3A_359 = arith.constant 0 : i32
    %dma_wait3A_360 = arith.constant 0 : i32
    %dma_wait3A_361 = tpu.memref_slice %arg4[%dma_wait3A_351, %dma_wait3A_352, %dma_wait3A_353, %dma_wait3A_359, %dma_wait3A_360] : memref<50x4x128x8x128xf32, #tpu.memory_space<hbm>> -> memref<1x1x1x8x128xf32, #tpu.memory_space<hbm>>
    %dma_wait3A_362 = tpu.memref_squeeze %dma_wait3A_361 : memref<1x1x1x8x128xf32, #tpu.memory_space<hbm>> -> memref<8x128xf32, #tpu.memory_space<hbm>>
    %dma_wait3A_363 = tpu.memref_slice %arg10[%dma_wait3A_354] : memref<4x!tpu.dma_semaphore, #tpu.memory_space<semaphore_mem>> -> memref<1x!tpu.dma_semaphore, #tpu.memory_space<semaphore_mem>>
    %dma_wait3A_364 = tpu.memref_squeeze %dma_wait3A_363 : memref<1x!tpu.dma_semaphore, #tpu.memory_space<semaphore_mem>> -> memref<!tpu.dma_semaphore, #tpu.memory_space<semaphore_mem>>
    %dma_wait3A_365 = arith.constant 0 : i32
    %dma_wait3A_366 = arith.constant 0 : i32
    %dma_wait3A_367 = tpu.memref_slice %arg4[%dma_wait3A_351, %dma_wait3A_352, %dma_wait3A_353, %dma_wait3A_365, %dma_wait3A_366] : memref<50x4x128x8x128xf32, #tpu.memory_space<hbm>> -> memref<1x1x1x8x128xf32, #tpu.memory_space<hbm>>
    %dma_wait3A_368 = tpu.memref_squeeze %dma_wait3A_367 : memref<1x1x1x8x128xf32, #tpu.memory_space<hbm>> -> memref<8x128xf32, #tpu.memory_space<hbm>>
    %dma_wait3A_369 = arith.constant 0 : i32
    %dma_wait3A_370 = arith.constant 0 : i32
    %dma_wait3A_371 = tpu.memref_slice %arg8[%dma_wait3A_350, %dma_wait3A_369, %dma_wait3A_370] : memref<4x32x128xf32, #tpu.memory_space<vmem>> -> memref<1x8x128xf32, #tpu.memory_space<vmem>>
    %dma_wait3A_372 = tpu.memref_squeeze %dma_wait3A_371 : memref<1x8x128xf32, #tpu.memory_space<vmem>> -> memref<8x128xf32, #tpu.memory_space<vmem>>
    tpu.wait_dma2 semaphore(%dma_wait3A_364 : memref<!tpu.dma_semaphore, #tpu.memory_space<semaphore_mem>>) src(%dma_wait3A_372 : memref<8x128xf32, #tpu.memory_space<vmem>>) dst(%dma_wait3A_368 : memref<8x128xf32, #tpu.memory_space<hbm>>)
    %dma_wait3A_373 = arith.constant 3 : i32
    %dma_wait3A_374 = arith.constant 0 : i32
    %dma_wait3A_375 = arith.constant 1 : i32
    %dma_wait3A_376 = arith.constant 0 : i32
    %dma_wait3A_377 = arith.constant 3 : i32
    %dma_wait3A_378 = arith.constant 8 : i32
    %dma_wait3A_379 = arith.constant 0 : i32
    %dma_wait3A_380 = tpu.memref_slice %arg8[%dma_wait3A_373, %dma_wait3A_378, %dma_wait3A_379] : memref<4x32x128xf32, #tpu.memory_space<vmem>> -> memref<1x8x128xf32, #tpu.memory_space<vmem>>
    %dma_wait3A_381 = tpu.memref_squeeze %dma_wait3A_380 : memref<1x8x128xf32, #tpu.memory_space<vmem>> -> memref<8x128xf32, #tpu.memory_space<vmem>>
    %dma_wait3A_382 = arith.constant 0 : i32
    %dma_wait3A_383 = arith.constant 0 : i32
    %dma_wait3A_384 = tpu.memref_slice %arg4[%dma_wait3A_374, %dma_wait3A_375, %dma_wait3A_376, %dma_wait3A_382, %dma_wait3A_383] : memref<50x4x128x8x128xf32, #tpu.memory_space<hbm>> -> memref<1x1x1x8x128xf32, #tpu.memory_space<hbm>>
    %dma_wait3A_385 = tpu.memref_squeeze %dma_wait3A_384 : memref<1x1x1x8x128xf32, #tpu.memory_space<hbm>> -> memref<8x128xf32, #tpu.memory_space<hbm>>
    %dma_wait3A_386 = tpu.memref_slice %arg10[%dma_wait3A_377] : memref<4x!tpu.dma_semaphore, #tpu.memory_space<semaphore_mem>> -> memref<1x!tpu.dma_semaphore, #tpu.memory_space<semaphore_mem>>
    %dma_wait3A_387 = tpu.memref_squeeze %dma_wait3A_386 : memref<1x!tpu.dma_semaphore, #tpu.memory_space<semaphore_mem>> -> memref<!tpu.dma_semaphore, #tpu.memory_space<semaphore_mem>>
    %dma_wait3A_388 = arith.constant 0 : i32
    %dma_wait3A_389 = arith.constant 0 : i32
    %dma_wait3A_390 = tpu.memref_slice %arg4[%dma_wait3A_374, %dma_wait3A_375, %dma_wait3A_376, %dma_wait3A_388, %dma_wait3A_389] : memref<50x4x128x8x128xf32, #tpu.memory_space<hbm>> -> memref<1x1x1x8x128xf32, #tpu.memory_space<hbm>>
    %dma_wait3A_391 = tpu.memref_squeeze %dma_wait3A_390 : memref<1x1x1x8x128xf32, #tpu.memory_space<hbm>> -> memref<8x128xf32, #tpu.memory_space<hbm>>
    %dma_wait3A_392 = arith.constant 8 : i32
    %dma_wait3A_393 = arith.constant 0 : i32
    %dma_wait3A_394 = tpu.memref_slice %arg8[%dma_wait3A_373, %dma_wait3A_392, %dma_wait3A_393] : memref<4x32x128xf32, #tpu.memory_space<vmem>> -> memref<1x8x128xf32, #tpu.memory_space<vmem>>
    %dma_wait3A_395 = tpu.memref_squeeze %dma_wait3A_394 : memref<1x8x128xf32, #tpu.memory_space<vmem>> -> memref<8x128xf32, #tpu.memory_space<vmem>>
    tpu.wait_dma2 semaphore(%dma_wait3A_387 : memref<!tpu.dma_semaphore, #tpu.memory_space<semaphore_mem>>) src(%dma_wait3A_395 : memref<8x128xf32, #tpu.memory_space<vmem>>) dst(%dma_wait3A_391 : memref<8x128xf32, #tpu.memory_space<hbm>>)
    %dma_wait3A_396 = arith.constant 3 : i32
    %dma_wait3A_397 = arith.constant 0 : i32
    %dma_wait3A_398 = arith.constant 2 : i32
    %dma_wait3A_399 = arith.constant 0 : i32
    %dma_wait3A_400 = arith.constant 3 : i32
    %dma_wait3A_401 = arith.constant 16 : i32
    %dma_wait3A_402 = arith.constant 0 : i32
    %dma_wait3A_403 = tpu.memref_slice %arg8[%dma_wait3A_396, %dma_wait3A_401, %dma_wait3A_402] : memref<4x32x128xf32, #tpu.memory_space<vmem>> -> memref<1x8x128xf32, #tpu.memory_space<vmem>>
    %dma_wait3A_404 = tpu.memref_squeeze %dma_wait3A_403 : memref<1x8x128xf32, #tpu.memory_space<vmem>> -> memref<8x128xf32, #tpu.memory_space<vmem>>
    %dma_wait3A_405 = arith.constant 0 : i32
    %dma_wait3A_406 = arith.constant 0 : i32
    %dma_wait3A_407 = tpu.memref_slice %arg4[%dma_wait3A_397, %dma_wait3A_398, %dma_wait3A_399, %dma_wait3A_405, %dma_wait3A_406] : memref<50x4x128x8x128xf32, #tpu.memory_space<hbm>> -> memref<1x1x1x8x128xf32, #tpu.memory_space<hbm>>
    %dma_wait3A_408 = tpu.memref_squeeze %dma_wait3A_407 : memref<1x1x1x8x128xf32, #tpu.memory_space<hbm>> -> memref<8x128xf32, #tpu.memory_space<hbm>>
    %dma_wait3A_409 = tpu.memref_slice %arg10[%dma_wait3A_400] : memref<4x!tpu.dma_semaphore, #tpu.memory_space<semaphore_mem>> -> memref<1x!tpu.dma_semaphore, #tpu.memory_space<semaphore_mem>>
    %dma_wait3A_410 = tpu.memref_squeeze %dma_wait3A_409 : memref<1x!tpu.dma_semaphore, #tpu.memory_space<semaphore_mem>> -> memref<!tpu.dma_semaphore, #tpu.memory_space<semaphore_mem>>
    %dma_wait3A_411 = arith.constant 0 : i32
    %dma_wait3A_412 = arith.constant 0 : i32
    %dma_wait3A_413 = tpu.memref_slice %arg4[%dma_wait3A_397, %dma_wait3A_398, %dma_wait3A_399, %dma_wait3A_411, %dma_wait3A_412] : memref<50x4x128x8x128xf32, #tpu.memory_space<hbm>> -> memref<1x1x1x8x128xf32, #tpu.memory_space<hbm>>
    %dma_wait3A_414 = tpu.memref_squeeze %dma_wait3A_413 : memref<1x1x1x8x128xf32, #tpu.memory_space<hbm>> -> memref<8x128xf32, #tpu.memory_space<hbm>>
    %dma_wait3A_415 = arith.constant 16 : i32
    %dma_wait3A_416 = arith.constant 0 : i32
    %dma_wait3A_417 = tpu.memref_slice %arg8[%dma_wait3A_396, %dma_wait3A_415, %dma_wait3A_416] : memref<4x32x128xf32, #tpu.memory_space<vmem>> -> memref<1x8x128xf32, #tpu.memory_space<vmem>>
    %dma_wait3A_418 = tpu.memref_squeeze %dma_wait3A_417 : memref<1x8x128xf32, #tpu.memory_space<vmem>> -> memref<8x128xf32, #tpu.memory_space<vmem>>
    tpu.wait_dma2 semaphore(%dma_wait3A_410 : memref<!tpu.dma_semaphore, #tpu.memory_space<semaphore_mem>>) src(%dma_wait3A_418 : memref<8x128xf32, #tpu.memory_space<vmem>>) dst(%dma_wait3A_414 : memref<8x128xf32, #tpu.memory_space<hbm>>)
    %dma_wait3A_419 = arith.constant 3 : i32
    %dma_wait3A_420 = arith.constant 0 : i32
    %dma_wait3A_421 = arith.constant 3 : i32
    %dma_wait3A_422 = arith.constant 0 : i32
    %dma_wait3A_423 = arith.constant 3 : i32
    %dma_wait3A_424 = arith.constant 24 : i32
    %dma_wait3A_425 = arith.constant 0 : i32
    %dma_wait3A_426 = tpu.memref_slice %arg8[%dma_wait3A_419, %dma_wait3A_424, %dma_wait3A_425] : memref<4x32x128xf32, #tpu.memory_space<vmem>> -> memref<1x8x128xf32, #tpu.memory_space<vmem>>
    %dma_wait3A_427 = tpu.memref_squeeze %dma_wait3A_426 : memref<1x8x128xf32, #tpu.memory_space<vmem>> -> memref<8x128xf32, #tpu.memory_space<vmem>>
    %dma_wait3A_428 = arith.constant 0 : i32
    %dma_wait3A_429 = arith.constant 0 : i32
    %dma_wait3A_430 = tpu.memref_slice %arg4[%dma_wait3A_420, %dma_wait3A_421, %dma_wait3A_422, %dma_wait3A_428, %dma_wait3A_429] : memref<50x4x128x8x128xf32, #tpu.memory_space<hbm>> -> memref<1x1x1x8x128xf32, #tpu.memory_space<hbm>>
    %dma_wait3A_431 = tpu.memref_squeeze %dma_wait3A_430 : memref<1x1x1x8x128xf32, #tpu.memory_space<hbm>> -> memref<8x128xf32, #tpu.memory_space<hbm>>
    %dma_wait3A_432 = tpu.memref_slice %arg10[%dma_wait3A_423] : memref<4x!tpu.dma_semaphore, #tpu.memory_space<semaphore_mem>> -> memref<1x!tpu.dma_semaphore, #tpu.memory_space<semaphore_mem>>
    %dma_wait3A_433 = tpu.memref_squeeze %dma_wait3A_432 : memref<1x!tpu.dma_semaphore, #tpu.memory_space<semaphore_mem>> -> memref<!tpu.dma_semaphore, #tpu.memory_space<semaphore_mem>>
    %dma_wait3A_434 = arith.constant 0 : i32
    %dma_wait3A_435 = arith.constant 0 : i32
    %dma_wait3A_436 = tpu.memref_slice %arg4[%dma_wait3A_420, %dma_wait3A_421, %dma_wait3A_422, %dma_wait3A_434, %dma_wait3A_435] : memref<50x4x128x8x128xf32, #tpu.memory_space<hbm>> -> memref<1x1x1x8x128xf32, #tpu.memory_space<hbm>>
    %dma_wait3A_437 = tpu.memref_squeeze %dma_wait3A_436 : memref<1x1x1x8x128xf32, #tpu.memory_space<hbm>> -> memref<8x128xf32, #tpu.memory_space<hbm>>
    %dma_wait3A_438 = arith.constant 24 : i32
    %dma_wait3A_439 = arith.constant 0 : i32
    %dma_wait3A_440 = tpu.memref_slice %arg8[%dma_wait3A_419, %dma_wait3A_438, %dma_wait3A_439] : memref<4x32x128xf32, #tpu.memory_space<vmem>> -> memref<1x8x128xf32, #tpu.memory_space<vmem>>
    %dma_wait3A_441 = tpu.memref_squeeze %dma_wait3A_440 : memref<1x8x128xf32, #tpu.memory_space<vmem>> -> memref<8x128xf32, #tpu.memory_space<vmem>>
    tpu.wait_dma2 semaphore(%dma_wait3A_433 : memref<!tpu.dma_semaphore, #tpu.memory_space<semaphore_mem>>) src(%dma_wait3A_441 : memref<8x128xf32, #tpu.memory_space<vmem>>) dst(%dma_wait3A_437 : memref<8x128xf32, #tpu.memory_space<hbm>>)
    return
  }
}

</mosaic_0001>

<sc_bundles>
// kernel: _embed.3.cloned.1.call-start
scs
__scs_entry_jumppad:
0x0: {  	(pc) =	sbr.rel $0x88, $3  }
0x1: {  	(tag) =	ssettag $0x0;
	lr =	simm.s32 $0x1  }
0x2: {  	[smem:$0x3F9F] =	sst lr;
	_ =	strace $0xD0000000  }
0x3: {  	_ = 	snop  }
0x4: {  	_ = 	snop  }
0x5: {  	_ = 	snop  }
0x6: {  	_ = 	snop  }
0x7: {  	_ = 	snop  }
__scs_overlays_trampoline_lowered:
0x8: {  	[smem:$0x3FAE] =	sst s0  }
0x9: {  	[smem:$0x3FAF] =	sst s1  }
0xa: {  	[smem:$0x3FB0] =	sst s2  }
0xb: {  	[smem:$0x3FB1] =	sst s3  }
0xc: {  	[smem:$0x3FB2] =	sst s4  }
0xd: {  	[smem:$0x3FB3] =	sst s5  }
0xe: {  	[smem:$0x3FB4] =	sst s6  }
0xf: {  	[smem:$0x3FB5] =	sst s7  }
0x10: {  	[smem:$0x3FB6] =	sst s8  }
0x11: {  	[smem:$0x3FB7] =	sst s9;
	s0 =	simm.s32 @!p0 $0x0  }
0x12: {  	s1 =	sld [smem:$0x3F9D];
	s0 =	simm.s32 @p0 $0x1  }
0x13: {  	[smem:$0x3FB8] =	sst s0;
	s0 =	simm.s32 @!p1 $0x0  }
0x14: {  	s2 =	sld [smem:$0x3F9C];
	s0 =	simm.s32 @p1 $0x1  }
0x15: {  	[smem:$0x3FB9] =	sst s0;
	s0 =	simm.s32 @!p2 $0x0  }
0x16: {  	s3 =	sld [smem:$0x3FDB];
	s0 =	simm.s32 @p2 $0x1  }
0x17: {  	s4 =	simm.s32 $0x1BF5;
	[smem:$0x3FBB] =	sst s0  }
0x18: {  	s0 =	sld [smem:$0x3F9E];
	_ =	swait.ge [sflag:s4], $0x0  }
0x19: {  	s7 =	sld [smem:$0x3F9F]  }
0x1a: {  	s8 =	sadd.s32 $0xFFFFE003, lr  }
0x1b: {  	s9 =	sadd.s32 $0xFFFFFEF7, lr;
	s5 =	simm.s32 $0xFFFFFFFF;
	p2 =	slt.u32 s8, $0xFFFFF086  }
0x1c: {  	p1 =	slt.u32 s9, $0xF7A;
	s5 =	simm.s32 @!p2 $0x0  }
0x1d: {  	s5 =	simm.s32 @p1 $0x1;
	p0 =	seq.s32 s7, s2  }
0x1e: {  	s7 =	smul.u32 @!p0 $0xF7A, s2;
	p2 =	seq.s32 @!p0 s5, $0x0  }
0x1f: {  	s9 =	smul.u32 $0xF7A, s1;
	s8 =	simm.s32 @!p0 $0x1BF5;
	p2 =	por !p2, p0  }
0x20: {  	[sflag:s8] =	ssyncset.s32 @!p0 $0xFFFFF086;
	s6 =	sadd.s32 @!p0 s3, s7;
	s7 =	simm.s32 @!p0 $0x108  }
0x21: {  	s3 =	sadd.s32 s3, s9;
	s6 =	sadd.s32 @!p0 $0x88, s6;
	s7 =	simm.s32 @p2 $0x1082  }
0x22: {  	[simem:s7], [sflag:s8] =	dma.local @!p0 [hbm:s6], $0xF7A  }
0x23: {  	s9 =	sor.u32 $0xD0000000, s2;
	s6 =	simm.s32 $0x108;
	_ =	swait.ge @!p0 [sflag:s8], $0x0  }
0x24: {  	s3 =	sadd.s32 $0x88, s3;
	s6 =	simm.s32 @!p1 $0x1082;
	[sflag:s4] =	ssyncset.s32 $0xFFFFF086  }
0x25: {  	[simem:s6], [sflag:s4] =	dma.local [hbm:s3], $0xF7A  }
0x26: {  	[smem:$0x3F9F] =	sst s1;
	(tag) =	ssettag s2;
	_ =	strace s9  }
0x27: {  	s1 =	sld [smem:$0x3FAF]  }
0x28: {  	s2 =	sld [smem:$0x3FB0]  }
0x29: {  	s4 =	sld [smem:$0x3FB2]  }
0x2a: {  	p0 =	seq.s32 s5, $0x0;
	s5 =	sld [smem:$0x3FB3]  }
0x2b: {  	s6 =	sld [smem:$0x3FB4]  }
0x2c: {  	s7 =	sld [smem:$0x3FB5]  }
0x2d: {  	s3 =	simm.s32 $0x108;
	s8 =	sld [smem:$0x3FB6]  }
0x2e: {  	s3 =	simm.s32 @!p0 $0x1082;
	s9 =	sld [smem:$0x3FB7]  }
0x2f: {  	lr =	sadd.s32 s0, s3;
	s0 =	sld [smem:$0x3FAE]  }
0x30: {  	s3 =	sld [smem:$0x3FB1]  }
0x31: {  	[smem:$0x3FBA] =	sst s10  }
0x32: {  	s10 =	sld [smem:$0x3FB8];
	_ =	sdelay $0x3  }
0x33: {  	p0 =	seq.s32 s10, $0x1;
	s10 =	sld [smem:$0x3FBA];
	_ =	sdelay $0x3  }
0x34: {  	[smem:$0x3FBA] =	sst s10  }
0x35: {  	s10 =	sld [smem:$0x3FB9];
	_ =	sdelay $0x3  }
0x36: {  	p1 =	seq.s32 s10, $0x1;
	s10 =	sld [smem:$0x3FBA];
	_ =	sdelay $0x3  }
0x37: {  	[smem:$0x3FBA] =	sst s10  }
0x38: {  	s10 =	sld [smem:$0x3FBB]  }
0x39: {  	_ = 	snop;
	(pc) =	sbr.ind lr, $3  }
0x3a: {  	_ = 	snop  }
0x3b: {  	_ = 	snop  }
0x3c: {  	p2 =	seq.s32 s10, $0x1;
	s10 =	sld [smem:$0x3FBA]  }
0x3d: {  	_ =	shalt  }
0x3e: {  	_ =	shalt  }
0x3f: {  	_ =	shalt  }
0x40: {  	_ =	shalt  }
0x41: {  	_ =	shalt  }
0x42: {  	_ =	shalt  }
0x43: {  	_ =	shalt  }
0x44: {  	_ =	shalt  }
0x45: {  	_ =	shalt  }
0x46: {  	_ =	shalt  }
0x47: {  	_ =	shalt  }
0x48: {  	_ =	shalt  }
0x49: {  	_ =	shalt  }
0x4a: {  	_ =	shalt  }
0x4b: {  	_ =	shalt  }
0x4c: {  	_ =	shalt  }
0x4d: {  	_ =	shalt  }
0x4e: {  	_ =	shalt  }
0x4f: {  	_ =	shalt  }
0x50: {  	_ =	shalt  }
0x51: {  	_ =	shalt  }
0x52: {  	_ =	shalt  }
0x53: {  	_ =	shalt  }
0x54: {  	_ =	shalt  }
0x55: {  	_ =	shalt  }
0x56: {  	_ =	shalt  }
0x57: {  	_ =	shalt  }
0x58: {  	_ =	shalt  }
0x59: {  	_ =	shalt  }
0x5a: {  	_ =	shalt  }
0x5b: {  	_ =	shalt  }
0x5c: {  	_ =	shalt  }
0x5d: {  	_ =	shalt  }
0x5e: {  	_ =	shalt  }
0x5f: {  	_ =	shalt  }
0x60: {  	_ =	shalt  }
0x61: {  	_ =	shalt  }
0x62: {  	_ =	shalt  }
0x63: {  	_ =	shalt  }
0x64: {  	_ =	shalt  }
0x65: {  	_ =	shalt  }
0x66: {  	_ =	shalt  }
0x67: {  	_ =	shalt  }
0x68: {  	_ =	shalt  }
0x69: {  	_ =	shalt  }
0x6a: {  	_ =	shalt  }
0x6b: {  	_ =	shalt  }
0x6c: {  	_ =	shalt  }
0x6d: {  	_ =	shalt  }
0x6e: {  	_ =	shalt  }
0x6f: {  	_ =	shalt  }
0x70: {  	_ =	shalt  }
0x71: {  	_ =	shalt  }
0x72: {  	_ =	shalt  }
0x73: {  	_ =	shalt  }
0x74: {  	_ =	shalt  }
0x75: {  	_ =	shalt  }
0x76: {  	_ =	shalt  }
0x77: {  	_ =	shalt  }
0x78: {  	_ =	shalt  }
0x79: {  	_ =	shalt  }
0x7a: {  	_ =	shalt  }
0x7b: {  	_ =	shalt  }
0x7c: {  	_ =	shalt  }
0x7d: {  	_ =	shalt  }
0x7e: {  	_ =	shalt  }
0x7f: {  	_ =	shalt  }
0x80: {  	_ =	shalt  }
0x81: {  	_ =	shalt  }
0x82: {  	_ =	shalt  }
0x83: {  	_ =	shalt  }
0x84: {  	_ =	shalt  }
0x85: {  	_ =	shalt  }
0x86: {  	_ =	shalt  }
0x87: {  	_ =	shalt  }
.Lfunc_end0:
.L_simem_size_0:
called_computation_lowered:
.L_overlay_start_0:
0x88: {  	s2 =	sld [smem:$0x3FD9]  }
0x89: {  	s3 =	sld [smem:$0x3FFE];
	_ =	sdelay $0x1  }
0x8a: {  	s1 =	srdreg.scid  }
0x8b: {  	s0 =	sand.u32 $0x1, s1  }
0x8c: {  	s17 =	sshll.u32 s0, $0xA;
	s2 =	sadd.s32 s3, s2  }
0x8d: {  	s2 =	sadd.s32 s2, s17  }
0x8e: {  	[smem:$0x3FC6] =	sst s2  }
0x8f: {  	_ = 	snop  }
0x90: {  	s2 =	sld [smem:$0x3FD0];
	(tm) =	ssettm $0x1  }
0x91: {  	s18 =	sld [smem:$0x3FFB];
	_ =	sdelay $0x3  }
0x92: {  	_ =	strace s18  }
0x93: {  	s3 =	sld [smem:$0x3FFC];
	_ =	sdelay $0x3  }
0x94: {  	_ =	strace s3  }
0x95: {  	s3 =	sld [smem:$0x3FFD];
	_ =	sdelay $0x3  }
0x96: {  	_ =	strace s3  }
0x97: {  	_ =	strace $0x8FFFFFFF  }
0x98: {  	s19 =	sld [smem:$0x3FDB];
	_ =	sdelay $0x1  }
0x99: {  	s4 =	simm.s32 $_scs_section_size  }
0x9a: {  	s5 =	simm.s32 $_size__tile_overlayer_lowered;
	s6 =	simm.s32 $_tile_overlayer_lowered  }
0x9b: {  	s22 =	simm.s32 $0x1BFF;
	s21 =	sshll.u32 s6, $0x1;
	s3 =	sadd.s32 s4, s19  }
0x9c: {  	s7 =	simm.s32 $0x0;
	s20 =	sshll.u32 s5, $0x1;
	s5 =	sadd.s32 s21, s3  }
0x9d: {  	[timem:s7], [sflag:s22] =	dma.local [hbm:s5], s20  }
0x9e: {  	_ =	swait.ge [sflag:s22], s20  }
0x9f: {  	s4 =	ssub.s32 $0x0, s20;
	[sflag:s22] =	ssyncset.done $0x0  }
0xa0: {  	[sflag:s22] =	ssyncadd.s32 s4;
	_ =	sdelay $0x1  }
0xa1: {  	s23 =	simm.s32 $0x1B8B  }
0xa2: {  	_ =	swait.ge [sflag:s23], $0x1  }
0xa3: {  	[sflag:s23] =	ssyncset.done $0x0  }
0xa4: {  	s25 =	simm.s32 $0x1B8E;
	s24 =	sld [smem:$0x3FFE];
	[sflag:s23] =	ssyncadd.s32 $0xFFFFFFFF  }
0xa5: {  	s26 =	simm.s32 $execute0_lowered;
	[smem:$0x3FD2] =	sst s25  }
0xa6: {  	s5 =	sshll.u32 s26, $0x1;
	_ =	strace $0x80000046;
	[dreg:$0x1] =	wrdreg $0xFFFFFFFF  }
0xa7: {  	s28 =	simm.s32 $_size_execute0_lowered;
	s3 =	sadd.s32 s3, s5;
	[dreg:$0x0] =	wrdreg $0x0  }
0xa8: {  	s5 =	sshll.u32 s28, $0x1;
	[dreg:$0x2] =	wrdreg s3  }
0xa9: {  	[dreg:$0x3] =	wrdreg s5  }
0xaa: {  	[dreg:$0x4] =	wrdreg $0xC0  }
0xab: {  	_ =	task [dreg:s7], $0x5FFFF  }
0xac: {  	[dreg:$0x1] =	wrdreg $0xFFFFFFFF  }
0xad: {  	[dreg:$0x0] =	wrdreg $0x60  }
0xae: {  	[dreg:$0x2] =	wrdreg s24  }
0xaf: {  	[dreg:$0x3] =	wrdreg s2  }
0xb0: {  	[dreg:$0x4] =	wrdreg $0x9  }
0xb1: {  	_ =	task.clear_ibuf [dreg:s7], $0x5FFFF;
	_ =	strace $0x90000046  }
0xb2: {  	s29 =	simm.s32 $0x9;
	_ =	strace $0x80000048  }
0xb3: {  	_ =	swait.ge [sflag:s29], $0x1  }
0xb4: {  	[sflag:s29] =	ssyncadd.s32 $0xFFFFFFFF  }
0xb5: {  	_ =	strace $0x90000048  }
0xb6: {  	_ =	sfence  }
0xb7: {  	s30 =	sld [smem:$0x0];
	_ =	sdelay $0x2  }
0xb8: {  	s31 =	sshll.u32 s1, $0xD;
	s1 =	sshrl.u32 s1, $0x2  }
0xb9: {  	s3 =	sand.u32 $0x4000, s31;
	s1 =	sadd.s32 s1, s30  }
0xba: {  	s0 =	sor.u32 s3, s0;
	s1 =	sshll.u32 s1, $0x11  }
0xbb: {  	s0 =	sor.u32 s1, s0  }
0xbc: {  	s0 =	sadd.s32 $0x8F2B, s0  }
0xbd: {  	[sflag:s0] =	ssyncadd.remote.s32 $0x1  }
0xbe: {  	_ =	sfence.sel $0xFFFF  }
0xbf: {  	[dreg:$0x0] =	wrdreg $0xFFFFFFFF;
	(pc) =	sbr.abs _section_cstart, $3  }
0xc0: {  	[dreg:$0x1] =	wrdreg $0xFFFFFFFF  }
0xc1: {  	_ =	task.clear_ibuf [dreg:s7], $0x2FFFF;
	_ =	strace $0x9FFFFFFF  }
0xc2: {  	(tm) =	ssettm $0x7FFFFFFF  }
0xc3: {  	_ =	shalt  }
tec
execute0_lowered:
.L_overlay_start_1:
0x0: {  	(tag) =	ssettag $0x1  }
0x1: {  	v35 =	vlaneseq.u32;
	v1 =	vimm.s32 $0x63422100  }
0x2: {  	vm0 =	vcmask $0xF00;
	v2 =	vimm.s32 $0x3E7;
	vm14 =	vcmask $0x300  }
0x3: {  	v3 =	vimm.s32 $0xE7C6A584;
	vm13 =	vcmask $0x704;
	vm12 =	vcmask $0xB08  }
0x4: {  	vm11 =	vcmask $0xF0C;
	vm10 =	vcmask $0x1310;
	vm7 =	vcmask $0x1F10  }
0x5: {  	vm9 =	vcmask $0x1714;
	vm8 =	vcmask $0x1B18;
	vm5 =	vcmask $0x2320  }
0x6: {  	vm6 =	vcmask $0x2724;
	vm4 =	vcmask $0x2B28;
	vm3 =	vcmask $0x2F2C  }
0x7: {  	vm2 =	vcmask $0x3330;
	vm15 =	vcmask $0x3734;
	vm1 =	vcmask $0x3B38  }
0x8: {  	v4 =	vmul.u32 $0x38, v35;
	v1 =	vunpack.c.0.s8.s32 v1;
	v2 =	vsel vm14, $0x200, v2  }
0x9: {  	v3 =	vunpack.c.0.s8.s32 v3;
	v37 =	vor.u32 $0x10, v35;
	v39 =	vor.u32 $0x20, v35  }
0xa: {  	v41 =	vor.u32 $0x30, v35;
	v60 =	vor.u32 $0x50, v35;
	v46 =	vmul.u32 $0x20, v35  }
0xb: {  	v0 =	vor.u32 $0x60, v35;
	v55 =	vor.u32 $0x70, v35;
	v2 =	vsel vm13, $0x221, v2  }
0xc: {  	s3 =	stileid.u32;
	v5 =	vadd.s32 $0x380, v4;
	v6 =	vadd.s32 $0x700, v4;
	v7 =	vadd.s32 $0xA80, v4  }
0xd: {  	s0 =	rddreg [dreg:$0x0];
	s4 =	sshll.u32 s3, $0x1;
	s3 =	simm.s32 $0x0;
	v8 =	vadd.s32 $0xE00, v4;
	v9 =	vadd.s32 $0x1180, v4;
	v10 =	vadd.s32 $0x1500, v4  }
0xe: {  	[smem:$0x7FF] =	sst s3;
	v11 =	vadd.s32 $0x1880, v4;
	v12 =	vor.u32 $0x1C00, v4;
	v13 =	vadd.s32 $0x1F80, v4  }
0xf: {  	s2 =	rddreg [dreg:$0x1];
	v14 =	vadd.s32 $0x2300, v4;
	v15 =	vadd.s32 $0x2680, v4;
	v16 =	vadd.s32 $0x2A00, v4;
	_ =	strace $0x80000047;
	[tilespmem:$0x1FCC0] =	vst v4  }
0x10: {  	v17 =	vadd.s32 $0x2D80, v4;
	v18 =	vadd.s32 $0x3100, v4;
	v19 =	vadd.s32 $0x3480, v4;
	[tilespmem:$0x1FF00] =	vst v46  }
0x11: {  	v20 =	vor.u32 $0x3800, v4;
	v21 =	vadd.s32 $0x3B80, v4;
	v22 =	vadd.s32 $0x3F00, v4;
	[tilespmem:$0x1FF10] =	vst v37  }
0x12: {  	v23 =	vadd.s32 $0x4280, v4;
	v24 =	vadd.s32 $0x4600, v4;
	v25 =	vadd.s32 $0x4980, v4;
	[tilespmem:$0x1FF20] =	vst v60  }
0x13: {  	v26 =	vadd.s32 $0x4D00, v4;
	v27 =	vadd.s32 $0x5080, v4;
	v28 =	vor.u32 $0x5400, v4;
	[tilespmem:$0x1FF30] =	vst v55  }
0x14: {  	v29 =	vadd.s32 $0x5780, v4;
	v30 =	vadd.s32 $0x5B00, v4;
	v2 =	vsel vm12, $0x242, v2;
	[tilespmem:$0x1FF50] =	vst v0  }
0x15: {  	v31 =	vadd.s32 $0x5E80, v4;
	v32 =	vadd.s32 $0x6200, v4;
	[tilespmem:$0x1FFD0] =	vst v39;
	v2 =	vsel vm11, $0x263, v2  }
0x16: {  	v33 =	vadd.s32 $0x6580, v4;
	v1 =	vand.u32 $0xFF, v1;
	[tilespmem:$0x1FFF0] =	vst v41;
	v2 =	vsel vm10, $0x284, v2  }
0x17: {  	v3 =	vand.u32 $0xFF, v3;
	v1 =	vnsel vm0, $0x1E7, v1;
	[tilespmem:$0x1FCD0] =	vst v5;
	v2 =	vsel vm9, $0x2A5, v2  }
0x18: {  	[tilespmem:$0x1FCE0] =	vst v6;
	v1 =	vsel vm7, v3, v1;
	vm7 =	vcmask $0x1F1C;
	v2 =	vsel vm8, $0x2C6, v2  }
0x19: {  	v34 =	vadd.s32 $0x6900, v4;
	[tilespmem:$0x1FCF0] =	vst v7;
	v1 =	vsel vm5, $0x100, v1;
	v2 =	vsel vm7, $0x2E7, v2  }
0x1a: {  	v36 =	vadd.s32 $0x6C80, v4;
	[tilespmem:$0x1FD00] =	vst v8;
	v1 =	vsel vm6, $0x121, v1;
	v2 =	vsel vm5, $0x300, v2  }
0x1b: {  	v49 =	vor.u32 $0x200, v46;
	[tilespmem:$0x1FD10] =	vst v9;
	v1 =	vsel vm4, $0x142, v1;
	v2 =	vsel vm6, $0x321, v2  }
0x1c: {  	v50 =	vor.u32 $0x400, v46;
	[tilespmem:$0x1FD20] =	vst v10;
	v1 =	vsel vm3, $0x163, v1;
	v2 =	vsel vm4, $0x342, v2  }
0x1d: {  	[tilespmem:$0x1FD30] =	vst v11;
	v3 =	vimm.s32 $0x5E7;
	v1 =	vsel vm2, $0x184, v1;
	v2 =	vsel vm3, $0x363, v2  }
0x1e: {  	[tilespmem:$0x1FD40] =	vst v12;
	v3 =	vsel vm14, $0x400, v3;
	v1 =	vsel vm15, $0x1A5, v1;
	v2 =	vsel vm2, $0x384, v2  }
0x1f: {  	[tilespmem:$0x1FD50] =	vst v13;
	v57 =	vsel vm1, $0x1C6, v1;
	v1 =	vsel vm13, $0x421, v3;
	v2 =	vsel vm15, $0x3A5, v2  }
0x20: {  	[tilespmem:$0x1FD60] =	vst v14;
	v1 =	vsel vm12, $0x442, v1;
	v58 =	vsel vm1, $0x3C6, v2;
	v2 =	vimm.s32 $0x7E7  }
0x21: {  	[tilespmem:$0x1FD70] =	vst v15;
	v3 =	vimm.s32 $0x9E7;
	v1 =	vsel vm11, $0x463, v1;
	v2 =	vsel vm14, $0x600, v2  }
0x22: {  	[tilespmem:$0x1FD80] =	vst v16;
	v3 =	vsel vm14, $0x800, v3;
	v1 =	vsel vm10, $0x484, v1;
	v2 =	vsel vm13, $0x621, v2  }
0x23: {  	[tilespmem:$0x1FD90] =	vst v17;
	v3 =	vsel vm13, $0x821, v3;
	v1 =	vsel vm9, $0x4A5, v1;
	v2 =	vsel vm12, $0x642, v2  }
0x24: {  	[tilespmem:$0x1FDA0] =	vst v18;
	v3 =	vsel vm12, $0x842, v3;
	v1 =	vsel vm8, $0x4C6, v1;
	v2 =	vsel vm11, $0x663, v2  }
0x25: {  	[tilespmem:$0x1FDB0] =	vst v19;
	v3 =	vsel vm11, $0x863, v3;
	v1 =	vsel vm7, $0x4E7, v1;
	v2 =	vsel vm10, $0x684, v2  }
0x26: {  	[tilespmem:$0x1FDC0] =	vst v20;
	v3 =	vsel vm10, $0x884, v3;
	v1 =	vsel vm5, $0x500, v1;
	v2 =	vsel vm9, $0x6A5, v2  }
0x27: {  	[tilespmem:$0x1FDD0] =	vst v21;
	v3 =	vsel vm9, $0x8A5, v3;
	v1 =	vsel vm6, $0x521, v1;
	v2 =	vsel vm8, $0x6C6, v2  }
0x28: {  	[tilespmem:$0x1FDE0] =	vst v22;
	v3 =	vsel vm8, $0x8C6, v3;
	v1 =	vsel vm4, $0x542, v1;
	v2 =	vsel vm7, $0x6E7, v2  }
0x29: {  	[tilespmem:$0x1FDF0] =	vst v23;
	v3 =	vsel vm7, $0x8E7, v3;
	v1 =	vsel vm3, $0x563, v1;
	v2 =	vsel vm5, $0x700, v2  }
0x2a: {  	[tilespmem:$0x1FE00] =	vst v24;
	v3 =	vsel vm5, $0x900, v3;
	v1 =	vsel vm2, $0x584, v1;
	v2 =	vsel vm6, $0x721, v2  }
0x2b: {  	[tilespmem:$0x1FE10] =	vst v25;
	v3 =	vsel vm6, $0x921, v3;
	v1 =	vsel vm15, $0x5A5, v1;
	v2 =	vsel vm4, $0x742, v2  }
0x2c: {  	[tilespmem:$0x1FE20] =	vst v26;
	v59 =	vsel vm1, $0x5C6, v1;
	v1 =	vsel vm3, $0x763, v2;
	v2 =	vsel vm4, $0x942, v3  }
0x2d: {  	v51 =	vor.u32 $0x600, v46;
	[tilespmem:$0x1FE30] =	vst v27;
	v1 =	vsel vm2, $0x784, v1;
	v2 =	vsel vm3, $0x963, v2  }
0x2e: {  	[tilespmem:$0x1FE40] =	vst v28;
	v3 =	vimm.s32 $0xBE7;
	v1 =	vsel vm15, $0x7A5, v1;
	v2 =	vsel vm2, $0x984, v2  }
0x2f: {  	[tilespmem:$0x1FE50] =	vst v29;
	v54 =	vsel vm1, $0x7C6, v1;
	v1 =	vsel vm15, $0x9A5, v2;
	v2 =	vsel vm14, $0xA00, v3  }
0x30: {  	v52 =	vor.u32 $0x800, v46;
	[tilespmem:$0x1FE60] =	vst v30;
	v61 =	vsel vm1, $0x9C6, v1;
	v1 =	vsel vm13, $0xA21, v2  }
0x31: {  	v56 =	vor.u32 $0xA00, v46;
	[tilespmem:$0x1FE70] =	vst v31;
	v2 =	vimm.s32 $0xDE7;
	v1 =	vsel vm12, $0xA42, v1  }
0x32: {  	[tilespmem:$0x1FE80] =	vst v32;
	v3 =	vimm.s32 $0xFE7;
	v2 =	vsel vm14, $0xC00, v2;
	v1 =	vsel vm11, $0xA63, v1  }
0x33: {  	[tilespmem:$0x1FE90] =	vst v33;
	v3 =	vsel vm14, $0xE00, v3;
	v2 =	vsel vm13, $0xC21, v2;
	v1 =	vsel vm10, $0xA84, v1  }
0x34: {  	[tilespmem:$0x1FEA0] =	vst v34;
	v3 =	vsel vm13, $0xE21, v3;
	v2 =	vsel vm12, $0xC42, v2;
	v1 =	vsel vm9, $0xAA5, v1  }
0x35: {  	[tilespmem:$0x1FEB0] =	vst v36;
	v3 =	vsel vm12, $0xE42, v3;
	v2 =	vsel vm11, $0xC63, v2;
	v1 =	vsel vm8, $0xAC6, v1  }
0x36: {  	[tilespmem:$0x1FF80] =	vst v49;
	v3 =	vsel vm11, $0xE63, v3;
	v2 =	vsel vm10, $0xC84, v2;
	v1 =	vsel vm7, $0xAE7, v1  }
0x37: {  	[tilespmem:$0x1FFA0] =	vst v51;
	v3 =	vsel vm10, $0xE84, v3;
	v2 =	vsel vm9, $0xCA5, v2;
	v1 =	vsel vm5, $0xB00, v1  }
0x38: {  	[tilespmem:$0x1FFB0] =	vst v50;
	v3 =	vsel vm9, $0xEA5, v3;
	v2 =	vsel vm8, $0xCC6, v2;
	v1 =	vsel vm6, $0xB21, v1  }
0x39: {  	[tilespmem:$0x1FFC0] =	vst v56;
	v3 =	vsel vm8, $0xEC6, v3;
	v2 =	vsel vm7, $0xCE7, v2;
	v1 =	vsel vm4, $0xB42, v1  }
0x3a: {  	s1 =	srdreg.scid;
	s11 =	simm.s32 $0xD400;
	s13 =	simm.s32 $0xE400;
	[tilespmem:$0x1FFE0] =	vst v52;
	v3 =	vsel vm7, $0xEE7, v3;
	v2 =	vsel vm5, $0xD00, v2;
	v1 =	vsel vm3, $0xB63, v1  }
0x3b: {  	s9 =	simm.s32 $0x80;
	s15 =	simm.s32 $0xF400;
	s17 =	simm.s32 $0x10400;
	[tilespmem:$0x1FEC0] =	vst v57;
	v3 =	vsel vm5, $0xF00, v3;
	v2 =	vsel vm6, $0xD21, v2;
	v1 =	vsel vm2, $0xB84, v1  }
0x3c: {  	s18 =	simm.s32 $0x1;
	s19 =	simm.s32 $0x11400;
	s23 =	simm.s32 $0x2;
	[tilespmem:$0x1FED0] =	vst v58;
	v3 =	vsel vm6, $0xF21, v3;
	v2 =	vsel vm4, $0xD42, v2;
	v1 =	vsel vm15, $0xBA5, v1  }
0x3d: {  	s24 =	simm.s32 $0x12400;
	s29 =	simm.s32 $0x3;
	s1 =	sand.u32 $0x1, s1;
	[tilespmem:$0x1FEE0] =	vst v59;
	v38 =	vsel vm1, $0xBC6, v1;
	v1 =	vsel vm3, $0xD63, v2;
	v2 =	vsel vm4, $0xF42, v3  }
0x3e: {  	s30 =	simm.s32 $0x13400;
	s10 =	simm.s32 $0x4;
	s5 =	sor.u32 s1, s4;
	[tilespmem:$0x1FEF0] =	vst v54;
	v1 =	vsel vm2, $0xD84, v1;
	v2 =	vsel vm3, $0xF63, v2  }
0x3f: {  	s12 =	simm.s32 $0x14400;
	s14 =	simm.s32 $0x14800;
	s4 =	smul.u32 $0xE00, s5;
	[tilespmem:$0x1FF60] =	vst v61;
	v1 =	vsel vm15, $0xDA5, v1;
	v2 =	vsel vm2, $0xF84, v2  }
.Ltmp0:
0x40: {  	s16 =	simm.s32 $0x14C00;
	s1 =	ssub.s32 $0x2, s1;
	[tilespmem:$0x1FF70] =	vst v38;
	v48 =	vsel vm1, $0xDC6, v1;
	v1 =	vsel vm15, $0xFA5, v2;
	(pc) =	sbr.rel .LBB2_1-.Ltmp0, $4  }
0x41: {  	s8 =	simm.s32 $0x0;
	s28 =	sshrl.u32 s1, $0x1;
	s6 =	sadd.s32 s4, s0;
	v62 =	vsel vm1, $0xFC6, v1;
	v1 =	vor.u32 $0xC00, v46;
	[tilespmem:$0x1FF90] =	vst v48  }
0x42: {  	s4 =	sadd.s32 $0xF42A00, s0;
	s0 =	ssub.s32 s1, s28;
	s31 =	sadd.s32 $0x600, s6;
	[tilespmem:$0x1FCA0] =	vst v1  }
0x43: {  	s6 =	sshll.u32 s5, $0x2;
	s0 =	smax.u32 s0, $0x1;
	[dreg:$0x3] =	wrdreg s31;
	v1 =	vor.u32 $0xE00, v46;
	[tilespmem:$0x1FF40] =	vst v62  }
0x44: {  	v43 =	vor.u32 $0x40, v35;
	s5 =	simm.s32 $0x15000;
	[dreg:$0x4] =	wrdreg s0;
	s0 =	simm.s32 $0x14000;
	[tilespmem:$0x1FCB0] =	vst v1  }
.LBB2_14:
0x45: {  	s1 =	simm.s32 $0x5  }
0x46: {  	_ =	swait.ge [sflag:s1], $0x400  }
0x47: {  	[sflag:s1] =	ssyncset.done $0x0  }
0x48: {  	[sflag:s1] =	ssyncadd.s32 $0xFFFFFC00  }
0x49: {  	_ =	swait.ge [sflag:s1], $0x400  }
0x4a: {  	[sflag:s1] =	ssyncset.done $0x0  }
0x4b: {  	[sflag:s1] =	ssyncadd.s32 $0xFFFFFC00  }
0x4c: {  	_ =	swait.ge [sflag:s1], $0x400  }
0x4d: {  	[sflag:s1] =	ssyncset.done $0x0  }
0x4e: {  	[sflag:s1] =	ssyncadd.s32 $0xFFFFFC00  }
0x4f: {  	_ =	swait.ge [sflag:s1], $0x400  }
0x50: {  	[sflag:s1] =	ssyncset.done $0x0  }
0x51: {  	s26 =	simm.s32 $0x6;
	[sflag:s1] =	ssyncadd.s32 $0xFFFFFC00  }
0x52: {  	_ =	swait.ge [sflag:s26], $0x400  }
0x53: {  	[sflag:s26] =	ssyncset.done $0x0  }
0x54: {  	[sflag:s26] =	ssyncadd.s32 $0xFFFFFC00  }
0x55: {  	_ =	swait.ge [sflag:s26], $0x400  }
0x56: {  	[sflag:s26] =	ssyncset.done $0x0  }
0x57: {  	[sflag:s26] =	ssyncadd.s32 $0xFFFFFC00  }
0x58: {  	_ =	swait.ge [sflag:s26], $0x400  }
0x59: {  	[sflag:s26] =	ssyncset.done $0x0  }
0x5a: {  	[sflag:s26] =	ssyncadd.s32 $0xFFFFFC00  }
0x5b: {  	_ =	swait.ge [sflag:s26], $0x400  }
0x5c: {  	[sflag:s26] =	ssyncset.done $0x0  }
0x5d: {  	s28 =	simm.s32 $0x7;
	[sflag:s26] =	ssyncadd.s32 $0xFFFFFC00  }
0x5e: {  	_ =	swait.ge [sflag:s28], $0x400  }
0x5f: {  	[sflag:s28] =	ssyncset.done $0x0  }
0x60: {  	[sflag:s28] =	ssyncadd.s32 $0xFFFFFC00  }
0x61: {  	_ =	swait.ge [sflag:s28], $0x400  }
0x62: {  	[sflag:s28] =	ssyncset.done $0x0  }
0x63: {  	[sflag:s28] =	ssyncadd.s32 $0xFFFFFC00  }
0x64: {  	_ =	swait.ge [sflag:s28], $0x400  }
0x65: {  	[sflag:s28] =	ssyncset.done $0x0  }
0x66: {  	[sflag:s28] =	ssyncadd.s32 $0xFFFFFC00  }
0x67: {  	_ =	swait.ge [sflag:s28], $0x400  }
0x68: {  	[sflag:s28] =	ssyncset.done $0x0  }
0x69: {  	s7 =	simm.s32 $0x8;
	[sflag:s28] =	ssyncadd.s32 $0xFFFFFC00  }
0x6a: {  	_ =	swait.ge [sflag:s7], $0x400  }
0x6b: {  	[sflag:s7] =	ssyncset.done $0x0  }
0x6c: {  	[sflag:s7] =	ssyncadd.s32 $0xFFFFFC00  }
0x6d: {  	_ =	swait.ge [sflag:s7], $0x400  }
0x6e: {  	[sflag:s7] =	ssyncset.done $0x0  }
0x6f: {  	[sflag:s7] =	ssyncadd.s32 $0xFFFFFC00  }
0x70: {  	_ =	swait.ge [sflag:s7], $0x400  }
0x71: {  	[sflag:s7] =	ssyncset.done $0x0  }
0x72: {  	[sflag:s7] =	ssyncadd.s32 $0xFFFFFC00  }
0x73: {  	_ =	swait.ge [sflag:s7], $0x400  }
0x74: {  	v4 =	vld [tilespmem:$0x1FCC0]  }
0x75: {  	v5 =	vld [tilespmem:$0x1FCD0]  }
0x76: {  	v6 =	vld [tilespmem:$0x1FCE0]  }
0x77: {  	v7 =	vld [tilespmem:$0x1FCF0]  }
0x78: {  	v8 =	vld [tilespmem:$0x1FD00]  }
0x79: {  	v9 =	vld [tilespmem:$0x1FD10]  }
0x7a: {  	v10 =	vld [tilespmem:$0x1FD20]  }
0x7b: {  	v11 =	vld [tilespmem:$0x1FD30]  }
0x7c: {  	v12 =	vld [tilespmem:$0x1FD40]  }
0x7d: {  	v13 =	vld [tilespmem:$0x1FD50]  }
0x7e: {  	v14 =	vld [tilespmem:$0x1FD60]  }
0x7f: {  	v15 =	vld [tilespmem:$0x1FD70]  }
0x80: {  	v16 =	vld [tilespmem:$0x1FD80]  }
0x81: {  	v17 =	vld [tilespmem:$0x1FD90]  }
0x82: {  	v18 =	vld [tilespmem:$0x1FDA0]  }
0x83: {  	v19 =	vld [tilespmem:$0x1FDB0]  }
0x84: {  	v20 =	vld [tilespmem:$0x1FDC0]  }
0x85: {  	v21 =	vld [tilespmem:$0x1FDD0]  }
0x86: {  	v22 =	vld [tilespmem:$0x1FDE0]  }
0x87: {  	v23 =	vld [tilespmem:$0x1FDF0]  }
0x88: {  	v24 =	vld [tilespmem:$0x1FE00]  }
0x89: {  	v25 =	vld [tilespmem:$0x1FE10]  }
0x8a: {  	v26 =	vld [tilespmem:$0x1FE20]  }
0x8b: {  	v27 =	vld [tilespmem:$0x1FE30]  }
0x8c: {  	v28 =	vld [tilespmem:$0x1FE40]  }
0x8d: {  	v29 =	vld [tilespmem:$0x1FE50]  }
0x8e: {  	v30 =	vld [tilespmem:$0x1FE60]  }
0x8f: {  	v31 =	vld [tilespmem:$0x1FE70]  }
0x90: {  	s8 =	rddreg [dreg:$0x5];
	v32 =	vld [tilespmem:$0x1FE80]  }
0x91: {  	s31 =	rddreg [dreg:$0x4];
	v33 =	vld [tilespmem:$0x1FE90];
	s8 =	sadd.s32 $0x1, s8  }
0x92: {  	v34 =	vld [tilespmem:$0x1FEA0];
	p0 =	sne.s32 s8, s31  }
.Ltmp1:
0x93: {  	v36 =	vld [tilespmem:$0x1FEB0];
	(pc) =	sbr.rel @!p0 .LBB2_15-.Ltmp1, $4  }
0x94: {  	v54 =	vld [tilespmem:$0x1FEF0]  }
0x95: {  	v46 =	vld [tilespmem:$0x1FF00]  }
0x96: {  	[sflag:s7] =	ssyncset.done $0x0;
	v37 =	vld [tilespmem:$0x1FF10]  }
0x97: {  	v61 =	vmov v44;
	v38 =	vmov v47;
	v35 =	vlaneseq.u32;
	v60 =	vld [tilespmem:$0x1FF20];
	[sflag:s7] =	ssyncadd.s32 $0xFFFFFC00  }
.LBB2_1:
0x98: {  	v1 =	vmov s3  }
0x99: {  	[dreg:$0x5] =	wrdreg s8;
	v1 =	vand.u32 $0x3F, v1  }
0x9a: {  	s1 =	rddreg [dreg:$0x3];
	s31 =	simm.s32 $0x9;
	v2 =	vadd.s32 v4, v1  }
0x9b: {  	[tilespmem:s3], [sflag:$0x9] =	stream.linear.gather [hbm4b:s1+s3], $0x7000, $0x38;
	[tilespmem:$0x15400] =	vst v63  }
0x9c: {  	_ =	swait.ge [sflag:s31], $0x7000  }
0x9d: {  	[sflag:s31] =	ssyncset.done $0x0  }
0x9e: {  	[sflag:s31] =	ssyncadd.s32 $0xFFFF9000  }
0x9f: {  	v2 =	vld.idx.msk [tilespmem:v2+s3+$0x0], $0xffff  }
0xa0: {  	v3 =	vadd.s32 v5, v1;
	_ =	sdelay $0x2  }
0xa1: {  	s7 =	simm.s32 $0x0  }
0xa2: {  	[tilespmem:s7+$0x7000] =	vst v2  }
0xa3: {  	v2 =	vld.idx.msk [tilespmem:v3+s3+$0x0], $0xffff  }
0xa4: {  	v3 =	vadd.s32 v6, v1;
	_ =	sdelay $0x3  }
0xa5: {  	[tilespmem:s7+$0x7010] =	vst v2  }
0xa6: {  	v2 =	vld.idx.msk [tilespmem:v3+s3+$0x0], $0xffff  }
0xa7: {  	v3 =	vadd.s32 v7, v1;
	_ =	sdelay $0x3  }
0xa8: {  	[tilespmem:s7+$0x7020] =	vst v2  }
0xa9: {  	v2 =	vld.idx.msk [tilespmem:v3+s3+$0x0], $0xffff  }
0xaa: {  	v3 =	vadd.s32 v8, v1;
	_ =	sdelay $0x3  }
0xab: {  	[tilespmem:s7+$0x7030] =	vst v2  }
0xac: {  	v2 =	vld.idx.msk [tilespmem:v3+s3+$0x0], $0xffff  }
0xad: {  	v3 =	vadd.s32 v9, v1;
	_ =	sdelay $0x3  }
0xae: {  	[tilespmem:s7+$0x7040] =	vst v2  }
0xaf: {  	v2 =	vld.idx.msk [tilespmem:v3+s3+$0x0], $0xffff  }
0xb0: {  	v3 =	vadd.s32 v10, v1;
	_ =	sdelay $0x3  }
0xb1: {  	[tilespmem:s7+$0x7050] =	vst v2  }
0xb2: {  	v2 =	vld.idx.msk [tilespmem:v3+s3+$0x0], $0xffff  }
0xb3: {  	v3 =	vadd.s32 v11, v1;
	_ =	sdelay $0x3  }
0xb4: {  	[tilespmem:s7+$0x7060] =	vst v2  }
0xb5: {  	v2 =	vld.idx.msk [tilespmem:v3+s3+$0x0], $0xffff  }
0xb6: {  	v3 =	vadd.s32 v12, v1;
	_ =	sdelay $0x3  }
0xb7: {  	[tilespmem:s7+$0x7070] =	vst v2  }
0xb8: {  	v2 =	vld.idx.msk [tilespmem:v3+s3+$0x0], $0xffff  }
0xb9: {  	v3 =	vadd.s32 v13, v1;
	_ =	sdelay $0x3  }
0xba: {  	[tilespmem:s7+$0x8900] =	vst v2  }
0xbb: {  	v2 =	vld.idx.msk [tilespmem:v3+s3+$0x0], $0xffff  }
0xbc: {  	v3 =	vadd.s32 v14, v1;
	_ =	sdelay $0x3  }
0xbd: {  	[tilespmem:s7+$0x8910] =	vst v2  }
0xbe: {  	v2 =	vld.idx.msk [tilespmem:v3+s3+$0x0], $0xffff  }
0xbf: {  	v3 =	vadd.s32 v15, v1;
	_ =	sdelay $0x3  }
0xc0: {  	[tilespmem:s7+$0x8920] =	vst v2  }
0xc1: {  	v2 =	vld.idx.msk [tilespmem:v3+s3+$0x0], $0xffff  }
0xc2: {  	v3 =	vadd.s32 v16, v1;
	_ =	sdelay $0x3  }
0xc3: {  	[tilespmem:s7+$0x8930] =	vst v2  }
0xc4: {  	v2 =	vld.idx.msk [tilespmem:v3+s3+$0x0], $0xffff  }
0xc5: {  	v3 =	vadd.s32 v17, v1;
	_ =	sdelay $0x3  }
0xc6: {  	[tilespmem:s7+$0x8940] =	vst v2  }
0xc7: {  	v2 =	vld.idx.msk [tilespmem:v3+s3+$0x0], $0xffff  }
0xc8: {  	v3 =	vadd.s32 v18, v1;
	_ =	sdelay $0x3  }
0xc9: {  	[tilespmem:s7+$0x8950] =	vst v2  }
0xca: {  	v2 =	vld.idx.msk [tilespmem:v3+s3+$0x0], $0xffff  }
0xcb: {  	v3 =	vadd.s32 v19, v1;
	_ =	sdelay $0x3  }
0xcc: {  	[tilespmem:s7+$0x8960] =	vst v2  }
0xcd: {  	v2 =	vld.idx.msk [tilespmem:v3+s3+$0x0], $0xffff  }
0xce: {  	v3 =	vadd.s32 v20, v1;
	_ =	sdelay $0x3  }
0xcf: {  	[tilespmem:s7+$0x8970] =	vst v2  }
0xd0: {  	v2 =	vld.idx.msk [tilespmem:v3+s3+$0x0], $0xffff  }
0xd1: {  	v3 =	vadd.s32 v21, v1;
	_ =	sdelay $0x3  }
0xd2: {  	[tilespmem:s7+$0xA200] =	vst v2  }
0xd3: {  	v2 =	vld.idx.msk [tilespmem:v3+s3+$0x0], $0xffff  }
0xd4: {  	v3 =	vadd.s32 v22, v1;
	_ =	sdelay $0x3  }
0xd5: {  	[tilespmem:s7+$0xA210] =	vst v2  }
0xd6: {  	v2 =	vld.idx.msk [tilespmem:v3+s3+$0x0], $0xffff  }
0xd7: {  	v3 =	vadd.s32 v23, v1;
	_ =	sdelay $0x3  }
0xd8: {  	[tilespmem:s7+$0xA220] =	vst v2  }
0xd9: {  	v2 =	vld.idx.msk [tilespmem:v3+s3+$0x0], $0xffff  }
0xda: {  	v3 =	vadd.s32 v24, v1;
	_ =	sdelay $0x3  }
0xdb: {  	[tilespmem:s7+$0xA230] =	vst v2  }
0xdc: {  	v2 =	vld.idx.msk [tilespmem:v3+s3+$0x0], $0xffff  }
0xdd: {  	v3 =	vadd.s32 v25, v1;
	_ =	sdelay $0x3  }
0xde: {  	[tilespmem:s7+$0xA240] =	vst v2  }
0xdf: {  	v2 =	vld.idx.msk [tilespmem:v3+s3+$0x0], $0xffff  }
0xe0: {  	v3 =	vadd.s32 v26, v1;
	_ =	sdelay $0x3  }
0xe1: {  	[tilespmem:s7+$0xA250] =	vst v2  }
0xe2: {  	v2 =	vld.idx.msk [tilespmem:v3+s3+$0x0], $0xffff  }
0xe3: {  	v3 =	vadd.s32 v27, v1;
	_ =	sdelay $0x3  }
0xe4: {  	[tilespmem:s7+$0xA260] =	vst v2  }
0xe5: {  	v2 =	vld.idx.msk [tilespmem:v3+s3+$0x0], $0xffff  }
0xe6: {  	v3 =	vadd.s32 v28, v1;
	_ =	sdelay $0x3  }
0xe7: {  	[tilespmem:s7+$0xA270] =	vst v2  }
0xe8: {  	v2 =	vld.idx.msk [tilespmem:v3+s3+$0x0], $0xffff  }
0xe9: {  	v3 =	vadd.s32 v29, v1;
	_ =	sdelay $0x3  }
0xea: {  	[tilespmem:s7+$0xBB00] =	vst v2  }
0xeb: {  	v2 =	vld.idx.msk [tilespmem:v3+s3+$0x0], $0xffff  }
0xec: {  	v3 =	vadd.s32 v30, v1;
	_ =	sdelay $0x3  }
0xed: {  	[tilespmem:s7+$0xBB10] =	vst v2  }
0xee: {  	v2 =	vld.idx.msk [tilespmem:v3+s3+$0x0], $0xffff  }
0xef: {  	v3 =	vadd.s32 v31, v1;
	_ =	sdelay $0x3  }
0xf0: {  	[tilespmem:s7+$0xBB20] =	vst v2  }
0xf1: {  	v2 =	vld.idx.msk [tilespmem:v3+s3+$0x0], $0xffff  }
0xf2: {  	v3 =	vadd.s32 v32, v1;
	_ =	sdelay $0x3  }
0xf3: {  	[tilespmem:s7+$0xBB30] =	vst v2  }
0xf4: {  	v2 =	vld.idx.msk [tilespmem:v3+s3+$0x0], $0xffff  }
0xf5: {  	v3 =	vadd.s32 v33, v1;
	_ =	sdelay $0x3  }
0xf6: {  	[tilespmem:s7+$0xBB40] =	vst v2  }
0xf7: {  	v2 =	vld.idx.msk [tilespmem:v3+s3+$0x0], $0xffff  }
0xf8: {  	v3 =	vadd.s32 v34, v1;
	_ =	sdelay $0x3  }
0xf9: {  	[tilespmem:s7+$0xBB50] =	vst v2  }
0xfa: {  	v2 =	vld.idx.msk [tilespmem:v3+s3+$0x0], $0xffff  }
0xfb: {  	v3 =	vadd.s32 v36, v1;
	_ =	sdelay $0x3  }
0xfc: {  	s20 =	simm.s32 $0x1;
	[tilespmem:s7+$0xBB60] =	vst v2  }
0xfd: {  	s8 =	simm.s32 $0x200;
	s21 =	simm.s32 $0x400;
	v1 =	vmov s20;
	v2 =	vld.idx.msk [tilespmem:v3+s3+$0x0], $0xffff  }
.LBB2_2:
0xfe: {  	p0 =	sne.s32 s21, $0x6200;
	v1 =	vand.u32 $0x3F, v1  }
0xff: {  	v3 =	vadd.s32 v4, v1;
	_ =	sdelay $0x3  }
0x100: {  	[tilespmem:s7+$0xBB70] =	vst v2  }
0x101: {  	v2 =	vld.idx.msk [tilespmem:v3+s3+$0x0], $0xffff;
	_ =	sdelay $0x1  }
0x102: {  	v3 =	vadd.s32 v5, v1;
	_ =	sdelay $0x2  }
0x103: {  	s7 =	sshra.s32 s8, $0x2;
	s8 =	smov.u32 s21  }
0x104: {  	[tilespmem:s7+$0x7000] =	vst v2  }
0x105: {  	v2 =	vld.idx.msk [tilespmem:v3+s3+$0x0], $0xffff;
	_ =	sdelay $0x1  }
0x106: {  	v3 =	vadd.s32 v6, v1;
	_ =	sdelay $0x3  }
0x107: {  	[tilespmem:s7+$0x7010] =	vst v2  }
0x108: {  	v2 =	vld.idx.msk [tilespmem:v3+s3+$0x0], $0xffff;
	_ =	sdelay $0x1  }
0x109: {  	v3 =	vadd.s32 v7, v1;
	_ =	sdelay $0x3  }
0x10a: {  	[tilespmem:s7+$0x7020] =	vst v2  }
0x10b: {  	v2 =	vld.idx.msk [tilespmem:v3+s3+$0x0], $0xffff;
	_ =	sdelay $0x1  }
0x10c: {  	v3 =	vadd.s32 v8, v1;
	_ =	sdelay $0x3  }
0x10d: {  	[tilespmem:s7+$0x7030] =	vst v2  }
0x10e: {  	v2 =	vld.idx.msk [tilespmem:v3+s3+$0x0], $0xffff;
	_ =	sdelay $0x1  }
0x10f: {  	v3 =	vadd.s32 v9, v1;
	_ =	sdelay $0x3  }
0x110: {  	[tilespmem:s7+$0x7040] =	vst v2  }
0x111: {  	v2 =	vld.idx.msk [tilespmem:v3+s3+$0x0], $0xffff;
	_ =	sdelay $0x1  }
0x112: {  	v3 =	vadd.s32 v10, v1;
	_ =	sdelay $0x3  }
0x113: {  	[tilespmem:s7+$0x7050] =	vst v2  }
0x114: {  	v2 =	vld.idx.msk [tilespmem:v3+s3+$0x0], $0xffff;
	_ =	sdelay $0x1  }
0x115: {  	v3 =	vadd.s32 v11, v1;
	_ =	sdelay $0x3  }
0x116: {  	[tilespmem:s7+$0x7060] =	vst v2  }
0x117: {  	v2 =	vld.idx.msk [tilespmem:v3+s3+$0x0], $0xffff;
	_ =	sdelay $0x1  }
0x118: {  	v3 =	vadd.s32 v12, v1;
	_ =	sdelay $0x3  }
0x119: {  	[tilespmem:s7+$0x7070] =	vst v2  }
0x11a: {  	v2 =	vld.idx.msk [tilespmem:v3+s3+$0x0], $0xffff;
	_ =	sdelay $0x1  }
0x11b: {  	v3 =	vadd.s32 v13, v1;
	_ =	sdelay $0x3  }
0x11c: {  	[tilespmem:s7+$0x8900] =	vst v2  }
0x11d: {  	v2 =	vld.idx.msk [tilespmem:v3+s3+$0x0], $0xffff;
	_ =	sdelay $0x1  }
0x11e: {  	v3 =	vadd.s32 v14, v1;
	_ =	sdelay $0x3  }
0x11f: {  	[tilespmem:s7+$0x8910] =	vst v2  }
0x120: {  	v2 =	vld.idx.msk [tilespmem:v3+s3+$0x0], $0xffff;
	_ =	sdelay $0x1  }
0x121: {  	v3 =	vadd.s32 v15, v1;
	_ =	sdelay $0x3  }
0x122: {  	[tilespmem:s7+$0x8920] =	vst v2  }
0x123: {  	v2 =	vld.idx.msk [tilespmem:v3+s3+$0x0], $0xffff;
	_ =	sdelay $0x1  }
0x124: {  	v3 =	vadd.s32 v16, v1;
	_ =	sdelay $0x3  }
0x125: {  	[tilespmem:s7+$0x8930] =	vst v2  }
0x126: {  	v2 =	vld.idx.msk [tilespmem:v3+s3+$0x0], $0xffff;
	_ =	sdelay $0x1  }
0x127: {  	v3 =	vadd.s32 v17, v1;
	_ =	sdelay $0x3  }
0x128: {  	[tilespmem:s7+$0x8940] =	vst v2  }
0x129: {  	v2 =	vld.idx.msk [tilespmem:v3+s3+$0x0], $0xffff;
	_ =	sdelay $0x1  }
0x12a: {  	v3 =	vadd.s32 v18, v1;
	_ =	sdelay $0x3  }
0x12b: {  	[tilespmem:s7+$0x8950] =	vst v2  }
0x12c: {  	v2 =	vld.idx.msk [tilespmem:v3+s3+$0x0], $0xffff;
	_ =	sdelay $0x1  }
0x12d: {  	v3 =	vadd.s32 v19, v1;
	_ =	sdelay $0x3  }
0x12e: {  	[tilespmem:s7+$0x8960] =	vst v2  }
0x12f: {  	v2 =	vld.idx.msk [tilespmem:v3+s3+$0x0], $0xffff;
	_ =	sdelay $0x1  }
0x130: {  	v3 =	vadd.s32 v20, v1;
	_ =	sdelay $0x3  }
0x131: {  	[tilespmem:s7+$0x8970] =	vst v2  }
0x132: {  	v2 =	vld.idx.msk [tilespmem:v3+s3+$0x0], $0xffff;
	_ =	sdelay $0x1  }
0x133: {  	v3 =	vadd.s32 v21, v1;
	_ =	sdelay $0x3  }
0x134: {  	[tilespmem:s7+$0xA200] =	vst v2  }
0x135: {  	v2 =	vld.idx.msk [tilespmem:v3+s3+$0x0], $0xffff;
	_ =	sdelay $0x1  }
0x136: {  	v3 =	vadd.s32 v22, v1;
	_ =	sdelay $0x3  }
0x137: {  	[tilespmem:s7+$0xA210] =	vst v2  }
0x138: {  	v2 =	vld.idx.msk [tilespmem:v3+s3+$0x0], $0xffff;
	_ =	sdelay $0x1  }
0x139: {  	v3 =	vadd.s32 v23, v1;
	_ =	sdelay $0x3  }
0x13a: {  	[tilespmem:s7+$0xA220] =	vst v2  }
0x13b: {  	v2 =	vld.idx.msk [tilespmem:v3+s3+$0x0], $0xffff;
	_ =	sdelay $0x1  }
0x13c: {  	v3 =	vadd.s32 v24, v1;
	_ =	sdelay $0x3  }
0x13d: {  	[tilespmem:s7+$0xA230] =	vst v2  }
0x13e: {  	v2 =	vld.idx.msk [tilespmem:v3+s3+$0x0], $0xffff;
	_ =	sdelay $0x1  }
0x13f: {  	v3 =	vadd.s32 v25, v1;
	_ =	sdelay $0x3  }
0x140: {  	[tilespmem:s7+$0xA240] =	vst v2  }
0x141: {  	v2 =	vld.idx.msk [tilespmem:v3+s3+$0x0], $0xffff;
	_ =	sdelay $0x1  }
0x142: {  	v3 =	vadd.s32 v26, v1;
	_ =	sdelay $0x3  }
0x143: {  	[tilespmem:s7+$0xA250] =	vst v2  }
0x144: {  	v2 =	vld.idx.msk [tilespmem:v3+s3+$0x0], $0xffff;
	_ =	sdelay $0x1  }
0x145: {  	v3 =	vadd.s32 v27, v1;
	_ =	sdelay $0x3  }
0x146: {  	[tilespmem:s7+$0xA260] =	vst v2  }
0x147: {  	v2 =	vld.idx.msk [tilespmem:v3+s3+$0x0], $0xffff;
	_ =	sdelay $0x1  }
0x148: {  	v3 =	vadd.s32 v28, v1;
	_ =	sdelay $0x3  }
0x149: {  	[tilespmem:s7+$0xA270] =	vst v2  }
0x14a: {  	v2 =	vld.idx.msk [tilespmem:v3+s3+$0x0], $0xffff;
	_ =	sdelay $0x1  }
0x14b: {  	v3 =	vadd.s32 v29, v1;
	_ =	sdelay $0x3  }
0x14c: {  	[tilespmem:s7+$0xBB00] =	vst v2  }
0x14d: {  	v2 =	vld.idx.msk [tilespmem:v3+s3+$0x0], $0xffff;
	_ =	sdelay $0x1  }
0x14e: {  	v3 =	vadd.s32 v30, v1;
	_ =	sdelay $0x3  }
0x14f: {  	[tilespmem:s7+$0xBB10] =	vst v2  }
0x150: {  	v2 =	vld.idx.msk [tilespmem:v3+s3+$0x0], $0xffff;
	_ =	sdelay $0x1  }
0x151: {  	v3 =	vadd.s32 v31, v1;
	_ =	sdelay $0x3  }
0x152: {  	[tilespmem:s7+$0xBB20] =	vst v2  }
0x153: {  	v2 =	vld.idx.msk [tilespmem:v3+s3+$0x0], $0xffff;
	_ =	sdelay $0x1  }
0x154: {  	v3 =	vadd.s32 v32, v1;
	_ =	sdelay $0x3  }
0x155: {  	[tilespmem:s7+$0xBB30] =	vst v2  }
0x156: {  	v2 =	vld.idx.msk [tilespmem:v3+s3+$0x0], $0xffff;
	_ =	sdelay $0x1  }
0x157: {  	v3 =	vadd.s32 v33, v1;
	_ =	sdelay $0x3  }
0x158: {  	[tilespmem:s7+$0xBB40] =	vst v2  }
0x159: {  	v2 =	vld.idx.msk [tilespmem:v3+s3+$0x0], $0xffff;
	_ =	sdelay $0x1  }
0x15a: {  	v3 =	vadd.s32 v34, v1;
	_ =	sdelay $0x3  }
0x15b: {  	[tilespmem:s7+$0xBB50] =	vst v2  }
0x15c: {  	v2 =	vld.idx.msk [tilespmem:v3+s3+$0x0], $0xffff;
	_ =	sdelay $0x1  }
0x15d: {  	v3 =	vadd.s32 v36, v1  }
.Ltmp2:
0x15e: {  	(pc) =	sbr.rel @p0 .LBB2_2-.Ltmp2, $3  }
0x15f: {  	_ =	sdelay $0x1  }
0x160: {  	s20 =	sadd.s32 $0x1, s20;
	[tilespmem:s7+$0xBB60] =	vst v2  }
0x161: {  	s21 =	sadd.s32 $0x200, s21;
	v1 =	vmov s20;
	v2 =	vld.idx.msk [tilespmem:v3+s3+$0x0], $0xffff  }
0x162: {  	v1 =	vand.u32 $0x3F, v1  }
0x163: {  	v3 =	vadd.s32 v4, v1;
	_ =	sdelay $0x3  }
0x164: {  	[tilespmem:s7+$0xBB70] =	vst v2  }
0x165: {  	v2 =	vld.idx.msk [tilespmem:v3+s3+$0x0], $0xffff  }
0x166: {  	v3 =	vadd.s32 v5, v1;
	_ =	sdelay $0x2  }
0x167: {  	s25 =	sshra.s32 s8, $0x2  }
0x168: {  	[tilespmem:s25+$0x7000] =	vst v2  }
0x169: {  	v2 =	vld.idx.msk [tilespmem:v3+s3+$0x0], $0xffff  }
0x16a: {  	v3 =	vadd.s32 v6, v1;
	_ =	sdelay $0x3  }
0x16b: {  	[tilespmem:s25+$0x7010] =	vst v2  }
0x16c: {  	v2 =	vld.idx.msk [tilespmem:v3+s3+$0x0], $0xffff  }
0x16d: {  	v3 =	vadd.s32 v7, v1;
	_ =	sdelay $0x3  }
0x16e: {  	[tilespmem:s25+$0x7020] =	vst v2  }
0x16f: {  	v2 =	vld.idx.msk [tilespmem:v3+s3+$0x0], $0xffff  }
0x170: {  	v3 =	vadd.s32 v8, v1;
	_ =	sdelay $0x3  }
0x171: {  	[tilespmem:s25+$0x7030] =	vst v2  }
0x172: {  	v2 =	vld.idx.msk [tilespmem:v3+s3+$0x0], $0xffff  }
0x173: {  	v3 =	vadd.s32 v9, v1;
	_ =	sdelay $0x3  }
0x174: {  	[tilespmem:s25+$0x7040] =	vst v2  }
0x175: {  	v2 =	vld.idx.msk [tilespmem:v3+s3+$0x0], $0xffff  }
0x176: {  	v3 =	vadd.s32 v10, v1;
	_ =	sdelay $0x3  }
0x177: {  	[tilespmem:s25+$0x7050] =	vst v2  }
0x178: {  	v2 =	vld.idx.msk [tilespmem:v3+s3+$0x0], $0xffff  }
0x179: {  	v3 =	vadd.s32 v11, v1;
	_ =	sdelay $0x3  }
0x17a: {  	[tilespmem:s25+$0x7060] =	vst v2  }
0x17b: {  	v2 =	vld.idx.msk [tilespmem:v3+s3+$0x0], $0xffff  }
0x17c: {  	v3 =	vadd.s32 v12, v1;
	_ =	sdelay $0x3  }
0x17d: {  	[tilespmem:s25+$0x7070] =	vst v2  }
0x17e: {  	v2 =	vld.idx.msk [tilespmem:v3+s3+$0x0], $0xffff  }
0x17f: {  	v3 =	vadd.s32 v13, v1;
	_ =	sdelay $0x3  }
0x180: {  	[tilespmem:s25+$0x8900] =	vst v2  }
0x181: {  	v2 =	vld.idx.msk [tilespmem:v3+s3+$0x0], $0xffff  }
0x182: {  	v3 =	vadd.s32 v14, v1;
	_ =	sdelay $0x3  }
0x183: {  	[tilespmem:s25+$0x8910] =	vst v2  }
0x184: {  	v2 =	vld.idx.msk [tilespmem:v3+s3+$0x0], $0xffff  }
0x185: {  	v3 =	vadd.s32 v15, v1;
	_ =	sdelay $0x3  }
0x186: {  	[tilespmem:s25+$0x8920] =	vst v2  }
0x187: {  	v2 =	vld.idx.msk [tilespmem:v3+s3+$0x0], $0xffff  }
0x188: {  	v3 =	vadd.s32 v16, v1;
	_ =	sdelay $0x3  }
0x189: {  	[tilespmem:s25+$0x8930] =	vst v2  }
0x18a: {  	v2 =	vld.idx.msk [tilespmem:v3+s3+$0x0], $0xffff  }
0x18b: {  	v3 =	vadd.s32 v17, v1;
	_ =	sdelay $0x3  }
0x18c: {  	[tilespmem:s25+$0x8940] =	vst v2  }
0x18d: {  	v2 =	vld.idx.msk [tilespmem:v3+s3+$0x0], $0xffff  }
0x18e: {  	v3 =	vadd.s32 v18, v1;
	_ =	sdelay $0x3  }
0x18f: {  	[tilespmem:s25+$0x8950] =	vst v2  }
0x190: {  	v2 =	vld.idx.msk [tilespmem:v3+s3+$0x0], $0xffff  }
0x191: {  	v3 =	vadd.s32 v19, v1;
	_ =	sdelay $0x3  }
0x192: {  	[tilespmem:s25+$0x8960] =	vst v2  }
0x193: {  	v2 =	vld.idx.msk [tilespmem:v3+s3+$0x0], $0xffff  }
0x194: {  	v3 =	vadd.s32 v20, v1;
	_ =	sdelay $0x3  }
0x195: {  	[tilespmem:s25+$0x8970] =	vst v2  }
0x196: {  	v2 =	vld.idx.msk [tilespmem:v3+s3+$0x0], $0xffff  }
0x197: {  	v3 =	vadd.s32 v21, v1;
	_ =	sdelay $0x3  }
0x198: {  	[tilespmem:s25+$0xA200] =	vst v2  }
0x199: {  	v2 =	vld.idx.msk [tilespmem:v3+s3+$0x0], $0xffff  }
0x19a: {  	v3 =	vadd.s32 v22, v1;
	_ =	sdelay $0x3  }
0x19b: {  	[tilespmem:s25+$0xA210] =	vst v2  }
0x19c: {  	v2 =	vld.idx.msk [tilespmem:v3+s3+$0x0], $0xffff  }
0x19d: {  	v3 =	vadd.s32 v23, v1;
	_ =	sdelay $0x3  }
0x19e: {  	[tilespmem:s25+$0xA220] =	vst v2  }
0x19f: {  	v2 =	vld.idx.msk [tilespmem:v3+s3+$0x0], $0xffff  }
0x1a0: {  	v3 =	vadd.s32 v24, v1;
	_ =	sdelay $0x3  }
0x1a1: {  	[tilespmem:s25+$0xA230] =	vst v2  }
0x1a2: {  	v2 =	vld.idx.msk [tilespmem:v3+s3+$0x0], $0xffff  }
0x1a3: {  	v3 =	vadd.s32 v25, v1;
	_ =	sdelay $0x3  }
0x1a4: {  	[tilespmem:s25+$0xA240] =	vst v2  }
0x1a5: {  	v2 =	vld.idx.msk [tilespmem:v3+s3+$0x0], $0xffff  }
0x1a6: {  	v3 =	vadd.s32 v26, v1;
	_ =	sdelay $0x3  }
0x1a7: {  	[tilespmem:s25+$0xA250] =	vst v2  }
0x1a8: {  	v2 =	vld.idx.msk [tilespmem:v3+s3+$0x0], $0xffff  }
0x1a9: {  	v3 =	vadd.s32 v27, v1;
	_ =	sdelay $0x3  }
0x1aa: {  	[tilespmem:s25+$0xA260] =	vst v2  }
0x1ab: {  	v2 =	vld.idx.msk [tilespmem:v3+s3+$0x0], $0xffff  }
0x1ac: {  	v3 =	vadd.s32 v28, v1;
	_ =	sdelay $0x3  }
0x1ad: {  	[tilespmem:s25+$0xA270] =	vst v2  }
0x1ae: {  	v2 =	vld.idx.msk [tilespmem:v3+s3+$0x0], $0xffff  }
0x1af: {  	v3 =	vadd.s32 v29, v1;
	_ =	sdelay $0x3  }
0x1b0: {  	[tilespmem:s25+$0xBB00] =	vst v2  }
0x1b1: {  	v2 =	vld.idx.msk [tilespmem:v3+s3+$0x0], $0xffff  }
0x1b2: {  	v3 =	vadd.s32 v30, v1;
	_ =	sdelay $0x3  }
0x1b3: {  	[tilespmem:s25+$0xBB10] =	vst v2  }
0x1b4: {  	v2 =	vld.idx.msk [tilespmem:v3+s3+$0x0], $0xffff  }
0x1b5: {  	v3 =	vadd.s32 v31, v1;
	_ =	sdelay $0x3  }
0x1b6: {  	[tilespmem:s25+$0xBB20] =	vst v2  }
0x1b7: {  	v2 =	vld.idx.msk [tilespmem:v3+s3+$0x0], $0xffff  }
0x1b8: {  	v3 =	vadd.s32 v32, v1;
	_ =	sdelay $0x3  }
0x1b9: {  	[tilespmem:s25+$0xBB30] =	vst v2  }
0x1ba: {  	v2 =	vld.idx.msk [tilespmem:v3+s3+$0x0], $0xffff  }
0x1bb: {  	v3 =	vadd.s32 v33, v1;
	_ =	sdelay $0x3  }
0x1bc: {  	[tilespmem:s25+$0xBB40] =	vst v2  }
0x1bd: {  	v2 =	vld.idx.msk [tilespmem:v3+s3+$0x0], $0xffff  }
0x1be: {  	v3 =	vadd.s32 v34, v1;
	_ =	sdelay $0x3  }
0x1bf: {  	[tilespmem:s25+$0xBB50] =	vst v2  }
0x1c0: {  	v2 =	vld.idx.msk [tilespmem:v3+s3+$0x0], $0xffff  }
0x1c1: {  	v1 =	vadd.s32 v36, v1;
	_ =	sdelay $0x3  }
0x1c2: {  	[tilespmem:s25+$0xBB60] =	vst v2  }
0x1c3: {  	v1 =	vld.idx.msk [tilespmem:v1+s3+$0x0], $0xffff;
	_ =	sdelay $0x4  }
0x1c4: {  	s1 =	simm.s32 $0x7000;
	[tilespmem:s25+$0xBB70] =	vst v1  }
0x1c5: {  	[tilespmem:s11], [sflag:$0x1] =	stream.indirect.gather [hbm4b:s4+s9], $0x20, s1, s9, $0xb8;
	[tilespmem:$0x15400] =	vst v63  }
0x1c6: {  	s26 =	simm.s32 $0x7080  }
0x1c7: {  	[tilespmem:s13], [sflag:$0x2] =	stream.indirect.gather [hbm4b:s4+s9], $0x20, s26, s9, $0xb8;
	[tilespmem:$0x15400] =	vst v63  }
0x1c8: {  	s28 =	simm.s32 $0x7100  }
0x1c9: {  	[tilespmem:s15], [sflag:$0x3] =	stream.indirect.gather [hbm4b:s4+s9], $0x20, s28, s9, $0xb8;
	[tilespmem:$0x15400] =	vst v63  }
0x1ca: {  	s31 =	simm.s32 $0x7180;
	s8 =	simm.s32 $0x0;
	s7 =	simm.s32 $0x0  }
0x1cb: {  	[tilespmem:s17], [sflag:$0x4] =	stream.indirect.gather [hbm4b:s4+s9], $0x20, s31, s9, $0xb8;
	[tilespmem:$0x15400] =	vst v63  }
.LBB2_4:
0x1cc: {  	_ =	swait.ge [sflag:s18], $0x1000  }
0x1cd: {  	p0 =	seq.s32 s7, $0x0;
	[sflag:s18] =	ssyncset.done $0x0  }
0x1ce: {  	s25 =	simm.s32 @!p0 $0x5;
	[sflag:s18] =	ssyncadd.s32 $0xFFFFF000  }
0x1cf: {  	_ =	swait.ge @!p0 [sflag:s25], $0x400  }
0x1d0: {  	v14 =	vmov v48;
	v48 =	vld [tilespmem:$0x1FCB0];
	_ =	sdelay $0x1  }
0x1d1: {  	s22 =	simm.s32 $0x2  }
0x1d2: {  	v7 =	vadd.s32 s22, v35  }
0x1d3: {  	v53 =	vand.u32 $0x1F, v7  }
0x1d4: {  	[sflag:s25] =	ssyncset.done @!p0 $0x0;
	v5 =	vor.u32 v48, v53  }
0x1d5: {  	v1 =	vadd.s32 s8, v35;
	s20 =	simm.s32 $0x1;
	[sflag:s25] =	ssyncadd.s32 @!p0 $0xFFFFFC00;
	[tilespmem:$0x1FC40] =	vst v5  }
0x1d6: {  	s21 =	simm.s32 $0x3;
	s26 =	simm.s32 $0x5;
	v2 =	vshll.u32 v1, $0x7;
	v3 =	vadd.s32 s20, v35;
	_ =	swait.ge @!p0 [sflag:s25], $0x400  }
0x1d7: {  	v4 =	vadd.s32 s21, v35;
	v9 =	vadd.s32 s26, v35;
	s22 =	simm.s32 $0x4;
	v18 =	vand.u32 $0x18, v1;
	[sflag:s25] =	ssyncset.done @!p0 $0x0  }
0x1d8: {  	s21 =	simm.s32 $0x7;
	v42 =	vand.u32 $0x1F, v3;
	v10 =	vand.u32 $0x1F, v9;
	v8 =	vadd.s32 s22, v35;
	[sflag:s25] =	ssyncadd.s32 @!p0 $0xFFFFFC00  }
0x1d9: {  	s26 =	simm.s32 $0x6;
	v11 =	vadd.s32 s21, v35;
	v15 =	vand.u32 $0x1F, v4;
	v5 =	vand.u32 $0x1F, v8;
	_ =	swait.ge @!p0 [sflag:s25], $0x400  }
0x1da: {  	v17 =	vadd.s32 s26, v35;
	v7 =	vshll.u32 v7, $0x7;
	v21 =	vor.u32 v46, v5;
	[sflag:s25] =	ssyncset.done @!p0 $0x0  }
0x1db: {  	v3 =	vshll.u32 v3, $0x7;
	v19 =	vor.u32 v46, v42;
	v23 =	vor.u32 v46, v10;
	[sflag:s25] =	ssyncadd.s32 @!p0 $0xFFFFFC00  }
0x1dc: {  	v22 =	vshll.u32 v17, $0x7;
	v13 =	vand.u32 $0xF80, v7;
	v1 =	vshll.u32 v11, $0x7;
	_ =	swait.ge @!p0 [sflag:s25], $0x400  }
0x1dd: {  	v29 =	vor.u32 v46, v15;
	v47 =	vand.u32 $0xF80, v1;
	v8 =	vshll.u32 v8, $0x7;
	[sflag:s25] =	ssyncset.done @!p0 $0x0  }
0x1de: {  	v1 =	vshll.u32 v9, $0x7;
	v63 =	vand.u32 $0xF80, v22;
	v12 =	vand.u32 $0xF80, v8;
	[sflag:s25] =	ssyncadd.s32 @!p0 $0xFFFFFC00  }
0x1df: {  	v20 =	vand.u32 $0xF80, v1;
	v7 =	vor.u32 v55, v63;
	v30 =	vor.u32 v35, v12;
	v21 =	vld.idx.msk [tilespmem:v21+s11+$0x0], $0xffff  }
0x1e0: {  	v4 =	vshll.u32 v4, $0x7;
	v26 =	vand.u32 $0xF80, v3;
	v31 =	vor.u32 v35, v20;
	v22 =	vld.idx.msk [tilespmem:v23+s11+$0x0], $0xffff;
	[tilespmem:$0x1FC50] =	vst v7  }
0x1e1: {  	v32 =	vor.u32 v35, v26;
	v34 =	vld.idx.msk [tilespmem:v19+s11+$0x0], $0xffff;
	v19 =	vand.u32 $0xF80, v4  }
0x1e2: {  	v7 =	vor.u32 v55, v19  }
0x1e3: {  	v29 =	vld.idx.msk [tilespmem:v29+s11+$0x0], $0xffff;
	[tilespmem:$0x1FC60] =	vst v7  }
0x1e4: {  	[tilespmem:v30+s19+$0x0] =	vst.idx.msk $0xffff, v21  }
0x1e5: {  	[tilespmem:v31+s19+$0x0] =	vst.idx.msk $0xffff, v22  }
0x1e6: {  	v9 =	vand.u32 $0x1F, v11;
	v8 =	vand.u32 $0xF80, v2;
	v2 =	vor.u32 v57, v18;
	[tilespmem:v32+s19+$0x0] =	vst.idx.msk $0xffff, v34  }
0x1e7: {  	v6 =	vor.u32 v46, v9;
	v44 =	vld [tilespmem:$0x1FCA0]  }
0x1e8: {  	v3 =	vor.u32 v49, v5  }
0x1e9: {  	v36 =	vor.u32 v35, v19  }
0x1ea: {  	v16 =	vor.u32 v46, v53;
	v28 =	vand.u32 $0x1F, v17;
	v23 =	vor.u32 v49, v10  }
0x1eb: {  	v1 =	vor.u32 v35, v47;
	v57 =	vmov v42;
	v4 =	vor.u32 v46, v28;
	v2 =	vld.idx.msk [tilespmem:v2+s11+$0x0], $0xffff  }
0x1ec: {  	v42 =	vor.u32 v49, v42;
	v21 =	vld.idx.msk [tilespmem:v6+s11+$0x0], $0xffff;
	v30 =	vor.u32 v49, v15;
	v6 =	vor.u32 v44, v57  }
0x1ed: {  	v27 =	vor.u32 v35, v8;
	v40 =	vor.u32 v37, v12;
	v3 =	vld.idx.msk [tilespmem:v3+s11+$0x0], $0xffff;
	[tilespmem:$0x1FC90] =	vst v6  }
0x1ee: {  	v22 =	vor.u32 v49, v9;
	v6 =	vor.u32 v56, v53;
	[tilespmem:v36+s19+$0x0] =	vst.idx.msk $0xffff, v29  }
0x1ef: {  	v31 =	vor.u32 v37, v20;
	v23 =	vld.idx.msk [tilespmem:v23+s11+$0x0], $0xffff;
	[tilespmem:$0x1FC70] =	vst v6;
	v6 =	vor.u32 v14, v18  }
0x1f0: {  	v24 =	vor.u32 v58, v18;
	v33 =	vor.u32 v35, v63;
	v4 =	vld.idx.msk [tilespmem:v4+s11+$0x0], $0xffff;
	[tilespmem:$0x1FC80] =	vst v6  }
0x1f1: {  	v32 =	vor.u32 v50, v10;
	[tilespmem:v1+s19+$0x0] =	vst.idx.msk $0xffff, v21;
	v1 =	vor.u32 v37, v19;
	v21 =	vld.idx.msk [tilespmem:v30+s11+$0x0], $0xffff  }
0x1f2: {  	v30 =	vld.idx.msk [tilespmem:v42+s11+$0x0], $0xffff;
	[tilespmem:v40+s19+$0x0] =	vst.idx.msk $0xffff, v3;
	v3 =	vor.u32 v37, v26  }
0x1f3: {  	v11 =	vor.u32 v35, v13;
	v29 =	vor.u32 v50, v15;
	[tilespmem:v27+s19+$0x0] =	vst.idx.msk $0xffff, v2;
	v16 =	vld.idx.msk [tilespmem:v16+s11+$0x0], $0xffff  }
0x1f4: {  	v40 =	vor.u32 v37, v47;
	v27 =	vor.u32 v49, v28;
	v22 =	vld.idx.msk [tilespmem:v22+s11+$0x0], $0xffff;
	[tilespmem:v31+s19+$0x0] =	vst.idx.msk $0xffff, v23  }
0x1f5: {  	v45 =	vor.u32 v50, v5;
	v42 =	vor.u32 v37, v8;
	v23 =	vld.idx.msk [tilespmem:v24+s11+$0x0], $0xffff;
	[tilespmem:v33+s19+$0x0] =	vst.idx.msk $0xffff, v4  }
0x1f6: {  	v24 =	vor.u32 v39, v20;
	v31 =	vld.idx.msk [tilespmem:v32+s11+$0x0], $0xffff;
	[tilespmem:v1+s19+$0x0] =	vst.idx.msk $0xffff, v21;
	v1 =	vor.u32 v50, v57  }
0x1f7: {  	v25 =	vor.u32 v49, v53;
	v7 =	vmov v38;
	v4 =	vor.u32 v50, v9;
	[tilespmem:v3+s19+$0x0] =	vst.idx.msk $0xffff, v30  }
0x1f8: {  	v21 =	vor.u32 v51, v10;
	v30 =	vor.u32 v39, v19;
	[tilespmem:v11+s19+$0x0] =	vst.idx.msk $0xffff, v16;
	v29 =	vld.idx.msk [tilespmem:v29+s11+$0x0], $0xffff  }
0x1f9: {  	v38 =	vor.u32 v50, v53;
	v27 =	vld.idx.msk [tilespmem:v27+s11+$0x0], $0xffff;
	[tilespmem:v40+s19+$0x0] =	vst.idx.msk $0xffff, v22;
	v22 =	vor.u32 v37, v63  }
0x1fa: {  	v45 =	vld.idx.msk [tilespmem:v45+s11+$0x0], $0xffff;
	v33 =	vor.u32 v39, v12;
	[tilespmem:v42+s19+$0x0] =	vst.idx.msk $0xffff, v23;
	v23 =	vor.u32 v51, v15  }
0x1fb: {  	v11 =	vor.u32 v39, v26;
	[tilespmem:v24+s19+$0x0] =	vst.idx.msk $0xffff, v31;
	v31 =	vor.u32 v51, v5;
	v1 =	vld.idx.msk [tilespmem:v1+s11+$0x0], $0xffff  }
0x1fc: {  	v32 =	vor.u32 v59, v18;
	v50 =	vor.u32 v50, v28;
	v24 =	vor.u32 v39, v47;
	v59 =	vld.idx.msk [tilespmem:v4+s11+$0x0], $0xffff  }
0x1fd: {  	v16 =	vor.u32 v41, v20;
	v21 =	vld.idx.msk [tilespmem:v21+s11+$0x0], $0xffff;
	[tilespmem:v30+s19+$0x0] =	vst.idx.msk $0xffff, v29;
	v29 =	vor.u32 v51, v9  }
0x1fe: {  	v17 =	vor.u32 v37, v13;
	v25 =	vld.idx.msk [tilespmem:v25+s11+$0x0], $0xffff;
	[tilespmem:v22+s19+$0x0] =	vst.idx.msk $0xffff, v27;
	v22 =	vor.u32 v51, v57  }
0x1ff: {  	[tilespmem:v33+s19+$0x0] =	vst.idx.msk $0xffff, v45;
	v27 =	vor.u32 v52, v10;
	v30 =	vor.u32 v41, v19;
	v23 =	vld.idx.msk [tilespmem:v23+s11+$0x0], $0xffff  }
0x200: {  	v45 =	vor.u32 v41, v12;
	[tilespmem:v11+s19+$0x0] =	vst.idx.msk $0xffff, v1;
	v1 =	vor.u32 v52, v15;
	v11 =	vld.idx.msk [tilespmem:v31+s11+$0x0], $0xffff  }
0x201: {  	v42 =	vld.idx.msk [tilespmem:v50+s11+$0x0], $0xffff;
	[tilespmem:v24+s19+$0x0] =	vst.idx.msk $0xffff, v59;
	v24 =	vor.u32 v39, v63  }
0x202: {  	[tilespmem:v16+s19+$0x0] =	vst.idx.msk $0xffff, v21;
	v16 =	vor.u32 v41, v47;
	v29 =	vld.idx.msk [tilespmem:v29+s11+$0x0], $0xffff  }
0x203: {  	[tilespmem:v17+s19+$0x0] =	vst.idx.msk $0xffff, v25;
	v17 =	vor.u32 v41, v26;
	v31 =	vor.u32 v51, v28;
	v22 =	vld.idx.msk [tilespmem:v22+s11+$0x0], $0xffff  }
0x204: {  	v25 =	vor.u32 v43, v20;
	v21 =	vor.u32 v52, v5;
	v27 =	vld.idx.msk [tilespmem:v27+s11+$0x0], $0xffff;
	[tilespmem:v30+s19+$0x0] =	vst.idx.msk $0xffff, v23  }
0x205: {  	v59 =	vor.u32 v56, v10;
	v1 =	vld.idx.msk [tilespmem:v1+s11+$0x0], $0xffff;
	[tilespmem:v45+s19+$0x0] =	vst.idx.msk $0xffff, v11;
	v11 =	vor.u32 v43, v19  }
0x206: {  	v23 =	vor.u32 v52, v9;
	[tilespmem:v24+s19+$0x0] =	vst.idx.msk $0xffff, v42  }
0x207: {  	v33 =	vor.u32 v39, v13;
	v50 =	vld.idx.msk [tilespmem:v38+s11+$0x0], $0xffff;
	[tilespmem:v16+s19+$0x0] =	vst.idx.msk $0xffff, v29  }
0x208: {  	v24 =	vor.u32 v52, v57;
	v31 =	vld.idx.msk [tilespmem:v31+s11+$0x0], $0xffff;
	v16 =	vor.u32 v41, v63;
	[tilespmem:v17+s19+$0x0] =	vst.idx.msk $0xffff, v22  }
0x209: {  	v29 =	vor.u32 v43, v12;
	v17 =	vor.u32 v56, v15;
	v21 =	vld.idx.msk [tilespmem:v21+s11+$0x0], $0xffff;
	[tilespmem:v25+s19+$0x0] =	vst.idx.msk $0xffff, v27  }
0x20a: {  	v38 =	vld.idx.msk [tilespmem:v59+s11+$0x0], $0xffff;
	[tilespmem:v11+s19+$0x0] =	vst.idx.msk $0xffff, v1;
	v11 =	vor.u32 v60, v20  }
0x20b: {  	v22 =	vor.u32 v52, v28;
	v25 =	vor.u32 v43, v47;
	v23 =	vld.idx.msk [tilespmem:v23+s11+$0x0], $0xffff  }
0x20c: {  	v36 =	vor.u32 v51, v53;
	[tilespmem:v33+s19+$0x0] =	vst.idx.msk $0xffff, v50;
	v45 =	vor.u32 v56, v5  }
0x20d: {  	v50 =	vor.u32 v43, v26;
	v24 =	vld.idx.msk [tilespmem:v24+s11+$0x0], $0xffff;
	[tilespmem:v16+s19+$0x0] =	vst.idx.msk $0xffff, v31;
	v16 =	vor.u32 v56, v9  }
0x20e: {  	v31 =	vor.u32 v56, v57;
	v17 =	vld.idx.msk [tilespmem:v17+s11+$0x0], $0xffff;
	[tilespmem:v29+s19+$0x0] =	vst.idx.msk $0xffff, v21;
	v21 =	vor.u32 v60, v19  }
0x20f: {  	v32 =	vld.idx.msk [tilespmem:v32+s11+$0x0], $0xffff;
	v30 =	vor.u32 v39, v8;
	[tilespmem:v11+s19+$0x0] =	vst.idx.msk $0xffff, v38;
	v11 =	vor.u32 v44, v10  }
0x210: {  	v14 =	vor.u32 v44, v15;
	v22 =	vld.idx.msk [tilespmem:v22+s11+$0x0], $0xffff;
	[tilespmem:v25+s19+$0x0] =	vst.idx.msk $0xffff, v23;
	v23 =	vor.u32 v43, v63  }
0x211: {  	v2 =	vor.u32 v52, v53;
	v4 =	vor.u32 v48, v15;
	v51 =	vor.u32 v60, v12;
	v40 =	vld.idx.msk [tilespmem:v45+s11+$0x0], $0xffff  }
0x212: {  	v27 =	vor.u32 v61, v18;
	v52 =	vor.u32 v60, v47;
	[tilespmem:v50+s19+$0x0] =	vst.idx.msk $0xffff, v24;
	v16 =	vld.idx.msk [tilespmem:v16+s11+$0x0], $0xffff  }
0x213: {  	v15 =	vor.u32 v48, v5;
	[tilespmem:v21+s19+$0x0] =	vst.idx.msk $0xffff, v17;
	v17 =	vor.u32 v60, v26;
	v59 =	vld.idx.msk [tilespmem:v31+s11+$0x0], $0xffff  }
0x214: {  	v61 =	vor.u32 v0, v20;
	[tilespmem:v30+s19+$0x0] =	vst.idx.msk $0xffff, v32;
	v50 =	vor.u32 v44, v5;
	v5 =	vld.idx.msk [tilespmem:v11+s11+$0x0], $0xffff  }
0x215: {  	[tilespmem:v23+s19+$0x0] =	vst.idx.msk $0xffff, v22  }
0x216: {  	[tilespmem:v51+s19+$0x0] =	vst.idx.msk $0xffff, v40  }
0x217: {  	[tilespmem:v52+s19+$0x0] =	vst.idx.msk $0xffff, v16  }
0x218: {  	v58 =	vor.u32 v0, v13;
	[tilespmem:v17+s19+$0x0] =	vst.idx.msk $0xffff, v59  }
0x219: {  	v34 =	vor.u32 v54, v18;
	v6 =	vor.u32 v56, v28;
	[tilespmem:v61+s19+$0x0] =	vst.idx.msk $0xffff, v5  }
0x21a: {  	v49 =	vor.u32 v55, v13;
	v33 =	vor.u32 v60, v13;
	v42 =	vor.u32 v0, v47;
	v3 =	vld [tilespmem:$0x1FC90]  }
0x21b: {  	v30 =	vor.u32 v0, v12;
	v32 =	vor.u32 v44, v53;
	v53 =	vor.u32 v55, v12  }
0x21c: {  	s28 =	smul.u32 $0xA4, s7;
	v12 =	vor.u32 v0, v26;
	v25 =	vor.u32 v7, v18;
	v7 =	vor.u32 v44, v9;
	v38 =	vld.idx.msk [tilespmem:v36+s11+$0x0], $0xffff  }
0x21d: {  	v1 =	vor.u32 v48, v28;
	v29 =	vor.u32 v41, v8;
	v45 =	vor.u32 v60, v63;
	v14 =	vld.idx.msk [tilespmem:v14+s11+$0x0], $0xffff  }
0x21e: {  	s20 =	sshrl.u32 s28, $0xB;
	v24 =	vor.u32 v43, v8;
	v36 =	vor.u32 v48, v10;
	v10 =	vor.u32 v48, v57;
	v6 =	vld.idx.msk [tilespmem:v6+s11+$0x0], $0xffff  }
0x21f: {  	s22 =	sand.u32 $0x1F, s20;
	v31 =	vor.u32 v43, v13;
	v11 =	vor.u32 v41, v13;
	v13 =	vor.u32 v55, v20;
	v20 =	vld.idx.msk [tilespmem:v50+s11+$0x0], $0xffff  }
0x220: {  	s31 =	smul.u32 $0xFFFFFFCE, s22;
	v21 =	vor.u32 v60, v8;
	v22 =	vor.u32 v0, v8;
	v23 =	vor.u32 v62, v18;
	v16 =	vld.idx.msk [tilespmem:v34+s11+$0x0], $0xffff  }
0x221: {  	s20 =	sshll.u32 s7, $0x2;
	v40 =	vor.u32 v44, v28;
	v28 =	vor.u32 v55, v8;
	v17 =	vor.u32 v0, v19;
	v19 =	vld.idx.msk [tilespmem:v7+s11+$0x0], $0xffff  }
0x222: {  	s21 =	sadd.s32 s20, s31;
	s25 =	simm.s32 $0x8;
	v35 =	vlaneseq.u32;
	v41 =	vmovc v37;
	v34 =	vor.u32 v55, v47;
	v7 =	vor.u32 v48, v9;
	v8 =	vld.idx.msk [tilespmem:v3+s11+$0x0], $0xffff  }
.LBB2_5:
0x223: {  	v48 =	vld.idx.msk [tilespmem:v36+s11+$0x0], $0xffff  }
0x224: {  	s26 =	sadd.s32 $0x1, s25  }
0x225: {  	v47 =	vadd.s32 s26, v35;
	s26 =	sadd.s32 $0x2, s25  }
0x226: {  	v59 =	vadd.s32 s26, v35  }
0x227: {  	[tilespmem:v12+s19+$0x0] =	vst.idx.msk $0xffff, v8;
	v8 =	vshll.u32 v59, $0x7  }
0x228: {  	[tilespmem:v13+s19+$0x0] =	vst.idx.msk $0xffff, v48;
	v13 =	vand.u32 $0xF80, v8  }
0x229: {  	[tilespmem:v11+s19+$0x0] =	vst.idx.msk $0xffff, v38;
	v61 =	vor.u32 v0, v63;
	v0 =	vor.u32 v0, v13  }
0x22a: {  	[tilespmem:$0x1FC20] =	vst v0;
	v0 =	vld [tilespmem:$0x1FC70]  }
0x22b: {  	[tilespmem:v45+s19+$0x0] =	vst.idx.msk $0xffff, v6;
	v6 =	vand.u32 $0x1F, v59  }
0x22c: {  	v2 =	vld.idx.msk [tilespmem:v2+s11+$0x0], $0xffff;
	v51 =	vor.u32 v46, v6  }
0x22d: {  	s31 =	sadd.s32 $0x5, s25  }
0x22e: {  	v57 =	vadd.s32 s31, v35;
	s31 =	smov.u32 s25  }
0x22f: {  	s26 =	sadd.s32 $0x4, s31  }
0x230: {  	v9 =	vadd.s32 s25, v35;
	[tilespmem:v29+s19+$0x0] =	vst.idx.msk $0xffff, v16;
	v52 =	vadd.s32 s26, v35  }
0x231: {  	v63 =	vshll.u32 v9, $0x7;
	v16 =	vand.u32 $0x1F, v52;
	v12 =	vand.u32 $0x18, v9;
	v9 =	vld.idx.msk [tilespmem:v51+s11+$0x0], $0xffff;
	[tilespmem:v31+s19+$0x0] =	vst.idx.msk $0xffff, v2  }
0x232: {  	v60 =	vor.u32 v46, v16;
	v2 =	vld.idx.msk [tilespmem:v0+s11+$0x0], $0xffff  }
0x233: {  	v0 =	vld [tilespmem:$0x1FEC0];
	_ =	sdelay $0x1  }
0x234: {  	s1 =	sadd.s32 $0x7, s25  }
0x235: {  	v3 =	vadd.s32 s1, v35;
	[tilespmem:v30+s19+$0x0] =	vst.idx.msk $0xffff, v20  }
0x236: {  	v8 =	vshll.u32 v3, $0x7;
	[tilespmem:$0x1FBF0] =	vst v9;
	v9 =	vand.u32 $0x1F, v3;
	v3 =	vld.idx.msk [tilespmem:v60+s11+$0x0], $0xffff  }
0x237: {  	v60 =	vor.u32 v0, v12;
	v0 =	vld [tilespmem:$0x1FC60];
	_ =	sdelay $0x1  }
0x238: {  	[tilespmem:v17+s19+$0x0] =	vst.idx.msk $0xffff, v14  }
0x239: {  	v4 =	vld.idx.msk [tilespmem:v4+s11+$0x0], $0xffff  }
0x23a: {  	v50 =	vld.idx.msk [tilespmem:v27+s11+$0x0], $0xffff;
	_ =	sdelay $0x3  }
0x23b: {  	[tilespmem:v0+s19+$0x0] =	vst.idx.msk $0xffff, v4;
	v0 =	vld [tilespmem:$0x1FC80]  }
0x23c: {  	[tilespmem:v24+s19+$0x0] =	vst.idx.msk $0xffff, v50  }
0x23d: {  	v59 =	vld.idx.msk [tilespmem:v25+s11+$0x0], $0xffff;
	_ =	sdelay $0x2  }
0x23e: {  	s28 =	sadd.s32 $0x3, s25;
	v17 =	vld.idx.msk [tilespmem:v40+s11+$0x0], $0xffff  }
0x23f: {  	v37 =	vor.u32 v55, v26;
	v56 =	vadd.s32 s28, v35;
	[tilespmem:v42+s19+$0x0] =	vst.idx.msk $0xffff, v19;
	v44 =	vld.idx.msk [tilespmem:v10+s11+$0x0], $0xffff  }
0x240: {  	v36 =	vmovc v58;
	v20 =	vshll.u32 v47, $0x7;
	v10 =	vshll.u32 v52, $0x7;
	v58 =	vld.idx.msk [tilespmem:v7+s11+$0x0], $0xffff;
	[tilespmem:v21+s19+$0x0] =	vst.idx.msk $0xffff, v59;
	v4 =	vshll.u32 v56, $0x7  }
0x241: {  	v26 =	vand.u32 $0xF80, v20;
	v20 =	vand.u32 $0xF80, v4;
	v52 =	vld.idx.msk [tilespmem:v0+s11+$0x0], $0xffff;
	v0 =	vor.u32 v41, v13  }
0x242: {  	v7 =	vld [tilespmem:$0x1FED0];
	[tilespmem:$0x1FC00] =	vst v0;
	v0 =	vor.u32 v55, v20  }
0x243: {  	[tilespmem:$0x1FC60] =	vst v0;
	v0 =	vld [tilespmem:$0x1FC50];
	_ =	sdelay $0x1  }
0x244: {  	s28 =	sadd.s32 $0x6, s25;
	v5 =	vand.u32 $0x1F, v47;
	v11 =	vand.u32 $0x1F, v57;
	v14 =	vand.u32 $0x1F, v56;
	[tilespmem:v61+s19+$0x0] =	vst.idx.msk $0xffff, v17  }
0x245: {  	v19 =	vadd.s32 s28, v35;
	v42 =	vor.u32 v46, v5;
	v45 =	vor.u32 v46, v11;
	v1 =	vld.idx.msk [tilespmem:v1+s11+$0x0], $0xffff  }
0x246: {  	v62 =	vshll.u32 v19, $0x7;
	v47 =	vor.u32 v46, v14;
	v19 =	vand.u32 $0x1F, v19;
	v61 =	vld [tilespmem:$0x1FCA0]  }
0x247: {  	v29 =	vmovc v49;
	v38 =	vor.u32 v7, v12;
	v49 =	vor.u32 v46, v9;
	v4 =	vor.u32 v46, v19;
	v46 =	vld [tilespmem:$0x1FFC0]  }
0x248: {  	v7 =	vand.u32 $0xF80, v8;
	v8 =	vand.u32 $0xF80, v63;
	v63 =	vand.u32 $0xF80, v62  }
0x249: {  	v51 =	vor.u32 v55, v63  }
0x24a: {  	[tilespmem:v0+s19+$0x0] =	vst.idx.msk $0xffff, v1;
	v0 =	vmov v51  }
0x24b: {  	[tilespmem:$0x1FC50] =	vst v0;
	v0 =	vor.u32 v61, v5  }
0x24c: {  	[tilespmem:$0x1FC30] =	vst v0;
	v0 =	vor.u32 v46, v6  }
0x24d: {  	[tilespmem:$0x1FC70] =	vst v0;
	v0 =	vld [tilespmem:$0x1FF90];
	_ =	sdelay $0x2  }
0x24e: {  	v10 =	vand.u32 $0xF80, v10  }
0x24f: {  	v50 =	vor.u32 v35, v10  }
0x250: {  	v0 =	vor.u32 v0, v12  }
0x251: {  	[tilespmem:$0x1FC80] =	vst v0;
	v0 =	vld [tilespmem:$0x1FC40]  }
0x252: {  	[tilespmem:v33+s19+$0x0] =	vst.idx.msk $0xffff, v2  }
0x253: {  	[tilespmem:v34+s19+$0x0] =	vst.idx.msk $0xffff, v58;
	v2 =	vld.idx.msk [tilespmem:v32+s11+$0x0], $0xffff  }
0x254: {  	v40 =	vor.u32 v35, v7;
	[tilespmem:v50+s19+$0x0] =	vst.idx.msk $0xffff, v3;
	v3 =	vld.idx.msk [tilespmem:v49+s11+$0x0], $0xffff;
	_ =	sdelay $0x2  }
0x255: {  	v18 =	vld [tilespmem:$0x1FCB0]  }
0x256: {  	v24 =	vmov v54;
	v54 =	vld [tilespmem:$0x1FF80];
	[tilespmem:v36+s19+$0x0] =	vst.idx.msk $0xffff, v2  }
0x257: {  	[tilespmem:v40+s19+$0x0] =	vst.idx.msk $0xffff, v3;
	v40 =	vld.idx.msk [tilespmem:v0+s11+$0x0], $0xffff  }
0x258: {  	v17 =	vshll.u32 v57, $0x7;
	v0 =	vld [tilespmem:$0x1FEE0]  }
0x259: {  	v39 =	vor.u32 v35, v26;
	v42 =	vld.idx.msk [tilespmem:v42+s11+$0x0], $0xffff;
	v17 =	vand.u32 $0xF80, v17  }
0x25a: {  	v45 =	vld.idx.msk [tilespmem:v45+s11+$0x0], $0xffff;
	v58 =	vor.u32 v35, v17  }
0x25b: {  	v56 =	vor.u32 v54, v11;
	_ =	sdelay $0x1  }
0x25c: {  	v48 =	vld [tilespmem:$0x1FFB0];
	[tilespmem:v37+s19+$0x0] =	vst.idx.msk $0xffff, v44;
	v51 =	vor.u32 v0, v12;
	v0 =	vor.u32 v55, v13  }
0x25d: {  	v37 =	vld [tilespmem:$0x1FFA0];
	[tilespmem:v39+s19+$0x0] =	vst.idx.msk $0xffff, v42  }
0x25e: {  	v27 =	vor.u32 v18, v6;
	v39 =	vld [tilespmem:$0x1FFD0];
	[tilespmem:v58+s19+$0x0] =	vst.idx.msk $0xffff, v45  }
0x25f: {  	v34 =	vor.u32 v54, v16;
	v56 =	vld.idx.msk [tilespmem:v56+s11+$0x0], $0xffff;
	[tilespmem:$0x1FC10] =	vst v0;
	v0 =	vmov v27  }
0x260: {  	v45 =	vor.u32 v41, v17;
	[tilespmem:$0x1FC40] =	vst v0;
	v0 =	vld [tilespmem:$0x1FF10]  }
0x261: {  	v49 =	vor.u32 v48, v11;
	v15 =	vld.idx.msk [tilespmem:v15+s11+$0x0], $0xffff;
	[tilespmem:v22+s19+$0x0] =	vst.idx.msk $0xffff, v52  }
0x262: {  	v23 =	vld.idx.msk [tilespmem:v23+s11+$0x0], $0xffff  }
0x263: {  	v42 =	vor.u32 v54, v5;
	v32 =	vld.idx.msk [tilespmem:v47+s11+$0x0], $0xffff;
	v1 =	vor.u32 v35, v20  }
0x264: {  	v33 =	vor.u32 v54, v14;
	v34 =	vld.idx.msk [tilespmem:v34+s11+$0x0], $0xffff  }
0x265: {  	[tilespmem:v45+s19+$0x0] =	vst.idx.msk $0xffff, v56;
	v55 =	vor.u32 v0, v63;
	v0 =	vld [tilespmem:$0x1FF60]  }
0x266: {  	v49 =	vld.idx.msk [tilespmem:v49+s11+$0x0], $0xffff  }
0x267: {  	v50 =	vld.idx.msk [tilespmem:v60+s11+$0x0], $0xffff;
	[tilespmem:v28+s19+$0x0] =	vst.idx.msk $0xffff, v23  }
0x268: {  	v59 =	vor.u32 v39, v17;
	v28 =	vld.idx.msk [tilespmem:v42+s11+$0x0], $0xffff;
	[tilespmem:v1+s19+$0x0] =	vst.idx.msk $0xffff, v32  }
0x269: {  	v25 =	vor.u32 v35, v13;
	v36 =	vor.u32 v41, v8;
	[tilespmem:v53+s19+$0x0] =	vst.idx.msk $0xffff, v15;
	v15 =	vld.idx.msk [tilespmem:v33+s11+$0x0], $0xffff  }
0x26a: {  	v53 =	vor.u32 v41, v7;
	v33 =	vor.u32 v37, v11;
	v27 =	vor.u32 v0, v12;
	v0 =	vld [tilespmem:$0x1FBF0]  }
0x26b: {  	v47 =	vor.u32 v41, v10;
	v42 =	vor.u32 v41, v26;
	v1 =	vor.u32 v41, v20;
	v41 =	vld [tilespmem:$0x1FFF0];
	_ =	sdelay $0x1  }
0x26c: {  	v44 =	vor.u32 v48, v16;
	[tilespmem:v59+s19+$0x0] =	vst.idx.msk $0xffff, v49  }
0x26d: {  	v57 =	vor.u32 v35, v8;
	v22 =	vor.u32 v54, v9;
	[tilespmem:v29+s19+$0x0] =	vst.idx.msk $0xffff, v40  }
0x26e: {  	[tilespmem:v25+s19+$0x0] =	vst.idx.msk $0xffff, v0;
	v25 =	vld.idx.msk [tilespmem:v33+s11+$0x0], $0xffff  }
0x26f: {  	v56 =	vor.u32 v41, v17;
	v0 =	vld [tilespmem:$0x1FF70]  }
0x270: {  	[tilespmem:v47+s19+$0x0] =	vst.idx.msk $0xffff, v34  }
0x271: {  	v44 =	vld.idx.msk [tilespmem:v44+s11+$0x0], $0xffff;
	v52 =	vor.u32 v39, v10  }
0x272: {  	v30 =	vor.u32 v54, v6;
	v22 =	vld.idx.msk [tilespmem:v22+s11+$0x0], $0xffff;
	[tilespmem:v57+s19+$0x0] =	vst.idx.msk $0xffff, v50  }
0x273: {  	v34 =	vor.u32 v48, v9;
	v38 =	vld.idx.msk [tilespmem:v38+s11+$0x0], $0xffff  }
0x274: {  	v58 =	vor.u32 v37, v16;
	[tilespmem:v56+s19+$0x0] =	vst.idx.msk $0xffff, v25;
	v25 =	vor.u32 v0, v12;
	v0 =	vld [tilespmem:$0x1FC00]  }
0x275: {  	v2 =	vld [tilespmem:$0x1FFE0];
	v47 =	vor.u32 v48, v5  }
0x276: {  	[tilespmem:v52+s19+$0x0] =	vst.idx.msk $0xffff, v44;
	v32 =	vor.u32 v48, v14  }
0x277: {  	[tilespmem:v53+s19+$0x0] =	vst.idx.msk $0xffff, v22;
	v30 =	vld.idx.msk [tilespmem:v30+s11+$0x0], $0xffff  }
0x278: {  	v34 =	vld.idx.msk [tilespmem:v34+s11+$0x0], $0xffff;
	[tilespmem:v36+s19+$0x0] =	vst.idx.msk $0xffff, v38;
	v36 =	vor.u32 v39, v7  }
0x279: {  	v52 =	vld.idx.msk [tilespmem:v58+s11+$0x0], $0xffff;
	[tilespmem:v42+s19+$0x0] =	vst.idx.msk $0xffff, v28;
	v38 =	vor.u32 v37, v9;
	v45 =	vor.u32 v41, v10  }
0x27a: {  	v28 =	vor.u32 v39, v26;
	v47 =	vld.idx.msk [tilespmem:v47+s11+$0x0], $0xffff;
	[tilespmem:v1+s19+$0x0] =	vst.idx.msk $0xffff, v15;
	v15 =	vor.u32 v2, v16  }
0x27b: {  	v57 =	vor.u32 v39, v20;
	v32 =	vld.idx.msk [tilespmem:v32+s11+$0x0], $0xffff;
	v29 =	vor.u32 v54, v19;
	v54 =	vor.u32 v37, v5  }
0x27c: {  	[tilespmem:v0+s19+$0x0] =	vst.idx.msk $0xffff, v30;
	v0 =	vld [tilespmem:$0x1FF20]  }
0x27d: {  	v62 =	vor.u32 v35, v63;
	v60 =	vld.idx.msk [tilespmem:v4+s11+$0x0], $0xffff;
	[tilespmem:v36+s19+$0x0] =	vst.idx.msk $0xffff, v34  }
0x27e: {  	v34 =	vld.idx.msk [tilespmem:v38+s11+$0x0], $0xffff;
	[tilespmem:v45+s19+$0x0] =	vst.idx.msk $0xffff, v52  }
0x27f: {  	v49 =	vor.u32 v43, v10;
	v42 =	vor.u32 v37, v14;
	[tilespmem:v28+s19+$0x0] =	vst.idx.msk $0xffff, v47;
	v52 =	vld.idx.msk [tilespmem:v15+s11+$0x0], $0xffff  }
0x280: {  	[tilespmem:v57+s19+$0x0] =	vst.idx.msk $0xffff, v32;
	v32 =	vor.u32 v46, v16;
	v38 =	vld.idx.msk [tilespmem:v54+s11+$0x0], $0xffff  }
0x281: {  	v54 =	vor.u32 v0, v10;
	v0 =	vld [tilespmem:$0x1FF20]  }
0x282: {  	[tilespmem:v62+s19+$0x0] =	vst.idx.msk $0xffff, v60  }
0x283: {  	v31 =	vor.u32 v48, v6;
	v62 =	vld.idx.msk [tilespmem:v29+s11+$0x0], $0xffff  }
0x284: {  	v3 =	vor.u32 v24, v12;
	v22 =	vor.u32 v48, v19;
	v42 =	vld.idx.msk [tilespmem:v42+s11+$0x0], $0xffff;
	[tilespmem:v49+s19+$0x0] =	vst.idx.msk $0xffff, v52  }
0x285: {  	v21 =	vor.u32 v2, v6;
	v60 =	vor.u32 v2, v11;
	v36 =	vor.u32 v41, v7;
	v49 =	vld.idx.msk [tilespmem:v32+s11+$0x0], $0xffff  }
0x286: {  	v23 =	vor.u32 v39, v8;
	v58 =	vor.u32 v39, v63;
	v53 =	vor.u32 v0, v17;
	v0 =	vld [tilespmem:$0x1FF20]  }
0x287: {  	v50 =	vor.u32 v37, v6;
	v40 =	vor.u32 v39, v13;
	v39 =	vor.u32 v2, v9;
	v51 =	vld.idx.msk [tilespmem:v51+s11+$0x0], $0xffff  }
0x288: {  	v48 =	vor.u32 v41, v20;
	v32 =	vor.u32 v61, v6;
	v6 =	vld [tilespmem:$0x1FF30];
	[tilespmem:v55+s19+$0x0] =	vst.idx.msk $0xffff, v62  }
0x289: {  	v55 =	vor.u32 v41, v26;
	v22 =	vld.idx.msk [tilespmem:v22+s11+$0x0], $0xffff  }
0x28a: {  	v44 =	vor.u32 v2, v5;
	[tilespmem:v36+s19+$0x0] =	vst.idx.msk $0xffff, v34;
	v34 =	vor.u32 v2, v19;
	v30 =	vld.idx.msk [tilespmem:v60+s11+$0x0], $0xffff  }
0x28b: {  	v62 =	vor.u32 v2, v14;
	v2 =	vmovc v21;
	v33 =	vor.u32 v43, v17;
	v21 =	vor.u32 v0, v8;
	v0 =	vld [tilespmem:$0x1FF50]  }
0x28c: {  	v28 =	vor.u32 v37, v19;
	v47 =	vld.idx.msk [tilespmem:v39+s11+$0x0], $0xffff;
	[tilespmem:v23+s19+$0x0] =	vst.idx.msk $0xffff, v51  }
0x28d: {  	v15 =	vor.u32 v18, v16;
	[tilespmem:v48+s19+$0x0] =	vst.idx.msk $0xffff, v42;
	v42 =	vor.u32 v61, v16;
	v16 =	vld.idx.msk [tilespmem:v3+s11+$0x0], $0xffff  }
0x28e: {  	[tilespmem:v55+s19+$0x0] =	vst.idx.msk $0xffff, v38;
	v31 =	vld.idx.msk [tilespmem:v31+s11+$0x0], $0xffff  }
0x28f: {  	[tilespmem:v58+s19+$0x0] =	vst.idx.msk $0xffff, v22;
	v44 =	vld.idx.msk [tilespmem:v44+s11+$0x0], $0xffff  }
0x290: {  	v22 =	vor.u32 v43, v26;
	[tilespmem:v33+s19+$0x0] =	vst.idx.msk $0xffff, v30;
	v30 =	vor.u32 v0, v10;
	v0 =	vld [tilespmem:$0x1FF50]  }
0x291: {  	v45 =	vor.u32 v46, v5;
	v48 =	vor.u32 v43, v20;
	v56 =	vld.idx.msk [tilespmem:v62+s11+$0x0], $0xffff  }
0x292: {  	v28 =	vld.idx.msk [tilespmem:v28+s11+$0x0], $0xffff;
	v62 =	vor.u32 v41, v63  }
0x293: {  	v3 =	vld [tilespmem:$0x1FC30];
	v58 =	vor.u32 v46, v14;
	[tilespmem:v40+s19+$0x0] =	vst.idx.msk $0xffff, v31  }
0x294: {  	v57 =	vor.u32 v46, v11;
	v38 =	vld.idx.msk [tilespmem:v50+s11+$0x0], $0xffff  }
0x295: {  	[tilespmem:v22+s19+$0x0] =	vst.idx.msk $0xffff, v44;
	v50 =	vor.u32 v0, v17;
	v0 =	vld [tilespmem:$0x1FF20]  }
0x296: {  	v59 =	vld.idx.msk [tilespmem:v45+s11+$0x0], $0xffff;
	[tilespmem:v48+s19+$0x0] =	vst.idx.msk $0xffff, v56  }
0x297: {  	[tilespmem:v62+s19+$0x0] =	vst.idx.msk $0xffff, v28;
	v62 =	vld [tilespmem:$0x1FF40]  }
0x298: {  	v56 =	vld.idx.msk [tilespmem:v58+s11+$0x0], $0xffff  }
0x299: {  	v40 =	vld.idx.msk [tilespmem:v57+s11+$0x0], $0xffff  }
0x29a: {  	v55 =	vor.u32 v43, v7;
	v57 =	vor.u32 v0, v20;
	v0 =	vld [tilespmem:$0x1FF20]  }
0x29b: {  	v34 =	vld.idx.msk [tilespmem:v34+s11+$0x0], $0xffff;
	v33 =	vor.u32 v46, v9  }
0x29c: {  	v23 =	vor.u32 v62, v12;
	v12 =	vld [tilespmem:$0x1FF20]  }
0x29d: {  	v36 =	vor.u32 v18, v11;
	v58 =	vld [tilespmem:$0x1FC20]  }
0x29e: {  	v29 =	vor.u32 v41, v8;
	v60 =	vor.u32 v61, v11;
	v11 =	vor.u32 v41, v13;
	v41 =	vld [tilespmem:$0x1FF10]  }
0x29f: {  	[tilespmem:v55+s19+$0x0] =	vst.idx.msk $0xffff, v47;
	v28 =	vor.u32 v0, v26;
	v0 =	vld [tilespmem:$0x1FF20]  }
0x2a0: {  	v55 =	vld.idx.msk [tilespmem:v33+s11+$0x0], $0xffff  }
0x2a1: {  	v31 =	vor.u32 v43, v13;
	v33 =	vor.u32 v12, v13;
	v13 =	vor.u32 v6, v17;
	v6 =	vld [tilespmem:$0x1FF30]  }
0x2a2: {  	v44 =	vor.u32 v46, v19;
	v46 =	vld [tilespmem:$0x1FF00]  }
0x2a3: {  	[tilespmem:v54+s19+$0x0] =	vst.idx.msk $0xffff, v49;
	v49 =	vld [tilespmem:$0x1FC10]  }
0x2a4: {  	v52 =	vor.u32 v43, v63;
	v39 =	vor.u32 v0, v7;
	v0 =	vld [tilespmem:$0x1FF50]  }
0x2a5: {  	v54 =	vld [tilespmem:$0x1FEF0]  }
0x2a6: {  	[tilespmem:v53+s19+$0x0] =	vst.idx.msk $0xffff, v40;
	v53 =	vor.u32 v6, v10;
	v6 =	vld [tilespmem:$0x1FF30]  }
0x2a7: {  	v4 =	vor.u32 v18, v14;
	v14 =	vor.u32 v61, v14;
	v37 =	vld.idx.msk [tilespmem:v60+s11+$0x0], $0xffff  }
0x2a8: {  	v47 =	vor.u32 v61, v9;
	v60 =	vld [tilespmem:$0x1FF20]  }
0x2a9: {  	[tilespmem:v52+s19+$0x0] =	vst.idx.msk $0xffff, v34;
	v22 =	vor.u32 v0, v8;
	v0 =	vld [tilespmem:$0x1FF50]  }
0x2aa: {  	p1 =	slt.u32 s25, $0x18;
	[tilespmem:v39+s19+$0x0] =	vst.idx.msk $0xffff, v55;
	v55 =	vld [tilespmem:$0x1FF30]  }
.Ltmp3:
0x2ab: {  	v34 =	vor.u32 v6, v7;
	v6 =	vld.idx.msk [tilespmem:v44+s11+$0x0], $0xffff;
	[tilespmem:v57+s19+$0x0] =	vst.idx.msk $0xffff, v56;
	(pc) =	sbr.rel @p1 .LBB2_5-.Ltmp3, $4  }
0x2ac: {  	v24 =	vor.u32 v43, v8;
	v1 =	vor.u32 v18, v19;
	v40 =	vor.u32 v61, v19;
	v14 =	vld.idx.msk [tilespmem:v14+s11+$0x0], $0xffff  }
0x2ad: {  	v10 =	vor.u32 v18, v5;
	v45 =	vor.u32 v60, v63;
	[tilespmem:v50+s19+$0x0] =	vst.idx.msk $0xffff, v37;
	v19 =	vld.idx.msk [tilespmem:v47+s11+$0x0], $0xffff  }
0x2ae: {  	[tilespmem:v28+s19+$0x0] =	vst.idx.msk $0xffff, v59;
	v12 =	vor.u32 v0, v26;
	v17 =	vor.u32 v0, v20;
	v20 =	vld.idx.msk [tilespmem:v42+s11+$0x0], $0xffff  }
0x2af: {  	s25 =	sadd.s32 $0x8, s25;
	v42 =	vor.u32 v0, v7;
	v28 =	vor.u32 v55, v8;
	v8 =	vld.idx.msk [tilespmem:v3+s11+$0x0], $0xffff;
	v7 =	vor.u32 v18, v9  }
0x2b0: {  	_ =	sdelay $0x3  }
0x2b1: {  	[tilespmem:v29+s19+$0x0] =	vst.idx.msk $0xffff, v16  }
0x2b2: {  	[tilespmem:v11+s19+$0x0] =	vst.idx.msk $0xffff, v38;
	v5 =	vld.idx.msk [tilespmem:v27+s11+$0x0], $0xffff  }
0x2b3: {  	v2 =	vld.idx.msk [tilespmem:v2+s11+$0x0], $0xffff;
	_ =	sdelay $0x2  }
0x2b4: {  	[tilespmem:v45+s19+$0x0] =	vst.idx.msk $0xffff, v6  }
0x2b5: {  	[tilespmem:v24+s19+$0x0] =	vst.idx.msk $0xffff, v5  }
0x2b6: {  	[tilespmem:v31+s19+$0x0] =	vst.idx.msk $0xffff, v2;
	v5 =	vld.idx.msk [tilespmem:v25+s11+$0x0], $0xffff  }
0x2b7: {  	v2 =	vld [tilespmem:$0x1FC70]  }
0x2b8: {  	[tilespmem:v17+s19+$0x0] =	vst.idx.msk $0xffff, v14  }
0x2b9: {  	[tilespmem:v42+s19+$0x0] =	vst.idx.msk $0xffff, v19  }
0x2ba: {  	[tilespmem:v12+s19+$0x0] =	vst.idx.msk $0xffff, v8  }
0x2bb: {  	[tilespmem:v21+s19+$0x0] =	vst.idx.msk $0xffff, v5  }
0x2bc: {  	v3 =	vld [tilespmem:$0x1FC80];
	_ =	sdelay $0x2  }
0x2bd: {  	v2 =	vld.idx.msk [tilespmem:v2+s11+$0x0], $0xffff  }
0x2be: {  	v6 =	vld.idx.msk [tilespmem:v36+s11+$0x0], $0xffff  }
0x2bf: {  	v9 =	vor.u32 v0, v63;
	v11 =	vld.idx.msk [tilespmem:v40+s11+$0x0], $0xffff;
	_ =	sdelay $0x1  }
0x2c0: {  	v7 =	vld.idx.msk [tilespmem:v7+s11+$0x0], $0xffff  }
0x2c1: {  	[tilespmem:v33+s19+$0x0] =	vst.idx.msk $0xffff, v2;
	v5 =	vld.idx.msk [tilespmem:v3+s11+$0x0], $0xffff  }
0x2c2: {  	[tilespmem:v13+s19+$0x0] =	vst.idx.msk $0xffff, v6;
	v2 =	vld.idx.msk [tilespmem:v32+s11+$0x0], $0xffff  }
0x2c3: {  	[tilespmem:v9+s19+$0x0] =	vst.idx.msk $0xffff, v11  }
0x2c4: {  	[tilespmem:v30+s19+$0x0] =	vst.idx.msk $0xffff, v20  }
0x2c5: {  	[tilespmem:v34+s19+$0x0] =	vst.idx.msk $0xffff, v7  }
0x2c6: {  	[tilespmem:v22+s19+$0x0] =	vst.idx.msk $0xffff, v5  }
0x2c7: {  	[tilespmem:v58+s19+$0x0] =	vst.idx.msk $0xffff, v2  }
0x2c8: {  	v2 =	vld [tilespmem:$0x1FC60];
	_ =	sdelay $0x2  }
0x2c9: {  	v4 =	vld.idx.msk [tilespmem:v4+s11+$0x0], $0xffff;
	_ =	sdelay $0x4  }
0x2ca: {  	[tilespmem:v2+s19+$0x0] =	vst.idx.msk $0xffff, v4  }
0x2cb: {  	v2 =	vld [tilespmem:$0x1FC40];
	_ =	sdelay $0x2  }
0x2cc: {  	v8 =	vld.idx.msk [tilespmem:v10+s11+$0x0], $0xffff  }
0x2cd: {  	v6 =	vor.u32 v55, v26;
	v3 =	vld [tilespmem:$0x1FC50]  }
0x2ce: {  	v5 =	vld.idx.msk [tilespmem:v15+s11+$0x0], $0xffff  }
0x2cf: {  	v7 =	vld.idx.msk [tilespmem:v23+s11+$0x0], $0xffff  }
0x2d0: {  	v1 =	vld.idx.msk [tilespmem:v1+s11+$0x0], $0xffff  }
0x2d1: {  	v2 =	vld.idx.msk [tilespmem:v2+s11+$0x0], $0xffff  }
0x2d2: {  	s1 =	sadd.s32 s22, s6;
	[tilespmem:v6+s19+$0x0] =	vst.idx.msk $0xffff, v8  }
0x2d3: {  	s25 =	sshll.u32 s21, $0x13;
	s22 =	sshll.u32 s1, $0xA;
	[tilespmem:v53+s19+$0x0] =	vst.idx.msk $0xffff, v5  }
0x2d4: {  	s1 =	sor.u32 s22, s25;
	[tilespmem:v28+s19+$0x0] =	vst.idx.msk $0xffff, v7  }
0x2d5: {  	s25 =	sshrl.u32 s1, $0x3;
	[tilespmem:v3+s19+$0x0] =	vst.idx.msk $0xffff, v1  }
0x2d6: {  	s26 =	sadd.s32 $0x20000, s1;
	s25 =	sadd.s32 s2, s25;
	[tilespmem:v49+s19+$0x0] =	vst.idx.msk $0xffff, v2  }
0x2d7: {  	[hbm4b:s25+s3] =	stream.linear.scatter [tilespmem:s19], [sflag:$0x5], $0x400, $0x38;
	[tilespmem:$0x15400] =	vst v63  }
0x2d8: {  	s25 =	sshrl.u32 s26, $0x3  }
0x2d9: {  	s28 =	sor.u32 $0x40000, s1;
	s26 =	simm.s32 $0x11800;
	s25 =	sadd.s32 s2, s25  }
0x2da: {  	[hbm4b:s25+s3] =	stream.linear.scatter [tilespmem:s26], [sflag:$0x5], $0x400, $0x38;
	[tilespmem:$0x15400] =	vst v63  }
0x2db: {  	s25 =	sshrl.u32 s28, $0x3  }
0x2dc: {  	s31 =	simm.s32 $0x11C00;
	p1 =	seq.s32 s7, $0x31;
	s25 =	sadd.s32 s2, s25  }
0x2dd: {  	[hbm4b:s25+s3] =	stream.linear.scatter [tilespmem:s31], [sflag:$0x5], $0x400, $0x38;
	[tilespmem:$0x15400] =	vst v63  }
0x2de: {  	s25 =	sadd.s32 @!p1 $0x4, s20  }
0x2df: {  	s26 =	smulhi.u32 @!p1 $0x51EB851F, s25  }
0x2e0: {  	s1 =	sadd.s32 $0x60000, s1  }
0x2e1: {  	s1 =	sshrl.u32 s1, $0x3;
	s26 =	sshrl.u32 @!p1 s26, $0x4  }
0x2e2: {  	s1 =	sadd.s32 s2, s1;
	s31 =	simm.s32 $0x12000;
	s28 =	smul.u32 @!p1 $0x7FFFCE, s26  }
0x2e3: {  	[hbm4b:s1+s3] =	stream.linear.scatter [tilespmem:s31], [sflag:$0x5], $0x400, $0x38;
	[tilespmem:$0x15400] =	vst v63  }
0x2e4: {  	s1 =	sadd.s32 @!p1 s25, s28;
	s25 =	smul.u32 @!p1 $0x6400, s26  }
0x2e5: {  	s1 =	sshll.u32 @!p1 s1, $0x9  }
0x2e6: {  	s25 =	sshra.s32 @!p1 s25, $0x2;
	s1 =	sshra.s32 @!p1 s1, $0x2  }
0x2e7: {  	s1 =	sadd.s32 @!p1 s1, s25  }
0x2e8: {  	s26 =	simm.s32 @!p1 $0xD400;
	s25 =	simm.s32 @!p1 $0x80;
	s1 =	sadd.s32 @!p1 $0x7000, s1  }
0x2e9: {  	[tilespmem:s26], [sflag:$0x1] =	stream.indirect.gather @!p1 [hbm4b:s4+s25], $0x20, s1, s25, $0xb8;
	[tilespmem:$0x15400] =	vst v63  }
0x2ea: {  	_ =	swait.ge [sflag:s23], $0x1000  }
0x2eb: {  	s26 =	simm.s32 $0x0;
	[sflag:s23] =	ssyncset.done $0x0  }
0x2ec: {  	v1 =	vadd.s32 s26, v35;
	s26 =	simm.s32 @!p0 $0x6;
	[sflag:s23] =	ssyncadd.s32 $0xFFFFF000  }
0x2ed: {  	_ =	swait.ge @!p0 [sflag:s26], $0x400  }
0x2ee: {  	v48 =	vld [tilespmem:$0x1FCB0];
	_ =	sdelay $0x1  }
0x2ef: {  	s25 =	simm.s32 $0x2  }
0x2f0: {  	v5 =	vadd.s32 s25, v35  }
0x2f1: {  	s31 =	simm.s32 $0x5;
	v6 =	vand.u32 $0x1F, v5  }
0x2f2: {  	v11 =	vadd.s32 s31, v35;
	s31 =	simm.s32 $0x6;
	[sflag:s26] =	ssyncset.done @!p0 $0x0;
	v8 =	vor.u32 v48, v6  }
0x2f3: {  	v21 =	vadd.s32 s31, v35;
	[sflag:s26] =	ssyncadd.s32 @!p0 $0xFFFFFC00;
	[tilespmem:$0x1FB70] =	vst v8  }
0x2f4: {  	v7 =	vand.u32 $0x1F, v11;
	v23 =	vshll.u32 v21, $0x7;
	s28 =	simm.s32 $0x1;
	_ =	swait.ge @!p0 [sflag:s26], $0x400  }
0x2f5: {  	v24 =	vor.u32 v46, v7;
	v63 =	vand.u32 $0xF80, v23;
	v2 =	vadd.s32 s28, v35;
	s28 =	simm.s32 $0x4;
	[sflag:s26] =	ssyncset.done @!p0 $0x0  }
0x2f6: {  	v27 =	vor.u32 v55, v63;
	v20 =	vand.u32 $0x1F, v2;
	s1 =	simm.s32 $0x3;
	v8 =	vadd.s32 s28, v35;
	[sflag:s26] =	ssyncadd.s32 @!p0 $0xFFFFFC00  }
0x2f7: {  	v19 =	vor.u32 v46, v20;
	v4 =	vadd.s32 s1, v35;
	s25 =	simm.s32 $0x7;
	v12 =	vand.u32 $0x1F, v8;
	_ =	swait.ge @!p0 [sflag:s26], $0x400  }
0x2f8: {  	v3 =	vshll.u32 v1, $0x7;
	v16 =	vadd.s32 s25, v35;
	v22 =	vor.u32 v46, v12;
	[sflag:s26] =	ssyncset.done @!p0 $0x0  }
0x2f9: {  	v15 =	vand.u32 $0x1F, v4;
	v5 =	vshll.u32 v5, $0x7;
	v14 =	vand.u32 $0x18, v1;
	[sflag:s26] =	ssyncadd.s32 @!p0 $0xFFFFFC00  }
0x2fa: {  	v13 =	vand.u32 $0xF80, v5;
	v1 =	vshll.u32 v16, $0x7;
	v9 =	vand.u32 $0xF80, v3;
	v58 =	vld [tilespmem:$0x1FED0];
	_ =	swait.ge @!p0 [sflag:s26], $0x400  }
0x2fb: {  	v29 =	vor.u32 v46, v15;
	v3 =	vor.u32 v0, v13;
	v8 =	vshll.u32 v8, $0x7;
	v44 =	vld [tilespmem:$0x1FF80];
	[sflag:s26] =	ssyncset.done @!p0 $0x0  }
0x2fc: {  	v10 =	vand.u32 $0xF80, v8;
	v8 =	vand.u32 $0xF80, v1;
	v1 =	vshll.u32 v11, $0x7;
	[tilespmem:$0x1FB80] =	vst v3;
	v57 =	vld [tilespmem:$0x1FEC0];
	[sflag:s26] =	ssyncadd.s32 @!p0 $0xFFFFFC00  }
0x2fd: {  	v2 =	vshll.u32 v2, $0x7;
	v18 =	vand.u32 $0xF80, v1;
	v30 =	vor.u32 v35, v10;
	v22 =	vld.idx.msk [tilespmem:v22+s13+$0x0], $0xffff  }
0x2fe: {  	v61 =	vand.u32 $0xF80, v2;
	v4 =	vshll.u32 v4, $0x7;
	v31 =	vor.u32 v35, v18;
	v23 =	vld.idx.msk [tilespmem:v24+s13+$0x0], $0xffff;
	[tilespmem:$0x1FB90] =	vst v27  }
0x2ff: {  	v24 =	vor.u32 v35, v61;
	v53 =	vld.idx.msk [tilespmem:v19+s13+$0x0], $0xffff;
	v19 =	vand.u32 $0xF80, v4  }
0x300: {  	v29 =	vld.idx.msk [tilespmem:v29+s13+$0x0], $0xffff;
	v36 =	vor.u32 v35, v19;
	v37 =	vor.u32 v55, v19  }
0x301: {  	[tilespmem:$0x1FBA0] =	vst v37  }
0x302: {  	v5 =	vand.u32 $0x1F, v16;
	[tilespmem:v30+s24+$0x0] =	vst.idx.msk $0xffff, v22  }
0x303: {  	v28 =	vor.u32 v46, v5;
	v45 =	vld [tilespmem:$0x1FFB0];
	[tilespmem:v31+s24+$0x0] =	vst.idx.msk $0xffff, v23  }
0x304: {  	v2 =	vor.u32 v44, v12;
	[tilespmem:v24+s24+$0x0] =	vst.idx.msk $0xffff, v53  }
0x305: {  	v3 =	vor.u32 v57, v14;
	v51 =	vld [tilespmem:$0x1FCA0];
	[tilespmem:v36+s24+$0x0] =	vst.idx.msk $0xffff, v29  }
0x306: {  	v32 =	vor.u32 v44, v7;
	v39 =	vld [tilespmem:$0x1FFC0];
	_ =	sdelay $0x1  }
0x307: {  	v22 =	vld.idx.msk [tilespmem:v28+s13+$0x0], $0xffff  }
0x308: {  	v2 =	vld.idx.msk [tilespmem:v2+s13+$0x0], $0xffff  }
0x309: {  	v3 =	vld.idx.msk [tilespmem:v3+s13+$0x0], $0xffff  }
0x30a: {  	v32 =	vld.idx.msk [tilespmem:v32+s13+$0x0], $0xffff;
	v29 =	vor.u32 v39, v6  }
0x30b: {  	v27 =	vand.u32 $0x1F, v21;
	[tilespmem:$0x1FBB0] =	vst v29;
	v29 =	vld [tilespmem:$0x1FF90]  }
0x30c: {  	v4 =	vor.u32 v46, v27  }
0x30d: {  	v1 =	vor.u32 v35, v8  }
0x30e: {  	v56 =	vor.u32 v41, v10  }
0x30f: {  	v26 =	vor.u32 v35, v9  }
0x310: {  	v31 =	vor.u32 v41, v18;
	v29 =	vor.u32 v29, v14  }
0x311: {  	v4 =	vld.idx.msk [tilespmem:v4+s13+$0x0], $0xffff;
	[tilespmem:$0x1FBC0] =	vst v29  }
0x312: {  	[tilespmem:v1+s24+$0x0] =	vst.idx.msk $0xffff, v22  }
0x313: {  	[tilespmem:v56+s24+$0x0] =	vst.idx.msk $0xffff, v2  }
0x314: {  	v28 =	vor.u32 v44, v15;
	[tilespmem:v26+s24+$0x0] =	vst.idx.msk $0xffff, v3  }
0x315: {  	v59 =	vor.u32 v44, v20;
	[tilespmem:v31+s24+$0x0] =	vst.idx.msk $0xffff, v32  }
0x316: {  	v23 =	vor.u32 v44, v5;
	v3 =	vld [tilespmem:$0x1FFE0];
	_ =	sdelay $0x1  }
0x317: {  	v25 =	vor.u32 v58, v14  }
0x318: {  	v47 =	vor.u32 v45, v7;
	v22 =	vld.idx.msk [tilespmem:v28+s13+$0x0], $0xffff  }
0x319: {  	v33 =	vor.u32 v35, v63;
	v17 =	vor.u32 v46, v6;
	v29 =	vld.idx.msk [tilespmem:v59+s13+$0x0], $0xffff  }
0x31a: {  	v1 =	vor.u32 v41, v19;
	v23 =	vld.idx.msk [tilespmem:v23+s13+$0x0], $0xffff;
	v2 =	vor.u32 v3, v6  }
0x31b: {  	v49 =	vor.u32 v41, v61;
	[tilespmem:$0x1FBD0] =	vst v2;
	v2 =	vld [tilespmem:$0x1FFD0]  }
0x31c: {  	v28 =	vor.u32 v45, v15;
	v25 =	vld.idx.msk [tilespmem:v25+s13+$0x0], $0xffff  }
0x31d: {  	v50 =	vor.u32 v41, v8;
	v32 =	vld.idx.msk [tilespmem:v47+s13+$0x0], $0xffff  }
0x31e: {  	v52 =	vor.u32 v41, v9;
	[tilespmem:v33+s24+$0x0] =	vst.idx.msk $0xffff, v4;
	v17 =	vld.idx.msk [tilespmem:v17+s13+$0x0], $0xffff  }
0x31f: {  	v11 =	vor.u32 v35, v13;
	v53 =	vor.u32 v55, v13;
	v59 =	vld [tilespmem:$0x1FEE0];
	[tilespmem:v1+s24+$0x0] =	vst.idx.msk $0xffff, v22  }
0x320: {  	v26 =	vor.u32 v44, v27;
	v37 =	vld [tilespmem:$0x1FFA0];
	[tilespmem:v49+s24+$0x0] =	vst.idx.msk $0xffff, v29;
	v31 =	vor.u32 v2, v18  }
0x321: {  	v28 =	vld.idx.msk [tilespmem:v28+s13+$0x0], $0xffff;
	[tilespmem:$0x1FBE0] =	vst v53  }
0x322: {  	v46 =	vor.u32 v45, v12;
	[tilespmem:v50+s24+$0x0] =	vst.idx.msk $0xffff, v23  }
0x323: {  	v4 =	vor.u32 v45, v5;
	[tilespmem:v52+s24+$0x0] =	vst.idx.msk $0xffff, v25  }
0x324: {  	v42 =	vor.u32 v54, v14;
	v1 =	vor.u32 v45, v20;
	[tilespmem:v11+s24+$0x0] =	vst.idx.msk $0xffff, v17  }
0x325: {  	v16 =	vor.u32 v44, v6;
	v29 =	vor.u32 v2, v19;
	v26 =	vld.idx.msk [tilespmem:v26+s13+$0x0], $0xffff;
	[tilespmem:v31+s24+$0x0] =	vst.idx.msk $0xffff, v32  }
0x326: {  	v21 =	vor.u32 v41, v13;
	v23 =	vor.u32 v41, v63;
	v50 =	vmovc v41;
	v22 =	vor.u32 v37, v7;
	v41 =	vld [tilespmem:$0x1FFF0]  }
0x327: {  	v34 =	vor.u32 v55, v8;
	v30 =	vor.u32 v45, v6;
	v45 =	vor.u32 v45, v27;
	v44 =	vld.idx.msk [tilespmem:v46+s13+$0x0], $0xffff  }
0x328: {  	v24 =	vor.u32 v51, v20;
	v56 =	vor.u32 v2, v10;
	v46 =	vld.idx.msk [tilespmem:v4+s13+$0x0], $0xffff;
	v25 =	vor.u32 v37, v15  }
0x329: {  	v40 =	vor.u32 v51, v27;
	v33 =	vor.u32 v59, v14;
	v1 =	vld.idx.msk [tilespmem:v1+s13+$0x0], $0xffff;
	v31 =	vor.u32 v2, v8  }
0x32a: {  	v11 =	vor.u32 v2, v61;
	v16 =	vld.idx.msk [tilespmem:v16+s13+$0x0], $0xffff;
	v47 =	vor.u32 v37, v12;
	[tilespmem:v29+s24+$0x0] =	vst.idx.msk $0xffff, v28  }
0x32b: {  	v28 =	vor.u32 v37, v5;
	[tilespmem:v23+s24+$0x0] =	vst.idx.msk $0xffff, v26;
	v22 =	vld.idx.msk [tilespmem:v22+s13+$0x0], $0xffff;
	v17 =	vor.u32 v41, v18  }
0x32c: {  	v54 =	vor.u32 v39, v27;
	v4 =	vor.u32 v48, v15;
	v23 =	vor.u32 v37, v20;
	v53 =	vld.idx.msk [tilespmem:v45+s13+$0x0], $0xffff  }
0x32d: {  	v26 =	vor.u32 v3, v7;
	[tilespmem:v56+s24+$0x0] =	vst.idx.msk $0xffff, v44;
	v25 =	vld.idx.msk [tilespmem:v25+s13+$0x0], $0xffff;
	v29 =	vor.u32 v41, v19  }
0x32e: {  	v52 =	vor.u32 v2, v13;
	v33 =	vld.idx.msk [tilespmem:v33+s13+$0x0], $0xffff;
	[tilespmem:v31+s24+$0x0] =	vst.idx.msk $0xffff, v46;
	v31 =	vor.u32 v2, v63  }
0x32f: {  	[tilespmem:v11+s24+$0x0] =	vst.idx.msk $0xffff, v1;
	v1 =	vor.u32 v3, v15;
	v11 =	vld.idx.msk [tilespmem:v47+s13+$0x0], $0xffff;
	v56 =	vor.u32 v41, v10  }
0x330: {  	v44 =	vor.u32 v37, v27;
	v28 =	vld.idx.msk [tilespmem:v28+s13+$0x0], $0xffff;
	[tilespmem:v17+s24+$0x0] =	vst.idx.msk $0xffff, v22;
	v17 =	vor.u32 v41, v8  }
0x331: {  	[tilespmem:v21+s24+$0x0] =	vst.idx.msk $0xffff, v16;
	v16 =	vor.u32 v41, v61;
	v21 =	vld.idx.msk [tilespmem:v23+s13+$0x0], $0xffff;
	v22 =	vor.u32 v3, v12  }
0x332: {  	v23 =	vor.u32 v43, v18;
	[tilespmem:v29+s24+$0x0] =	vst.idx.msk $0xffff, v25;
	v25 =	vor.u32 v3, v5;
	v26 =	vld.idx.msk [tilespmem:v26+s13+$0x0], $0xffff  }
0x333: {  	v36 =	vor.u32 v37, v6;
	v30 =	vld.idx.msk [tilespmem:v30+s13+$0x0], $0xffff;
	[tilespmem:v31+s24+$0x0] =	vst.idx.msk $0xffff, v53;
	v29 =	vor.u32 v3, v20  }
0x334: {  	v31 =	vor.u32 v39, v7;
	[tilespmem:v56+s24+$0x0] =	vst.idx.msk $0xffff, v11;
	v11 =	vor.u32 v43, v19;
	v1 =	vld.idx.msk [tilespmem:v1+s13+$0x0], $0xffff  }
0x335: {  	v45 =	vor.u32 v2, v9;
	v32 =	vld.idx.msk [tilespmem:v44+s13+$0x0], $0xffff;
	[tilespmem:v17+s24+$0x0] =	vst.idx.msk $0xffff, v28;
	v17 =	vor.u32 v41, v63  }
0x336: {  	[tilespmem:v16+s24+$0x0] =	vst.idx.msk $0xffff, v21;
	v16 =	vor.u32 v39, v15;
	v28 =	vor.u32 v43, v10;
	v21 =	vld.idx.msk [tilespmem:v22+s13+$0x0], $0xffff  }
0x337: {  	v22 =	vor.u32 v3, v27;
	v25 =	vld.idx.msk [tilespmem:v25+s13+$0x0], $0xffff;
	[tilespmem:v23+s24+$0x0] =	vst.idx.msk $0xffff, v26;
	v23 =	vor.u32 v43, v8  }
0x338: {  	v47 =	vor.u32 v39, v20;
	[tilespmem:v52+s24+$0x0] =	vst.idx.msk $0xffff, v30;
	v30 =	vor.u32 v43, v61;
	v46 =	vld.idx.msk [tilespmem:v29+s13+$0x0], $0xffff  }
0x339: {  	v26 =	vor.u32 v39, v12;
	[tilespmem:v11+s24+$0x0] =	vst.idx.msk $0xffff, v1;
	v11 =	vor.u32 v60, v18;
	v31 =	vld.idx.msk [tilespmem:v31+s13+$0x0], $0xffff  }
0x33a: {  	v52 =	vor.u32 v51, v12;
	v38 =	vld.idx.msk [tilespmem:v36+s13+$0x0], $0xffff;
	v36 =	vor.u32 v48, v7;
	[tilespmem:v17+s24+$0x0] =	vst.idx.msk $0xffff, v32  }
0x33b: {  	v53 =	vor.u32 v51, v15;
	v16 =	vld.idx.msk [tilespmem:v16+s13+$0x0], $0xffff;
	[tilespmem:v28+s24+$0x0] =	vst.idx.msk $0xffff, v21;
	v21 =	vor.u32 v60, v19  }
0x33c: {  	v15 =	vor.u32 v48, v12;
	v29 =	vor.u32 v41, v9;
	v22 =	vld.idx.msk [tilespmem:v22+s13+$0x0], $0xffff;
	[tilespmem:v23+s24+$0x0] =	vst.idx.msk $0xffff, v25  }
0x33d: {  	v1 =	vor.u32 v48, v27;
	v17 =	vor.u32 v39, v5;
	v25 =	vld [tilespmem:$0x1FF60];
	[tilespmem:v30+s24+$0x0] =	vst.idx.msk $0xffff, v46  }
0x33e: {  	v23 =	vor.u32 v43, v63;
	v49 =	vld.idx.msk [tilespmem:v26+s13+$0x0], $0xffff;
	[tilespmem:v11+s24+$0x0] =	vst.idx.msk $0xffff, v31;
	v11 =	vor.u32 v51, v7  }
0x33f: {  	v12 =	vor.u32 v55, v18;
	v27 =	vor.u32 v55, v9;
	v30 =	vor.u32 v60, v10;
	v26 =	vld [tilespmem:$0x1FF70]  }
0x340: {  	v31 =	vor.u32 v43, v13;
	v32 =	vld.idx.msk [tilespmem:v47+s13+$0x0], $0xffff;
	[tilespmem:v21+s24+$0x0] =	vst.idx.msk $0xffff, v16;
	v16 =	vor.u32 v60, v61  }
0x341: {  	v7 =	vor.u32 v51, v5;
	v46 =	vmov v60;
	[tilespmem:v45+s24+$0x0] =	vst.idx.msk $0xffff, v33;
	v33 =	vor.u32 v60, v8  }
0x342: {  	v47 =	vor.u32 v0, v18;
	v18 =	vor.u32 v55, v10;
	v45 =	vor.u32 v60, v63;
	v17 =	vld.idx.msk [tilespmem:v17+s13+$0x0], $0xffff  }
0x343: {  	v21 =	vor.u32 v60, v9;
	[tilespmem:v23+s24+$0x0] =	vst.idx.msk $0xffff, v22;
	v23 =	vor.u32 v62, v14;
	v56 =	vld.idx.msk [tilespmem:v11+s13+$0x0], $0xffff  }
0x344: {  	v28 =	vor.u32 v25, v14;
	[tilespmem:v30+s24+$0x0] =	vst.idx.msk $0xffff, v49;
	v26 =	vor.u32 v26, v14;
	v14 =	vld.idx.msk [tilespmem:v53+s13+$0x0], $0xffff  }
0x345: {  	v22 =	vor.u32 v0, v9;
	v25 =	vor.u32 v43, v9;
	[tilespmem:v16+s24+$0x0] =	vst.idx.msk $0xffff, v32;
	v16 =	vld.idx.msk [tilespmem:v42+s13+$0x0], $0xffff  }
0x346: {  	v30 =	vor.u32 v0, v10;
	v11 =	vor.u32 v41, v13;
	v32 =	vor.u32 v51, v6;
	v6 =	vld.idx.msk [tilespmem:v54+s13+$0x0], $0xffff  }
0x347: {  	[tilespmem:v33+s24+$0x0] =	vst.idx.msk $0xffff, v17;
	v33 =	vor.u32 v60, v13;
	v13 =	vor.u32 v48, v20;
	v20 =	vld.idx.msk [tilespmem:v52+s13+$0x0], $0xffff  }
0x348: {  	v10 =	vor.u32 v0, v61;
	v17 =	vor.u32 v0, v19;
	v42 =	vor.u32 v0, v8;
	v19 =	vld.idx.msk [tilespmem:v7+s13+$0x0], $0xffff  }
0x349: {  	s21 =	sadd.s32 $0x1, s21;
	s25 =	simm.s32 $0x8;
	v41 =	vmov v50;
	v54 =	vmov v48;
	v8 =	vld.idx.msk [tilespmem:v24+s13+$0x0], $0xffff;
	v7 =	vor.u32 v48, v5;
	[tilespmem:v47+s24+$0x0] =	vst.idx.msk $0xffff, v56  }
.LBB2_7:
0x34a: {  	v44 =	vor.u32 v0, v63;
	v0 =	vld [tilespmem:$0x1FB80];
	_ =	sdelay $0x3  }
0x34b: {  	v63 =	vld.idx.msk [tilespmem:v36+s13+$0x0], $0xffff  }
0x34c: {  	v36 =	vmov v0;
	v0 =	vld [tilespmem:$0x1FBE0];
	_ =	sdelay $0x2  }
0x34d: {  	v2 =	vld [tilespmem:$0x1FBD0];
	_ =	sdelay $0x1  }
0x34e: {  	s1 =	sadd.s32 $0x1, s25;
	s28 =	sadd.s32 $0x5, s25;
	[tilespmem:v29+s24+$0x0] =	vst.idx.msk $0xffff, v16;
	v29 =	vmov v0;
	v0 =	vld [tilespmem:$0x1FF00]  }
0x34f: {  	v48 =	vld [tilespmem:$0x1FF80];
	v49 =	vadd.s32 s1, v35;
	s1 =	sadd.s32 $0x2, s25;
	v52 =	vadd.s32 s28, v35;
	s28 =	smov.u32 s25;
	[tilespmem:v45+s24+$0x0] =	vst.idx.msk $0xffff, v6  }
0x350: {  	v24 =	vor.u32 v55, v61;
	v51 =	vadd.s32 s1, v35;
	s1 =	sadd.s32 $0x4, s28;
	[tilespmem:v17+s24+$0x0] =	vst.idx.msk $0xffff, v14;
	v53 =	vld.idx.msk [tilespmem:v28+s13+$0x0], $0xffff  }
0x351: {  	v61 =	vadd.s32 s1, v35;
	v6 =	vand.u32 $0x1F, v51;
	[tilespmem:v30+s24+$0x0] =	vst.idx.msk $0xffff, v20;
	v20 =	vshll.u32 v49, $0x7;
	v17 =	vld.idx.msk [tilespmem:v40+s13+$0x0], $0xffff  }
0x352: {  	v16 =	vand.u32 $0x1F, v61;
	[tilespmem:v10+s24+$0x0] =	vst.idx.msk $0xffff, v8;
	v10 =	vshll.u32 v61, $0x7;
	v61 =	vand.u32 $0xF80, v20;
	v20 =	vld [tilespmem:$0x1FBA0]  }
0x353: {  	[tilespmem:v11+s24+$0x0] =	vst.idx.msk $0xffff, v38;
	v56 =	vld.idx.msk [tilespmem:v13+s13+$0x0], $0xffff;
	v60 =	vor.u32 v0, v6  }
0x354: {  	v9 =	vadd.s32 s25, v35;
	v2 =	vld.idx.msk [tilespmem:v2+s13+$0x0], $0xffff  }
0x355: {  	s31 =	sadd.s32 $0x7, s25;
	v47 =	vshll.u32 v9, $0x7;
	[tilespmem:v42+s24+$0x0] =	vst.idx.msk $0xffff, v19;
	v4 =	vld.idx.msk [tilespmem:v4+s13+$0x0], $0xffff  }
0x356: {  	v3 =	vadd.s32 s31, v35;
	v8 =	vshll.u32 v51, $0x7;
	[tilespmem:v12+s24+$0x0] =	vst.idx.msk $0xffff, v63;
	v12 =	vand.u32 $0x18, v9;
	v63 =	vld.idx.msk [tilespmem:v7+s13+$0x0], $0xffff  }
0x357: {  	v13 =	vand.u32 $0xF80, v8;
	v8 =	vshll.u32 v3, $0x7;
	v9 =	vand.u32 $0x1F, v3;
	v3 =	vld [tilespmem:$0x1FF50]  }
0x358: {  	[tilespmem:v25+s24+$0x0] =	vst.idx.msk $0xffff, v53;
	v25 =	vld.idx.msk [tilespmem:v60+s13+$0x0], $0xffff  }
0x359: {  	s26 =	sadd.s32 $0x3, s25;
	v62 =	vor.u32 v0, v16;
	[tilespmem:v31+s24+$0x0] =	vst.idx.msk $0xffff, v2;
	v2 =	vld [tilespmem:$0x1FBB0]  }
0x35a: {  	v50 =	vadd.s32 s26, v35;
	s26 =	sadd.s32 $0x6, s25;
	v5 =	vand.u32 $0x1F, v49;
	[tilespmem:v20+s24+$0x0] =	vst.idx.msk $0xffff, v4;
	v20 =	vld [tilespmem:$0x1FF30]  }
0x35b: {  	v37 =	vld [tilespmem:$0x1FFB0];
	v19 =	vadd.s32 s26, v35;
	v42 =	vor.u32 v0, v5  }
0x35c: {  	v11 =	vand.u32 $0x1F, v52;
	v55 =	vshll.u32 v19, $0x7;
	v10 =	vand.u32 $0xF80, v10;
	[tilespmem:v44+s24+$0x0] =	vst.idx.msk $0xffff, v17;
	v53 =	vld.idx.msk [tilespmem:v26+s13+$0x0], $0xffff  }
0x35d: {  	v3 =	vor.u32 v3, v13;
	[tilespmem:v34+s24+$0x0] =	vst.idx.msk $0xffff, v63;
	v1 =	vld.idx.msk [tilespmem:v1+s13+$0x0], $0xffff;
	v45 =	vor.u32 v0, v11  }
0x35e: {  	v17 =	vshll.u32 v52, $0x7;
	v44 =	vor.u32 v57, v12;
	v63 =	vand.u32 $0xF80, v55;
	[tilespmem:$0x1FB80] =	vst v3;
	v3 =	vld.idx.msk [tilespmem:v62+s13+$0x0], $0xffff  }
0x35f: {  	v57 =	vor.u32 v35, v10;
	v52 =	vor.u32 v0, v9;
	v62 =	vor.u32 v20, v63;
	v20 =	vld [tilespmem:$0x1FBC0]  }
0x360: {  	v38 =	vor.u32 v58, v12;
	v58 =	vor.u32 v35, v61;
	v42 =	vld.idx.msk [tilespmem:v42+s13+$0x0], $0xffff  }
0x361: {  	v17 =	vand.u32 $0xF80, v17;
	v2 =	vld.idx.msk [tilespmem:v2+s13+$0x0], $0xffff  }
0x362: {  	v51 =	vor.u32 v35, v17;
	v45 =	vld.idx.msk [tilespmem:v45+s13+$0x0], $0xffff  }
0x363: {  	v14 =	vand.u32 $0x1F, v50;
	v4 =	vshll.u32 v50, $0x7;
	v50 =	vor.u32 v48, v11;
	[tilespmem:v24+s24+$0x0] =	vst.idx.msk $0xffff, v56;
	v24 =	vld [tilespmem:$0x1FCA0]  }
0x364: {  	[tilespmem:v57+s24+$0x0] =	vst.idx.msk $0xffff, v3;
	v3 =	vld.idx.msk [tilespmem:v52+s13+$0x0], $0xffff  }
0x365: {  	[tilespmem:v58+s24+$0x0] =	vst.idx.msk $0xffff, v42;
	v58 =	vld [tilespmem:$0x1FF90]  }
0x366: {  	[tilespmem:v33+s24+$0x0] =	vst.idx.msk $0xffff, v2;
	v2 =	vld [tilespmem:$0x1FF30]  }
0x367: {  	v7 =	vand.u32 $0xF80, v8;
	[tilespmem:v51+s24+$0x0] =	vst.idx.msk $0xffff, v45;
	v15 =	vld.idx.msk [tilespmem:v15+s13+$0x0], $0xffff  }
0x368: {  	v40 =	vor.u32 v35, v7;
	v49 =	vor.u32 v0, v14;
	[tilespmem:v21+s24+$0x0] =	vst.idx.msk $0xffff, v53;
	v50 =	vld.idx.msk [tilespmem:v50+s13+$0x0], $0xffff  }
0x369: {  	v19 =	vand.u32 $0x1F, v19;
	v34 =	vor.u32 v48, v16;
	v45 =	vor.u32 v41, v17;
	v60 =	vld.idx.msk [tilespmem:v20+s13+$0x0], $0xffff  }
0x36a: {  	v20 =	vand.u32 $0xF80, v4;
	v4 =	vor.u32 v0, v19;
	v0 =	vld [tilespmem:$0x1FB90];
	v39 =	vor.u32 v58, v12  }
0x36b: {  	[tilespmem:$0x1FBC0] =	vst v39;
	v39 =	vld [tilespmem:$0x1FFE0];
	v2 =	vor.u32 v2, v20  }
0x36c: {  	[tilespmem:$0x1FBA0] =	vst v2;
	v2 =	vld.idx.msk [tilespmem:v32+s13+$0x0], $0xffff  }
0x36d: {  	v57 =	vld.idx.msk [tilespmem:v49+s13+$0x0], $0xffff;
	[tilespmem:v40+s24+$0x0] =	vst.idx.msk $0xffff, v3  }
0x36e: {  	v51 =	vor.u32 v37, v11;
	v34 =	vld.idx.msk [tilespmem:v34+s13+$0x0], $0xffff;
	[tilespmem:v18+s24+$0x0] =	vst.idx.msk $0xffff, v15  }
0x36f: {  	v3 =	vld [tilespmem:$0x1FF30];
	[tilespmem:v45+s24+$0x0] =	vst.idx.msk $0xffff, v50  }
0x370: {  	v18 =	vld [tilespmem:$0x1FEF0];
	[tilespmem:v22+s24+$0x0] =	vst.idx.msk $0xffff, v60  }
0x371: {  	v23 =	vld.idx.msk [tilespmem:v23+s13+$0x0], $0xffff;
	[tilespmem:v36+s24+$0x0] =	vst.idx.msk $0xffff, v2;
	v2 =	vor.u32 v39, v6  }
0x372: {  	[tilespmem:$0x1FBD0] =	vst v2;
	v2 =	vld [tilespmem:$0x1FB70]  }
0x373: {  	v50 =	vld.idx.msk [tilespmem:v51+s13+$0x0], $0xffff;
	v60 =	vor.u32 v48, v5;
	[tilespmem:v0+s24+$0x0] =	vst.idx.msk $0xffff, v1;
	v1 =	vor.u32 v35, v20  }
0x374: {  	v33 =	vor.u32 v48, v14;
	v44 =	vld.idx.msk [tilespmem:v44+s13+$0x0], $0xffff;
	v0 =	vmov v62  }
0x375: {  	v8 =	vand.u32 $0xF80, v47;
	v49 =	vor.u32 v41, v10;
	[tilespmem:$0x1FB90] =	vst v0;
	v0 =	vld [tilespmem:$0x1FFC0]  }
0x376: {  	v47 =	vor.u32 v35, v8;
	v58 =	vld.idx.msk [tilespmem:v4+s13+$0x0], $0xffff  }
0x377: {  	v4 =	vld [tilespmem:$0x1FCB0];
	[tilespmem:v27+s24+$0x0] =	vst.idx.msk $0xffff, v23  }
0x378: {  	v52 =	vor.u32 v37, v16;
	v27 =	vld.idx.msk [tilespmem:v60+s13+$0x0], $0xffff;
	[tilespmem:v1+s24+$0x0] =	vst.idx.msk $0xffff, v57  }
0x379: {  	v62 =	vor.u32 v41, v61;
	v15 =	vld.idx.msk [tilespmem:v33+s13+$0x0], $0xffff  }
0x37a: {  	[tilespmem:v49+s24+$0x0] =	vst.idx.msk $0xffff, v34;
	v60 =	vor.u32 v37, v5;
	v40 =	vld.idx.msk [tilespmem:v2+s13+$0x0], $0xffff  }
0x37b: {  	[tilespmem:v47+s24+$0x0] =	vst.idx.msk $0xffff, v44;
	v1 =	vor.u32 v41, v20;
	v2 =	vor.u32 v3, v13;
	v3 =	vld [tilespmem:$0x1FFD0]  }
0x37c: {  	v22 =	vor.u32 v0, v6;
	[tilespmem:$0x1FBE0] =	vst v2;
	v2 =	vld [tilespmem:$0x1FFA0]  }
0x37d: {  	v55 =	vor.u32 v35, v63;
	v44 =	vld.idx.msk [tilespmem:v52+s13+$0x0], $0xffff;
	[tilespmem:$0x1FBB0] =	vst v22;
	v22 =	vor.u32 v48, v9  }
0x37e: {  	v32 =	vor.u32 v37, v14;
	v38 =	vld.idx.msk [tilespmem:v38+s13+$0x0], $0xffff;
	[tilespmem:v62+s24+$0x0] =	vst.idx.msk $0xffff, v27  }
0x37f: {  	v28 =	vor.u32 v54, v6;
	v30 =	vor.u32 v48, v6;
	v26 =	vor.u32 v35, v13;
	v49 =	vld.idx.msk [tilespmem:v60+s13+$0x0], $0xffff  }
0x380: {  	[tilespmem:v1+s24+$0x0] =	vst.idx.msk $0xffff, v15;
	v1 =	vmov v28;
	v28 =	vld [tilespmem:$0x1FF60];
	v54 =	vor.u32 v3, v10;
	v57 =	vor.u32 v3, v17  }
0x381: {  	[tilespmem:v29+s24+$0x0] =	vst.idx.msk $0xffff, v40;
	v29 =	vor.u32 v48, v19;
	v48 =	vld [tilespmem:$0x1FFF0];
	v33 =	vor.u32 v2, v11  }
0x382: {  	[tilespmem:v55+s24+$0x0] =	vst.idx.msk $0xffff, v58;
	v36 =	vor.u32 v41, v8;
	v22 =	vld.idx.msk [tilespmem:v22+s13+$0x0], $0xffff;
	v56 =	vor.u32 v2, v16  }
0x383: {  	v53 =	vor.u32 v59, v12;
	v59 =	vor.u32 v41, v7;
	[tilespmem:$0x1FB70] =	vst v1;
	v32 =	vld.idx.msk [tilespmem:v32+s13+$0x0], $0xffff  }
0x384: {  	v34 =	vor.u32 v37, v9;
	v1 =	vld [tilespmem:$0x1FCB0];
	v52 =	vor.u32 v3, v20;
	[tilespmem:v26+s24+$0x0] =	vst.idx.msk $0xffff, v25  }
0x385: {  	v21 =	vor.u32 v41, v13;
	v30 =	vld.idx.msk [tilespmem:v30+s13+$0x0], $0xffff;
	[tilespmem:v57+s24+$0x0] =	vst.idx.msk $0xffff, v50  }
0x386: {  	v42 =	vor.u32 v2, v14;
	v51 =	vor.u32 v48, v17;
	[tilespmem:v54+s24+$0x0] =	vst.idx.msk $0xffff, v44;
	v26 =	vld.idx.msk [tilespmem:v33+s13+$0x0], $0xffff  }
0x387: {  	v55 =	vor.u32 v39, v11;
	[tilespmem:v36+s24+$0x0] =	vst.idx.msk $0xffff, v38;
	v45 =	vor.u32 v48, v10;
	v54 =	vld.idx.msk [tilespmem:v56+s13+$0x0], $0xffff  }
0x388: {  	v15 =	vor.u32 v39, v16;
	v53 =	vld.idx.msk [tilespmem:v53+s13+$0x0], $0xffff;
	[tilespmem:v59+s24+$0x0] =	vst.idx.msk $0xffff, v22  }
0x389: {  	v34 =	vld.idx.msk [tilespmem:v34+s13+$0x0], $0xffff;
	v36 =	vor.u32 v3, v7;
	[tilespmem:v52+s24+$0x0] =	vst.idx.msk $0xffff, v32  }
0x38a: {  	v27 =	vor.u32 v3, v61;
	v38 =	vor.u32 v2, v9;
	v58 =	vld.idx.msk [tilespmem:v29+s13+$0x0], $0xffff;
	[tilespmem:v21+s24+$0x0] =	vst.idx.msk $0xffff, v30  }
0x38b: {  	v60 =	vor.u32 v2, v5;
	v42 =	vld.idx.msk [tilespmem:v42+s13+$0x0], $0xffff;
	[tilespmem:v51+s24+$0x0] =	vst.idx.msk $0xffff, v26  }
0x38c: {  	[tilespmem:v45+s24+$0x0] =	vst.idx.msk $0xffff, v54;
	v30 =	vld.idx.msk [tilespmem:v55+s13+$0x0], $0xffff  }
0x38d: {  	v31 =	vor.u32 v37, v6;
	v62 =	vor.u32 v41, v63;
	v54 =	vld.idx.msk [tilespmem:v15+s13+$0x0], $0xffff  }
0x38e: {  	[tilespmem:v36+s24+$0x0] =	vst.idx.msk $0xffff, v34;
	v33 =	vor.u32 v43, v17;
	v15 =	vld [tilespmem:$0x1FF50]  }
0x38f: {  	v22 =	vor.u32 v37, v19;
	[tilespmem:v27+s24+$0x0] =	vst.idx.msk $0xffff, v49;
	v34 =	vld.idx.msk [tilespmem:v38+s13+$0x0], $0xffff  }
0x390: {  	v52 =	vor.u32 v48, v20;
	v38 =	vld.idx.msk [tilespmem:v60+s13+$0x0], $0xffff  }
0x391: {  	v36 =	vor.u32 v48, v7;
	v21 =	vld [tilespmem:$0x1FCA0]  }
0x392: {  	v37 =	vor.u32 v39, v9;
	v31 =	vld.idx.msk [tilespmem:v31+s13+$0x0], $0xffff;
	[tilespmem:v62+s24+$0x0] =	vst.idx.msk $0xffff, v58  }
0x393: {  	[tilespmem:v33+s24+$0x0] =	vst.idx.msk $0xffff, v30;
	v30 =	vor.u32 v15, v10;
	v15 =	vld [tilespmem:$0x1FCB0]  }
0x394: {  	v40 =	vor.u32 v3, v13;
	v47 =	vor.u32 v2, v6;
	v62 =	vor.u32 v39, v14;
	v22 =	vld.idx.msk [tilespmem:v22+s13+$0x0], $0xffff  }
0x395: {  	v44 =	vor.u32 v39, v5;
	v58 =	vor.u32 v48, v61;
	v26 =	vld [tilespmem:$0x1FF70];
	[tilespmem:v52+s24+$0x0] =	vst.idx.msk $0xffff, v42  }
0x396: {  	v56 =	vor.u32 v3, v63;
	[tilespmem:v36+s24+$0x0] =	vst.idx.msk $0xffff, v34;
	v42 =	vor.u32 v21, v16;
	v21 =	vld [tilespmem:$0x1FCA0]  }
0x397: {  	v27 =	vor.u32 v2, v19;
	v49 =	vld.idx.msk [tilespmem:v37+s13+$0x0], $0xffff  }
0x398: {  	v32 =	vor.u32 v0, v16;
	v15 =	vor.u32 v15, v16;
	v16 =	vld [tilespmem:$0x1FF50]  }
0x399: {  	v50 =	vor.u32 v43, v10;
	v57 =	vor.u32 v0, v11;
	[tilespmem:v40+s24+$0x0] =	vst.idx.msk $0xffff, v31;
	v55 =	vld.idx.msk [tilespmem:v62+s13+$0x0], $0xffff  }
0x39a: {  	[tilespmem:v58+s24+$0x0] =	vst.idx.msk $0xffff, v38;
	v38 =	vld.idx.msk [tilespmem:v47+s13+$0x0], $0xffff  }
0x39b: {  	v58 =	vor.u32 v43, v7;
	[tilespmem:v56+s24+$0x0] =	vst.idx.msk $0xffff, v22;
	v44 =	vld.idx.msk [tilespmem:v44+s13+$0x0], $0xffff  }
0x39c: {  	v59 =	vor.u32 v43, v20;
	v27 =	vld.idx.msk [tilespmem:v27+s13+$0x0], $0xffff  }
0x39d: {  	v47 =	vor.u32 v16, v17;
	v16 =	vld [tilespmem:$0x1FCB0]  }
0x39e: {  	v56 =	vor.u32 v0, v14;
	[tilespmem:v50+s24+$0x0] =	vst.idx.msk $0xffff, v54;
	v40 =	vld.idx.msk [tilespmem:v57+s13+$0x0], $0xffff  }
0x39f: {  	v22 =	vor.u32 v43, v61;
	v50 =	vld.idx.msk [tilespmem:v32+s13+$0x0], $0xffff  }
0x3a0: {  	v62 =	vor.u32 v48, v63;
	[tilespmem:v58+s24+$0x0] =	vst.idx.msk $0xffff, v49;
	v58 =	vld [tilespmem:$0x1FED0]  }
0x3a1: {  	v33 =	vor.u32 v0, v9;
	[tilespmem:v59+s24+$0x0] =	vst.idx.msk $0xffff, v55;
	v59 =	vld [tilespmem:$0x1FEE0]  }
0x3a2: {  	v60 =	vor.u32 v21, v11;
	v36 =	vor.u32 v16, v11;
	v11 =	vld [tilespmem:$0x1FCA0]  }
0x3a3: {  	v52 =	vor.u32 v46, v17;
	v45 =	vor.u32 v0, v5;
	v55 =	vld.idx.msk [tilespmem:v56+s13+$0x0], $0xffff  }
0x3a4: {  	v34 =	vor.u32 v39, v19;
	[tilespmem:v22+s24+$0x0] =	vst.idx.msk $0xffff, v44;
	v44 =	vor.u32 v0, v19;
	v0 =	vld [tilespmem:$0x1FF50]  }
0x3a5: {  	[tilespmem:v62+s24+$0x0] =	vst.idx.msk $0xffff, v27;
	v62 =	vld [tilespmem:$0x1FF40]  }
0x3a6: {  	v56 =	vor.u32 v46, v20;
	v57 =	vld.idx.msk [tilespmem:v33+s13+$0x0], $0xffff  }
0x3a7: {  	v4 =	vor.u32 v4, v14;
	v23 =	vor.u32 v3, v8;
	v14 =	vor.u32 v11, v14;
	v11 =	vld [tilespmem:$0x1FCA0]  }
0x3a8: {  	v39 =	vld.idx.msk [tilespmem:v45+s13+$0x0], $0xffff  }
0x3a9: {  	v37 =	vor.u32 v46, v7;
	v34 =	vld.idx.msk [tilespmem:v34+s13+$0x0], $0xffff;
	[tilespmem:v52+s24+$0x0] =	vst.idx.msk $0xffff, v40  }
0x3aa: {  	v54 =	vor.u32 v43, v63;
	v52 =	vld.idx.msk [tilespmem:v60+s13+$0x0], $0xffff  }
0x3ab: {  	v18 =	vor.u32 v18, v12;
	[tilespmem:v56+s24+$0x0] =	vst.idx.msk $0xffff, v55;
	v55 =	vld [tilespmem:$0x1FF30]  }
0x3ac: {  	v28 =	vor.u32 v28, v12;
	[tilespmem:v23+s24+$0x0] =	vst.idx.msk $0xffff, v53;
	v49 =	vor.u32 v11, v9;
	v11 =	vld [tilespmem:$0x1FF50]  }
0x3ad: {  	v51 =	vor.u32 v46, v10;
	v26 =	vor.u32 v26, v12;
	v23 =	vor.u32 v62, v12;
	v12 =	vld [tilespmem:$0x1FCA0]  }
0x3ae: {  	v24 =	vor.u32 v24, v5;
	v27 =	vor.u32 v46, v61;
	[tilespmem:v37+s24+$0x0] =	vst.idx.msk $0xffff, v57;
	v57 =	vld [tilespmem:$0x1FEC0]  }
0x3af: {  	v1 =	vor.u32 v1, v19;
	v25 =	vor.u32 v43, v8;
	[tilespmem:v54+s24+$0x0] =	vst.idx.msk $0xffff, v34;
	v54 =	vld [tilespmem:$0x1FCB0]  }
0x3b0: {  	v29 =	vor.u32 v48, v8;
	v31 =	vor.u32 v43, v13;
	v21 =	vor.u32 v46, v8;
	v16 =	vld.idx.msk [tilespmem:v18+s13+$0x0], $0xffff  }
0x3b1: {  	p2 =	slt.u32 s25, $0x18;
	v33 =	vor.u32 v46, v13;
	v22 =	vor.u32 v11, v8;
	v11 =	vor.u32 v48, v13;
	v48 =	vld [tilespmem:$0x1FCA0]  }
.Ltmp4:
0x3b2: {  	v45 =	vor.u32 v46, v63;
	[tilespmem:v51+s24+$0x0] =	vst.idx.msk $0xffff, v50;
	v32 =	vor.u32 v12, v6;
	v6 =	vld.idx.msk [tilespmem:v44+s13+$0x0], $0xffff;
	(pc) =	sbr.rel @p2 .LBB2_7-.Ltmp4, $4  }
0x3b3: {  	[tilespmem:v27+s24+$0x0] =	vst.idx.msk $0xffff, v39;
	v12 =	vor.u32 v55, v17;
	v17 =	vor.u32 v0, v20;
	v20 =	vld.idx.msk [tilespmem:v42+s13+$0x0], $0xffff  }
0x3b4: {  	v34 =	vor.u32 v55, v7;
	v27 =	vor.u32 v55, v8;
	v18 =	vor.u32 v55, v10;
	v14 =	vld.idx.msk [tilespmem:v14+s13+$0x0], $0xffff  }
0x3b5: {  	v10 =	vor.u32 v0, v61;
	v42 =	vor.u32 v0, v7;
	[tilespmem:v47+s24+$0x0] =	vst.idx.msk $0xffff, v52;
	v8 =	vld.idx.msk [tilespmem:v24+s13+$0x0], $0xffff  }
0x3b6: {  	s25 =	sadd.s32 $0x8, s25;
	v7 =	vor.u32 v54, v9;
	v13 =	vor.u32 v54, v5;
	v40 =	vor.u32 v48, v19;
	v19 =	vld.idx.msk [tilespmem:v49+s13+$0x0], $0xffff  }
0x3b7: {  	_ =	sdelay $0x3  }
0x3b8: {  	[tilespmem:v29+s24+$0x0] =	vst.idx.msk $0xffff, v16  }
0x3b9: {  	[tilespmem:v11+s24+$0x0] =	vst.idx.msk $0xffff, v38  }
0x3ba: {  	v2 =	vld [tilespmem:$0x1FBD0];
	_ =	sdelay $0x5  }
0x3bb: {  	v5 =	vld.idx.msk [tilespmem:v28+s13+$0x0], $0xffff;
	_ =	sdelay $0x1  }
0x3bc: {  	v2 =	vld.idx.msk [tilespmem:v2+s13+$0x0], $0xffff;
	_ =	sdelay $0x2  }
0x3bd: {  	[tilespmem:v25+s24+$0x0] =	vst.idx.msk $0xffff, v5  }
0x3be: {  	[tilespmem:v45+s24+$0x0] =	vst.idx.msk $0xffff, v6;
	v5 =	vld.idx.msk [tilespmem:v26+s13+$0x0], $0xffff  }
0x3bf: {  	[tilespmem:v31+s24+$0x0] =	vst.idx.msk $0xffff, v2  }
0x3c0: {  	v2 =	vld [tilespmem:$0x1FBB0];
	[tilespmem:v17+s24+$0x0] =	vst.idx.msk $0xffff, v14  }
0x3c1: {  	[tilespmem:v42+s24+$0x0] =	vst.idx.msk $0xffff, v19  }
0x3c2: {  	[tilespmem:v10+s24+$0x0] =	vst.idx.msk $0xffff, v8  }
0x3c3: {  	[tilespmem:v21+s24+$0x0] =	vst.idx.msk $0xffff, v5  }
0x3c4: {  	v3 =	vld [tilespmem:$0x1FBC0];
	_ =	sdelay $0x2  }
0x3c5: {  	v6 =	vld.idx.msk [tilespmem:v36+s13+$0x0], $0xffff  }
0x3c6: {  	v9 =	vor.u32 v0, v63;
	v11 =	vld.idx.msk [tilespmem:v40+s13+$0x0], $0xffff;
	_ =	sdelay $0x1  }
0x3c7: {  	v7 =	vld.idx.msk [tilespmem:v7+s13+$0x0], $0xffff  }
0x3c8: {  	v2 =	vld.idx.msk [tilespmem:v2+s13+$0x0], $0xffff  }
0x3c9: {  	[tilespmem:v12+s24+$0x0] =	vst.idx.msk $0xffff, v6;
	v5 =	vld.idx.msk [tilespmem:v3+s13+$0x0], $0xffff  }
0x3ca: {  	[tilespmem:v9+s24+$0x0] =	vst.idx.msk $0xffff, v11  }
0x3cb: {  	[tilespmem:v30+s24+$0x0] =	vst.idx.msk $0xffff, v20  }
0x3cc: {  	[tilespmem:v34+s24+$0x0] =	vst.idx.msk $0xffff, v7  }
0x3cd: {  	[tilespmem:v33+s24+$0x0] =	vst.idx.msk $0xffff, v2  }
0x3ce: {  	[tilespmem:v22+s24+$0x0] =	vst.idx.msk $0xffff, v5  }
0x3cf: {  	v3 =	vld [tilespmem:$0x1FB80];
	_ =	sdelay $0x2  }
0x3d0: {  	v2 =	vld.idx.msk [tilespmem:v32+s13+$0x0], $0xffff;
	_ =	sdelay $0x4  }
0x3d1: {  	[tilespmem:v3+s24+$0x0] =	vst.idx.msk $0xffff, v2  }
0x3d2: {  	v2 =	vld [tilespmem:$0x1FBA0];
	_ =	sdelay $0x2  }
0x3d3: {  	v4 =	vld.idx.msk [tilespmem:v4+s13+$0x0], $0xffff;
	_ =	sdelay $0x4  }
0x3d4: {  	v8 =	vld.idx.msk [tilespmem:v13+s13+$0x0], $0xffff;
	[tilespmem:v2+s24+$0x0] =	vst.idx.msk $0xffff, v4  }
0x3d5: {  	v6 =	vor.u32 v55, v61;
	v3 =	vld [tilespmem:$0x1FB90]  }
0x3d6: {  	v5 =	vld.idx.msk [tilespmem:v15+s13+$0x0], $0xffff  }
0x3d7: {  	v7 =	vld.idx.msk [tilespmem:v23+s13+$0x0], $0xffff  }
0x3d8: {  	v1 =	vld.idx.msk [tilespmem:v1+s13+$0x0], $0xffff  }
0x3d9: {  	v2 =	vld [tilespmem:$0x1FB70]  }
0x3da: {  	[tilespmem:v6+s24+$0x0] =	vst.idx.msk $0xffff, v8  }
0x3db: {  	[tilespmem:v18+s24+$0x0] =	vst.idx.msk $0xffff, v5  }
0x3dc: {  	[tilespmem:v27+s24+$0x0] =	vst.idx.msk $0xffff, v7  }
0x3dd: {  	[tilespmem:v3+s24+$0x0] =	vst.idx.msk $0xffff, v1  }
0x3de: {  	v1 =	vld [tilespmem:$0x1FBE0];
	_ =	sdelay $0x2  }
0x3df: {  	v2 =	vld.idx.msk [tilespmem:v2+s13+$0x0], $0xffff;
	_ =	sdelay $0x1  }
0x3e0: {  	s1 =	sshll.u32 s21, $0x13  }
0x3e1: {  	s1 =	sor.u32 s22, s1  }
0x3e2: {  	s22 =	sshrl.u32 s1, $0x3  }
0x3e3: {  	s25 =	sadd.s32 $0x20000, s1;
	s21 =	sadd.s32 s2, s22;
	[tilespmem:v1+s24+$0x0] =	vst.idx.msk $0xffff, v2  }
0x3e4: {  	[hbm4b:s21+s3] =	stream.linear.scatter [tilespmem:s24], [sflag:$0x6], $0x400, $0x38;
	[tilespmem:$0x15400] =	vst v63  }
0x3e5: {  	s21 =	sshrl.u32 s25, $0x3  }
0x3e6: {  	s26 =	simm.s32 $0x12800;
	s28 =	sor.u32 $0x40000, s1;
	s21 =	sadd.s32 s2, s21  }
0x3e7: {  	[hbm4b:s21+s3] =	stream.linear.scatter [tilespmem:s26], [sflag:$0x6], $0x400, $0x38;
	[tilespmem:$0x15400] =	vst v63  }
0x3e8: {  	s21 =	sshrl.u32 s28, $0x3  }
0x3e9: {  	s31 =	simm.s32 $0x12C00;
	s21 =	sadd.s32 s2, s21  }
0x3ea: {  	[hbm4b:s21+s3] =	stream.linear.scatter [tilespmem:s31], [sflag:$0x6], $0x400, $0x38;
	[tilespmem:$0x15400] =	vst v63  }
0x3eb: {  	s21 =	sadd.s32 @!p1 $0x5, s20  }
0x3ec: {  	s22 =	smulhi.u32 @!p1 $0x51EB851F, s21  }
0x3ed: {  	s1 =	sadd.s32 $0x60000, s1  }
0x3ee: {  	s1 =	sshrl.u32 s1, $0x3;
	s22 =	sshrl.u32 @!p1 s22, $0x4  }
0x3ef: {  	s1 =	sadd.s32 s2, s1;
	s26 =	simm.s32 $0x13000;
	s25 =	smul.u32 @!p1 $0x7FFFCE, s22  }
0x3f0: {  	[hbm4b:s1+s3] =	stream.linear.scatter [tilespmem:s26], [sflag:$0x6], $0x400, $0x38;
	[tilespmem:$0x15400] =	vst v63  }
0x3f1: {  	s1 =	sadd.s32 @!p1 s21, s25;
	s21 =	smul.u32 @!p1 $0x6400, s22  }
0x3f2: {  	s1 =	sshll.u32 @!p1 s1, $0x9  }
0x3f3: {  	s21 =	sshra.s32 @!p1 s21, $0x2;
	s1 =	sshra.s32 @!p1 s1, $0x2  }
0x3f4: {  	s1 =	sadd.s32 @!p1 s1, s21  }
0x3f5: {  	s22 =	simm.s32 @!p1 $0xE400;
	s21 =	simm.s32 @!p1 $0x80;
	s1 =	sadd.s32 @!p1 $0x7000, s1  }
0x3f6: {  	[tilespmem:s22], [sflag:$0x2] =	stream.indirect.gather @!p1 [hbm4b:s4+s21], $0x20, s1, s21, $0xb8;
	[tilespmem:$0x15400] =	vst v63  }
0x3f7: {  	_ =	swait.ge [sflag:s29], $0x1000  }
0x3f8: {  	s28 =	simm.s32 $0x2;
	[sflag:s29] =	ssyncset.done $0x0  }
0x3f9: {  	v7 =	vadd.s32 s28, v35;
	s25 =	simm.s32 @!p0 $0x7;
	[sflag:s29] =	ssyncadd.s32 $0xFFFFF000  }
0x3fa: {  	v6 =	vand.u32 $0x1F, v7;
	_ =	swait.ge @!p0 [sflag:s25], $0x400  }
0x3fb: {  	v8 =	vor.u32 v54, v6;
	[sflag:s25] =	ssyncset.done @!p0 $0x0  }
0x3fc: {  	s28 =	simm.s32 $0x7;
	s31 =	simm.s32 $0x5;
	v42 =	vld [tilespmem:$0x1FF00];
	[tilespmem:$0x1FB20] =	vst v8;
	[sflag:s25] =	ssyncadd.s32 @!p0 $0xFFFFFC00  }
0x3fd: {  	v11 =	vadd.s32 s28, v35;
	v7 =	vshll.u32 v7, $0x7;
	v9 =	vadd.s32 s31, v35;
	s26 =	simm.s32 $0x3;
	_ =	swait.ge @!p0 [sflag:s25], $0x400  }
0x3fe: {  	s31 =	simm.s32 $0x4;
	v13 =	vand.u32 $0xF80, v7;
	v10 =	vand.u32 $0x1F, v9;
	v4 =	vadd.s32 s26, v35;
	s21 =	simm.s32 $0x0;
	[sflag:s25] =	ssyncset.done @!p0 $0x0  }
0x3ff: {  	v15 =	vand.u32 $0x1F, v4;
	s22 =	simm.s32 $0x1;
	v1 =	vadd.s32 s21, v35;
	v8 =	vadd.s32 s31, v35;
	[sflag:s25] =	ssyncadd.s32 @!p0 $0xFFFFFC00  }
0x400: {  	v3 =	vadd.s32 s22, v35;
	s22 =	simm.s32 $0x6;
	v2 =	vshll.u32 v1, $0x7;
	v14 =	vand.u32 $0x1F, v8;
	_ =	swait.ge @!p0 [sflag:s25], $0x400  }
0x401: {  	v5 =	vand.u32 $0x1F, v3;
	v17 =	vadd.s32 s22, v35;
	v21 =	vor.u32 v42, v14;
	[sflag:s25] =	ssyncset.done @!p0 $0x0  }
0x402: {  	v18 =	vand.u32 $0x18, v1;
	v1 =	vshll.u32 v11, $0x7;
	v23 =	vor.u32 v42, v10;
	[sflag:s25] =	ssyncadd.s32 @!p0 $0xFFFFFC00  }
0x403: {  	v3 =	vshll.u32 v3, $0x7;
	v22 =	vshll.u32 v17, $0x7;
	v19 =	vor.u32 v42, v5;
	_ =	swait.ge @!p0 [sflag:s25], $0x400  }
0x404: {  	v7 =	vand.u32 $0xF80, v1;
	v8 =	vshll.u32 v8, $0x7;
	v29 =	vor.u32 v42, v15;
	[sflag:s25] =	ssyncset.done @!p0 $0x0  }
0x405: {  	v1 =	vshll.u32 v9, $0x7;
	v63 =	vand.u32 $0xF80, v22;
	v12 =	vand.u32 $0xF80, v8;
	v45 =	vld [tilespmem:$0x1FF80];
	[sflag:s25] =	ssyncadd.s32 @!p0 $0xFFFFFC00  }
0x406: {  	v20 =	vand.u32 $0xF80, v1;
	v27 =	vor.u32 v55, v63;
	v30 =	vor.u32 v35, v12;
	v21 =	vld.idx.msk [tilespmem:v21+s15+$0x0], $0xffff  }
0x407: {  	v4 =	vshll.u32 v4, $0x7;
	v61 =	vand.u32 $0xF80, v3;
	v31 =	vor.u32 v35, v20;
	v22 =	vld.idx.msk [tilespmem:v23+s15+$0x0], $0xffff;
	[tilespmem:$0x1FB30] =	vst v27  }
0x408: {  	v53 =	vor.u32 v35, v61;
	v56 =	vld.idx.msk [tilespmem:v19+s15+$0x0], $0xffff;
	v19 =	vand.u32 $0xF80, v4  }
0x409: {  	v29 =	vld.idx.msk [tilespmem:v29+s15+$0x0], $0xffff;
	v49 =	vor.u32 v35, v19;
	_ =	sdelay $0x1  }
0x40a: {  	[tilespmem:v30+s30+$0x0] =	vst.idx.msk $0xffff, v21  }
0x40b: {  	v9 =	vand.u32 $0x1F, v11;
	v8 =	vand.u32 $0xF80, v2;
	v2 =	vor.u32 v57, v18;
	v37 =	vld [tilespmem:$0x1FFB0];
	[tilespmem:v31+s30+$0x0] =	vst.idx.msk $0xffff, v22  }
0x40c: {  	v26 =	vor.u32 v42, v9;
	[tilespmem:v53+s30+$0x0] =	vst.idx.msk $0xffff, v56  }
0x40d: {  	v3 =	vor.u32 v45, v14;
	[tilespmem:v49+s30+$0x0] =	vst.idx.msk $0xffff, v29  }
0x40e: {  	v23 =	vor.u32 v45, v10;
	v47 =	vld [tilespmem:$0x1FFC0];
	_ =	sdelay $0x1  }
0x40f: {  	v2 =	vld.idx.msk [tilespmem:v2+s15+$0x0], $0xffff  }
0x410: {  	v21 =	vld.idx.msk [tilespmem:v26+s15+$0x0], $0xffff  }
0x411: {  	v3 =	vld.idx.msk [tilespmem:v3+s15+$0x0], $0xffff  }
0x412: {  	v23 =	vld.idx.msk [tilespmem:v23+s15+$0x0], $0xffff;
	v29 =	vor.u32 v47, v6  }
0x413: {  	v27 =	vand.u32 $0x1F, v17;
	[tilespmem:$0x1FB40] =	vst v29;
	v29 =	vld [tilespmem:$0x1FF90]  }
0x414: {  	v4 =	vor.u32 v42, v27  }
0x415: {  	v1 =	vor.u32 v35, v7  }
0x416: {  	v50 =	vor.u32 v41, v12;
	v30 =	vor.u32 v45, v15  }
0x417: {  	v28 =	vor.u32 v35, v8;
	v52 =	vor.u32 v45, v5  }
0x418: {  	v16 =	vor.u32 v42, v6;
	v31 =	vor.u32 v41, v20;
	v29 =	vor.u32 v29, v18  }
0x419: {  	v4 =	vld.idx.msk [tilespmem:v4+s15+$0x0], $0xffff;
	[tilespmem:$0x1FB50] =	vst v29  }
0x41a: {  	v22 =	vor.u32 v45, v9;
	[tilespmem:v1+s30+$0x0] =	vst.idx.msk $0xffff, v21  }
0x41b: {  	v21 =	vld.idx.msk [tilespmem:v30+s15+$0x0], $0xffff;
	[tilespmem:v50+s30+$0x0] =	vst.idx.msk $0xffff, v3  }
0x41c: {  	v24 =	vor.u32 v58, v18;
	v33 =	vor.u32 v35, v63;
	v30 =	vld.idx.msk [tilespmem:v52+s15+$0x0], $0xffff;
	[tilespmem:v28+s30+$0x0] =	vst.idx.msk $0xffff, v2  }
0x41d: {  	v53 =	vor.u32 v37, v10;
	v1 =	vor.u32 v41, v19;
	[tilespmem:v31+s30+$0x0] =	vst.idx.msk $0xffff, v23;
	v16 =	vld.idx.msk [tilespmem:v16+s15+$0x0], $0xffff  }
0x41e: {  	v3 =	vor.u32 v41, v61;
	v2 =	vld [tilespmem:$0x1FFD0]  }
0x41f: {  	v29 =	vor.u32 v37, v15;
	v22 =	vld.idx.msk [tilespmem:v22+s15+$0x0], $0xffff  }
0x420: {  	v49 =	vor.u32 v41, v7;
	v39 =	vld [tilespmem:$0x1FFE0]  }
0x421: {  	v50 =	vor.u32 v41, v8;
	v23 =	vld.idx.msk [tilespmem:v24+s15+$0x0], $0xffff;
	[tilespmem:v33+s30+$0x0] =	vst.idx.msk $0xffff, v4  }
0x422: {  	v11 =	vor.u32 v35, v13;
	v28 =	vor.u32 v45, v27;
	v31 =	vld.idx.msk [tilespmem:v53+s15+$0x0], $0xffff;
	[tilespmem:v1+s30+$0x0] =	vst.idx.msk $0xffff, v21  }
0x423: {  	v24 =	vor.u32 v2, v20;
	v42 =	vld [tilespmem:$0x1FFA0];
	[tilespmem:v3+s30+$0x0] =	vst.idx.msk $0xffff, v30;
	v3 =	vor.u32 v55, v13  }
0x424: {  	v29 =	vld.idx.msk [tilespmem:v29+s15+$0x0], $0xffff;
	[tilespmem:$0x1FB60] =	vst v3  }
0x425: {  	v44 =	vor.u32 v37, v14;
	[tilespmem:v49+s30+$0x0] =	vst.idx.msk $0xffff, v22  }
0x426: {  	v25 =	vor.u32 v45, v6;
	[tilespmem:v50+s30+$0x0] =	vst.idx.msk $0xffff, v23  }
0x427: {  	v4 =	vor.u32 v37, v9;
	[tilespmem:v11+s30+$0x0] =	vst.idx.msk $0xffff, v16  }
0x428: {  	v1 =	vor.u32 v37, v5;
	v30 =	vor.u32 v2, v19;
	v28 =	vld.idx.msk [tilespmem:v28+s15+$0x0], $0xffff;
	[tilespmem:v24+s30+$0x0] =	vst.idx.msk $0xffff, v31  }
0x429: {  	v22 =	vor.u32 v41, v63;
	v21 =	vor.u32 v42, v10;
	v3 =	vld [tilespmem:$0x1FFF0]  }
0x42a: {  	v52 =	vor.u32 v2, v12;
	v53 =	vld.idx.msk [tilespmem:v44+s15+$0x0], $0xffff  }
0x42b: {  	v51 =	vor.u32 v0, v13;
	v17 =	vor.u32 v41, v13;
	v25 =	vld.idx.msk [tilespmem:v25+s15+$0x0], $0xffff;
	v23 =	vor.u32 v42, v15  }
0x42c: {  	v32 =	vor.u32 v59, v18;
	v44 =	vor.u32 v37, v27;
	v45 =	vld.idx.msk [tilespmem:v4+s15+$0x0], $0xffff;
	v24 =	vor.u32 v2, v7  }
0x42d: {  	v11 =	vor.u32 v2, v61;
	v1 =	vld.idx.msk [tilespmem:v1+s15+$0x0], $0xffff;
	v31 =	vor.u32 v42, v14;
	[tilespmem:v30+s30+$0x0] =	vst.idx.msk $0xffff, v29  }
0x42e: {  	v29 =	vor.u32 v42, v9;
	[tilespmem:v22+s30+$0x0] =	vst.idx.msk $0xffff, v28;
	v21 =	vld.idx.msk [tilespmem:v21+s15+$0x0], $0xffff;
	v16 =	vor.u32 v3, v20  }
0x42f: {  	v60 =	vor.u32 v55, v19;
	v38 =	vor.u32 v37, v6;
	[tilespmem:v52+s30+$0x0] =	vst.idx.msk $0xffff, v53  }
0x430: {  	v28 =	vor.u32 v39, v10;
	[tilespmem:v17+s30+$0x0] =	vst.idx.msk $0xffff, v25;
	v23 =	vld.idx.msk [tilespmem:v23+s15+$0x0], $0xffff;
	v30 =	vor.u32 v3, v19  }
0x431: {  	v22 =	vor.u32 v42, v5;
	v50 =	vld.idx.msk [tilespmem:v44+s15+$0x0], $0xffff;
	[tilespmem:v24+s30+$0x0] =	vst.idx.msk $0xffff, v45;
	v24 =	vor.u32 v2, v63  }
0x432: {  	[tilespmem:v11+s30+$0x0] =	vst.idx.msk $0xffff, v1;
	v1 =	vor.u32 v39, v15;
	v11 =	vld.idx.msk [tilespmem:v31+s15+$0x0], $0xffff;
	v52 =	vor.u32 v3, v12  }
0x433: {  	v31 =	vor.u32 v42, v27;
	v29 =	vld.idx.msk [tilespmem:v29+s15+$0x0], $0xffff;
	[tilespmem:v16+s30+$0x0] =	vst.idx.msk $0xffff, v21;
	v16 =	vor.u32 v3, v7  }
0x434: {  	v26 =	vor.u32 v48, v5;
	v49 =	vor.u32 v2, v13;
	v53 =	vld.idx.msk [tilespmem:v38+s15+$0x0], $0xffff;
	v21 =	vor.u32 v39, v14  }
0x435: {  	v25 =	vor.u32 v43, v20;
	[tilespmem:v30+s30+$0x0] =	vst.idx.msk $0xffff, v23;
	v23 =	vor.u32 v39, v9;
	v28 =	vld.idx.msk [tilespmem:v28+s15+$0x0], $0xffff  }
0x436: {  	v33 =	vor.u32 v46, v13;
	v17 =	vor.u32 v3, v61;
	v22 =	vld.idx.msk [tilespmem:v22+s15+$0x0], $0xffff;
	[tilespmem:v24+s30+$0x0] =	vst.idx.msk $0xffff, v50  }
0x437: {  	v56 =	vor.u32 v39, v6;
	[tilespmem:v52+s30+$0x0] =	vst.idx.msk $0xffff, v11;
	v11 =	vor.u32 v43, v19;
	v1 =	vld.idx.msk [tilespmem:v1+s15+$0x0], $0xffff  }
0x438: {  	v4 =	vor.u32 v54, v15;
	v31 =	vld.idx.msk [tilespmem:v31+s15+$0x0], $0xffff;
	[tilespmem:v16+s30+$0x0] =	vst.idx.msk $0xffff, v29;
	v16 =	vor.u32 v3, v63  }
0x439: {  	v44 =	vor.u32 v47, v10;
	[tilespmem:v49+s30+$0x0] =	vst.idx.msk $0xffff, v53;
	v29 =	vor.u32 v43, v12;
	v21 =	vld.idx.msk [tilespmem:v21+s15+$0x0], $0xffff  }
0x43a: {  	v24 =	vor.u32 v39, v5;
	v23 =	vld.idx.msk [tilespmem:v23+s15+$0x0], $0xffff;
	[tilespmem:v25+s30+$0x0] =	vst.idx.msk $0xffff, v28;
	v25 =	vor.u32 v43, v7  }
0x43b: {  	v36 =	vor.u32 v42, v6;
	v45 =	vor.u32 v47, v14;
	[tilespmem:v17+s30+$0x0] =	vst.idx.msk $0xffff, v22  }
0x43c: {  	v30 =	vor.u32 v2, v8;
	v17 =	vor.u32 v47, v15;
	v2 =	vld [tilespmem:$0x1FEF0];
	[tilespmem:v11+s30+$0x0] =	vst.idx.msk $0xffff, v1  }
0x43d: {  	v32 =	vld.idx.msk [tilespmem:v32+s15+$0x0], $0xffff;
	v42 =	vor.u32 v48, v14;
	v22 =	vor.u32 v39, v27;
	[tilespmem:v16+s30+$0x0] =	vst.idx.msk $0xffff, v31  }
0x43e: {  	v49 =	vor.u32 v43, v61;
	v11 =	vor.u32 v46, v20;
	v38 =	vld.idx.msk [tilespmem:v44+s15+$0x0], $0xffff;
	[tilespmem:v29+s30+$0x0] =	vst.idx.msk $0xffff, v21  }
0x43f: {  	v53 =	vor.u32 v0, v20;
	v50 =	vor.u32 v46, v12;
	v24 =	vld.idx.msk [tilespmem:v24+s15+$0x0], $0xffff;
	[tilespmem:v25+s30+$0x0] =	vst.idx.msk $0xffff, v23  }
0x440: {  	v52 =	vor.u32 v48, v15;
	v15 =	vor.u32 v54, v14;
	v1 =	vor.u32 v54, v27;
	v25 =	vld [tilespmem:$0x1FF60]  }
0x441: {  	v17 =	vld.idx.msk [tilespmem:v17+s15+$0x0], $0xffff;
	v16 =	vor.u32 v47, v9;
	v31 =	vor.u32 v47, v5;
	v21 =	vor.u32 v46, v19  }
0x442: {  	v29 =	vor.u32 v3, v8;
	v47 =	vor.u32 v47, v27;
	v22 =	vld.idx.msk [tilespmem:v22+s15+$0x0], $0xffff;
	v23 =	vor.u32 v43, v63  }
0x443: {  	v40 =	vld.idx.msk [tilespmem:v45+s15+$0x0], $0xffff;
	v45 =	vor.u32 v46, v63;
	[tilespmem:v11+s30+$0x0] =	vst.idx.msk $0xffff, v38;
	v11 =	vor.u32 v48, v10  }
0x444: {  	v34 =	vor.u32 v2, v18;
	[tilespmem:v49+s30+$0x0] =	vst.idx.msk $0xffff, v24;
	v24 =	vor.u32 v43, v8;
	v38 =	vld.idx.msk [tilespmem:v36+s15+$0x0], $0xffff  }
0x445: {  	v36 =	vor.u32 v54, v10;
	v28 =	vor.u32 v25, v18;
	v25 =	vld [tilespmem:$0x1FF70];
	[tilespmem:v30+s30+$0x0] =	vst.idx.msk $0xffff, v32  }
0x446: {  	v10 =	vor.u32 v54, v5;
	v16 =	vld.idx.msk [tilespmem:v16+s15+$0x0], $0xffff;
	v32 =	vor.u32 v46, v7;
	[tilespmem:v21+s30+$0x0] =	vst.idx.msk $0xffff, v17  }
0x447: {  	v44 =	vld.idx.msk [tilespmem:v31+s15+$0x0], $0xffff;
	v31 =	vor.u32 v43, v13;
	v17 =	vor.u32 v46, v61;
	[tilespmem:v23+s30+$0x0] =	vst.idx.msk $0xffff, v22  }
0x448: {  	s26 =	sor.u32 $0x2, s20;
	v21 =	vor.u32 v46, v8;
	[tilespmem:v50+s30+$0x0] =	vst.idx.msk $0xffff, v40;
	v49 =	vld.idx.msk [tilespmem:v11+s15+$0x0], $0xffff;
	v50 =	vor.u32 v48, v9  }
0x449: {  	s28 =	smulhi.u32 $0x51EB851F, s26;
	v30 =	vor.u32 v0, v12;
	v22 =	vor.u32 v0, v8;
	v11 =	vor.u32 v3, v13;
	v14 =	vld.idx.msk [tilespmem:v52+s15+$0x0], $0xffff  }
0x44a: {  	v23 =	vor.u32 v62, v18;
	v13 =	vor.u32 v55, v20;
	v40 =	vor.u32 v48, v27;
	v20 =	vld.idx.msk [tilespmem:v42+s15+$0x0], $0xffff  }
0x44b: {  	s21 =	sshrl.u32 s28, $0x4;
	v27 =	vor.u32 v55, v8;
	v42 =	vor.u32 v0, v7;
	[tilespmem:v32+s30+$0x0] =	vst.idx.msk $0xffff, v16;
	v16 =	vld.idx.msk [tilespmem:v34+s15+$0x0], $0xffff  }
0x44c: {  	s31 =	smul.u32 $0xFFFFFFCE, s21;
	v25 =	vor.u32 v25, v18;
	[tilespmem:v17+s30+$0x0] =	vst.idx.msk $0xffff, v44;
	v32 =	vor.u32 v48, v6;
	v6 =	vld.idx.msk [tilespmem:v47+s15+$0x0], $0xffff  }
0x44d: {  	v18 =	vor.u32 v55, v12;
	v34 =	vor.u32 v55, v7;
	v17 =	vor.u32 v0, v19;
	v19 =	vld.idx.msk [tilespmem:v50+s15+$0x0], $0xffff  }
0x44e: {  	s22 =	sadd.s32 s26, s31;
	s25 =	simm.s32 $0x8;
	[tilespmem:v53+s30+$0x0] =	vst.idx.msk $0xffff, v49;
	v12 =	vor.u32 v0, v61;
	v7 =	vor.u32 v54, v9;
	v8 =	vld.idx.msk [tilespmem:v26+s15+$0x0], $0xffff  }
.LBB2_9:
0x44f: {  	v44 =	vor.u32 v0, v63;
	v0 =	vld [tilespmem:$0x1FB60]  }
0x450: {  	s1 =	sadd.s32 $0x1, s25;
	v63 =	vld.idx.msk [tilespmem:v36+s15+$0x0], $0xffff  }
0x451: {  	[tilespmem:v11+s30+$0x0] =	vst.idx.msk $0xffff, v38;
	v48 =	vld [tilespmem:$0x1FF80];
	v49 =	vadd.s32 s1, v35;
	s1 =	sadd.s32 $0x2, s25  }
0x452: {  	v2 =	vld.idx.msk [tilespmem:v56+s15+$0x0], $0xffff;
	v37 =	vadd.s32 s1, v35;
	[tilespmem:v45+s30+$0x0] =	vst.idx.msk $0xffff, v6  }
0x453: {  	v6 =	vand.u32 $0x1F, v37;
	[tilespmem:v12+s30+$0x0] =	vst.idx.msk $0xffff, v8;
	v8 =	vshll.u32 v37, $0x7;
	v37 =	vld [tilespmem:$0x1FFB0]  }
0x454: {  	s28 =	sadd.s32 $0x5, s25;
	[tilespmem:v29+s30+$0x0] =	vst.idx.msk $0xffff, v16;
	v29 =	vmov v0;
	v0 =	vld [tilespmem:$0x1FF00]  }
0x455: {  	v52 =	vadd.s32 s28, v35;
	s28 =	smov.u32 s25;
	v53 =	vld.idx.msk [tilespmem:v28+s15+$0x0], $0xffff  }
0x456: {  	v9 =	vadd.s32 s25, v35;
	s1 =	sadd.s32 $0x4, s28;
	[tilespmem:v17+s30+$0x0] =	vst.idx.msk $0xffff, v14;
	v17 =	vld.idx.msk [tilespmem:v40+s15+$0x0], $0xffff  }
0x457: {  	v26 =	vor.u32 v55, v61;
	s31 =	sadd.s32 $0x7, s25;
	v47 =	vshll.u32 v9, $0x7;
	v61 =	vadd.s32 s1, v35;
	v56 =	vld.idx.msk [tilespmem:v10+s15+$0x0], $0xffff  }
0x458: {  	v3 =	vadd.s32 s31, v35;
	v11 =	vand.u32 $0x1F, v52;
	[tilespmem:v42+s30+$0x0] =	vst.idx.msk $0xffff, v19;
	v16 =	vand.u32 $0x1F, v61;
	v4 =	vld.idx.msk [tilespmem:v4+s15+$0x0], $0xffff  }
0x459: {  	v12 =	vand.u32 $0x18, v9;
	v9 =	vand.u32 $0x1F, v3;
	[tilespmem:v13+s30+$0x0] =	vst.idx.msk $0xffff, v63;
	v63 =	vld.idx.msk [tilespmem:v7+s15+$0x0], $0xffff;
	v40 =	vor.u32 v0, v6  }
0x45a: {  	[tilespmem:v30+s30+$0x0] =	vst.idx.msk $0xffff, v20;
	v20 =	vshll.u32 v49, $0x7;
	v13 =	vand.u32 $0xF80, v8;
	v8 =	vshll.u32 v3, $0x7;
	v3 =	vld [tilespmem:$0x1FF50]  }
0x45b: {  	s26 =	sadd.s32 $0x3, s25;
	v10 =	vshll.u32 v61, $0x7;
	v61 =	vand.u32 $0xF80, v20;
	v20 =	vld [tilespmem:$0x1FF30];
	v62 =	vor.u32 v0, v16;
	[tilespmem:v24+s30+$0x0] =	vst.idx.msk $0xffff, v53  }
0x45c: {  	v50 =	vadd.s32 s26, v35;
	s26 =	sadd.s32 $0x6, s25;
	v45 =	vor.u32 v0, v11;
	[tilespmem:v44+s30+$0x0] =	vst.idx.msk $0xffff, v17;
	v53 =	vld.idx.msk [tilespmem:v25+s15+$0x0], $0xffff  }
0x45d: {  	v5 =	vand.u32 $0x1F, v49;
	v19 =	vadd.s32 s26, v35;
	v1 =	vld.idx.msk [tilespmem:v1+s15+$0x0], $0xffff  }
0x45e: {  	v14 =	vand.u32 $0x1F, v50;
	v55 =	vshll.u32 v19, $0x7;
	v42 =	vor.u32 v0, v5;
	v24 =	vld.idx.msk [tilespmem:v40+s15+$0x0], $0xffff  }
0x45f: {  	v10 =	vand.u32 $0xF80, v10;
	v3 =	vor.u32 v3, v13;
	v44 =	vor.u32 v57, v12;
	[tilespmem:v31+s30+$0x0] =	vst.idx.msk $0xffff, v2;
	v2 =	vld [tilespmem:$0x1FB40]  }
0x460: {  	v17 =	vshll.u32 v52, $0x7;
	v52 =	vor.u32 v0, v9;
	v57 =	vor.u32 v35, v10;
	[tilespmem:$0x1FB00] =	vst v3;
	v3 =	vld.idx.msk [tilespmem:v62+s15+$0x0], $0xffff  }
0x461: {  	v49 =	vor.u32 v0, v14;
	[tilespmem:v34+s30+$0x0] =	vst.idx.msk $0xffff, v63;
	v63 =	vand.u32 $0xF80, v55;
	v45 =	vld.idx.msk [tilespmem:v45+s15+$0x0], $0xffff  }
0x462: {  	v17 =	vand.u32 $0xF80, v17;
	v62 =	vor.u32 v20, v63;
	v20 =	vld [tilespmem:$0x1FB50]  }
0x463: {  	v36 =	vmov v51;
	[tilespmem:v60+s30+$0x0] =	vst.idx.msk $0xffff, v4;
	v51 =	vor.u32 v35, v17;
	v42 =	vld.idx.msk [tilespmem:v42+s15+$0x0], $0xffff  }
0x464: {  	v4 =	vshll.u32 v50, $0x7;
	v50 =	vor.u32 v48, v11;
	[tilespmem:v26+s30+$0x0] =	vst.idx.msk $0xffff, v56;
	v26 =	vld [tilespmem:$0x1FCA0]  }
0x465: {  	[tilespmem:v57+s30+$0x0] =	vst.idx.msk $0xffff, v3;
	v3 =	vld.idx.msk [tilespmem:v52+s15+$0x0], $0xffff  }
0x466: {  	v57 =	vld.idx.msk [tilespmem:v49+s15+$0x0], $0xffff  }
0x467: {  	v7 =	vand.u32 $0xF80, v8;
	v2 =	vld.idx.msk [tilespmem:v2+s15+$0x0], $0xffff  }
0x468: {  	v34 =	vor.u32 v48, v16;
	v40 =	vor.u32 v35, v7;
	[tilespmem:v51+s30+$0x0] =	vst.idx.msk $0xffff, v45;
	v15 =	vld.idx.msk [tilespmem:v15+s15+$0x0], $0xffff  }
0x469: {  	v38 =	vor.u32 v58, v12;
	[tilespmem:v21+s30+$0x0] =	vst.idx.msk $0xffff, v53;
	v50 =	vld.idx.msk [tilespmem:v50+s15+$0x0], $0xffff  }
0x46a: {  	v19 =	vand.u32 $0x1F, v19;
	v53 =	vor.u32 v35, v61;
	v45 =	vor.u32 v41, v17;
	v58 =	vld.idx.msk [tilespmem:v20+s15+$0x0], $0xffff  }
0x46b: {  	v51 =	vor.u32 v37, v11;
	v20 =	vand.u32 $0xF80, v4;
	v4 =	vor.u32 v0, v19;
	v0 =	vld [tilespmem:$0x1FB30]  }
0x46c: {  	[tilespmem:v33+s30+$0x0] =	vst.idx.msk $0xffff, v2;
	v2 =	vld [tilespmem:$0x1FF30]  }
0x46d: {  	v34 =	vld.idx.msk [tilespmem:v34+s15+$0x0], $0xffff;
	[tilespmem:v40+s30+$0x0] =	vst.idx.msk $0xffff, v3  }
0x46e: {  	v3 =	vld [tilespmem:$0x1FF30];
	[tilespmem:v18+s30+$0x0] =	vst.idx.msk $0xffff, v15  }
0x46f: {  	[tilespmem:v45+s30+$0x0] =	vst.idx.msk $0xffff, v50;
	v18 =	vld [tilespmem:$0x1FEF0]  }
0x470: {  	[tilespmem:v53+s30+$0x0] =	vst.idx.msk $0xffff, v42;
	v50 =	vld.idx.msk [tilespmem:v51+s15+$0x0], $0xffff  }
0x471: {  	v49 =	vor.u32 v41, v10;
	[tilespmem:v22+s30+$0x0] =	vst.idx.msk $0xffff, v58;
	v58 =	vld [tilespmem:$0x1FF90];
	v2 =	vor.u32 v2, v20  }
0x472: {  	[tilespmem:$0x1FAF0] =	vst v2;
	v2 =	vld.idx.msk [tilespmem:v32+s15+$0x0], $0xffff  }
0x473: {  	v60 =	vor.u32 v48, v5;
	v23 =	vld.idx.msk [tilespmem:v23+s15+$0x0], $0xffff;
	[tilespmem:v0+s30+$0x0] =	vst.idx.msk $0xffff, v1;
	v0 =	vmov v62  }
0x474: {  	v8 =	vand.u32 $0xF80, v47;
	v44 =	vld.idx.msk [tilespmem:v44+s15+$0x0], $0xffff;
	[tilespmem:$0x1FB30] =	vst v0;
	v0 =	vor.u32 v26, v5  }
0x475: {  	v47 =	vor.u32 v35, v8;
	v52 =	vor.u32 v37, v16;
	[tilespmem:$0x1FB10] =	vst v0;
	v0 =	vld [tilespmem:$0x1FFC0]  }
0x476: {  	[tilespmem:v49+s30+$0x0] =	vst.idx.msk $0xffff, v34;
	v1 =	vor.u32 v35, v20;
	v39 =	vor.u32 v58, v12;
	v58 =	vld.idx.msk [tilespmem:v4+s15+$0x0], $0xffff  }
0x477: {  	[tilespmem:v36+s30+$0x0] =	vst.idx.msk $0xffff, v2;
	v2 =	vld [tilespmem:$0x1FB20]  }
0x478: {  	v33 =	vor.u32 v48, v14;
	v62 =	vor.u32 v41, v61;
	[tilespmem:v27+s30+$0x0] =	vst.idx.msk $0xffff, v23;
	v27 =	vld.idx.msk [tilespmem:v60+s15+$0x0], $0xffff  }
0x479: {  	v4 =	vld [tilespmem:$0x1FCB0];
	[tilespmem:$0x1FB50] =	vst v39;
	v60 =	vor.u32 v37, v5  }
0x47a: {  	v39 =	vld [tilespmem:$0x1FFE0];
	[tilespmem:v47+s30+$0x0] =	vst.idx.msk $0xffff, v44  }
0x47b: {  	v44 =	vld.idx.msk [tilespmem:v52+s15+$0x0], $0xffff;
	[tilespmem:v1+s30+$0x0] =	vst.idx.msk $0xffff, v57;
	v22 =	vor.u32 v0, v6  }
0x47c: {  	v38 =	vld.idx.msk [tilespmem:v38+s15+$0x0], $0xffff;
	[tilespmem:$0x1FB40] =	vst v22  }
0x47d: {  	v15 =	vld.idx.msk [tilespmem:v33+s15+$0x0], $0xffff;
	v22 =	vor.u32 v48, v9;
	[tilespmem:v62+s30+$0x0] =	vst.idx.msk $0xffff, v27  }
0x47e: {  	v1 =	vor.u32 v41, v20;
	v49 =	vld.idx.msk [tilespmem:v60+s15+$0x0], $0xffff  }
0x47f: {  	v32 =	vor.u32 v37, v14;
	v40 =	vld.idx.msk [tilespmem:v2+s15+$0x0], $0xffff  }
0x480: {  	v2 =	vor.u32 v3, v13;
	v3 =	vld [tilespmem:$0x1FFD0]  }
0x481: {  	v36 =	vor.u32 v41, v8;
	[tilespmem:$0x1FB60] =	vst v2;
	v2 =	vld [tilespmem:$0x1FFA0]  }
0x482: {  	v28 =	vor.u32 v54, v6;
	v53 =	vor.u32 v59, v12;
	v59 =	vor.u32 v41, v7;
	v22 =	vld.idx.msk [tilespmem:v22+s15+$0x0], $0xffff  }
0x483: {  	v25 =	vor.u32 v35, v13;
	v34 =	vor.u32 v37, v9;
	[tilespmem:v1+s30+$0x0] =	vst.idx.msk $0xffff, v15;
	v1 =	vmov v28;
	v28 =	vld [tilespmem:$0x1FF60]  }
0x484: {  	v30 =	vor.u32 v48, v6;
	v55 =	vor.u32 v35, v63;
	[tilespmem:$0x1FB20] =	vst v1;
	v32 =	vld.idx.msk [tilespmem:v32+s15+$0x0], $0xffff  }
0x485: {  	v1 =	vld [tilespmem:$0x1FCB0];
	v57 =	vor.u32 v3, v17;
	[tilespmem:v29+s30+$0x0] =	vst.idx.msk $0xffff, v40;
	v29 =	vor.u32 v48, v19  }
0x486: {  	[tilespmem:v36+s30+$0x0] =	vst.idx.msk $0xffff, v38;
	v54 =	vor.u32 v3, v10;
	v48 =	vld [tilespmem:$0x1FFF0];
	v33 =	vor.u32 v2, v11  }
0x487: {  	v53 =	vld.idx.msk [tilespmem:v53+s15+$0x0], $0xffff;
	[tilespmem:v59+s30+$0x0] =	vst.idx.msk $0xffff, v22;
	v52 =	vor.u32 v3, v20;
	v56 =	vor.u32 v2, v16  }
0x488: {  	v21 =	vor.u32 v41, v13;
	v34 =	vld.idx.msk [tilespmem:v34+s15+$0x0], $0xffff;
	v27 =	vor.u32 v3, v61;
	[tilespmem:v25+s30+$0x0] =	vst.idx.msk $0xffff, v24  }
0x489: {  	[tilespmem:v55+s30+$0x0] =	vst.idx.msk $0xffff, v58;
	v36 =	vor.u32 v3, v7;
	v42 =	vor.u32 v2, v14;
	v30 =	vld.idx.msk [tilespmem:v30+s15+$0x0], $0xffff  }
0x48a: {  	v55 =	vor.u32 v39, v11;
	v38 =	vor.u32 v2, v9;
	v58 =	vld.idx.msk [tilespmem:v29+s15+$0x0], $0xffff;
	[tilespmem:v57+s30+$0x0] =	vst.idx.msk $0xffff, v50  }
0x48b: {  	v60 =	vor.u32 v2, v5;
	v51 =	vor.u32 v48, v17;
	[tilespmem:v54+s30+$0x0] =	vst.idx.msk $0xffff, v44;
	v25 =	vld.idx.msk [tilespmem:v33+s15+$0x0], $0xffff  }
0x48c: {  	v15 =	vor.u32 v39, v16;
	v45 =	vor.u32 v48, v10;
	[tilespmem:v52+s30+$0x0] =	vst.idx.msk $0xffff, v32;
	v54 =	vld.idx.msk [tilespmem:v56+s15+$0x0], $0xffff  }
0x48d: {  	v47 =	vor.u32 v2, v6;
	[tilespmem:v27+s30+$0x0] =	vst.idx.msk $0xffff, v49;
	v27 =	vor.u32 v2, v19;
	v2 =	vld [tilespmem:$0x1FB10]  }
0x48e: {  	[tilespmem:v36+s30+$0x0] =	vst.idx.msk $0xffff, v34;
	v42 =	vld.idx.msk [tilespmem:v42+s15+$0x0], $0xffff  }
0x48f: {  	v34 =	vld.idx.msk [tilespmem:v38+s15+$0x0], $0xffff;
	[tilespmem:v21+s30+$0x0] =	vst.idx.msk $0xffff, v30  }
0x490: {  	v31 =	vor.u32 v37, v6;
	v62 =	vor.u32 v41, v63;
	v38 =	vld.idx.msk [tilespmem:v60+s15+$0x0], $0xffff;
	[tilespmem:v51+s30+$0x0] =	vst.idx.msk $0xffff, v25  }
0x491: {  	v22 =	vor.u32 v37, v19;
	[tilespmem:v45+s30+$0x0] =	vst.idx.msk $0xffff, v54;
	v30 =	vld.idx.msk [tilespmem:v55+s15+$0x0], $0xffff  }
0x492: {  	v52 =	vor.u32 v48, v20;
	v54 =	vld.idx.msk [tilespmem:v15+s15+$0x0], $0xffff  }
0x493: {  	v33 =	vor.u32 v43, v17;
	v15 =	vld [tilespmem:$0x1FF50]  }
0x494: {  	v36 =	vor.u32 v48, v7;
	v21 =	vld [tilespmem:$0x1FCA0]  }
0x495: {  	v37 =	vor.u32 v39, v9;
	v31 =	vld.idx.msk [tilespmem:v31+s15+$0x0], $0xffff;
	[tilespmem:v62+s30+$0x0] =	vst.idx.msk $0xffff, v58  }
0x496: {  	v40 =	vor.u32 v3, v13;
	v62 =	vor.u32 v39, v14;
	v22 =	vld.idx.msk [tilespmem:v22+s15+$0x0], $0xffff  }
0x497: {  	v58 =	vor.u32 v48, v61;
	v25 =	vld [tilespmem:$0x1FF70];
	[tilespmem:v52+s30+$0x0] =	vst.idx.msk $0xffff, v42  }
0x498: {  	v44 =	vor.u32 v39, v5;
	[tilespmem:v33+s30+$0x0] =	vst.idx.msk $0xffff, v30;
	v30 =	vor.u32 v15, v10;
	v15 =	vld [tilespmem:$0x1FCB0]  }
0x499: {  	v56 =	vor.u32 v3, v63;
	[tilespmem:v36+s30+$0x0] =	vst.idx.msk $0xffff, v34;
	v42 =	vor.u32 v21, v16;
	v21 =	vld [tilespmem:$0x1FCA0]  }
0x49a: {  	v49 =	vld.idx.msk [tilespmem:v37+s15+$0x0], $0xffff  }
0x49b: {  	v50 =	vor.u32 v43, v10;
	v57 =	vor.u32 v0, v11;
	[tilespmem:v40+s30+$0x0] =	vst.idx.msk $0xffff, v31;
	v55 =	vld.idx.msk [tilespmem:v62+s15+$0x0], $0xffff  }
0x49c: {  	v32 =	vor.u32 v0, v16;
	[tilespmem:v58+s30+$0x0] =	vst.idx.msk $0xffff, v38;
	v38 =	vld.idx.msk [tilespmem:v47+s15+$0x0], $0xffff  }
0x49d: {  	v15 =	vor.u32 v15, v16;
	v16 =	vld [tilespmem:$0x1FF50]  }
0x49e: {  	v58 =	vor.u32 v43, v7;
	[tilespmem:v56+s30+$0x0] =	vst.idx.msk $0xffff, v22;
	v44 =	vld.idx.msk [tilespmem:v44+s15+$0x0], $0xffff  }
0x49f: {  	v59 =	vor.u32 v43, v20;
	v27 =	vld.idx.msk [tilespmem:v27+s15+$0x0], $0xffff  }
0x4a0: {  	v56 =	vor.u32 v0, v14;
	[tilespmem:v50+s30+$0x0] =	vst.idx.msk $0xffff, v54;
	v40 =	vld.idx.msk [tilespmem:v57+s15+$0x0], $0xffff  }
0x4a1: {  	v22 =	vor.u32 v43, v61;
	v50 =	vld.idx.msk [tilespmem:v32+s15+$0x0], $0xffff  }
0x4a2: {  	v47 =	vor.u32 v16, v17;
	v16 =	vld [tilespmem:$0x1FCB0]  }
0x4a3: {  	v62 =	vor.u32 v48, v63;
	[tilespmem:v58+s30+$0x0] =	vst.idx.msk $0xffff, v49;
	v58 =	vld [tilespmem:$0x1FED0]  }
0x4a4: {  	v33 =	vor.u32 v0, v9;
	[tilespmem:v59+s30+$0x0] =	vst.idx.msk $0xffff, v55;
	v59 =	vld [tilespmem:$0x1FEE0]  }
0x4a5: {  	v45 =	vor.u32 v0, v5;
	v55 =	vld.idx.msk [tilespmem:v56+s15+$0x0], $0xffff  }
0x4a6: {  	v34 =	vor.u32 v39, v19;
	[tilespmem:v22+s30+$0x0] =	vst.idx.msk $0xffff, v44;
	v44 =	vor.u32 v0, v19;
	v0 =	vld [tilespmem:$0x1FF50]  }
0x4a7: {  	v52 =	vor.u32 v46, v17;
	v60 =	vor.u32 v21, v11;
	v36 =	vor.u32 v16, v11;
	v11 =	vld [tilespmem:$0x1FCA0]  }
0x4a8: {  	v51 =	vor.u32 v46, v10;
	[tilespmem:v62+s30+$0x0] =	vst.idx.msk $0xffff, v27;
	v62 =	vld [tilespmem:$0x1FF40]  }
0x4a9: {  	v57 =	vld.idx.msk [tilespmem:v33+s15+$0x0], $0xffff  }
0x4aa: {  	v26 =	vor.u32 v39, v6;
	v39 =	vld.idx.msk [tilespmem:v45+s15+$0x0], $0xffff  }
0x4ab: {  	v56 =	vor.u32 v46, v20;
	v34 =	vld.idx.msk [tilespmem:v34+s15+$0x0], $0xffff  }
0x4ac: {  	v4 =	vor.u32 v4, v14;
	[tilespmem:v52+s30+$0x0] =	vst.idx.msk $0xffff, v40;
	v14 =	vor.u32 v11, v14;
	v11 =	vld [tilespmem:$0x1FCA0]  }
0x4ad: {  	v23 =	vor.u32 v3, v8;
	[tilespmem:v51+s30+$0x0] =	vst.idx.msk $0xffff, v50;
	v51 =	vld [tilespmem:$0x1FB00]  }
0x4ae: {  	v37 =	vor.u32 v46, v7;
	v52 =	vld.idx.msk [tilespmem:v60+s15+$0x0], $0xffff  }
0x4af: {  	v54 =	vor.u32 v43, v63;
	v60 =	vld [tilespmem:$0x1FAF0]  }
0x4b0: {  	v18 =	vor.u32 v18, v12;
	[tilespmem:v56+s30+$0x0] =	vst.idx.msk $0xffff, v55;
	v55 =	vld [tilespmem:$0x1FF30]  }
0x4b1: {  	v28 =	vor.u32 v28, v12;
	v49 =	vor.u32 v11, v9;
	v11 =	vld [tilespmem:$0x1FF50]  }
0x4b2: {  	[tilespmem:v23+s30+$0x0] =	vst.idx.msk $0xffff, v53;
	v25 =	vor.u32 v25, v12;
	v23 =	vor.u32 v62, v12;
	v12 =	vld [tilespmem:$0x1FCA0]  }
0x4b3: {  	v27 =	vor.u32 v46, v61;
	[tilespmem:v37+s30+$0x0] =	vst.idx.msk $0xffff, v57;
	v57 =	vld [tilespmem:$0x1FEC0]  }
0x4b4: {  	v1 =	vor.u32 v1, v19;
	v24 =	vor.u32 v43, v8;
	[tilespmem:v54+s30+$0x0] =	vst.idx.msk $0xffff, v34;
	v54 =	vld [tilespmem:$0x1FCB0]  }
0x4b5: {  	v29 =	vor.u32 v48, v8;
	v31 =	vor.u32 v43, v13;
	v21 =	vor.u32 v46, v8;
	v16 =	vld.idx.msk [tilespmem:v18+s15+$0x0], $0xffff  }
0x4b6: {  	p2 =	slt.u32 s25, $0x18;
	v33 =	vor.u32 v46, v13;
	v22 =	vor.u32 v11, v8;
	v11 =	vor.u32 v48, v13;
	v48 =	vld [tilespmem:$0x1FCA0]  }
.Ltmp5:
0x4b7: {  	v45 =	vor.u32 v46, v63;
	v56 =	vmov v26;
	v32 =	vor.u32 v12, v6;
	v6 =	vld.idx.msk [tilespmem:v44+s15+$0x0], $0xffff;
	(pc) =	sbr.rel @p2 .LBB2_9-.Ltmp5, $4  }
0x4b8: {  	[tilespmem:v27+s30+$0x0] =	vst.idx.msk $0xffff, v39;
	v34 =	vor.u32 v55, v7;
	v27 =	vor.u32 v55, v8;
	v14 =	vld.idx.msk [tilespmem:v14+s15+$0x0], $0xffff  }
0x4b9: {  	v18 =	vor.u32 v55, v10;
	v13 =	vor.u32 v55, v17;
	v17 =	vor.u32 v0, v20;
	v20 =	vld.idx.msk [tilespmem:v42+s15+$0x0], $0xffff  }
0x4ba: {  	v12 =	vor.u32 v0, v61;
	[tilespmem:v47+s30+$0x0] =	vst.idx.msk $0xffff, v52;
	v10 =	vor.u32 v54, v5;
	v8 =	vld.idx.msk [tilespmem:v2+s15+$0x0], $0xffff  }
0x4bb: {  	s25 =	sadd.s32 $0x8, s25;
	v42 =	vor.u32 v0, v7;
	v7 =	vor.u32 v54, v9;
	v40 =	vor.u32 v48, v19;
	v19 =	vld.idx.msk [tilespmem:v49+s15+$0x0], $0xffff  }
0x4bc: {  	_ =	sdelay $0x3  }
0x4bd: {  	[tilespmem:v29+s30+$0x0] =	vst.idx.msk $0xffff, v16  }
0x4be: {  	[tilespmem:v11+s30+$0x0] =	vst.idx.msk $0xffff, v38;
	v5 =	vld.idx.msk [tilespmem:v28+s15+$0x0], $0xffff  }
0x4bf: {  	v2 =	vld.idx.msk [tilespmem:v56+s15+$0x0], $0xffff;
	_ =	sdelay $0x2  }
0x4c0: {  	[tilespmem:v45+s30+$0x0] =	vst.idx.msk $0xffff, v6  }
0x4c1: {  	[tilespmem:v24+s30+$0x0] =	vst.idx.msk $0xffff, v5  }
0x4c2: {  	[tilespmem:v31+s30+$0x0] =	vst.idx.msk $0xffff, v2;
	v5 =	vld.idx.msk [tilespmem:v25+s15+$0x0], $0xffff  }
0x4c3: {  	v2 =	vld [tilespmem:$0x1FB40]  }
0x4c4: {  	[tilespmem:v17+s30+$0x0] =	vst.idx.msk $0xffff, v14  }
0x4c5: {  	[tilespmem:v42+s30+$0x0] =	vst.idx.msk $0xffff, v19  }
0x4c6: {  	[tilespmem:v12+s30+$0x0] =	vst.idx.msk $0xffff, v8  }
0x4c7: {  	[tilespmem:v21+s30+$0x0] =	vst.idx.msk $0xffff, v5  }
0x4c8: {  	v3 =	vld [tilespmem:$0x1FB50];
	_ =	sdelay $0x1  }
0x4c9: {  	v6 =	vld.idx.msk [tilespmem:v36+s15+$0x0], $0xffff  }
0x4ca: {  	v2 =	vld.idx.msk [tilespmem:v2+s15+$0x0], $0xffff  }
0x4cb: {  	v9 =	vor.u32 v0, v63;
	v11 =	vld.idx.msk [tilespmem:v40+s15+$0x0], $0xffff;
	_ =	sdelay $0x1  }
0x4cc: {  	v7 =	vld.idx.msk [tilespmem:v7+s15+$0x0], $0xffff  }
0x4cd: {  	v4 =	vld.idx.msk [tilespmem:v4+s15+$0x0], $0xffff;
	[tilespmem:v13+s30+$0x0] =	vst.idx.msk $0xffff, v6  }
0x4ce: {  	[tilespmem:v33+s30+$0x0] =	vst.idx.msk $0xffff, v2;
	v5 =	vld.idx.msk [tilespmem:v3+s15+$0x0], $0xffff  }
0x4cf: {  	[tilespmem:v9+s30+$0x0] =	vst.idx.msk $0xffff, v11;
	v2 =	vld.idx.msk [tilespmem:v32+s15+$0x0], $0xffff  }
0x4d0: {  	[tilespmem:v30+s30+$0x0] =	vst.idx.msk $0xffff, v20  }
0x4d1: {  	[tilespmem:v34+s30+$0x0] =	vst.idx.msk $0xffff, v7  }
0x4d2: {  	[tilespmem:v60+s30+$0x0] =	vst.idx.msk $0xffff, v4  }
0x4d3: {  	[tilespmem:v22+s30+$0x0] =	vst.idx.msk $0xffff, v5  }
0x4d4: {  	v8 =	vld.idx.msk [tilespmem:v10+s15+$0x0], $0xffff;
	[tilespmem:v51+s30+$0x0] =	vst.idx.msk $0xffff, v2  }
0x4d5: {  	v6 =	vor.u32 v55, v61;
	v3 =	vld [tilespmem:$0x1FB30]  }
0x4d6: {  	v5 =	vld.idx.msk [tilespmem:v15+s15+$0x0], $0xffff  }
0x4d7: {  	v7 =	vld.idx.msk [tilespmem:v23+s15+$0x0], $0xffff  }
0x4d8: {  	v1 =	vld.idx.msk [tilespmem:v1+s15+$0x0], $0xffff  }
0x4d9: {  	v2 =	vld [tilespmem:$0x1FB20]  }
0x4da: {  	[tilespmem:v6+s30+$0x0] =	vst.idx.msk $0xffff, v8  }
0x4db: {  	[tilespmem:v18+s30+$0x0] =	vst.idx.msk $0xffff, v5  }
0x4dc: {  	[tilespmem:v27+s30+$0x0] =	vst.idx.msk $0xffff, v7  }
0x4dd: {  	[tilespmem:v3+s30+$0x0] =	vst.idx.msk $0xffff, v1  }
0x4de: {  	v1 =	vld [tilespmem:$0x1FB60];
	_ =	sdelay $0x2  }
0x4df: {  	v2 =	vld.idx.msk [tilespmem:v2+s15+$0x0], $0xffff  }
0x4e0: {  	s1 =	sadd.s32 s6, s21  }
0x4e1: {  	s22 =	sshll.u32 s22, $0x13;
	s1 =	sshll.u32 s1, $0xA  }
0x4e2: {  	s1 =	sadd.s32 s1, s22  }
0x4e3: {  	s21 =	sshrl.u32 s1, $0x3  }
0x4e4: {  	s25 =	sadd.s32 $0x20000, s1;
	s21 =	sadd.s32 s2, s21;
	[tilespmem:v1+s30+$0x0] =	vst.idx.msk $0xffff, v2  }
0x4e5: {  	[hbm4b:s21+s3] =	stream.linear.scatter [tilespmem:s30], [sflag:$0x7], $0x400, $0x38;
	[tilespmem:$0x15400] =	vst v63  }
0x4e6: {  	s21 =	sshrl.u32 s25, $0x3  }
0x4e7: {  	s26 =	simm.s32 $0x13800;
	s28 =	sadd.s32 $0x40000, s1;
	s21 =	sadd.s32 s2, s21  }
0x4e8: {  	[hbm4b:s21+s3] =	stream.linear.scatter [tilespmem:s26], [sflag:$0x7], $0x400, $0x38;
	[tilespmem:$0x15400] =	vst v63  }
0x4e9: {  	s21 =	sshrl.u32 s28, $0x3  }
0x4ea: {  	s31 =	simm.s32 $0x13C00;
	s21 =	sadd.s32 s2, s21  }
0x4eb: {  	[hbm4b:s21+s3] =	stream.linear.scatter [tilespmem:s31], [sflag:$0x7], $0x400, $0x38;
	[tilespmem:$0x15400] =	vst v63  }
0x4ec: {  	s21 =	sadd.s32 @!p1 $0x6, s20  }
0x4ed: {  	s22 =	smulhi.u32 @!p1 $0x51EB851F, s21  }
0x4ee: {  	s1 =	sadd.s32 $0x60000, s1  }
0x4ef: {  	s1 =	sshrl.u32 s1, $0x3;
	s22 =	sshrl.u32 @!p1 s22, $0x4  }
0x4f0: {  	s1 =	sadd.s32 s2, s1;
	s25 =	smul.u32 @!p1 $0x7FFFCE, s22  }
0x4f1: {  	[hbm4b:s1+s3] =	stream.linear.scatter [tilespmem:s0], [sflag:$0x7], $0x400, $0x38;
	[tilespmem:$0x15400] =	vst v63  }
0x4f2: {  	s1 =	sadd.s32 @!p1 s21, s25;
	s21 =	smul.u32 @!p1 $0x6400, s22  }
0x4f3: {  	s1 =	sshll.u32 @!p1 s1, $0x9  }
0x4f4: {  	s21 =	sshra.s32 @!p1 s21, $0x2;
	s1 =	sshra.s32 @!p1 s1, $0x2  }
0x4f5: {  	s1 =	sadd.s32 @!p1 s1, s21  }
0x4f6: {  	s22 =	simm.s32 @!p1 $0xF400;
	s21 =	simm.s32 @!p1 $0x80;
	s1 =	sadd.s32 @!p1 $0x7000, s1  }
0x4f7: {  	[tilespmem:s22], [sflag:$0x3] =	stream.indirect.gather @!p1 [hbm4b:s4+s21], $0x20, s1, s21, $0xb8;
	[tilespmem:$0x15400] =	vst v63  }
0x4f8: {  	_ =	swait.ge [sflag:s10], $0x1000  }
0x4f9: {  	s31 =	simm.s32 $0x2;
	[sflag:s10] =	ssyncset.done $0x0  }
0x4fa: {  	v7 =	vadd.s32 s31, v35;
	s25 =	simm.s32 @!p0 $0x8;
	[sflag:s10] =	ssyncadd.s32 $0xFFFFF000  }
0x4fb: {  	v6 =	vand.u32 $0x1F, v7;
	_ =	swait.ge @!p0 [sflag:s25], $0x400  }
0x4fc: {  	s26 =	simm.s32 $0x5;
	v8 =	vor.u32 v54, v6;
	[sflag:s25] =	ssyncset.done @!p0 $0x0  }
0x4fd: {  	s28 =	simm.s32 $0x3;
	v9 =	vadd.s32 s26, v35;
	v50 =	vld [tilespmem:$0x1FF00];
	[tilespmem:$0x1FA90] =	vst v8;
	[sflag:s25] =	ssyncadd.s32 @!p0 $0xFFFFFC00  }
0x4fe: {  	v4 =	vadd.s32 s28, v35;
	s28 =	simm.s32 $0x7;
	v10 =	vand.u32 $0x1F, v9;
	_ =	swait.ge @!p0 [sflag:s25], $0x400  }
0x4ff: {  	v11 =	vadd.s32 s28, v35;
	v15 =	vand.u32 $0x1F, v4;
	s31 =	simm.s32 $0x4;
	v7 =	vshll.u32 v7, $0x7;
	s21 =	simm.s32 $0x0;
	[sflag:s25] =	ssyncset.done @!p0 $0x0  }
0x500: {  	v13 =	vand.u32 $0xF80, v7;
	s22 =	simm.s32 $0x1;
	v1 =	vadd.s32 s21, v35;
	v8 =	vadd.s32 s31, v35;
	[sflag:s25] =	ssyncadd.s32 @!p0 $0xFFFFFC00  }
0x501: {  	v3 =	vadd.s32 s22, v35;
	s22 =	simm.s32 $0x6;
	v2 =	vshll.u32 v1, $0x7;
	v14 =	vand.u32 $0x1F, v8;
	_ =	swait.ge @!p0 [sflag:s25], $0x400  }
0x502: {  	v5 =	vand.u32 $0x1F, v3;
	v17 =	vadd.s32 s22, v35;
	v21 =	vor.u32 v50, v14;
	[sflag:s25] =	ssyncset.done @!p0 $0x0  }
0x503: {  	v18 =	vand.u32 $0x18, v1;
	v1 =	vshll.u32 v11, $0x7;
	v23 =	vor.u32 v50, v10;
	[sflag:s25] =	ssyncadd.s32 @!p0 $0xFFFFFC00  }
0x504: {  	v3 =	vshll.u32 v3, $0x7;
	v22 =	vshll.u32 v17, $0x7;
	v19 =	vor.u32 v50, v5;
	_ =	swait.ge @!p0 [sflag:s25], $0x400  }
0x505: {  	v7 =	vand.u32 $0xF80, v1;
	v8 =	vshll.u32 v8, $0x7;
	v29 =	vor.u32 v50, v15;
	[sflag:s25] =	ssyncset.done @!p0 $0x0  }
0x506: {  	v1 =	vshll.u32 v9, $0x7;
	v63 =	vand.u32 $0xF80, v22;
	v12 =	vand.u32 $0xF80, v8;
	v45 =	vld [tilespmem:$0x1FF80];
	[sflag:s25] =	ssyncadd.s32 @!p0 $0xFFFFFC00  }
0x507: {  	v20 =	vand.u32 $0xF80, v1;
	v27 =	vor.u32 v55, v63;
	v30 =	vor.u32 v35, v12;
	v21 =	vld.idx.msk [tilespmem:v21+s17+$0x0], $0xffff  }
0x508: {  	v4 =	vshll.u32 v4, $0x7;
	v61 =	vand.u32 $0xF80, v3;
	v31 =	vor.u32 v35, v20;
	v22 =	vld.idx.msk [tilespmem:v23+s17+$0x0], $0xffff;
	[tilespmem:$0x1FAA0] =	vst v27  }
0x509: {  	v51 =	vor.u32 v35, v61;
	v52 =	vld.idx.msk [tilespmem:v19+s17+$0x0], $0xffff;
	v19 =	vand.u32 $0xF80, v4  }
0x50a: {  	v29 =	vld.idx.msk [tilespmem:v29+s17+$0x0], $0xffff;
	v56 =	vor.u32 v35, v19;
	_ =	sdelay $0x1  }
0x50b: {  	[tilespmem:v30+s12+$0x0] =	vst.idx.msk $0xffff, v21  }
0x50c: {  	v9 =	vand.u32 $0x1F, v11;
	v8 =	vand.u32 $0xF80, v2;
	v2 =	vor.u32 v57, v18;
	v37 =	vld [tilespmem:$0x1FFB0];
	[tilespmem:v31+s12+$0x0] =	vst.idx.msk $0xffff, v22  }
0x50d: {  	v26 =	vor.u32 v50, v9;
	[tilespmem:v51+s12+$0x0] =	vst.idx.msk $0xffff, v52  }
0x50e: {  	v3 =	vor.u32 v45, v14;
	[tilespmem:v56+s12+$0x0] =	vst.idx.msk $0xffff, v29  }
0x50f: {  	v23 =	vor.u32 v45, v10;
	v47 =	vld [tilespmem:$0x1FFC0];
	_ =	sdelay $0x1  }
0x510: {  	v2 =	vld.idx.msk [tilespmem:v2+s17+$0x0], $0xffff  }
0x511: {  	v21 =	vld.idx.msk [tilespmem:v26+s17+$0x0], $0xffff  }
0x512: {  	v3 =	vld.idx.msk [tilespmem:v3+s17+$0x0], $0xffff  }
0x513: {  	v23 =	vld.idx.msk [tilespmem:v23+s17+$0x0], $0xffff;
	v29 =	vor.u32 v47, v6  }
0x514: {  	v27 =	vand.u32 $0x1F, v17;
	[tilespmem:$0x1FAB0] =	vst v29;
	v29 =	vld [tilespmem:$0x1FF90]  }
0x515: {  	v4 =	vor.u32 v50, v27  }
0x516: {  	v1 =	vor.u32 v35, v7  }
0x517: {  	v49 =	vor.u32 v41, v12  }
0x518: {  	v28 =	vor.u32 v35, v8  }
0x519: {  	v31 =	vor.u32 v41, v20;
	v29 =	vor.u32 v29, v18  }
0x51a: {  	v4 =	vld.idx.msk [tilespmem:v4+s17+$0x0], $0xffff;
	[tilespmem:$0x1FAC0] =	vst v29  }
0x51b: {  	[tilespmem:v1+s12+$0x0] =	vst.idx.msk $0xffff, v21  }
0x51c: {  	[tilespmem:v49+s12+$0x0] =	vst.idx.msk $0xffff, v3  }
0x51d: {  	v30 =	vor.u32 v45, v15;
	[tilespmem:v28+s12+$0x0] =	vst.idx.msk $0xffff, v2  }
0x51e: {  	v16 =	vor.u32 v50, v6;
	v50 =	vor.u32 v45, v5;
	[tilespmem:v31+s12+$0x0] =	vst.idx.msk $0xffff, v23  }
0x51f: {  	v22 =	vor.u32 v45, v9;
	v39 =	vld [tilespmem:$0x1FFE0];
	_ =	sdelay $0x2  }
0x520: {  	v24 =	vor.u32 v58, v18;
	v21 =	vld.idx.msk [tilespmem:v30+s17+$0x0], $0xffff  }
0x521: {  	v33 =	vor.u32 v35, v63;
	v51 =	vor.u32 v37, v10;
	v30 =	vld.idx.msk [tilespmem:v50+s17+$0x0], $0xffff  }
0x522: {  	v1 =	vor.u32 v41, v19;
	v22 =	vld.idx.msk [tilespmem:v22+s17+$0x0], $0xffff;
	v2 =	vor.u32 v39, v6  }
0x523: {  	v3 =	vor.u32 v41, v61;
	[tilespmem:$0x1FAD0] =	vst v2;
	v2 =	vld [tilespmem:$0x1FFD0]  }
0x524: {  	v29 =	vor.u32 v37, v15  }
0x525: {  	v52 =	vor.u32 v41, v7;
	v23 =	vld.idx.msk [tilespmem:v24+s17+$0x0], $0xffff  }
0x526: {  	v56 =	vor.u32 v41, v8;
	[tilespmem:v33+s12+$0x0] =	vst.idx.msk $0xffff, v4;
	v31 =	vld.idx.msk [tilespmem:v51+s17+$0x0], $0xffff  }
0x527: {  	v11 =	vor.u32 v35, v13;
	v28 =	vor.u32 v45, v27;
	v16 =	vld.idx.msk [tilespmem:v16+s17+$0x0], $0xffff;
	[tilespmem:v1+s12+$0x0] =	vst.idx.msk $0xffff, v21  }
0x528: {  	v42 =	vld [tilespmem:$0x1FFA0];
	[tilespmem:v3+s12+$0x0] =	vst.idx.msk $0xffff, v30;
	v3 =	vor.u32 v55, v13;
	v24 =	vor.u32 v2, v20  }
0x529: {  	v29 =	vld.idx.msk [tilespmem:v29+s17+$0x0], $0xffff;
	[tilespmem:$0x1FAE0] =	vst v3  }
0x52a: {  	v44 =	vor.u32 v37, v14;
	[tilespmem:v52+s12+$0x0] =	vst.idx.msk $0xffff, v22  }
0x52b: {  	v1 =	vor.u32 v37, v5;
	[tilespmem:v56+s12+$0x0] =	vst.idx.msk $0xffff, v23  }
0x52c: {  	v4 =	vor.u32 v37, v9;
	[tilespmem:v11+s12+$0x0] =	vst.idx.msk $0xffff, v16  }
0x52d: {  	v25 =	vor.u32 v45, v6;
	v28 =	vld.idx.msk [tilespmem:v28+s17+$0x0], $0xffff;
	v30 =	vor.u32 v2, v19;
	[tilespmem:v24+s12+$0x0] =	vst.idx.msk $0xffff, v31  }
0x52e: {  	v22 =	vor.u32 v41, v63;
	v21 =	vor.u32 v42, v10;
	v3 =	vld [tilespmem:$0x1FFF0]  }
0x52f: {  	v49 =	vld.idx.msk [tilespmem:v44+s17+$0x0], $0xffff;
	v45 =	vor.u32 v2, v12  }
0x530: {  	v11 =	vor.u32 v2, v61;
	v1 =	vld.idx.msk [tilespmem:v1+s17+$0x0], $0xffff;
	v23 =	vor.u32 v42, v15  }
0x531: {  	v53 =	vor.u32 v0, v13;
	v50 =	vor.u32 v37, v27;
	v51 =	vld.idx.msk [tilespmem:v4+s17+$0x0], $0xffff;
	v24 =	vor.u32 v2, v7  }
0x532: {  	v17 =	vor.u32 v41, v13;
	v25 =	vld.idx.msk [tilespmem:v25+s17+$0x0], $0xffff;
	v31 =	vor.u32 v42, v14;
	[tilespmem:v30+s12+$0x0] =	vst.idx.msk $0xffff, v29  }
0x533: {  	v29 =	vor.u32 v42, v9;
	[tilespmem:v22+s12+$0x0] =	vst.idx.msk $0xffff, v28;
	v21 =	vld.idx.msk [tilespmem:v21+s17+$0x0], $0xffff;
	v16 =	vor.u32 v3, v20  }
0x534: {  	v32 =	vor.u32 v59, v18;
	v38 =	vor.u32 v37, v6;
	[tilespmem:v45+s12+$0x0] =	vst.idx.msk $0xffff, v49  }
0x535: {  	v28 =	vor.u32 v39, v10;
	[tilespmem:v11+s12+$0x0] =	vst.idx.msk $0xffff, v1;
	v23 =	vld.idx.msk [tilespmem:v23+s17+$0x0], $0xffff;
	v30 =	vor.u32 v3, v19  }
0x536: {  	v22 =	vor.u32 v42, v5;
	v56 =	vld.idx.msk [tilespmem:v50+s17+$0x0], $0xffff;
	[tilespmem:v24+s12+$0x0] =	vst.idx.msk $0xffff, v51;
	v24 =	vor.u32 v2, v63  }
0x537: {  	v1 =	vor.u32 v39, v15;
	[tilespmem:v17+s12+$0x0] =	vst.idx.msk $0xffff, v25;
	v11 =	vld.idx.msk [tilespmem:v31+s17+$0x0], $0xffff;
	v40 =	vor.u32 v3, v12  }
0x538: {  	v31 =	vor.u32 v42, v27;
	v29 =	vld.idx.msk [tilespmem:v29+s17+$0x0], $0xffff;
	[tilespmem:v16+s12+$0x0] =	vst.idx.msk $0xffff, v21;
	v16 =	vor.u32 v3, v7  }
0x539: {  	v60 =	vor.u32 v55, v19;
	v52 =	vor.u32 v2, v13;
	v44 =	vld.idx.msk [tilespmem:v38+s17+$0x0], $0xffff;
	v21 =	vor.u32 v39, v14  }
0x53a: {  	v25 =	vor.u32 v43, v20;
	[tilespmem:v30+s12+$0x0] =	vst.idx.msk $0xffff, v23;
	v23 =	vor.u32 v39, v9;
	v28 =	vld.idx.msk [tilespmem:v28+s17+$0x0], $0xffff  }
0x53b: {  	v26 =	vor.u32 v48, v5;
	v17 =	vor.u32 v3, v61;
	v22 =	vld.idx.msk [tilespmem:v22+s17+$0x0], $0xffff;
	[tilespmem:v24+s12+$0x0] =	vst.idx.msk $0xffff, v56  }
0x53c: {  	v33 =	vor.u32 v46, v13;
	[tilespmem:v40+s12+$0x0] =	vst.idx.msk $0xffff, v11;
	v11 =	vor.u32 v43, v19;
	v1 =	vld.idx.msk [tilespmem:v1+s17+$0x0], $0xffff  }
0x53d: {  	v4 =	vor.u32 v54, v15;
	v31 =	vld.idx.msk [tilespmem:v31+s17+$0x0], $0xffff;
	[tilespmem:v16+s12+$0x0] =	vst.idx.msk $0xffff, v29;
	v16 =	vor.u32 v3, v63  }
0x53e: {  	v45 =	vor.u32 v47, v10;
	[tilespmem:v52+s12+$0x0] =	vst.idx.msk $0xffff, v44;
	v29 =	vor.u32 v43, v12;
	v21 =	vld.idx.msk [tilespmem:v21+s17+$0x0], $0xffff  }
0x53f: {  	v24 =	vor.u32 v39, v5;
	v23 =	vld.idx.msk [tilespmem:v23+s17+$0x0], $0xffff;
	[tilespmem:v25+s12+$0x0] =	vst.idx.msk $0xffff, v28;
	v25 =	vor.u32 v43, v7  }
0x540: {  	v36 =	vor.u32 v42, v6;
	v49 =	vor.u32 v47, v14;
	[tilespmem:v17+s12+$0x0] =	vst.idx.msk $0xffff, v22  }
0x541: {  	v30 =	vor.u32 v2, v8;
	v17 =	vor.u32 v47, v15;
	v2 =	vld [tilespmem:$0x1FEF0];
	[tilespmem:v11+s12+$0x0] =	vst.idx.msk $0xffff, v1  }
0x542: {  	v32 =	vld.idx.msk [tilespmem:v32+s17+$0x0], $0xffff;
	v50 =	vor.u32 v43, v61;
	v22 =	vor.u32 v39, v27;
	[tilespmem:v16+s12+$0x0] =	vst.idx.msk $0xffff, v31  }
0x543: {  	v51 =	vor.u32 v46, v12;
	v11 =	vor.u32 v46, v20;
	v38 =	vld.idx.msk [tilespmem:v45+s17+$0x0], $0xffff;
	[tilespmem:v29+s12+$0x0] =	vst.idx.msk $0xffff, v21  }
0x544: {  	v42 =	vor.u32 v48, v14;
	v52 =	vor.u32 v48, v15;
	v24 =	vld.idx.msk [tilespmem:v24+s17+$0x0], $0xffff;
	[tilespmem:v25+s12+$0x0] =	vst.idx.msk $0xffff, v23  }
0x545: {  	v56 =	vor.u32 v0, v20;
	v15 =	vor.u32 v54, v14;
	v1 =	vor.u32 v54, v27;
	v25 =	vld [tilespmem:$0x1FF60]  }
0x546: {  	v45 =	vor.u32 v46, v63;
	v17 =	vld.idx.msk [tilespmem:v17+s17+$0x0], $0xffff;
	v16 =	vor.u32 v47, v9;
	v21 =	vor.u32 v46, v19  }
0x547: {  	v31 =	vor.u32 v47, v5;
	v29 =	vor.u32 v3, v8;
	v22 =	vld.idx.msk [tilespmem:v22+s17+$0x0], $0xffff;
	v23 =	vor.u32 v43, v63  }
0x548: {  	v47 =	vor.u32 v47, v27;
	v40 =	vld.idx.msk [tilespmem:v49+s17+$0x0], $0xffff;
	[tilespmem:v11+s12+$0x0] =	vst.idx.msk $0xffff, v38;
	v11 =	vor.u32 v48, v10  }
0x549: {  	v34 =	vor.u32 v2, v18;
	[tilespmem:v50+s12+$0x0] =	vst.idx.msk $0xffff, v24;
	v24 =	vor.u32 v43, v8;
	v38 =	vld.idx.msk [tilespmem:v36+s17+$0x0], $0xffff  }
0x54a: {  	v36 =	vor.u32 v54, v10;
	v28 =	vor.u32 v25, v18;
	v25 =	vld [tilespmem:$0x1FF70];
	[tilespmem:v30+s12+$0x0] =	vst.idx.msk $0xffff, v32  }
0x54b: {  	v50 =	vor.u32 v48, v9;
	v16 =	vld.idx.msk [tilespmem:v16+s17+$0x0], $0xffff;
	v32 =	vor.u32 v46, v7;
	[tilespmem:v21+s12+$0x0] =	vst.idx.msk $0xffff, v17  }
0x54c: {  	v10 =	vor.u32 v54, v5;
	v44 =	vld.idx.msk [tilespmem:v31+s17+$0x0], $0xffff;
	v17 =	vor.u32 v46, v61;
	[tilespmem:v23+s12+$0x0] =	vst.idx.msk $0xffff, v22  }
0x54d: {  	s26 =	sor.u32 $0x3, s20;
	v31 =	vor.u32 v43, v13;
	v21 =	vor.u32 v46, v8;
	[tilespmem:v51+s12+$0x0] =	vst.idx.msk $0xffff, v40;
	v49 =	vld.idx.msk [tilespmem:v11+s17+$0x0], $0xffff  }
0x54e: {  	s28 =	smulhi.u32 $0x51EB851F, s26;
	v30 =	vor.u32 v0, v12;
	v22 =	vor.u32 v0, v8;
	v11 =	vor.u32 v3, v13;
	v14 =	vld.idx.msk [tilespmem:v52+s17+$0x0], $0xffff  }
0x54f: {  	v23 =	vor.u32 v62, v18;
	v13 =	vor.u32 v55, v20;
	v40 =	vor.u32 v48, v27;
	v20 =	vld.idx.msk [tilespmem:v42+s17+$0x0], $0xffff  }
0x550: {  	s21 =	sshrl.u32 s28, $0x4;
	v27 =	vor.u32 v55, v8;
	v42 =	vor.u32 v0, v7;
	[tilespmem:v32+s12+$0x0] =	vst.idx.msk $0xffff, v16;
	v16 =	vld.idx.msk [tilespmem:v34+s17+$0x0], $0xffff  }
0x551: {  	s31 =	smul.u32 $0xFFFFFFCE, s21;
	v25 =	vor.u32 v25, v18;
	[tilespmem:v17+s12+$0x0] =	vst.idx.msk $0xffff, v44;
	v32 =	vor.u32 v48, v6;
	v6 =	vld.idx.msk [tilespmem:v47+s17+$0x0], $0xffff  }
0x552: {  	v18 =	vor.u32 v55, v12;
	v34 =	vor.u32 v55, v7;
	v17 =	vor.u32 v0, v19;
	v19 =	vld.idx.msk [tilespmem:v50+s17+$0x0], $0xffff  }
0x553: {  	s22 =	sadd.s32 s26, s31;
	s25 =	simm.s32 $0x8;
	[tilespmem:v56+s12+$0x0] =	vst.idx.msk $0xffff, v49;
	v12 =	vor.u32 v0, v61;
	v7 =	vor.u32 v54, v9;
	v8 =	vld.idx.msk [tilespmem:v26+s17+$0x0], $0xffff  }
.LBB2_11:
0x554: {  	v44 =	vor.u32 v0, v63;
	v0 =	vld [tilespmem:$0x1FAE0];
	_ =	sdelay $0x2  }
0x555: {  	v63 =	vld.idx.msk [tilespmem:v36+s17+$0x0], $0xffff  }
0x556: {  	s1 =	sadd.s32 $0x1, s25;
	s28 =	sadd.s32 $0x5, s25  }
0x557: {  	v49 =	vadd.s32 s1, v35;
	s1 =	sadd.s32 $0x2, s25;
	v52 =	vadd.s32 s28, v35;
	s28 =	smov.u32 s25;
	[tilespmem:v29+s12+$0x0] =	vst.idx.msk $0xffff, v16;
	v29 =	vmov v0;
	v0 =	vld [tilespmem:$0x1FF00]  }
0x558: {  	v9 =	vadd.s32 s25, v35;
	v26 =	vor.u32 v55, v61;
	s31 =	sadd.s32 $0x7, s25;
	v2 =	vld [tilespmem:$0x1FAD0];
	v51 =	vadd.s32 s1, v35;
	s1 =	sadd.s32 $0x4, s28;
	[tilespmem:v42+s12+$0x0] =	vst.idx.msk $0xffff, v19  }
0x559: {  	v47 =	vshll.u32 v9, $0x7;
	v3 =	vadd.s32 s31, v35;
	v61 =	vadd.s32 s1, v35;
	[tilespmem:v12+s12+$0x0] =	vst.idx.msk $0xffff, v8;
	v37 =	vld.idx.msk [tilespmem:v28+s17+$0x0], $0xffff  }
0x55a: {  	v16 =	vand.u32 $0x1F, v61;
	v8 =	vshll.u32 v51, $0x7;
	v12 =	vand.u32 $0x18, v9;
	[tilespmem:v13+s12+$0x0] =	vst.idx.msk $0xffff, v63;
	v63 =	vld.idx.msk [tilespmem:v7+s17+$0x0], $0xffff  }
0x55b: {  	v9 =	vand.u32 $0x1F, v3;
	v13 =	vand.u32 $0xF80, v8;
	v8 =	vshll.u32 v3, $0x7;
	v3 =	vld [tilespmem:$0x1FF50]  }
0x55c: {  	[tilespmem:v30+s12+$0x0] =	vst.idx.msk $0xffff, v20;
	v20 =	vshll.u32 v49, $0x7;
	v56 =	vld.idx.msk [tilespmem:v10+s17+$0x0], $0xffff;
	v62 =	vor.u32 v0, v16  }
0x55d: {  	s26 =	sadd.s32 $0x3, s25;
	[tilespmem:v45+s12+$0x0] =	vst.idx.msk $0xffff, v6;
	v10 =	vshll.u32 v61, $0x7;
	v61 =	vand.u32 $0xF80, v20;
	v20 =	vld [tilespmem:$0x1FF30]  }
0x55e: {  	v50 =	vadd.s32 s26, v35;
	s26 =	sadd.s32 $0x6, s25;
	v6 =	vand.u32 $0x1F, v51;
	[tilespmem:v17+s12+$0x0] =	vst.idx.msk $0xffff, v14;
	v17 =	vld.idx.msk [tilespmem:v40+s17+$0x0], $0xffff  }
0x55f: {  	[tilespmem:v11+s12+$0x0] =	vst.idx.msk $0xffff, v38;
	v19 =	vadd.s32 s26, v35;
	v4 =	vld.idx.msk [tilespmem:v4+s17+$0x0], $0xffff;
	v40 =	vor.u32 v0, v6  }
0x560: {  	v55 =	vshll.u32 v19, $0x7;
	v2 =	vld.idx.msk [tilespmem:v2+s17+$0x0], $0xffff;
	v3 =	vor.u32 v3, v13;
	[tilespmem:v34+s12+$0x0] =	vst.idx.msk $0xffff, v63  }
0x561: {  	v63 =	vand.u32 $0xF80, v55;
	[tilespmem:$0x1FA60] =	vst v3;
	v3 =	vld.idx.msk [tilespmem:v62+s17+$0x0], $0xffff  }
0x562: {  	[tilespmem:v24+s12+$0x0] =	vst.idx.msk $0xffff, v37;
	v62 =	vor.u32 v20, v63;
	v20 =	vld [tilespmem:$0x1FAC0]  }
0x563: {  	v36 =	vmov v53;
	v53 =	vld.idx.msk [tilespmem:v25+s17+$0x0], $0xffff  }
0x564: {  	v24 =	vld.idx.msk [tilespmem:v40+s17+$0x0], $0xffff  }
0x565: {  	[tilespmem:v31+s12+$0x0] =	vst.idx.msk $0xffff, v2;
	v2 =	vld [tilespmem:$0x1FAB0]  }
0x566: {  	v5 =	vand.u32 $0x1F, v49;
	v11 =	vand.u32 $0x1F, v52;
	v14 =	vand.u32 $0x1F, v50  }
0x567: {  	v38 =	vor.u32 v58, v12;
	v58 =	vlaneseq.u32;
	v42 =	vor.u32 v0, v5  }
0x568: {  	v19 =	vand.u32 $0x1F, v19;
	v45 =	vor.u32 v0, v11;
	[tilespmem:v44+s12+$0x0] =	vst.idx.msk $0xffff, v17;
	v44 =	vor.u32 v57, v12;
	v37 =	vld [tilespmem:$0x1FFB0]  }
0x569: {  	v17 =	vshll.u32 v52, $0x7;
	v52 =	vor.u32 v0, v9;
	v25 =	vor.u32 v35, v13;
	v35 =	vld [tilespmem:$0x1FF80];
	[tilespmem:v21+s12+$0x0] =	vst.idx.msk $0xffff, v53  }
0x56a: {  	v10 =	vand.u32 $0xF80, v10;
	v49 =	vor.u32 v0, v14;
	[tilespmem:v60+s12+$0x0] =	vst.idx.msk $0xffff, v4;
	v4 =	vshll.u32 v50, $0x7;
	v60 =	vld.idx.msk [tilespmem:v20+s17+$0x0], $0xffff  }
0x56b: {  	v57 =	vor.u32 v58, v10;
	v20 =	vand.u32 $0xF80, v4;
	v4 =	vor.u32 v0, v19;
	v0 =	vld [tilespmem:$0x1FAA0]  }
0x56c: {  	v1 =	vld.idx.msk [tilespmem:v1+s17+$0x0], $0xffff  }
0x56d: {  	v2 =	vld.idx.msk [tilespmem:v2+s17+$0x0], $0xffff  }
0x56e: {  	v17 =	vand.u32 $0xF80, v17;
	v45 =	vld.idx.msk [tilespmem:v45+s17+$0x0], $0xffff  }
0x56f: {  	v51 =	vor.u32 v58, v17;
	v42 =	vld.idx.msk [tilespmem:v42+s17+$0x0], $0xffff  }
0x570: {  	v50 =	vor.u32 v35, v11;
	v53 =	vor.u32 v58, v61;
	[tilespmem:v57+s12+$0x0] =	vst.idx.msk $0xffff, v3;
	v3 =	vld.idx.msk [tilespmem:v52+s17+$0x0], $0xffff  }
0x571: {  	v7 =	vand.u32 $0xF80, v8;
	v8 =	vand.u32 $0xF80, v47;
	[tilespmem:v26+s12+$0x0] =	vst.idx.msk $0xffff, v56;
	v34 =	vor.u32 v35, v16;
	v57 =	vld.idx.msk [tilespmem:v49+s17+$0x0], $0xffff  }
0x572: {  	v47 =	vor.u32 v58, v8;
	v40 =	vor.u32 v58, v7;
	[tilespmem:v33+s12+$0x0] =	vst.idx.msk $0xffff, v2;
	v2 =	vld [tilespmem:$0x1FF30]  }
0x573: {  	v55 =	vor.u32 v58, v63;
	[tilespmem:v0+s12+$0x0] =	vst.idx.msk $0xffff, v1;
	v1 =	vor.u32 v58, v20;
	v58 =	vld [tilespmem:$0x1FF90]  }
0x574: {  	[tilespmem:v51+s12+$0x0] =	vst.idx.msk $0xffff, v45;
	v15 =	vld.idx.msk [tilespmem:v15+s17+$0x0], $0xffff  }
0x575: {  	v45 =	vor.u32 v41, v17;
	[tilespmem:v53+s12+$0x0] =	vst.idx.msk $0xffff, v42;
	v50 =	vld.idx.msk [tilespmem:v50+s17+$0x0], $0xffff  }
0x576: {  	v51 =	vor.u32 v37, v11;
	v34 =	vld.idx.msk [tilespmem:v34+s17+$0x0], $0xffff;
	[tilespmem:v22+s12+$0x0] =	vst.idx.msk $0xffff, v60  }
0x577: {  	[tilespmem:v40+s12+$0x0] =	vst.idx.msk $0xffff, v3;
	v23 =	vld.idx.msk [tilespmem:v23+s17+$0x0], $0xffff;
	v2 =	vor.u32 v2, v20  }
0x578: {  	[tilespmem:$0x1FA70] =	vst v2;
	v2 =	vld.idx.msk [tilespmem:v32+s17+$0x0], $0xffff;
	v39 =	vor.u32 v58, v12  }
0x579: {  	v60 =	vor.u32 v35, v5;
	[tilespmem:$0x1FAC0] =	vst v39;
	v39 =	vld [tilespmem:$0x1FFE0]  }
0x57a: {  	v3 =	vld [tilespmem:$0x1FF30];
	[tilespmem:v45+s12+$0x0] =	vst.idx.msk $0xffff, v50;
	v0 =	vmov v62  }
0x57b: {  	v50 =	vld.idx.msk [tilespmem:v51+s17+$0x0], $0xffff;
	[tilespmem:$0x1FAA0] =	vst v0;
	v0 =	vor.u32 v48, v5  }
0x57c: {  	v49 =	vor.u32 v41, v10;
	v44 =	vld.idx.msk [tilespmem:v44+s17+$0x0], $0xffff;
	[tilespmem:$0x1FA80] =	vst v0  }
0x57d: {  	v52 =	vor.u32 v37, v16;
	v0 =	vld [tilespmem:$0x1FFC0];
	[tilespmem:v27+s12+$0x0] =	vst.idx.msk $0xffff, v23  }
0x57e: {  	v27 =	vld.idx.msk [tilespmem:v60+s17+$0x0], $0xffff;
	[tilespmem:v36+s12+$0x0] =	vst.idx.msk $0xffff, v2;
	v2 =	vor.u32 v39, v6  }
0x57f: {  	v33 =	vor.u32 v35, v14;
	v62 =	vor.u32 v41, v61;
	[tilespmem:$0x1FAD0] =	vst v2;
	v2 =	vld [tilespmem:$0x1FA90]  }
0x580: {  	[tilespmem:v18+s12+$0x0] =	vst.idx.msk $0xffff, v15;
	v60 =	vor.u32 v37, v5;
	v58 =	vld.idx.msk [tilespmem:v4+s17+$0x0], $0xffff  }
0x581: {  	[tilespmem:v49+s12+$0x0] =	vst.idx.msk $0xffff, v34;
	v4 =	vld [tilespmem:$0x1FCB0]  }
0x582: {  	[tilespmem:v47+s12+$0x0] =	vst.idx.msk $0xffff, v44;
	v44 =	vld.idx.msk [tilespmem:v52+s17+$0x0], $0xffff  }
0x583: {  	[tilespmem:v1+s12+$0x0] =	vst.idx.msk $0xffff, v57;
	v38 =	vld.idx.msk [tilespmem:v38+s17+$0x0], $0xffff  }
0x584: {  	v1 =	vor.u32 v41, v20;
	v15 =	vld.idx.msk [tilespmem:v33+s17+$0x0], $0xffff;
	v22 =	vor.u32 v0, v6;
	[tilespmem:v62+s12+$0x0] =	vst.idx.msk $0xffff, v27  }
0x585: {  	[tilespmem:$0x1FAB0] =	vst v22;
	v22 =	vor.u32 v35, v9;
	v49 =	vld.idx.msk [tilespmem:v60+s17+$0x0], $0xffff  }
0x586: {  	v26 =	vor.u32 v4, v14;
	v4 =	vld [tilespmem:$0x1FEF0]  }
0x587: {  	v32 =	vor.u32 v37, v14;
	v36 =	vor.u32 v41, v8;
	v40 =	vld.idx.msk [tilespmem:v2+s17+$0x0], $0xffff  }
0x588: {  	v28 =	vor.u32 v54, v6;
	v2 =	vor.u32 v3, v13;
	v3 =	vld [tilespmem:$0x1FFD0]  }
0x589: {  	v53 =	vor.u32 v59, v12;
	[tilespmem:v1+s12+$0x0] =	vst.idx.msk $0xffff, v15;
	v1 =	vmov v28;
	v28 =	vld [tilespmem:$0x1FF60]  }
0x58a: {  	v59 =	vor.u32 v41, v7;
	[tilespmem:$0x1FA90] =	vst v1;
	v22 =	vld.idx.msk [tilespmem:v22+s17+$0x0], $0xffff  }
0x58b: {  	v34 =	vor.u32 v37, v9;
	[tilespmem:$0x1FAE0] =	vst v2;
	v2 =	vld [tilespmem:$0x1FFA0]  }
0x58c: {  	v30 =	vor.u32 v35, v6;
	v32 =	vld.idx.msk [tilespmem:v32+s17+$0x0], $0xffff;
	[tilespmem:v36+s12+$0x0] =	vst.idx.msk $0xffff, v38  }
0x58d: {  	v1 =	vld [tilespmem:$0x1FCB0];
	v57 =	vor.u32 v3, v17;
	[tilespmem:v29+s12+$0x0] =	vst.idx.msk $0xffff, v40;
	v29 =	vor.u32 v35, v19  }
0x58e: {  	v21 =	vor.u32 v41, v13;
	v53 =	vld.idx.msk [tilespmem:v53+s17+$0x0], $0xffff;
	v23 =	vor.u32 v3, v8  }
0x58f: {  	v18 =	vor.u32 v4, v12;
	v4 =	vld [tilespmem:$0x1FFF0];
	[tilespmem:v59+s12+$0x0] =	vst.idx.msk $0xffff, v22;
	v27 =	vor.u32 v3, v61  }
0x590: {  	v34 =	vld.idx.msk [tilespmem:v34+s17+$0x0], $0xffff;
	v52 =	vor.u32 v3, v20;
	v33 =	vor.u32 v2, v11;
	[tilespmem:v25+s12+$0x0] =	vst.idx.msk $0xffff, v24  }
0x591: {  	[tilespmem:v55+s12+$0x0] =	vst.idx.msk $0xffff, v58;
	v54 =	vor.u32 v3, v10;
	v42 =	vor.u32 v2, v14;
	v30 =	vld.idx.msk [tilespmem:v30+s17+$0x0], $0xffff  }
0x592: {  	v36 =	vor.u32 v3, v7;
	v56 =	vor.u32 v2, v16;
	v58 =	vld.idx.msk [tilespmem:v29+s17+$0x0], $0xffff;
	[tilespmem:v57+s12+$0x0] =	vst.idx.msk $0xffff, v50  }
0x593: {  	v47 =	vor.u32 v2, v6;
	v38 =	vor.u32 v2, v9;
	[tilespmem:v23+s12+$0x0] =	vst.idx.msk $0xffff, v53;
	v53 =	vld [tilespmem:$0x1FA60]  }
0x594: {  	v60 =	vor.u32 v2, v5;
	[tilespmem:v27+s12+$0x0] =	vst.idx.msk $0xffff, v49;
	v27 =	vor.u32 v2, v19;
	v2 =	vld [tilespmem:$0x1FA80]  }
0x595: {  	v31 =	vor.u32 v37, v6;
	v62 =	vor.u32 v41, v63;
	[tilespmem:v52+s12+$0x0] =	vst.idx.msk $0xffff, v32;
	v25 =	vld.idx.msk [tilespmem:v33+s17+$0x0], $0xffff  }
0x596: {  	v22 =	vor.u32 v37, v19;
	[tilespmem:v54+s12+$0x0] =	vst.idx.msk $0xffff, v44;
	v42 =	vld.idx.msk [tilespmem:v42+s17+$0x0], $0xffff  }
0x597: {  	v51 =	vor.u32 v4, v17;
	[tilespmem:v36+s12+$0x0] =	vst.idx.msk $0xffff, v34;
	v54 =	vld.idx.msk [tilespmem:v56+s17+$0x0], $0xffff  }
0x598: {  	v55 =	vor.u32 v39, v11;
	v45 =	vor.u32 v4, v10;
	v34 =	vld.idx.msk [tilespmem:v38+s17+$0x0], $0xffff  }
0x599: {  	v15 =	vor.u32 v39, v16;
	v36 =	vor.u32 v4, v7;
	v38 =	vld.idx.msk [tilespmem:v60+s17+$0x0], $0xffff;
	[tilespmem:v21+s12+$0x0] =	vst.idx.msk $0xffff, v30  }
0x59a: {  	v37 =	vor.u32 v39, v9;
	v31 =	vld.idx.msk [tilespmem:v31+s17+$0x0], $0xffff;
	[tilespmem:v62+s12+$0x0] =	vst.idx.msk $0xffff, v58  }
0x59b: {  	v52 =	vor.u32 v4, v20;
	v22 =	vld.idx.msk [tilespmem:v22+s17+$0x0], $0xffff  }
0x59c: {  	v40 =	vor.u32 v3, v13;
	v62 =	vor.u32 v39, v14;
	[tilespmem:v51+s12+$0x0] =	vst.idx.msk $0xffff, v25;
	v25 =	vld [tilespmem:$0x1FF70]  }
0x59d: {  	v58 =	vor.u32 v4, v61;
	[tilespmem:v45+s12+$0x0] =	vst.idx.msk $0xffff, v54;
	v30 =	vld.idx.msk [tilespmem:v55+s17+$0x0], $0xffff  }
0x59e: {  	v44 =	vor.u32 v39, v5;
	v56 =	vor.u32 v3, v63;
	[tilespmem:v36+s12+$0x0] =	vst.idx.msk $0xffff, v34;
	v54 =	vld.idx.msk [tilespmem:v15+s17+$0x0], $0xffff  }
0x59f: {  	v49 =	vld.idx.msk [tilespmem:v37+s17+$0x0], $0xffff  }
0x5a0: {  	v33 =	vor.u32 v43, v17;
	[tilespmem:v52+s12+$0x0] =	vst.idx.msk $0xffff, v42;
	v15 =	vld [tilespmem:$0x1FF50]  }
0x5a1: {  	v50 =	vor.u32 v43, v10;
	v57 =	vor.u32 v0, v11;
	[tilespmem:v40+s12+$0x0] =	vst.idx.msk $0xffff, v31;
	v55 =	vld.idx.msk [tilespmem:v62+s17+$0x0], $0xffff  }
0x5a2: {  	v32 =	vor.u32 v0, v16;
	[tilespmem:v58+s12+$0x0] =	vst.idx.msk $0xffff, v38;
	v38 =	vld.idx.msk [tilespmem:v47+s17+$0x0], $0xffff  }
0x5a3: {  	v58 =	vor.u32 v43, v7;
	[tilespmem:v56+s12+$0x0] =	vst.idx.msk $0xffff, v22;
	v44 =	vld.idx.msk [tilespmem:v44+s17+$0x0], $0xffff  }
0x5a4: {  	v59 =	vor.u32 v43, v20;
	v27 =	vld.idx.msk [tilespmem:v27+s17+$0x0], $0xffff  }
0x5a5: {  	v56 =	vor.u32 v0, v14;
	[tilespmem:v33+s12+$0x0] =	vst.idx.msk $0xffff, v30;
	v30 =	vor.u32 v15, v10;
	v15 =	vld [tilespmem:$0x1FCB0]  }
0x5a6: {  	v22 =	vor.u32 v43, v61;
	[tilespmem:v50+s12+$0x0] =	vst.idx.msk $0xffff, v54;
	v40 =	vld.idx.msk [tilespmem:v57+s17+$0x0], $0xffff  }
0x5a7: {  	v50 =	vld.idx.msk [tilespmem:v32+s17+$0x0], $0xffff  }
0x5a8: {  	v62 =	vor.u32 v4, v63;
	[tilespmem:v58+s12+$0x0] =	vst.idx.msk $0xffff, v49;
	v58 =	vld [tilespmem:$0x1FED0]  }
0x5a9: {  	v33 =	vor.u32 v0, v9;
	[tilespmem:v59+s12+$0x0] =	vst.idx.msk $0xffff, v55;
	v59 =	vld [tilespmem:$0x1FEE0]  }
0x5aa: {  	v45 =	vor.u32 v0, v5;
	v55 =	vld.idx.msk [tilespmem:v56+s17+$0x0], $0xffff  }
0x5ab: {  	v34 =	vor.u32 v39, v19;
	[tilespmem:v22+s12+$0x0] =	vst.idx.msk $0xffff, v44;
	v44 =	vor.u32 v0, v19;
	v0 =	vld [tilespmem:$0x1FF50]  }
0x5ac: {  	v42 =	vor.u32 v48, v16;
	v52 =	vor.u32 v46, v17;
	v15 =	vor.u32 v15, v16;
	v16 =	vld [tilespmem:$0x1FF50]  }
0x5ad: {  	v60 =	vor.u32 v48, v11;
	[tilespmem:v62+s12+$0x0] =	vst.idx.msk $0xffff, v27;
	v62 =	vld [tilespmem:$0x1FF40]  }
0x5ae: {  	v57 =	vld.idx.msk [tilespmem:v33+s17+$0x0], $0xffff  }
0x5af: {  	v56 =	vor.u32 v46, v20;
	v39 =	vld.idx.msk [tilespmem:v45+s17+$0x0], $0xffff  }
0x5b0: {  	v54 =	vor.u32 v43, v63;
	v34 =	vld.idx.msk [tilespmem:v34+s17+$0x0], $0xffff  }
0x5b1: {  	[tilespmem:v52+s12+$0x0] =	vst.idx.msk $0xffff, v40;
	v47 =	vor.u32 v16, v17;
	v16 =	vld [tilespmem:$0x1FCB0]  }
0x5b2: {  	v28 =	vor.u32 v28, v12;
	v51 =	vor.u32 v46, v10;
	v14 =	vor.u32 v48, v14;
	v52 =	vld.idx.msk [tilespmem:v60+s17+$0x0], $0xffff  }
0x5b3: {  	v1 =	vor.u32 v1, v19;
	v24 =	vor.u32 v43, v8;
	v37 =	vor.u32 v46, v7;
	v60 =	vld [tilespmem:$0x1FA70]  }
0x5b4: {  	v49 =	vor.u32 v48, v9;
	v27 =	vor.u32 v46, v61;
	[tilespmem:v56+s12+$0x0] =	vst.idx.msk $0xffff, v55;
	v55 =	vld [tilespmem:$0x1FF30]  }
0x5b5: {  	v29 =	vor.u32 v4, v8;
	v21 =	vor.u32 v46, v8;
	[tilespmem:v54+s12+$0x0] =	vst.idx.msk $0xffff, v34;
	v54 =	vld [tilespmem:$0x1FCB0]  }
0x5b6: {  	v31 =	vor.u32 v43, v13;
	v25 =	vor.u32 v25, v12;
	v36 =	vor.u32 v16, v11;
	v11 =	vld [tilespmem:$0x1FF50]  }
0x5b7: {  	v32 =	vor.u32 v48, v6;
	v33 =	vor.u32 v46, v13;
	[tilespmem:v51+s12+$0x0] =	vst.idx.msk $0xffff, v50;
	v14 =	vld.idx.msk [tilespmem:v14+s17+$0x0], $0xffff  }
0x5b8: {  	p0 =	slt.u32 s25, $0x18;
	v45 =	vor.u32 v46, v63;
	v40 =	vor.u32 v48, v19;
	[tilespmem:v37+s12+$0x0] =	vst.idx.msk $0xffff, v57;
	v57 =	vld [tilespmem:$0x1FEC0]  }
.Ltmp6:
0x5b9: {  	v23 =	vor.u32 v62, v12;
	v12 =	vor.u32 v0, v61;
	[tilespmem:v27+s12+$0x0] =	vst.idx.msk $0xffff, v39;
	v19 =	vld.idx.msk [tilespmem:v49+s17+$0x0], $0xffff;
	(pc) =	sbr.rel @p0 .LBB2_11-.Ltmp6, $4  }
0x5ba: {  	v34 =	vor.u32 v55, v7;
	v27 =	vor.u32 v55, v8;
	v16 =	vld.idx.msk [tilespmem:v18+s17+$0x0], $0xffff;
	v18 =	vor.u32 v55, v10  }
0x5bb: {  	v6 =	vld.idx.msk [tilespmem:v44+s17+$0x0], $0xffff;
	[tilespmem:v47+s12+$0x0] =	vst.idx.msk $0xffff, v52;
	v10 =	vor.u32 v54, v5;
	v22 =	vor.u32 v11, v8  }
0x5bc: {  	v11 =	vor.u32 v4, v13;
	v13 =	vor.u32 v55, v17;
	v17 =	vor.u32 v0, v20;
	v20 =	vld.idx.msk [tilespmem:v42+s17+$0x0], $0xffff  }
0x5bd: {  	s25 =	sadd.s32 $0x8, s25;
	v35 =	vlaneseq.u32;
	v4 =	vmovc v26;
	v42 =	vor.u32 v0, v7;
	v8 =	vld.idx.msk [tilespmem:v2+s17+$0x0], $0xffff;
	v7 =	vor.u32 v54, v9  }
0x5be: {  	v56 =	vld [tilespmem:$0x1FFC0]  }
0x5bf: {  	v52 =	vld [tilespmem:$0x1FFE0]  }
0x5c0: {  	v51 =	vld [tilespmem:$0x1FFA0]  }
0x5c1: {  	v50 =	vld [tilespmem:$0x1FFB0]  }
0x5c2: {  	v49 =	vld [tilespmem:$0x1FF80]  }
0x5c3: {  	v48 =	vld [tilespmem:$0x1FF90]  }
0x5c4: {  	v41 =	vld [tilespmem:$0x1FFF0]  }
0x5c5: {  	v39 =	vld [tilespmem:$0x1FFD0]  }
0x5c6: {  	v47 =	vld [tilespmem:$0x1FF70]  }
0x5c7: {  	v44 =	vld [tilespmem:$0x1FF60];
	[tilespmem:v11+s12+$0x0] =	vst.idx.msk $0xffff, v38  }
0x5c8: {  	[tilespmem:v29+s12+$0x0] =	vst.idx.msk $0xffff, v16  }
0x5c9: {  	v2 =	vld [tilespmem:$0x1FAD0];
	_ =	sdelay $0x6  }
0x5ca: {  	v5 =	vld.idx.msk [tilespmem:v28+s17+$0x0], $0xffff  }
0x5cb: {  	v2 =	vld.idx.msk [tilespmem:v2+s17+$0x0], $0xffff;
	_ =	sdelay $0x2  }
0x5cc: {  	[tilespmem:v45+s12+$0x0] =	vst.idx.msk $0xffff, v6  }
0x5cd: {  	[tilespmem:v24+s12+$0x0] =	vst.idx.msk $0xffff, v5  }
0x5ce: {  	v5 =	vld.idx.msk [tilespmem:v25+s17+$0x0], $0xffff;
	[tilespmem:v31+s12+$0x0] =	vst.idx.msk $0xffff, v2  }
0x5cf: {  	v2 =	vld [tilespmem:$0x1FAB0]  }
0x5d0: {  	[tilespmem:v17+s12+$0x0] =	vst.idx.msk $0xffff, v14  }
0x5d1: {  	[tilespmem:v42+s12+$0x0] =	vst.idx.msk $0xffff, v19  }
0x5d2: {  	[tilespmem:v12+s12+$0x0] =	vst.idx.msk $0xffff, v8  }
0x5d3: {  	[tilespmem:v21+s12+$0x0] =	vst.idx.msk $0xffff, v5  }
0x5d4: {  	v3 =	vld [tilespmem:$0x1FAC0];
	_ =	sdelay $0x1  }
0x5d5: {  	v45 =	vld.idx.msk [tilespmem:v36+s17+$0x0], $0xffff  }
0x5d6: {  	v2 =	vld.idx.msk [tilespmem:v2+s17+$0x0], $0xffff  }
0x5d7: {  	v9 =	vor.u32 v0, v63;
	v46 =	vld.idx.msk [tilespmem:v40+s17+$0x0], $0xffff;
	_ =	sdelay $0x1  }
0x5d8: {  	v7 =	vld.idx.msk [tilespmem:v7+s17+$0x0], $0xffff  }
0x5d9: {  	[tilespmem:v13+s12+$0x0] =	vst.idx.msk $0xffff, v45;
	v4 =	vld.idx.msk [tilespmem:v4+s17+$0x0], $0xffff  }
0x5da: {  	v5 =	vld.idx.msk [tilespmem:v3+s17+$0x0], $0xffff;
	[tilespmem:v33+s12+$0x0] =	vst.idx.msk $0xffff, v2  }
0x5db: {  	[tilespmem:v9+s12+$0x0] =	vst.idx.msk $0xffff, v46;
	v2 =	vld.idx.msk [tilespmem:v32+s17+$0x0], $0xffff  }
0x5dc: {  	[tilespmem:v30+s12+$0x0] =	vst.idx.msk $0xffff, v20  }
0x5dd: {  	[tilespmem:v34+s12+$0x0] =	vst.idx.msk $0xffff, v7  }
0x5de: {  	[tilespmem:v60+s12+$0x0] =	vst.idx.msk $0xffff, v4  }
0x5df: {  	[tilespmem:v22+s12+$0x0] =	vst.idx.msk $0xffff, v5  }
0x5e0: {  	v8 =	vld.idx.msk [tilespmem:v10+s17+$0x0], $0xffff;
	[tilespmem:v53+s12+$0x0] =	vst.idx.msk $0xffff, v2  }
0x5e1: {  	v54 =	vor.u32 v55, v61;
	v3 =	vld [tilespmem:$0x1FAA0]  }
0x5e2: {  	v61 =	vld.idx.msk [tilespmem:v15+s17+$0x0], $0xffff  }
0x5e3: {  	v63 =	vld.idx.msk [tilespmem:v23+s17+$0x0], $0xffff  }
0x5e4: {  	v1 =	vld.idx.msk [tilespmem:v1+s17+$0x0], $0xffff  }
0x5e5: {  	v2 =	vld [tilespmem:$0x1FA90]  }
0x5e6: {  	[tilespmem:v54+s12+$0x0] =	vst.idx.msk $0xffff, v8  }
0x5e7: {  	[tilespmem:v18+s12+$0x0] =	vst.idx.msk $0xffff, v61  }
0x5e8: {  	[tilespmem:v27+s12+$0x0] =	vst.idx.msk $0xffff, v63  }
0x5e9: {  	[tilespmem:v3+s12+$0x0] =	vst.idx.msk $0xffff, v1  }
0x5ea: {  	v1 =	vld [tilespmem:$0x1FAE0];
	_ =	sdelay $0x2  }
0x5eb: {  	v2 =	vld.idx.msk [tilespmem:v2+s17+$0x0], $0xffff  }
0x5ec: {  	s1 =	sadd.s32 s6, s21  }
0x5ed: {  	s26 =	sshll.u32 s22, $0x13;
	s1 =	sshll.u32 s1, $0xA  }
0x5ee: {  	s1 =	sadd.s32 s1, s26  }
0x5ef: {  	s21 =	sshrl.u32 s1, $0x3  }
0x5f0: {  	s28 =	sadd.s32 $0x20000, s1;
	s21 =	sadd.s32 s2, s21;
	[tilespmem:v1+s12+$0x0] =	vst.idx.msk $0xffff, v2  }
0x5f1: {  	[hbm4b:s21+s3] =	stream.linear.scatter [tilespmem:s12], [sflag:$0x8], $0x400, $0x38;
	[tilespmem:$0x15400] =	vst v63  }
0x5f2: {  	s21 =	sshrl.u32 s28, $0x3  }
0x5f3: {  	s31 =	sadd.s32 $0x40000, s1;
	s21 =	sadd.s32 s2, s21  }
0x5f4: {  	[hbm4b:s21+s3] =	stream.linear.scatter [tilespmem:s14], [sflag:$0x8], $0x400, $0x38;
	[tilespmem:$0x15400] =	vst v63  }
.Ltmp7:
0x5f5: {  	s1 =	sadd.s32 $0x60000, s1;
	s21 =	sshrl.u32 s31, $0x3;
	(pc) =	sbr.rel @p1 .LBB2_14-.Ltmp7, $4  }
0x5f6: {  	s1 =	sshrl.u32 s1, $0x3;
	s21 =	sadd.s32 s2, s21  }
0x5f7: {  	[hbm4b:s21+s3] =	stream.linear.scatter [tilespmem:s16], [sflag:$0x8], $0x400, $0x38;
	[tilespmem:$0x15400] =	vst v63  }
0x5f8: {  	s1 =	sadd.s32 s2, s1  }
0x5f9: {  	[hbm4b:s1+s3] =	stream.linear.scatter [tilespmem:s5], [sflag:$0x8], $0x400, $0x38;
	[tilespmem:$0x15400] =	vst v63  }
0x5fa: {  	s1 =	sadd.s32 $0x7, s20  }
0x5fb: {  	s20 =	smulhi.u32 $0x51EB851F, s1;
	_ =	sdelay $0x1  }
0x5fc: {  	s20 =	sshrl.u32 s20, $0x4  }
0x5fd: {  	s21 =	smul.u32 $0x7FFFCE, s20;
	_ =	sdelay $0x1  }
0x5fe: {  	s20 =	smul.u32 $0x6400, s20;
	s1 =	sadd.s32 s1, s21  }
.Ltmp8:
0x5ff: {  	s1 =	sshll.u32 s1, $0x9;
	(pc) =	sbr.rel .LBB2_4-.Ltmp8, $4  }
0x600: {  	v54 =	vld [tilespmem:$0x1FEF0];
	s20 =	sshra.s32 s20, $0x2;
	s1 =	sshra.s32 s1, $0x2  }
0x601: {  	v46 =	vld [tilespmem:$0x1FF00];
	s1 =	sadd.s32 s1, s20  }
0x602: {  	s7 =	sadd.s32 $0x1, s7;
	v37 =	vld [tilespmem:$0x1FF10];
	s1 =	sadd.s32 $0x7000, s1  }
0x603: {  	v61 =	vmov v44;
	v38 =	vmov v47;
	v35 =	vlaneseq.u32;
	v60 =	vld [tilespmem:$0x1FF20];
	[tilespmem:s17], [sflag:$0x4] =	stream.indirect.gather [hbm4b:s4+s9], $0x20, s1, s9, $0xb8  }
.LBB2_15:
0x604: {  	_ =	sfence.sel $0x180000  }
0x605: {  	[bflag:$0x0] =	sbarrier.arrive $0xFFFF  }
0x606: {  	_ =	strace $0x90000047  }
0x607: {  	s0 =	stileid.u32;
	[bflag:$0x2] =	sbarrier.arrive $0xFFFF  }
0x608: {  	p0 =	sne.s32 s0, $0x0;
	s0 =	rddreg [dreg:$0x2]  }
0x609: {  	s0 =	sadd.s32 @!p0 $0x100000, s0  }
0x60a: {  	[sflag:s0] =	ssyncadd.tile.s32 @!p0 $0x1;
	_ =	shalt  }
.Lfunc_end2:
_tile_overlayer_lowered:
.L_overlay_start_2:
0x60b: {  	(tag) =	ssettag $0x2  }
0x60c: {  	s0 =	rddreg [dreg:$0x0];
	s2 =	stileid.u32  }
0x60d: {  	s1 =	rddreg [dreg:$0x1];
	p0 =	sne.s32 s2, $0x0  }
0x60e: {  	s3 =	rddreg [dreg:$0x2];
	[bflag:$0x3] =	sbarrier.arrive $0xFFFF;
	s2 =	simm.s32 @!p0 $0x1C09  }
0x60f: {  	[timem:s3], [sflag:s2] =	dma.local @!p0 [hbm:s0], s1  }
0x610: {  	s0 =	simm.s32 @!p0 $0x9  }
0x611: {  	_ =	swait.ge @!p0 [sflag:s0], s1  }
0x612: {  	s1 =	ssub.s32 @!p0 $0x0, s1;
	[sflag:s0] =	ssyncset.done @!p0 $0x0  }
0x613: {  	[sflag:s0] =	ssyncadd.s32 @!p0 s1  }
0x614: {  	[bflag:$0x3] =	sbarrier.arrive $0xFFFF  }
0x615: {  	_ =	shalt  }

</sc_bundles>
